<compile_context>
chip_gen: v7x
topology: tpu7x:2x2x1
jax: 0.10.2.dev20260603
libtpu: 0.0.44.dev20260713+nightly
codegen_flags: <defaults>
</compile_context>

<pallas_src>
import functools
import jax
import jax.numpy as jnp
from jax import lax
from jax.experimental import pallas as pl
from jax.experimental.pallas import tpu as pltpu
from jax.experimental.pallas import tpu_sc as plsc

NBUF = 4


def kernel(x, pe):
    B, L, D = x.shape
    R = B * L
    NC, NS = 2, 16
    NW = NC * NS
    RWL = L // NW
    C = 16
    NCH = RWL // C
    CW = C * D
    T = NCH * B
    UNROLL = 8

    mesh = plsc.VectorSubcoreMesh(core_axis_name="c", subcore_axis_name="s")

    @functools.partial(
        pl.kernel, mesh=mesh,
        out_type=jax.ShapeDtypeStruct((R, D), jnp.float32),
        scratch_types=(
            [pltpu.VMEM((C, D), jnp.float32) for _ in range(NBUF)]
            + [pltpu.VMEM((C, D), jnp.float32) for _ in range(2)]
            + [pltpu.SemaphoreType.DMA for _ in range(NBUF)]
            + [pltpu.SemaphoreType.DMA for _ in range(2)]
            + [pltpu.SemaphoreType.DMA for _ in range(NBUF)]
        ),
        compiler_params=pltpu.CompilerParams(use_tc_tiling_on_sc=True),
    )
    def sc_add(x_hbm, pe_hbm, out_hbm, *scratch):
        xbufs = scratch[0:NBUF]
        pbufs = scratch[NBUF:NBUF + 2]
        xsems = scratch[NBUF + 2:2 * NBUF + 2]
        psems = scratch[2 * NBUF + 2:2 * NBUF + 4]
        osems = scratch[2 * NBUF + 4:3 * NBUF + 4]

        w = lax.axis_index("c") * NS + lax.axis_index("s")
        lbase = w * RWL

        def x_copy(slot, c, b):
            rows = b * L + lbase + c * C
            return pltpu.make_async_copy(
                x_hbm.at[pl.ds(rows, C), :], xbufs[slot], xsems[slot])

        def pe_copy(par, c):
            return pltpu.make_async_copy(
                pe_hbm.at[pl.ds(lbase + c * C, C), :], pbufs[par], psems[par])

        def out_copy(slot, c, b):
            rows = b * L + lbase + c * C
            return pltpu.make_async_copy(
                xbufs[slot], out_hbm.at[pl.ds(rows, C), :], osems[slot])

        def compute(slot, par):
            xbuf, pbuf = xbufs[slot], pbufs[par]

            def col_body(k, carry):
                s = pl.ds(k * 16, 16)
                for r in range(C):
                    xbuf[r, s] = xbuf[r, s] + pbuf[r, s]
                return carry

            lax.fori_loop(0, D // 16, col_body, 0)

        pe_copy(0, 0).start()
        x_copy(0, 0, 0).start()
        x_copy(1, 0, 1).start()

        def outer(s, carry):
            c0 = s * 2
            for j in range(UNROLL):
                slot = j % NBUF
                b = j % B
                cj = j // B
                c = c0 + cj
                gt = s * UNROLL + j

                nslot = (j + 2) % NBUF
                nb = (j + 2) % B
                ncc = c0 + (j + 2) // B

                @pl.when(jnp.logical_or(s > 0, j >= NBUF - 2))
                def _():
                    out_copy(nslot, 0, 0).wait()

                @pl.when(gt + 2 < T)
                def _():
                    x_copy(nslot, ncc, nb).start()

                if b == 0:
                    npar = (cj + 1) % 2

                    @pl.when(c + 1 < NCH)
                    def _():
                        pe_copy(npar, c + 1).start()

                x_copy(slot, c, b).wait()
                if b == 0:
                    pe_copy(cj, c).wait()

                compute(slot, cj)
                out_copy(slot, c, b).start()
            return carry

        lax.fori_loop(0, NCH // 2, outer, 0)

        for k in range(T - NBUF + 2, T):
            out_copy(k % NBUF, 0, 0).wait()

    out = sc_add(x.reshape(R, D), pe)
    return out.reshape(B, L, D)

# --- scband reference (transcript-rebuilt; emitter-appended) ---
"""Pipeline reference for scband-learned-positional-encoding-41085657154005 (READ-ONLY COPY).

The authoritative reference and input builder live on the scoring server;
editing this copy changes nothing except your own understanding.
"""

import jax, jax.numpy as jnp
import numpy as np

EMBEDDING_DIM = 1024
MAX_LENGTH = 8192
B, L = 4, 8192


def setup_inputs(seed: int = 0) -> dict:
    key = jax.random.key(seed)
    kx, kpe = jax.random.split(key)
    x = jax.random.normal(kx, (B, L, EMBEDDING_DIM), dtype=jnp.float32)
    # learned positional embedding table (nn.Embedding weight)
    pe = jax.random.normal(kpe, (MAX_LENGTH, EMBEDDING_DIM), dtype=jnp.float32) * 0.02
    return {"x": x, "pe": pe}


def reference(x, pe):
    Bq, Lq = x.shape[0], x.shape[1]
    # position_ids = self.position_ids[:, :L].repeat(B, 1)
    position_ids = jnp.broadcast_to(jnp.arange(Lq, dtype=jnp.int32)[None, :], (Bq, Lq))
    # position_embeddings = self.pe(position_ids)  -> embedding gather
    position_embeddings = jnp.take(pe, position_ids, axis=0)
    return x + position_embeddings

if __name__ == "__main__":
    import jax
    _d = setup_inputs()
    print(jax.jit(kernel)(*tuple(_d.values())))

</pallas_src>

<mosaic_0001>
#map = affine_map<(d0, d1) -> (0, 0)>
module attributes {stable_mosaic.version = 14 : i64} {
  func.func @sc_add(%arg0: i32, %arg1: i32, %arg2: memref<32768x1024xf32, #tpu.memory_space<hbm>>, %arg3: memref<8192x1024xf32, #tpu.memory_space<hbm>>, %arg4: memref<32768x1024xf32, #tpu.memory_space<hbm>>, %arg5: memref<16x1024xf32, #tpu.memory_space<vmem>>, %arg6: memref<16x1024xf32, #tpu.memory_space<vmem>>, %arg7: memref<16x1024xf32, #tpu.memory_space<vmem>>, %arg8: memref<16x1024xf32, #tpu.memory_space<vmem>>, %arg9: memref<16x1024xf32, #tpu.memory_space<vmem>>, %arg10: memref<16x1024xf32, #tpu.memory_space<vmem>>, %arg11: memref<!tpu.dma_semaphore, #tpu.memory_space<semaphore_mem>>, %arg12: memref<!tpu.dma_semaphore, #tpu.memory_space<semaphore_mem>>, %arg13: memref<!tpu.dma_semaphore, #tpu.memory_space<semaphore_mem>>, %arg14: memref<!tpu.dma_semaphore, #tpu.memory_space<semaphore_mem>>, %arg15: memref<!tpu.dma_semaphore, #tpu.memory_space<semaphore_mem>>, %arg16: memref<!tpu.dma_semaphore, #tpu.memory_space<semaphore_mem>>, %arg17: memref<!tpu.dma_semaphore, #tpu.memory_space<semaphore_mem>>, %arg18: memref<!tpu.dma_semaphore, #tpu.memory_space<semaphore_mem>>, %arg19: memref<!tpu.dma_semaphore, #tpu.memory_space<semaphore_mem>>, %arg20: memref<!tpu.dma_semaphore, #tpu.memory_space<semaphore_mem>>) attributes {dimension_semantics = [#tpu.dimension_semantics<core_parallel>, #tpu.dimension_semantics<subcore_parallel>], iteration_bounds = array<i64: 2, 16>, scalar_prefetch = 0 : i64, scratch_operands = 16 : i64, tpu.core_type = #tpu.core_type<sc_vector_subcore>, window_params = [{transform_indices = #map}, {transform_indices = #map}, {transform_indices = #map}]} {
    %mul3A = arith.constant 16 : i32
    %mul3A_0 = arith.muli %arg0, %mul3A : i32
    %add3A = arith.addi %mul3A_0, %arg1 : i32
    %mul3A_1 = arith.constant 256 : i32
    %mul3A_2 = arith.muli %add3A, %mul3A_1 : i32
    %add3A_3 = arith.constant 0 : i32
    %add3A_4 = arith.addi %mul3A_2, %add3A_3 : i32
    %dma_start3A = arith.constant 0 : i32
    %dma_start3A_5 = tpu.memref_slice %arg3[%add3A_4, %dma_start3A] : memref<8192x1024xf32, #tpu.memory_space<hbm>> -> memref<16x1024xf32, #tpu.memory_space<hbm>>
    %dma_start3A_6 = arith.constant 0 : i32
    %dma_start3A_7 = tpu.memref_slice %arg3[%add3A_4, %dma_start3A_6] : memref<8192x1024xf32, #tpu.memory_space<hbm>> -> memref<16x1024xf32, #tpu.memory_space<hbm>>
    tpu.enqueue_dma source(%dma_start3A_7 : memref<16x1024xf32, #tpu.memory_space<hbm>>) target(%arg9 : memref<16x1024xf32, #tpu.memory_space<vmem>>) target_semaphore(%arg15 : memref<!tpu.dma_semaphore, #tpu.memory_space<semaphore_mem>>)
    %add3A_8 = arith.constant 0 : i32
    %add3A_9 = arith.addi %add3A_8, %mul3A_2 : i32
    %add3A_10 = arith.constant 0 : i32
    %add3A_11 = arith.addi %add3A_9, %add3A_10 : i32
    %dma_start3A_12 = arith.constant 0 : i32
    %dma_start3A_13 = tpu.memref_slice %arg2[%add3A_11, %dma_start3A_12] : memref<32768x1024xf32, #tpu.memory_space<hbm>> -> memref<16x1024xf32, #tpu.memory_space<hbm>>
    %dma_start3A_14 = arith.constant 0 : i32
    %dma_start3A_15 = tpu.memref_slice %arg2[%add3A_11, %dma_start3A_14] : memref<32768x1024xf32, #tpu.memory_space<hbm>> -> memref<16x1024xf32, #tpu.memory_space<hbm>>
    tpu.enqueue_dma source(%dma_start3A_15 : memref<16x1024xf32, #tpu.memory_space<hbm>>) target(%arg5 : memref<16x1024xf32, #tpu.memory_space<vmem>>) target_semaphore(%arg11 : memref<!tpu.dma_semaphore, #tpu.memory_space<semaphore_mem>>)
    %add3A_16 = arith.constant 8192 : i32
    %add3A_17 = arith.addi %add3A_16, %mul3A_2 : i32
    %add3A_18 = arith.constant 0 : i32
    %add3A_19 = arith.addi %add3A_17, %add3A_18 : i32
    %dma_start3A_20 = arith.constant 0 : i32
    %dma_start3A_21 = tpu.memref_slice %arg2[%add3A_19, %dma_start3A_20] : memref<32768x1024xf32, #tpu.memory_space<hbm>> -> memref<16x1024xf32, #tpu.memory_space<hbm>>
    %dma_start3A_22 = arith.constant 0 : i32
    %dma_start3A_23 = tpu.memref_slice %arg2[%add3A_19, %dma_start3A_22] : memref<32768x1024xf32, #tpu.memory_space<hbm>> -> memref<16x1024xf32, #tpu.memory_space<hbm>>
    tpu.enqueue_dma source(%dma_start3A_23 : memref<16x1024xf32, #tpu.memory_space<hbm>>) target(%arg6 : memref<16x1024xf32, #tpu.memory_space<vmem>>) target_semaphore(%arg12 : memref<!tpu.dma_semaphore, #tpu.memory_space<semaphore_mem>>)
    %scan3A = arith.constant 0 : i32
    %scan3A_24 = arith.constant 0 : i32
    %scan3A_25 = arith.constant 8 : i32
    %scan3A_26 = arith.addi %scan3A_24, %scan3A_25 : i32
    %scan3A_27 = arith.constant 1 : i32
    scf.for %scan3A_44 = %scan3A_24 to %scan3A_26 step %scan3A_27  : i32 {
      %mul3A_45 = arith.constant 2 : i32
      %mul3A_46 = arith.muli %scan3A_44, %mul3A_45 : i32
      %add3A_47 = arith.constant 0 : i32
      %add3A_48 = arith.addi %mul3A_46, %add3A_47 : i32
      %mul3A_49 = arith.constant 8 : i32
      %mul3A_50 = arith.muli %scan3A_44, %mul3A_49 : i32
      %add3A_51 = arith.constant 0 : i32
      %add3A_52 = arith.addi %mul3A_50, %add3A_51 : i32
      %add3A_53 = arith.constant 0 : i32
      %add3A_54 = arith.addi %mul3A_46, %add3A_53 : i32
      %gt3A = arith.constant 0 : i32
      %gt3A_55 = arith.cmpi sgt, %scan3A_44, %gt3A : i32
      %or3A = arith.constant false
      %or3A_56 = arith.ori %gt3A_55, %or3A : i1
      %convert_element_type3A = arith.extui %or3A_56 : i1 to i32
      %cond3A = arith.constant 0 : i32
      %cond3A_57 = arith.cmpi ne, %convert_element_type3A, %cond3A : i32
      scf.if %cond3A_57 {
        %add3A_438 = arith.constant 0 : i32
        %add3A_439 = arith.addi %add3A_438, %mul3A_2 : i32
        %add3A_440 = arith.constant 0 : i32
        %add3A_441 = arith.addi %add3A_439, %add3A_440 : i32
        %dma_wait3A_442 = arith.constant 0 : i32
        %dma_wait3A_443 = tpu.memref_slice %arg4[%add3A_441, %dma_wait3A_442] : memref<32768x1024xf32, #tpu.memory_space<hbm>> -> memref<16x1024xf32, #tpu.memory_space<hbm>>
        %dma_wait3A_444 = arith.constant 0 : i32
        %dma_wait3A_445 = tpu.memref_slice %arg4[%add3A_441, %dma_wait3A_444] : memref<32768x1024xf32, #tpu.memory_space<hbm>> -> memref<16x1024xf32, #tpu.memory_space<hbm>>
        tpu.wait_dma2 semaphore(%arg19 : memref<!tpu.dma_semaphore, #tpu.memory_space<semaphore_mem>>) src(%arg7 : memref<16x1024xf32, #tpu.memory_space<vmem>>) dst(%dma_wait3A_445 : memref<16x1024xf32, #tpu.memory_space<hbm>>)
      } else {
      }
      %add3A_58 = arith.constant 2 : i32
      %add3A_59 = arith.addi %add3A_52, %add3A_58 : i32
      %lt3A = arith.constant 64 : i32
      %lt3A_60 = arith.cmpi slt, %add3A_59, %lt3A : i32
      %convert_element_type3A_61 = arith.extui %lt3A_60 : i1 to i32
      %cond3A_62 = arith.constant 0 : i32
      %cond3A_63 = arith.cmpi ne, %convert_element_type3A_61, %cond3A_62 : i32
      scf.if %cond3A_63 {
        %add3A_438 = arith.constant 16384 : i32
        %add3A_439 = arith.addi %add3A_438, %mul3A_2 : i32
        %mul3A_440 = arith.constant 16 : i32
        %mul3A_441 = arith.muli %add3A_54, %mul3A_440 : i32
        %add3A_442 = arith.addi %add3A_439, %mul3A_441 : i32
        %dma_start3A_443 = arith.constant 0 : i32
        %dma_start3A_444 = tpu.memref_slice %arg2[%add3A_442, %dma_start3A_443] : memref<32768x1024xf32, #tpu.memory_space<hbm>> -> memref<16x1024xf32, #tpu.memory_space<hbm>>
        %dma_start3A_445 = arith.constant 0 : i32
        %dma_start3A_446 = tpu.memref_slice %arg2[%add3A_442, %dma_start3A_445] : memref<32768x1024xf32, #tpu.memory_space<hbm>> -> memref<16x1024xf32, #tpu.memory_space<hbm>>
        tpu.enqueue_dma source(%dma_start3A_446 : memref<16x1024xf32, #tpu.memory_space<hbm>>) target(%arg7 : memref<16x1024xf32, #tpu.memory_space<vmem>>) target_semaphore(%arg13 : memref<!tpu.dma_semaphore, #tpu.memory_space<semaphore_mem>>)
      } else {
      }
      %add3A_64 = arith.constant 1 : i32
      %add3A_65 = arith.addi %add3A_48, %add3A_64 : i32
      %lt3A_66 = arith.constant 16 : i32
      %lt3A_67 = arith.cmpi slt, %add3A_65, %lt3A_66 : i32
      %convert_element_type3A_68 = arith.extui %lt3A_67 : i1 to i32
      %cond3A_69 = arith.constant 0 : i32
      %cond3A_70 = arith.cmpi ne, %convert_element_type3A_68, %cond3A_69 : i32
      scf.if %cond3A_70 {
        %add3A_438 = arith.constant 1 : i32
        %add3A_439 = arith.addi %add3A_48, %add3A_438 : i32
        %mul3A_440 = arith.constant 16 : i32
        %mul3A_441 = arith.muli %add3A_439, %mul3A_440 : i32
        %add3A_442 = arith.addi %mul3A_2, %mul3A_441 : i32
        %dma_start3A_443 = arith.constant 0 : i32
        %dma_start3A_444 = tpu.memref_slice %arg3[%add3A_442, %dma_start3A_443] : memref<8192x1024xf32, #tpu.memory_space<hbm>> -> memref<16x1024xf32, #tpu.memory_space<hbm>>
        %dma_start3A_445 = arith.constant 0 : i32
        %dma_start3A_446 = tpu.memref_slice %arg3[%add3A_442, %dma_start3A_445] : memref<8192x1024xf32, #tpu.memory_space<hbm>> -> memref<16x1024xf32, #tpu.memory_space<hbm>>
        tpu.enqueue_dma source(%dma_start3A_446 : memref<16x1024xf32, #tpu.memory_space<hbm>>) target(%arg10 : memref<16x1024xf32, #tpu.memory_space<vmem>>) target_semaphore(%arg16 : memref<!tpu.dma_semaphore, #tpu.memory_space<semaphore_mem>>)
      } else {
      }
      %add3A_71 = arith.constant 0 : i32
      %add3A_72 = arith.addi %add3A_71, %mul3A_2 : i32
      %mul3A_73 = arith.constant 16 : i32
      %mul3A_74 = arith.muli %add3A_48, %mul3A_73 : i32
      %add3A_75 = arith.addi %add3A_72, %mul3A_74 : i32
      %dma_wait3A_76 = arith.constant 0 : i32
      %dma_wait3A_77 = tpu.memref_slice %arg2[%add3A_75, %dma_wait3A_76] : memref<32768x1024xf32, #tpu.memory_space<hbm>> -> memref<16x1024xf32, #tpu.memory_space<hbm>>
      %dma_wait3A_78 = arith.constant 0 : i32
      %dma_wait3A_79 = tpu.memref_slice %arg2[%add3A_75, %dma_wait3A_78] : memref<32768x1024xf32, #tpu.memory_space<hbm>> -> memref<16x1024xf32, #tpu.memory_space<hbm>>
      tpu.wait_dma2 semaphore(%arg11 : memref<!tpu.dma_semaphore, #tpu.memory_space<semaphore_mem>>) src(%dma_wait3A_79 : memref<16x1024xf32, #tpu.memory_space<hbm>>) dst(%arg5 : memref<16x1024xf32, #tpu.memory_space<vmem>>)
      %mul3A_80 = arith.constant 16 : i32
      %mul3A_81 = arith.muli %add3A_48, %mul3A_80 : i32
      %add3A_82 = arith.addi %mul3A_2, %mul3A_81 : i32
      %dma_wait3A_83 = arith.constant 0 : i32
      %dma_wait3A_84 = tpu.memref_slice %arg3[%add3A_82, %dma_wait3A_83] : memref<8192x1024xf32, #tpu.memory_space<hbm>> -> memref<16x1024xf32, #tpu.memory_space<hbm>>
      %dma_wait3A_85 = arith.constant 0 : i32
      %dma_wait3A_86 = tpu.memref_slice %arg3[%add3A_82, %dma_wait3A_85] : memref<8192x1024xf32, #tpu.memory_space<hbm>> -> memref<16x1024xf32, #tpu.memory_space<hbm>>
      tpu.wait_dma2 semaphore(%arg15 : memref<!tpu.dma_semaphore, #tpu.memory_space<semaphore_mem>>) src(%dma_wait3A_86 : memref<16x1024xf32, #tpu.memory_space<hbm>>) dst(%arg9 : memref<16x1024xf32, #tpu.memory_space<vmem>>)
      %scan3A_87 = arith.constant 0 : i32
      %scan3A_88 = arith.constant 0 : i32
      %scan3A_89 = arith.constant 64 : i32
      %scan3A_90 = arith.addi %scan3A_88, %scan3A_89 : i32
      %scan3A_91 = arith.constant 1 : i32
      scf.for %scan3A_438 = %scan3A_88 to %scan3A_90 step %scan3A_91  : i32 {
        %mul3A_439 = arith.constant 16 : i32
        %mul3A_440 = arith.muli %scan3A_438, %mul3A_439 : i32
        %get3A = arith.constant 0 : i32
        %get3A_441 = arith.index_cast %get3A : i32 to index
        %get3A_442 = arith.index_cast %mul3A_440 : i32 to index
        %get3A_443 = tpu.vector_load %arg5[%get3A_441, %get3A_442] {strides = array<i32>} : memref<16x1024xf32, #tpu.memory_space<vmem>>, vector<1x16xf32>,
        %get3A_444 = vector.shape_cast %get3A_443 : vector<1x16xf32> to vector<16xf32>
        %get3A_445 = arith.constant 0 : i32
        %get3A_446 = arith.index_cast %get3A_445 : i32 to index
        %get3A_447 = arith.index_cast %mul3A_440 : i32 to index
        %get3A_448 = tpu.vector_load %arg9[%get3A_446, %get3A_447] {strides = array<i32>} : memref<16x1024xf32, #tpu.memory_space<vmem>>, vector<1x16xf32>,
        %get3A_449 = vector.shape_cast %get3A_448 : vector<1x16xf32> to vector<16xf32>
        %add3A_450 = arith.addf %get3A_444, %get3A_449 : vector<16xf32>
        %swap3A = arith.constant 0 : i32
        %swap3A_451 = arith.index_cast %swap3A : i32 to index
        %swap3A_452 = arith.index_cast %mul3A_440 : i32 to index
        %swap3A_453 = tpu.vector_load %arg5[%swap3A_451, %swap3A_452] {strides = array<i32>} : memref<16x1024xf32, #tpu.memory_space<vmem>>, vector<1x16xf32>,
        %swap3A_454 = vector.shape_cast %swap3A_453 : vector<1x16xf32> to vector<16xf32>
        %swap3A_455 = vector.shape_cast %add3A_450 : vector<16xf32> to vector<1x16xf32>
        tpu.vector_store %arg5[%swap3A_451, %swap3A_452], %swap3A_455 {strides = array<i32>} : memref<16x1024xf32, #tpu.memory_space<vmem>>, vector<1x16xf32>,
        %get3A_456 = arith.constant 1 : i32
        %get3A_457 = arith.index_cast %get3A_456 : i32 to index
        %get3A_458 = arith.index_cast %mul3A_440 : i32 to index
        %get3A_459 = tpu.vector_load %arg5[%get3A_457, %get3A_458] {strides = array<i32>} : memref<16x1024xf32, #tpu.memory_space<vmem>>, vector<1x16xf32>,
        %get3A_460 = vector.shape_cast %get3A_459 : vector<1x16xf32> to vector<16xf32>
        %get3A_461 = arith.constant 1 : i32
        %get3A_462 = arith.index_cast %get3A_461 : i32 to index
        %get3A_463 = arith.index_cast %mul3A_440 : i32 to index
        %get3A_464 = tpu.vector_load %arg9[%get3A_462, %get3A_463] {strides = array<i32>} : memref<16x1024xf32, #tpu.memory_space<vmem>>, vector<1x16xf32>,
        %get3A_465 = vector.shape_cast %get3A_464 : vector<1x16xf32> to vector<16xf32>
        %add3A_466 = arith.addf %get3A_460, %get3A_465 : vector<16xf32>
        %swap3A_467 = arith.constant 1 : i32
        %swap3A_468 = arith.index_cast %swap3A_467 : i32 to index
        %swap3A_469 = arith.index_cast %mul3A_440 : i32 to index
        %swap3A_470 = tpu.vector_load %arg5[%swap3A_468, %swap3A_469] {strides = array<i32>} : memref<16x1024xf32, #tpu.memory_space<vmem>>, vector<1x16xf32>,
        %swap3A_471 = vector.shape_cast %swap3A_470 : vector<1x16xf32> to vector<16xf32>
        %swap3A_472 = vector.shape_cast %add3A_466 : vector<16xf32> to vector<1x16xf32>
        tpu.vector_store %arg5[%swap3A_468, %swap3A_469], %swap3A_472 {strides = array<i32>} : memref<16x1024xf32, #tpu.memory_space<vmem>>, vector<1x16xf32>,
        %get3A_473 = arith.constant 2 : i32
        %get3A_474 = arith.index_cast %get3A_473 : i32 to index
        %get3A_475 = arith.index_cast %mul3A_440 : i32 to index
        %get3A_476 = tpu.vector_load %arg5[%get3A_474, %get3A_475] {strides = array<i32>} : memref<16x1024xf32, #tpu.memory_space<vmem>>, vector<1x16xf32>,
        %get3A_477 = vector.shape_cast %get3A_476 : vector<1x16xf32> to vector<16xf32>
        %get3A_478 = arith.constant 2 : i32
        %get3A_479 = arith.index_cast %get3A_478 : i32 to index
        %get3A_480 = arith.index_cast %mul3A_440 : i32 to index
        %get3A_481 = tpu.vector_load %arg9[%get3A_479, %get3A_480] {strides = array<i32>} : memref<16x1024xf32, #tpu.memory_space<vmem>>, vector<1x16xf32>,
        %get3A_482 = vector.shape_cast %get3A_481 : vector<1x16xf32> to vector<16xf32>
        %add3A_483 = arith.addf %get3A_477, %get3A_482 : vector<16xf32>
        %swap3A_484 = arith.constant 2 : i32
        %swap3A_485 = arith.index_cast %swap3A_484 : i32 to index
        %swap3A_486 = arith.index_cast %mul3A_440 : i32 to index
        %swap3A_487 = tpu.vector_load %arg5[%swap3A_485, %swap3A_486] {strides = array<i32>} : memref<16x1024xf32, #tpu.memory_space<vmem>>, vector<1x16xf32>,
        %swap3A_488 = vector.shape_cast %swap3A_487 : vector<1x16xf32> to vector<16xf32>
        %swap3A_489 = vector.shape_cast %add3A_483 : vector<16xf32> to vector<1x16xf32>
        tpu.vector_store %arg5[%swap3A_485, %swap3A_486], %swap3A_489 {strides = array<i32>} : memref<16x1024xf32, #tpu.memory_space<vmem>>, vector<1x16xf32>,
        %get3A_490 = arith.constant 3 : i32
        %get3A_491 = arith.index_cast %get3A_490 : i32 to index
        %get3A_492 = arith.index_cast %mul3A_440 : i32 to index
        %get3A_493 = tpu.vector_load %arg5[%get3A_491, %get3A_492] {strides = array<i32>} : memref<16x1024xf32, #tpu.memory_space<vmem>>, vector<1x16xf32>,
        %get3A_494 = vector.shape_cast %get3A_493 : vector<1x16xf32> to vector<16xf32>
        %get3A_495 = arith.constant 3 : i32
        %get3A_496 = arith.index_cast %get3A_495 : i32 to index
        %get3A_497 = arith.index_cast %mul3A_440 : i32 to index
        %get3A_498 = tpu.vector_load %arg9[%get3A_496, %get3A_497] {strides = array<i32>} : memref<16x1024xf32, #tpu.memory_space<vmem>>, vector<1x16xf32>,
        %get3A_499 = vector.shape_cast %get3A_498 : vector<1x16xf32> to vector<16xf32>
        %add3A_500 = arith.addf %get3A_494, %get3A_499 : vector<16xf32>
        %swap3A_501 = arith.constant 3 : i32
        %swap3A_502 = arith.index_cast %swap3A_501 : i32 to index
        %swap3A_503 = arith.index_cast %mul3A_440 : i32 to index
        %swap3A_504 = tpu.vector_load %arg5[%swap3A_502, %swap3A_503] {strides = array<i32>} : memref<16x1024xf32, #tpu.memory_space<vmem>>, vector<1x16xf32>,
        %swap3A_505 = vector.shape_cast %swap3A_504 : vector<1x16xf32> to vector<16xf32>
        %swap3A_506 = vector.shape_cast %add3A_500 : vector<16xf32> to vector<1x16xf32>
        tpu.vector_store %arg5[%swap3A_502, %swap3A_503], %swap3A_506 {strides = array<i32>} : memref<16x1024xf32, #tpu.memory_space<vmem>>, vector<1x16xf32>,
        %get3A_507 = arith.constant 4 : i32
        %get3A_508 = arith.index_cast %get3A_507 : i32 to index
        %get3A_509 = arith.index_cast %mul3A_440 : i32 to index
        %get3A_510 = tpu.vector_load %arg5[%get3A_508, %get3A_509] {strides = array<i32>} : memref<16x1024xf32, #tpu.memory_space<vmem>>, vector<1x16xf32>,
        %get3A_511 = vector.shape_cast %get3A_510 : vector<1x16xf32> to vector<16xf32>
        %get3A_512 = arith.constant 4 : i32
        %get3A_513 = arith.index_cast %get3A_512 : i32 to index
        %get3A_514 = arith.index_cast %mul3A_440 : i32 to index
        %get3A_515 = tpu.vector_load %arg9[%get3A_513, %get3A_514] {strides = array<i32>} : memref<16x1024xf32, #tpu.memory_space<vmem>>, vector<1x16xf32>,
        %get3A_516 = vector.shape_cast %get3A_515 : vector<1x16xf32> to vector<16xf32>
        %add3A_517 = arith.addf %get3A_511, %get3A_516 : vector<16xf32>
        %swap3A_518 = arith.constant 4 : i32
        %swap3A_519 = arith.index_cast %swap3A_518 : i32 to index
        %swap3A_520 = arith.index_cast %mul3A_440 : i32 to index
        %swap3A_521 = tpu.vector_load %arg5[%swap3A_519, %swap3A_520] {strides = array<i32>} : memref<16x1024xf32, #tpu.memory_space<vmem>>, vector<1x16xf32>,
        %swap3A_522 = vector.shape_cast %swap3A_521 : vector<1x16xf32> to vector<16xf32>
        %swap3A_523 = vector.shape_cast %add3A_517 : vector<16xf32> to vector<1x16xf32>
        tpu.vector_store %arg5[%swap3A_519, %swap3A_520], %swap3A_523 {strides = array<i32>} : memref<16x1024xf32, #tpu.memory_space<vmem>>, vector<1x16xf32>,
        %get3A_524 = arith.constant 5 : i32
        %get3A_525 = arith.index_cast %get3A_524 : i32 to index
        %get3A_526 = arith.index_cast %mul3A_440 : i32 to index
        %get3A_527 = tpu.vector_load %arg5[%get3A_525, %get3A_526] {strides = array<i32>} : memref<16x1024xf32, #tpu.memory_space<vmem>>, vector<1x16xf32>,
        %get3A_528 = vector.shape_cast %get3A_527 : vector<1x16xf32> to vector<16xf32>
        %get3A_529 = arith.constant 5 : i32
        %get3A_530 = arith.index_cast %get3A_529 : i32 to index
        %get3A_531 = arith.index_cast %mul3A_440 : i32 to index
        %get3A_532 = tpu.vector_load %arg9[%get3A_530, %get3A_531] {strides = array<i32>} : memref<16x1024xf32, #tpu.memory_space<vmem>>, vector<1x16xf32>,
        %get3A_533 = vector.shape_cast %get3A_532 : vector<1x16xf32> to vector<16xf32>
        %add3A_534 = arith.addf %get3A_528, %get3A_533 : vector<16xf32>
        %swap3A_535 = arith.constant 5 : i32
        %swap3A_536 = arith.index_cast %swap3A_535 : i32 to index
        %swap3A_537 = arith.index_cast %mul3A_440 : i32 to index
        %swap3A_538 = tpu.vector_load %arg5[%swap3A_536, %swap3A_537] {strides = array<i32>} : memref<16x1024xf32, #tpu.memory_space<vmem>>, vector<1x16xf32>,
        %swap3A_539 = vector.shape_cast %swap3A_538 : vector<1x16xf32> to vector<16xf32>
        %swap3A_540 = vector.shape_cast %add3A_534 : vector<16xf32> to vector<1x16xf32>
        tpu.vector_store %arg5[%swap3A_536, %swap3A_537], %swap3A_540 {strides = array<i32>} : memref<16x1024xf32, #tpu.memory_space<vmem>>, vector<1x16xf32>,
        %get3A_541 = arith.constant 6 : i32
        %get3A_542 = arith.index_cast %get3A_541 : i32 to index
        %get3A_543 = arith.index_cast %mul3A_440 : i32 to index
        %get3A_544 = tpu.vector_load %arg5[%get3A_542, %get3A_543] {strides = array<i32>} : memref<16x1024xf32, #tpu.memory_space<vmem>>, vector<1x16xf32>,
        %get3A_545 = vector.shape_cast %get3A_544 : vector<1x16xf32> to vector<16xf32>
        %get3A_546 = arith.constant 6 : i32
        %get3A_547 = arith.index_cast %get3A_546 : i32 to index
        %get3A_548 = arith.index_cast %mul3A_440 : i32 to index
        %get3A_549 = tpu.vector_load %arg9[%get3A_547, %get3A_548] {strides = array<i32>} : memref<16x1024xf32, #tpu.memory_space<vmem>>, vector<1x16xf32>,
        %get3A_550 = vector.shape_cast %get3A_549 : vector<1x16xf32> to vector<16xf32>
        %add3A_551 = arith.addf %get3A_545, %get3A_550 : vector<16xf32>
        %swap3A_552 = arith.constant 6 : i32
        %swap3A_553 = arith.index_cast %swap3A_552 : i32 to index
        %swap3A_554 = arith.index_cast %mul3A_440 : i32 to index
        %swap3A_555 = tpu.vector_load %arg5[%swap3A_553, %swap3A_554] {strides = array<i32>} : memref<16x1024xf32, #tpu.memory_space<vmem>>, vector<1x16xf32>,
        %swap3A_556 = vector.shape_cast %swap3A_555 : vector<1x16xf32> to vector<16xf32>
        %swap3A_557 = vector.shape_cast %add3A_551 : vector<16xf32> to vector<1x16xf32>
        tpu.vector_store %arg5[%swap3A_553, %swap3A_554], %swap3A_557 {strides = array<i32>} : memref<16x1024xf32, #tpu.memory_space<vmem>>, vector<1x16xf32>,
        %get3A_558 = arith.constant 7 : i32
        %get3A_559 = arith.index_cast %get3A_558 : i32 to index
        %get3A_560 = arith.index_cast %mul3A_440 : i32 to index
        %get3A_561 = tpu.vector_load %arg5[%get3A_559, %get3A_560] {strides = array<i32>} : memref<16x1024xf32, #tpu.memory_space<vmem>>, vector<1x16xf32>,
        %get3A_562 = vector.shape_cast %get3A_561 : vector<1x16xf32> to vector<16xf32>
        %get3A_563 = arith.constant 7 : i32
        %get3A_564 = arith.index_cast %get3A_563 : i32 to index
        %get3A_565 = arith.index_cast %mul3A_440 : i32 to index
        %get3A_566 = tpu.vector_load %arg9[%get3A_564, %get3A_565] {strides = array<i32>} : memref<16x1024xf32, #tpu.memory_space<vmem>>, vector<1x16xf32>,
        %get3A_567 = vector.shape_cast %get3A_566 : vector<1x16xf32> to vector<16xf32>
        %add3A_568 = arith.addf %get3A_562, %get3A_567 : vector<16xf32>
        %swap3A_569 = arith.constant 7 : i32
        %swap3A_570 = arith.index_cast %swap3A_569 : i32 to index
        %swap3A_571 = arith.index_cast %mul3A_440 : i32 to index
        %swap3A_572 = tpu.vector_load %arg5[%swap3A_570, %swap3A_571] {strides = array<i32>} : memref<16x1024xf32, #tpu.memory_space<vmem>>, vector<1x16xf32>,
        %swap3A_573 = vector.shape_cast %swap3A_572 : vector<1x16xf32> to vector<16xf32>
        %swap3A_574 = vector.shape_cast %add3A_568 : vector<16xf32> to vector<1x16xf32>
        tpu.vector_store %arg5[%swap3A_570, %swap3A_571], %swap3A_574 {strides = array<i32>} : memref<16x1024xf32, #tpu.memory_space<vmem>>, vector<1x16xf32>,
        %get3A_575 = arith.constant 8 : i32
        %get3A_576 = arith.index_cast %get3A_575 : i32 to index
        %get3A_577 = arith.index_cast %mul3A_440 : i32 to index
        %get3A_578 = tpu.vector_load %arg5[%get3A_576, %get3A_577] {strides = array<i32>} : memref<16x1024xf32, #tpu.memory_space<vmem>>, vector<1x16xf32>,
        %get3A_579 = vector.shape_cast %get3A_578 : vector<1x16xf32> to vector<16xf32>
        %get3A_580 = arith.constant 8 : i32
        %get3A_581 = arith.index_cast %get3A_580 : i32 to index
        %get3A_582 = arith.index_cast %mul3A_440 : i32 to index
        %get3A_583 = tpu.vector_load %arg9[%get3A_581, %get3A_582] {strides = array<i32>} : memref<16x1024xf32, #tpu.memory_space<vmem>>, vector<1x16xf32>,
        %get3A_584 = vector.shape_cast %get3A_583 : vector<1x16xf32> to vector<16xf32>
        %add3A_585 = arith.addf %get3A_579, %get3A_584 : vector<16xf32>
        %swap3A_586 = arith.constant 8 : i32
        %swap3A_587 = arith.index_cast %swap3A_586 : i32 to index
        %swap3A_588 = arith.index_cast %mul3A_440 : i32 to index
        %swap3A_589 = tpu.vector_load %arg5[%swap3A_587, %swap3A_588] {strides = array<i32>} : memref<16x1024xf32, #tpu.memory_space<vmem>>, vector<1x16xf32>,
        %swap3A_590 = vector.shape_cast %swap3A_589 : vector<1x16xf32> to vector<16xf32>
        %swap3A_591 = vector.shape_cast %add3A_585 : vector<16xf32> to vector<1x16xf32>
        tpu.vector_store %arg5[%swap3A_587, %swap3A_588], %swap3A_591 {strides = array<i32>} : memref<16x1024xf32, #tpu.memory_space<vmem>>, vector<1x16xf32>,
        %get3A_592 = arith.constant 9 : i32
        %get3A_593 = arith.index_cast %get3A_592 : i32 to index
        %get3A_594 = arith.index_cast %mul3A_440 : i32 to index
        %get3A_595 = tpu.vector_load %arg5[%get3A_593, %get3A_594] {strides = array<i32>} : memref<16x1024xf32, #tpu.memory_space<vmem>>, vector<1x16xf32>,
        %get3A_596 = vector.shape_cast %get3A_595 : vector<1x16xf32> to vector<16xf32>
        %get3A_597 = arith.constant 9 : i32
        %get3A_598 = arith.index_cast %get3A_597 : i32 to index
        %get3A_599 = arith.index_cast %mul3A_440 : i32 to index
        %get3A_600 = tpu.vector_load %arg9[%get3A_598, %get3A_599] {strides = array<i32>} : memref<16x1024xf32, #tpu.memory_space<vmem>>, vector<1x16xf32>,
        %get3A_601 = vector.shape_cast %get3A_600 : vector<1x16xf32> to vector<16xf32>
        %add3A_602 = arith.addf %get3A_596, %get3A_601 : vector<16xf32>
        %swap3A_603 = arith.constant 9 : i32
        %swap3A_604 = arith.index_cast %swap3A_603 : i32 to index
        %swap3A_605 = arith.index_cast %mul3A_440 : i32 to index
        %swap3A_606 = tpu.vector_load %arg5[%swap3A_604, %swap3A_605] {strides = array<i32>} : memref<16x1024xf32, #tpu.memory_space<vmem>>, vector<1x16xf32>,
        %swap3A_607 = vector.shape_cast %swap3A_606 : vector<1x16xf32> to vector<16xf32>
        %swap3A_608 = vector.shape_cast %add3A_602 : vector<16xf32> to vector<1x16xf32>
        tpu.vector_store %arg5[%swap3A_604, %swap3A_605], %swap3A_608 {strides = array<i32>} : memref<16x1024xf32, #tpu.memory_space<vmem>>, vector<1x16xf32>,
        %get3A_609 = arith.constant 10 : i32
        %get3A_610 = arith.index_cast %get3A_609 : i32 to index
        %get3A_611 = arith.index_cast %mul3A_440 : i32 to index
        %get3A_612 = tpu.vector_load %arg5[%get3A_610, %get3A_611] {strides = array<i32>} : memref<16x1024xf32, #tpu.memory_space<vmem>>, vector<1x16xf32>,
        %get3A_613 = vector.shape_cast %get3A_612 : vector<1x16xf32> to vector<16xf32>
        %get3A_614 = arith.constant 10 : i32
        %get3A_615 = arith.index_cast %get3A_614 : i32 to index
        %get3A_616 = arith.index_cast %mul3A_440 : i32 to index
        %get3A_617 = tpu.vector_load %arg9[%get3A_615, %get3A_616] {strides = array<i32>} : memref<16x1024xf32, #tpu.memory_space<vmem>>, vector<1x16xf32>,
        %get3A_618 = vector.shape_cast %get3A_617 : vector<1x16xf32> to vector<16xf32>
        %add3A_619 = arith.addf %get3A_613, %get3A_618 : vector<16xf32>
        %swap3A_620 = arith.constant 10 : i32
        %swap3A_621 = arith.index_cast %swap3A_620 : i32 to index
        %swap3A_622 = arith.index_cast %mul3A_440 : i32 to index
        %swap3A_623 = tpu.vector_load %arg5[%swap3A_621, %swap3A_622] {strides = array<i32>} : memref<16x1024xf32, #tpu.memory_space<vmem>>, vector<1x16xf32>,
        %swap3A_624 = vector.shape_cast %swap3A_623 : vector<1x16xf32> to vector<16xf32>
        %swap3A_625 = vector.shape_cast %add3A_619 : vector<16xf32> to vector<1x16xf32>
        tpu.vector_store %arg5[%swap3A_621, %swap3A_622], %swap3A_625 {strides = array<i32>} : memref<16x1024xf32, #tpu.memory_space<vmem>>, vector<1x16xf32>,
        %get3A_626 = arith.constant 11 : i32
        %get3A_627 = arith.index_cast %get3A_626 : i32 to index
        %get3A_628 = arith.index_cast %mul3A_440 : i32 to index
        %get3A_629 = tpu.vector_load %arg5[%get3A_627, %get3A_628] {strides = array<i32>} : memref<16x1024xf32, #tpu.memory_space<vmem>>, vector<1x16xf32>,
        %get3A_630 = vector.shape_cast %get3A_629 : vector<1x16xf32> to vector<16xf32>
        %get3A_631 = arith.constant 11 : i32
        %get3A_632 = arith.index_cast %get3A_631 : i32 to index
        %get3A_633 = arith.index_cast %mul3A_440 : i32 to index
        %get3A_634 = tpu.vector_load %arg9[%get3A_632, %get3A_633] {strides = array<i32>} : memref<16x1024xf32, #tpu.memory_space<vmem>>, vector<1x16xf32>,
        %get3A_635 = vector.shape_cast %get3A_634 : vector<1x16xf32> to vector<16xf32>
        %add3A_636 = arith.addf %get3A_630, %get3A_635 : vector<16xf32>
        %swap3A_637 = arith.constant 11 : i32
        %swap3A_638 = arith.index_cast %swap3A_637 : i32 to index
        %swap3A_639 = arith.index_cast %mul3A_440 : i32 to index
        %swap3A_640 = tpu.vector_load %arg5[%swap3A_638, %swap3A_639] {strides = array<i32>} : memref<16x1024xf32, #tpu.memory_space<vmem>>, vector<1x16xf32>,
        %swap3A_641 = vector.shape_cast %swap3A_640 : vector<1x16xf32> to vector<16xf32>
        %swap3A_642 = vector.shape_cast %add3A_636 : vector<16xf32> to vector<1x16xf32>
        tpu.vector_store %arg5[%swap3A_638, %swap3A_639], %swap3A_642 {strides = array<i32>} : memref<16x1024xf32, #tpu.memory_space<vmem>>, vector<1x16xf32>,
        %get3A_643 = arith.constant 12 : i32
        %get3A_644 = arith.index_cast %get3A_643 : i32 to index
        %get3A_645 = arith.index_cast %mul3A_440 : i32 to index
        %get3A_646 = tpu.vector_load %arg5[%get3A_644, %get3A_645] {strides = array<i32>} : memref<16x1024xf32, #tpu.memory_space<vmem>>, vector<1x16xf32>,
        %get3A_647 = vector.shape_cast %get3A_646 : vector<1x16xf32> to vector<16xf32>
        %get3A_648 = arith.constant 12 : i32
        %get3A_649 = arith.index_cast %get3A_648 : i32 to index
        %get3A_650 = arith.index_cast %mul3A_440 : i32 to index
        %get3A_651 = tpu.vector_load %arg9[%get3A_649, %get3A_650] {strides = array<i32>} : memref<16x1024xf32, #tpu.memory_space<vmem>>, vector<1x16xf32>,
        %get3A_652 = vector.shape_cast %get3A_651 : vector<1x16xf32> to vector<16xf32>
        %add3A_653 = arith.addf %get3A_647, %get3A_652 : vector<16xf32>
        %swap3A_654 = arith.constant 12 : i32
        %swap3A_655 = arith.index_cast %swap3A_654 : i32 to index
        %swap3A_656 = arith.index_cast %mul3A_440 : i32 to index
        %swap3A_657 = tpu.vector_load %arg5[%swap3A_655, %swap3A_656] {strides = array<i32>} : memref<16x1024xf32, #tpu.memory_space<vmem>>, vector<1x16xf32>,
        %swap3A_658 = vector.shape_cast %swap3A_657 : vector<1x16xf32> to vector<16xf32>
        %swap3A_659 = vector.shape_cast %add3A_653 : vector<16xf32> to vector<1x16xf32>
        tpu.vector_store %arg5[%swap3A_655, %swap3A_656], %swap3A_659 {strides = array<i32>} : memref<16x1024xf32, #tpu.memory_space<vmem>>, vector<1x16xf32>,
        %get3A_660 = arith.constant 13 : i32
        %get3A_661 = arith.index_cast %get3A_660 : i32 to index
        %get3A_662 = arith.index_cast %mul3A_440 : i32 to index
        %get3A_663 = tpu.vector_load %arg5[%get3A_661, %get3A_662] {strides = array<i32>} : memref<16x1024xf32, #tpu.memory_space<vmem>>, vector<1x16xf32>,
        %get3A_664 = vector.shape_cast %get3A_663 : vector<1x16xf32> to vector<16xf32>
        %get3A_665 = arith.constant 13 : i32
        %get3A_666 = arith.index_cast %get3A_665 : i32 to index
        %get3A_667 = arith.index_cast %mul3A_440 : i32 to index
        %get3A_668 = tpu.vector_load %arg9[%get3A_666, %get3A_667] {strides = array<i32>} : memref<16x1024xf32, #tpu.memory_space<vmem>>, vector<1x16xf32>,
        %get3A_669 = vector.shape_cast %get3A_668 : vector<1x16xf32> to vector<16xf32>
        %add3A_670 = arith.addf %get3A_664, %get3A_669 : vector<16xf32>
        %swap3A_671 = arith.constant 13 : i32
        %swap3A_672 = arith.index_cast %swap3A_671 : i32 to index
        %swap3A_673 = arith.index_cast %mul3A_440 : i32 to index
        %swap3A_674 = tpu.vector_load %arg5[%swap3A_672, %swap3A_673] {strides = array<i32>} : memref<16x1024xf32, #tpu.memory_space<vmem>>, vector<1x16xf32>,
        %swap3A_675 = vector.shape_cast %swap3A_674 : vector<1x16xf32> to vector<16xf32>
        %swap3A_676 = vector.shape_cast %add3A_670 : vector<16xf32> to vector<1x16xf32>
        tpu.vector_store %arg5[%swap3A_672, %swap3A_673], %swap3A_676 {strides = array<i32>} : memref<16x1024xf32, #tpu.memory_space<vmem>>, vector<1x16xf32>,
        %get3A_677 = arith.constant 14 : i32
        %get3A_678 = arith.index_cast %get3A_677 : i32 to index
        %get3A_679 = arith.index_cast %mul3A_440 : i32 to index
        %get3A_680 = tpu.vector_load %arg5[%get3A_678, %get3A_679] {strides = array<i32>} : memref<16x1024xf32, #tpu.memory_space<vmem>>, vector<1x16xf32>,
        %get3A_681 = vector.shape_cast %get3A_680 : vector<1x16xf32> to vector<16xf32>
        %get3A_682 = arith.constant 14 : i32
        %get3A_683 = arith.index_cast %get3A_682 : i32 to index
        %get3A_684 = arith.index_cast %mul3A_440 : i32 to index
        %get3A_685 = tpu.vector_load %arg9[%get3A_683, %get3A_684] {strides = array<i32>} : memref<16x1024xf32, #tpu.memory_space<vmem>>, vector<1x16xf32>,
        %get3A_686 = vector.shape_cast %get3A_685 : vector<1x16xf32> to vector<16xf32>
        %add3A_687 = arith.addf %get3A_681, %get3A_686 : vector<16xf32>
        %swap3A_688 = arith.constant 14 : i32
        %swap3A_689 = arith.index_cast %swap3A_688 : i32 to index
        %swap3A_690 = arith.index_cast %mul3A_440 : i32 to index
        %swap3A_691 = tpu.vector_load %arg5[%swap3A_689, %swap3A_690] {strides = array<i32>} : memref<16x1024xf32, #tpu.memory_space<vmem>>, vector<1x16xf32>,
        %swap3A_692 = vector.shape_cast %swap3A_691 : vector<1x16xf32> to vector<16xf32>
        %swap3A_693 = vector.shape_cast %add3A_687 : vector<16xf32> to vector<1x16xf32>
        tpu.vector_store %arg5[%swap3A_689, %swap3A_690], %swap3A_693 {strides = array<i32>} : memref<16x1024xf32, #tpu.memory_space<vmem>>, vector<1x16xf32>,
        %get3A_694 = arith.constant 15 : i32
        %get3A_695 = arith.index_cast %get3A_694 : i32 to index
        %get3A_696 = arith.index_cast %mul3A_440 : i32 to index
        %get3A_697 = tpu.vector_load %arg5[%get3A_695, %get3A_696] {strides = array<i32>} : memref<16x1024xf32, #tpu.memory_space<vmem>>, vector<1x16xf32>,
        %get3A_698 = vector.shape_cast %get3A_697 : vector<1x16xf32> to vector<16xf32>
        %get3A_699 = arith.constant 15 : i32
        %get3A_700 = arith.index_cast %get3A_699 : i32 to index
        %get3A_701 = arith.index_cast %mul3A_440 : i32 to index
        %get3A_702 = tpu.vector_load %arg9[%get3A_700, %get3A_701] {strides = array<i32>} : memref<16x1024xf32, #tpu.memory_space<vmem>>, vector<1x16xf32>,
        %get3A_703 = vector.shape_cast %get3A_702 : vector<1x16xf32> to vector<16xf32>
        %add3A_704 = arith.addf %get3A_698, %get3A_703 : vector<16xf32>
        %swap3A_705 = arith.constant 15 : i32
        %swap3A_706 = arith.index_cast %swap3A_705 : i32 to index
        %swap3A_707 = arith.index_cast %mul3A_440 : i32 to index
        %swap3A_708 = tpu.vector_load %arg5[%swap3A_706, %swap3A_707] {strides = array<i32>} : memref<16x1024xf32, #tpu.memory_space<vmem>>, vector<1x16xf32>,
        %swap3A_709 = vector.shape_cast %swap3A_708 : vector<1x16xf32> to vector<16xf32>
        %swap3A_710 = vector.shape_cast %add3A_704 : vector<16xf32> to vector<1x16xf32>
        tpu.vector_store %arg5[%swap3A_706, %swap3A_707], %swap3A_710 {strides = array<i32>} : memref<16x1024xf32, #tpu.memory_space<vmem>>, vector<1x16xf32>,
      }
      %scan3A_92 = arith.constant 64 : i32
      %add3A_93 = arith.constant 0 : i32
      %add3A_94 = arith.addi %add3A_93, %mul3A_2 : i32
      %mul3A_95 = arith.constant 16 : i32
      %mul3A_96 = arith.muli %add3A_48, %mul3A_95 : i32
      %add3A_97 = arith.addi %add3A_94, %mul3A_96 : i32
      %dma_start3A_98 = arith.constant 0 : i32
      %dma_start3A_99 = tpu.memref_slice %arg4[%add3A_97, %dma_start3A_98] : memref<32768x1024xf32, #tpu.memory_space<hbm>> -> memref<16x1024xf32, #tpu.memory_space<hbm>>
      %dma_start3A_100 = arith.constant 0 : i32
      %dma_start3A_101 = tpu.memref_slice %arg4[%add3A_97, %dma_start3A_100] : memref<32768x1024xf32, #tpu.memory_space<hbm>> -> memref<16x1024xf32, #tpu.memory_space<hbm>>
      tpu.enqueue_dma source(%arg5 : memref<16x1024xf32, #tpu.memory_space<vmem>>) target(%dma_start3A_101 : memref<16x1024xf32, #tpu.memory_space<hbm>>) target_semaphore(%arg17 : memref<!tpu.dma_semaphore, #tpu.memory_space<semaphore_mem>>)
      %add3A_102 = arith.constant 0 : i32
      %add3A_103 = arith.addi %mul3A_46, %add3A_102 : i32
      %mul3A_104 = arith.constant 8 : i32
      %mul3A_105 = arith.muli %scan3A_44, %mul3A_104 : i32
      %add3A_106 = arith.constant 1 : i32
      %add3A_107 = arith.addi %mul3A_105, %add3A_106 : i32
      %add3A_108 = arith.constant 0 : i32
      %add3A_109 = arith.addi %mul3A_46, %add3A_108 : i32
      %gt3A_110 = arith.constant 0 : i32
      %gt3A_111 = arith.cmpi sgt, %scan3A_44, %gt3A_110 : i32
      %or3A_112 = arith.constant false
      %or3A_113 = arith.ori %gt3A_111, %or3A_112 : i1
      %convert_element_type3A_114 = arith.extui %or3A_113 : i1 to i32
      %cond3A_115 = arith.constant 0 : i32
      %cond3A_116 = arith.cmpi ne, %convert_element_type3A_114, %cond3A_115 : i32
      scf.if %cond3A_116 {
        %add3A_438 = arith.constant 0 : i32
        %add3A_439 = arith.addi %add3A_438, %mul3A_2 : i32
        %add3A_440 = arith.constant 0 : i32
        %add3A_441 = arith.addi %add3A_439, %add3A_440 : i32
        %dma_wait3A_442 = arith.constant 0 : i32
        %dma_wait3A_443 = tpu.memref_slice %arg4[%add3A_441, %dma_wait3A_442] : memref<32768x1024xf32, #tpu.memory_space<hbm>> -> memref<16x1024xf32, #tpu.memory_space<hbm>>
        %dma_wait3A_444 = arith.constant 0 : i32
        %dma_wait3A_445 = tpu.memref_slice %arg4[%add3A_441, %dma_wait3A_444] : memref<32768x1024xf32, #tpu.memory_space<hbm>> -> memref<16x1024xf32, #tpu.memory_space<hbm>>
        tpu.wait_dma2 semaphore(%arg20 : memref<!tpu.dma_semaphore, #tpu.memory_space<semaphore_mem>>) src(%arg8 : memref<16x1024xf32, #tpu.memory_space<vmem>>) dst(%dma_wait3A_445 : memref<16x1024xf32, #tpu.memory_space<hbm>>)
      } else {
      }
      %add3A_117 = arith.constant 2 : i32
      %add3A_118 = arith.addi %add3A_107, %add3A_117 : i32
      %lt3A_119 = arith.constant 64 : i32
      %lt3A_120 = arith.cmpi slt, %add3A_118, %lt3A_119 : i32
      %convert_element_type3A_121 = arith.extui %lt3A_120 : i1 to i32
      %cond3A_122 = arith.constant 0 : i32
      %cond3A_123 = arith.cmpi ne, %convert_element_type3A_121, %cond3A_122 : i32
      scf.if %cond3A_123 {
        %add3A_438 = arith.constant 24576 : i32
        %add3A_439 = arith.addi %add3A_438, %mul3A_2 : i32
        %mul3A_440 = arith.constant 16 : i32
        %mul3A_441 = arith.muli %add3A_109, %mul3A_440 : i32
        %add3A_442 = arith.addi %add3A_439, %mul3A_441 : i32
        %dma_start3A_443 = arith.constant 0 : i32
        %dma_start3A_444 = tpu.memref_slice %arg2[%add3A_442, %dma_start3A_443] : memref<32768x1024xf32, #tpu.memory_space<hbm>> -> memref<16x1024xf32, #tpu.memory_space<hbm>>
        %dma_start3A_445 = arith.constant 0 : i32
        %dma_start3A_446 = tpu.memref_slice %arg2[%add3A_442, %dma_start3A_445] : memref<32768x1024xf32, #tpu.memory_space<hbm>> -> memref<16x1024xf32, #tpu.memory_space<hbm>>
        tpu.enqueue_dma source(%dma_start3A_446 : memref<16x1024xf32, #tpu.memory_space<hbm>>) target(%arg8 : memref<16x1024xf32, #tpu.memory_space<vmem>>) target_semaphore(%arg14 : memref<!tpu.dma_semaphore, #tpu.memory_space<semaphore_mem>>)
      } else {
      }
      %add3A_124 = arith.constant 8192 : i32
      %add3A_125 = arith.addi %add3A_124, %mul3A_2 : i32
      %mul3A_126 = arith.constant 16 : i32
      %mul3A_127 = arith.muli %add3A_103, %mul3A_126 : i32
      %add3A_128 = arith.addi %add3A_125, %mul3A_127 : i32
      %dma_wait3A_129 = arith.constant 0 : i32
      %dma_wait3A_130 = tpu.memref_slice %arg2[%add3A_128, %dma_wait3A_129] : memref<32768x1024xf32, #tpu.memory_space<hbm>> -> memref<16x1024xf32, #tpu.memory_space<hbm>>
      %dma_wait3A_131 = arith.constant 0 : i32
      %dma_wait3A_132 = tpu.memref_slice %arg2[%add3A_128, %dma_wait3A_131] : memref<32768x1024xf32, #tpu.memory_space<hbm>> -> memref<16x1024xf32, #tpu.memory_space<hbm>>
      tpu.wait_dma2 semaphore(%arg12 : memref<!tpu.dma_semaphore, #tpu.memory_space<semaphore_mem>>) src(%dma_wait3A_132 : memref<16x1024xf32, #tpu.memory_space<hbm>>) dst(%arg6 : memref<16x1024xf32, #tpu.memory_space<vmem>>)
      %scan3A_133 = arith.constant 0 : i32
      %scan3A_134 = arith.constant 0 : i32
      %scan3A_135 = arith.constant 64 : i32
      %scan3A_136 = arith.addi %scan3A_134, %scan3A_135 : i32
      %scan3A_137 = arith.constant 1 : i32
      scf.for %scan3A_438 = %scan3A_134 to %scan3A_136 step %scan3A_137  : i32 {
        %mul3A_439 = arith.constant 16 : i32
        %mul3A_440 = arith.muli %scan3A_438, %mul3A_439 : i32
        %get3A = arith.constant 0 : i32
        %get3A_441 = arith.index_cast %get3A : i32 to index
        %get3A_442 = arith.index_cast %mul3A_440 : i32 to index
        %get3A_443 = tpu.vector_load %arg6[%get3A_441, %get3A_442] {strides = array<i32>} : memref<16x1024xf32, #tpu.memory_space<vmem>>, vector<1x16xf32>,
        %get3A_444 = vector.shape_cast %get3A_443 : vector<1x16xf32> to vector<16xf32>
        %get3A_445 = arith.constant 0 : i32
        %get3A_446 = arith.index_cast %get3A_445 : i32 to index
        %get3A_447 = arith.index_cast %mul3A_440 : i32 to index
        %get3A_448 = tpu.vector_load %arg9[%get3A_446, %get3A_447] {strides = array<i32>} : memref<16x1024xf32, #tpu.memory_space<vmem>>, vector<1x16xf32>,
        %get3A_449 = vector.shape_cast %get3A_448 : vector<1x16xf32> to vector<16xf32>
        %add3A_450 = arith.addf %get3A_444, %get3A_449 : vector<16xf32>
        %swap3A = arith.constant 0 : i32
        %swap3A_451 = arith.index_cast %swap3A : i32 to index
        %swap3A_452 = arith.index_cast %mul3A_440 : i32 to index
        %swap3A_453 = tpu.vector_load %arg6[%swap3A_451, %swap3A_452] {strides = array<i32>} : memref<16x1024xf32, #tpu.memory_space<vmem>>, vector<1x16xf32>,
        %swap3A_454 = vector.shape_cast %swap3A_453 : vector<1x16xf32> to vector<16xf32>
        %swap3A_455 = vector.shape_cast %add3A_450 : vector<16xf32> to vector<1x16xf32>
        tpu.vector_store %arg6[%swap3A_451, %swap3A_452], %swap3A_455 {strides = array<i32>} : memref<16x1024xf32, #tpu.memory_space<vmem>>, vector<1x16xf32>,
        %get3A_456 = arith.constant 1 : i32
        %get3A_457 = arith.index_cast %get3A_456 : i32 to index
        %get3A_458 = arith.index_cast %mul3A_440 : i32 to index
        %get3A_459 = tpu.vector_load %arg6[%get3A_457, %get3A_458] {strides = array<i32>} : memref<16x1024xf32, #tpu.memory_space<vmem>>, vector<1x16xf32>,
        %get3A_460 = vector.shape_cast %get3A_459 : vector<1x16xf32> to vector<16xf32>
        %get3A_461 = arith.constant 1 : i32
        %get3A_462 = arith.index_cast %get3A_461 : i32 to index
        %get3A_463 = arith.index_cast %mul3A_440 : i32 to index
        %get3A_464 = tpu.vector_load %arg9[%get3A_462, %get3A_463] {strides = array<i32>} : memref<16x1024xf32, #tpu.memory_space<vmem>>, vector<1x16xf32>,
        %get3A_465 = vector.shape_cast %get3A_464 : vector<1x16xf32> to vector<16xf32>
        %add3A_466 = arith.addf %get3A_460, %get3A_465 : vector<16xf32>
        %swap3A_467 = arith.constant 1 : i32
        %swap3A_468 = arith.index_cast %swap3A_467 : i32 to index
        %swap3A_469 = arith.index_cast %mul3A_440 : i32 to index
        %swap3A_470 = tpu.vector_load %arg6[%swap3A_468, %swap3A_469] {strides = array<i32>} : memref<16x1024xf32, #tpu.memory_space<vmem>>, vector<1x16xf32>,
        %swap3A_471 = vector.shape_cast %swap3A_470 : vector<1x16xf32> to vector<16xf32>
        %swap3A_472 = vector.shape_cast %add3A_466 : vector<16xf32> to vector<1x16xf32>
        tpu.vector_store %arg6[%swap3A_468, %swap3A_469], %swap3A_472 {strides = array<i32>} : memref<16x1024xf32, #tpu.memory_space<vmem>>, vector<1x16xf32>,
        %get3A_473 = arith.constant 2 : i32
        %get3A_474 = arith.index_cast %get3A_473 : i32 to index
        %get3A_475 = arith.index_cast %mul3A_440 : i32 to index
        %get3A_476 = tpu.vector_load %arg6[%get3A_474, %get3A_475] {strides = array<i32>} : memref<16x1024xf32, #tpu.memory_space<vmem>>, vector<1x16xf32>,
        %get3A_477 = vector.shape_cast %get3A_476 : vector<1x16xf32> to vector<16xf32>
        %get3A_478 = arith.constant 2 : i32
        %get3A_479 = arith.index_cast %get3A_478 : i32 to index
        %get3A_480 = arith.index_cast %mul3A_440 : i32 to index
        %get3A_481 = tpu.vector_load %arg9[%get3A_479, %get3A_480] {strides = array<i32>} : memref<16x1024xf32, #tpu.memory_space<vmem>>, vector<1x16xf32>,
        %get3A_482 = vector.shape_cast %get3A_481 : vector<1x16xf32> to vector<16xf32>
        %add3A_483 = arith.addf %get3A_477, %get3A_482 : vector<16xf32>
        %swap3A_484 = arith.constant 2 : i32
        %swap3A_485 = arith.index_cast %swap3A_484 : i32 to index
        %swap3A_486 = arith.index_cast %mul3A_440 : i32 to index
        %swap3A_487 = tpu.vector_load %arg6[%swap3A_485, %swap3A_486] {strides = array<i32>} : memref<16x1024xf32, #tpu.memory_space<vmem>>, vector<1x16xf32>,
        %swap3A_488 = vector.shape_cast %swap3A_487 : vector<1x16xf32> to vector<16xf32>
        %swap3A_489 = vector.shape_cast %add3A_483 : vector<16xf32> to vector<1x16xf32>
        tpu.vector_store %arg6[%swap3A_485, %swap3A_486], %swap3A_489 {strides = array<i32>} : memref<16x1024xf32, #tpu.memory_space<vmem>>, vector<1x16xf32>,
        %get3A_490 = arith.constant 3 : i32
        %get3A_491 = arith.index_cast %get3A_490 : i32 to index
        %get3A_492 = arith.index_cast %mul3A_440 : i32 to index
        %get3A_493 = tpu.vector_load %arg6[%get3A_491, %get3A_492] {strides = array<i32>} : memref<16x1024xf32, #tpu.memory_space<vmem>>, vector<1x16xf32>,
        %get3A_494 = vector.shape_cast %get3A_493 : vector<1x16xf32> to vector<16xf32>
        %get3A_495 = arith.constant 3 : i32
        %get3A_496 = arith.index_cast %get3A_495 : i32 to index
        %get3A_497 = arith.index_cast %mul3A_440 : i32 to index
        %get3A_498 = tpu.vector_load %arg9[%get3A_496, %get3A_497] {strides = array<i32>} : memref<16x1024xf32, #tpu.memory_space<vmem>>, vector<1x16xf32>,
        %get3A_499 = vector.shape_cast %get3A_498 : vector<1x16xf32> to vector<16xf32>
        %add3A_500 = arith.addf %get3A_494, %get3A_499 : vector<16xf32>
        %swap3A_501 = arith.constant 3 : i32
        %swap3A_502 = arith.index_cast %swap3A_501 : i32 to index
        %swap3A_503 = arith.index_cast %mul3A_440 : i32 to index
        %swap3A_504 = tpu.vector_load %arg6[%swap3A_502, %swap3A_503] {strides = array<i32>} : memref<16x1024xf32, #tpu.memory_space<vmem>>, vector<1x16xf32>,
        %swap3A_505 = vector.shape_cast %swap3A_504 : vector<1x16xf32> to vector<16xf32>
        %swap3A_506 = vector.shape_cast %add3A_500 : vector<16xf32> to vector<1x16xf32>
        tpu.vector_store %arg6[%swap3A_502, %swap3A_503], %swap3A_506 {strides = array<i32>} : memref<16x1024xf32, #tpu.memory_space<vmem>>, vector<1x16xf32>,
        %get3A_507 = arith.constant 4 : i32
        %get3A_508 = arith.index_cast %get3A_507 : i32 to index
        %get3A_509 = arith.index_cast %mul3A_440 : i32 to index
        %get3A_510 = tpu.vector_load %arg6[%get3A_508, %get3A_509] {strides = array<i32>} : memref<16x1024xf32, #tpu.memory_space<vmem>>, vector<1x16xf32>,
        %get3A_511 = vector.shape_cast %get3A_510 : vector<1x16xf32> to vector<16xf32>
        %get3A_512 = arith.constant 4 : i32
        %get3A_513 = arith.index_cast %get3A_512 : i32 to index
        %get3A_514 = arith.index_cast %mul3A_440 : i32 to index
        %get3A_515 = tpu.vector_load %arg9[%get3A_513, %get3A_514] {strides = array<i32>} : memref<16x1024xf32, #tpu.memory_space<vmem>>, vector<1x16xf32>,
        %get3A_516 = vector.shape_cast %get3A_515 : vector<1x16xf32> to vector<16xf32>
        %add3A_517 = arith.addf %get3A_511, %get3A_516 : vector<16xf32>
        %swap3A_518 = arith.constant 4 : i32
        %swap3A_519 = arith.index_cast %swap3A_518 : i32 to index
        %swap3A_520 = arith.index_cast %mul3A_440 : i32 to index
        %swap3A_521 = tpu.vector_load %arg6[%swap3A_519, %swap3A_520] {strides = array<i32>} : memref<16x1024xf32, #tpu.memory_space<vmem>>, vector<1x16xf32>,
        %swap3A_522 = vector.shape_cast %swap3A_521 : vector<1x16xf32> to vector<16xf32>
        %swap3A_523 = vector.shape_cast %add3A_517 : vector<16xf32> to vector<1x16xf32>
        tpu.vector_store %arg6[%swap3A_519, %swap3A_520], %swap3A_523 {strides = array<i32>} : memref<16x1024xf32, #tpu.memory_space<vmem>>, vector<1x16xf32>,
        %get3A_524 = arith.constant 5 : i32
        %get3A_525 = arith.index_cast %get3A_524 : i32 to index
        %get3A_526 = arith.index_cast %mul3A_440 : i32 to index
        %get3A_527 = tpu.vector_load %arg6[%get3A_525, %get3A_526] {strides = array<i32>} : memref<16x1024xf32, #tpu.memory_space<vmem>>, vector<1x16xf32>,
        %get3A_528 = vector.shape_cast %get3A_527 : vector<1x16xf32> to vector<16xf32>
        %get3A_529 = arith.constant 5 : i32
        %get3A_530 = arith.index_cast %get3A_529 : i32 to index
        %get3A_531 = arith.index_cast %mul3A_440 : i32 to index
        %get3A_532 = tpu.vector_load %arg9[%get3A_530, %get3A_531] {strides = array<i32>} : memref<16x1024xf32, #tpu.memory_space<vmem>>, vector<1x16xf32>,
        %get3A_533 = vector.shape_cast %get3A_532 : vector<1x16xf32> to vector<16xf32>
        %add3A_534 = arith.addf %get3A_528, %get3A_533 : vector<16xf32>
        %swap3A_535 = arith.constant 5 : i32
        %swap3A_536 = arith.index_cast %swap3A_535 : i32 to index
        %swap3A_537 = arith.index_cast %mul3A_440 : i32 to index
        %swap3A_538 = tpu.vector_load %arg6[%swap3A_536, %swap3A_537] {strides = array<i32>} : memref<16x1024xf32, #tpu.memory_space<vmem>>, vector<1x16xf32>,
        %swap3A_539 = vector.shape_cast %swap3A_538 : vector<1x16xf32> to vector<16xf32>
        %swap3A_540 = vector.shape_cast %add3A_534 : vector<16xf32> to vector<1x16xf32>
        tpu.vector_store %arg6[%swap3A_536, %swap3A_537], %swap3A_540 {strides = array<i32>} : memref<16x1024xf32, #tpu.memory_space<vmem>>, vector<1x16xf32>,
        %get3A_541 = arith.constant 6 : i32
        %get3A_542 = arith.index_cast %get3A_541 : i32 to index
        %get3A_543 = arith.index_cast %mul3A_440 : i32 to index
        %get3A_544 = tpu.vector_load %arg6[%get3A_542, %get3A_543] {strides = array<i32>} : memref<16x1024xf32, #tpu.memory_space<vmem>>, vector<1x16xf32>,
        %get3A_545 = vector.shape_cast %get3A_544 : vector<1x16xf32> to vector<16xf32>
        %get3A_546 = arith.constant 6 : i32
        %get3A_547 = arith.index_cast %get3A_546 : i32 to index
        %get3A_548 = arith.index_cast %mul3A_440 : i32 to index
        %get3A_549 = tpu.vector_load %arg9[%get3A_547, %get3A_548] {strides = array<i32>} : memref<16x1024xf32, #tpu.memory_space<vmem>>, vector<1x16xf32>,
        %get3A_550 = vector.shape_cast %get3A_549 : vector<1x16xf32> to vector<16xf32>
        %add3A_551 = arith.addf %get3A_545, %get3A_550 : vector<16xf32>
        %swap3A_552 = arith.constant 6 : i32
        %swap3A_553 = arith.index_cast %swap3A_552 : i32 to index
        %swap3A_554 = arith.index_cast %mul3A_440 : i32 to index
        %swap3A_555 = tpu.vector_load %arg6[%swap3A_553, %swap3A_554] {strides = array<i32>} : memref<16x1024xf32, #tpu.memory_space<vmem>>, vector<1x16xf32>,
        %swap3A_556 = vector.shape_cast %swap3A_555 : vector<1x16xf32> to vector<16xf32>
        %swap3A_557 = vector.shape_cast %add3A_551 : vector<16xf32> to vector<1x16xf32>
        tpu.vector_store %arg6[%swap3A_553, %swap3A_554], %swap3A_557 {strides = array<i32>} : memref<16x1024xf32, #tpu.memory_space<vmem>>, vector<1x16xf32>,
        %get3A_558 = arith.constant 7 : i32
        %get3A_559 = arith.index_cast %get3A_558 : i32 to index
        %get3A_560 = arith.index_cast %mul3A_440 : i32 to index
        %get3A_561 = tpu.vector_load %arg6[%get3A_559, %get3A_560] {strides = array<i32>} : memref<16x1024xf32, #tpu.memory_space<vmem>>, vector<1x16xf32>,
        %get3A_562 = vector.shape_cast %get3A_561 : vector<1x16xf32> to vector<16xf32>
        %get3A_563 = arith.constant 7 : i32
        %get3A_564 = arith.index_cast %get3A_563 : i32 to index
        %get3A_565 = arith.index_cast %mul3A_440 : i32 to index
        %get3A_566 = tpu.vector_load %arg9[%get3A_564, %get3A_565] {strides = array<i32>} : memref<16x1024xf32, #tpu.memory_space<vmem>>, vector<1x16xf32>,
        %get3A_567 = vector.shape_cast %get3A_566 : vector<1x16xf32> to vector<16xf32>
        %add3A_568 = arith.addf %get3A_562, %get3A_567 : vector<16xf32>
        %swap3A_569 = arith.constant 7 : i32
        %swap3A_570 = arith.index_cast %swap3A_569 : i32 to index
        %swap3A_571 = arith.index_cast %mul3A_440 : i32 to index
        %swap3A_572 = tpu.vector_load %arg6[%swap3A_570, %swap3A_571] {strides = array<i32>} : memref<16x1024xf32, #tpu.memory_space<vmem>>, vector<1x16xf32>,
        %swap3A_573 = vector.shape_cast %swap3A_572 : vector<1x16xf32> to vector<16xf32>
        %swap3A_574 = vector.shape_cast %add3A_568 : vector<16xf32> to vector<1x16xf32>
        tpu.vector_store %arg6[%swap3A_570, %swap3A_571], %swap3A_574 {strides = array<i32>} : memref<16x1024xf32, #tpu.memory_space<vmem>>, vector<1x16xf32>,
        %get3A_575 = arith.constant 8 : i32
        %get3A_576 = arith.index_cast %get3A_575 : i32 to index
        %get3A_577 = arith.index_cast %mul3A_440 : i32 to index
        %get3A_578 = tpu.vector_load %arg6[%get3A_576, %get3A_577] {strides = array<i32>} : memref<16x1024xf32, #tpu.memory_space<vmem>>, vector<1x16xf32>,
        %get3A_579 = vector.shape_cast %get3A_578 : vector<1x16xf32> to vector<16xf32>
        %get3A_580 = arith.constant 8 : i32
        %get3A_581 = arith.index_cast %get3A_580 : i32 to index
        %get3A_582 = arith.index_cast %mul3A_440 : i32 to index
        %get3A_583 = tpu.vector_load %arg9[%get3A_581, %get3A_582] {strides = array<i32>} : memref<16x1024xf32, #tpu.memory_space<vmem>>, vector<1x16xf32>,
        %get3A_584 = vector.shape_cast %get3A_583 : vector<1x16xf32> to vector<16xf32>
        %add3A_585 = arith.addf %get3A_579, %get3A_584 : vector<16xf32>
        %swap3A_586 = arith.constant 8 : i32
        %swap3A_587 = arith.index_cast %swap3A_586 : i32 to index
        %swap3A_588 = arith.index_cast %mul3A_440 : i32 to index
        %swap3A_589 = tpu.vector_load %arg6[%swap3A_587, %swap3A_588] {strides = array<i32>} : memref<16x1024xf32, #tpu.memory_space<vmem>>, vector<1x16xf32>,
        %swap3A_590 = vector.shape_cast %swap3A_589 : vector<1x16xf32> to vector<16xf32>
        %swap3A_591 = vector.shape_cast %add3A_585 : vector<16xf32> to vector<1x16xf32>
        tpu.vector_store %arg6[%swap3A_587, %swap3A_588], %swap3A_591 {strides = array<i32>} : memref<16x1024xf32, #tpu.memory_space<vmem>>, vector<1x16xf32>,
        %get3A_592 = arith.constant 9 : i32
        %get3A_593 = arith.index_cast %get3A_592 : i32 to index
        %get3A_594 = arith.index_cast %mul3A_440 : i32 to index
        %get3A_595 = tpu.vector_load %arg6[%get3A_593, %get3A_594] {strides = array<i32>} : memref<16x1024xf32, #tpu.memory_space<vmem>>, vector<1x16xf32>,
        %get3A_596 = vector.shape_cast %get3A_595 : vector<1x16xf32> to vector<16xf32>
        %get3A_597 = arith.constant 9 : i32
        %get3A_598 = arith.index_cast %get3A_597 : i32 to index
        %get3A_599 = arith.index_cast %mul3A_440 : i32 to index
        %get3A_600 = tpu.vector_load %arg9[%get3A_598, %get3A_599] {strides = array<i32>} : memref<16x1024xf32, #tpu.memory_space<vmem>>, vector<1x16xf32>,
        %get3A_601 = vector.shape_cast %get3A_600 : vector<1x16xf32> to vector<16xf32>
        %add3A_602 = arith.addf %get3A_596, %get3A_601 : vector<16xf32>
        %swap3A_603 = arith.constant 9 : i32
        %swap3A_604 = arith.index_cast %swap3A_603 : i32 to index
        %swap3A_605 = arith.index_cast %mul3A_440 : i32 to index
        %swap3A_606 = tpu.vector_load %arg6[%swap3A_604, %swap3A_605] {strides = array<i32>} : memref<16x1024xf32, #tpu.memory_space<vmem>>, vector<1x16xf32>,
        %swap3A_607 = vector.shape_cast %swap3A_606 : vector<1x16xf32> to vector<16xf32>
        %swap3A_608 = vector.shape_cast %add3A_602 : vector<16xf32> to vector<1x16xf32>
        tpu.vector_store %arg6[%swap3A_604, %swap3A_605], %swap3A_608 {strides = array<i32>} : memref<16x1024xf32, #tpu.memory_space<vmem>>, vector<1x16xf32>,
        %get3A_609 = arith.constant 10 : i32
        %get3A_610 = arith.index_cast %get3A_609 : i32 to index
        %get3A_611 = arith.index_cast %mul3A_440 : i32 to index
        %get3A_612 = tpu.vector_load %arg6[%get3A_610, %get3A_611] {strides = array<i32>} : memref<16x1024xf32, #tpu.memory_space<vmem>>, vector<1x16xf32>,
        %get3A_613 = vector.shape_cast %get3A_612 : vector<1x16xf32> to vector<16xf32>
        %get3A_614 = arith.constant 10 : i32
        %get3A_615 = arith.index_cast %get3A_614 : i32 to index
        %get3A_616 = arith.index_cast %mul3A_440 : i32 to index
        %get3A_617 = tpu.vector_load %arg9[%get3A_615, %get3A_616] {strides = array<i32>} : memref<16x1024xf32, #tpu.memory_space<vmem>>, vector<1x16xf32>,
        %get3A_618 = vector.shape_cast %get3A_617 : vector<1x16xf32> to vector<16xf32>
        %add3A_619 = arith.addf %get3A_613, %get3A_618 : vector<16xf32>
        %swap3A_620 = arith.constant 10 : i32
        %swap3A_621 = arith.index_cast %swap3A_620 : i32 to index
        %swap3A_622 = arith.index_cast %mul3A_440 : i32 to index
        %swap3A_623 = tpu.vector_load %arg6[%swap3A_621, %swap3A_622] {strides = array<i32>} : memref<16x1024xf32, #tpu.memory_space<vmem>>, vector<1x16xf32>,
        %swap3A_624 = vector.shape_cast %swap3A_623 : vector<1x16xf32> to vector<16xf32>
        %swap3A_625 = vector.shape_cast %add3A_619 : vector<16xf32> to vector<1x16xf32>
        tpu.vector_store %arg6[%swap3A_621, %swap3A_622], %swap3A_625 {strides = array<i32>} : memref<16x1024xf32, #tpu.memory_space<vmem>>, vector<1x16xf32>,
        %get3A_626 = arith.constant 11 : i32
        %get3A_627 = arith.index_cast %get3A_626 : i32 to index
        %get3A_628 = arith.index_cast %mul3A_440 : i32 to index
        %get3A_629 = tpu.vector_load %arg6[%get3A_627, %get3A_628] {strides = array<i32>} : memref<16x1024xf32, #tpu.memory_space<vmem>>, vector<1x16xf32>,
        %get3A_630 = vector.shape_cast %get3A_629 : vector<1x16xf32> to vector<16xf32>
        %get3A_631 = arith.constant 11 : i32
        %get3A_632 = arith.index_cast %get3A_631 : i32 to index
        %get3A_633 = arith.index_cast %mul3A_440 : i32 to index
        %get3A_634 = tpu.vector_load %arg9[%get3A_632, %get3A_633] {strides = array<i32>} : memref<16x1024xf32, #tpu.memory_space<vmem>>, vector<1x16xf32>,
        %get3A_635 = vector.shape_cast %get3A_634 : vector<1x16xf32> to vector<16xf32>
        %add3A_636 = arith.addf %get3A_630, %get3A_635 : vector<16xf32>
        %swap3A_637 = arith.constant 11 : i32
        %swap3A_638 = arith.index_cast %swap3A_637 : i32 to index
        %swap3A_639 = arith.index_cast %mul3A_440 : i32 to index
        %swap3A_640 = tpu.vector_load %arg6[%swap3A_638, %swap3A_639] {strides = array<i32>} : memref<16x1024xf32, #tpu.memory_space<vmem>>, vector<1x16xf32>,
        %swap3A_641 = vector.shape_cast %swap3A_640 : vector<1x16xf32> to vector<16xf32>
        %swap3A_642 = vector.shape_cast %add3A_636 : vector<16xf32> to vector<1x16xf32>
        tpu.vector_store %arg6[%swap3A_638, %swap3A_639], %swap3A_642 {strides = array<i32>} : memref<16x1024xf32, #tpu.memory_space<vmem>>, vector<1x16xf32>,
        %get3A_643 = arith.constant 12 : i32
        %get3A_644 = arith.index_cast %get3A_643 : i32 to index
        %get3A_645 = arith.index_cast %mul3A_440 : i32 to index
        %get3A_646 = tpu.vector_load %arg6[%get3A_644, %get3A_645] {strides = array<i32>} : memref<16x1024xf32, #tpu.memory_space<vmem>>, vector<1x16xf32>,
        %get3A_647 = vector.shape_cast %get3A_646 : vector<1x16xf32> to vector<16xf32>
        %get3A_648 = arith.constant 12 : i32
        %get3A_649 = arith.index_cast %get3A_648 : i32 to index
        %get3A_650 = arith.index_cast %mul3A_440 : i32 to index
        %get3A_651 = tpu.vector_load %arg9[%get3A_649, %get3A_650] {strides = array<i32>} : memref<16x1024xf32, #tpu.memory_space<vmem>>, vector<1x16xf32>,
        %get3A_652 = vector.shape_cast %get3A_651 : vector<1x16xf32> to vector<16xf32>
        %add3A_653 = arith.addf %get3A_647, %get3A_652 : vector<16xf32>
        %swap3A_654 = arith.constant 12 : i32
        %swap3A_655 = arith.index_cast %swap3A_654 : i32 to index
        %swap3A_656 = arith.index_cast %mul3A_440 : i32 to index
        %swap3A_657 = tpu.vector_load %arg6[%swap3A_655, %swap3A_656] {strides = array<i32>} : memref<16x1024xf32, #tpu.memory_space<vmem>>, vector<1x16xf32>,
        %swap3A_658 = vector.shape_cast %swap3A_657 : vector<1x16xf32> to vector<16xf32>
        %swap3A_659 = vector.shape_cast %add3A_653 : vector<16xf32> to vector<1x16xf32>
        tpu.vector_store %arg6[%swap3A_655, %swap3A_656], %swap3A_659 {strides = array<i32>} : memref<16x1024xf32, #tpu.memory_space<vmem>>, vector<1x16xf32>,
        %get3A_660 = arith.constant 13 : i32
        %get3A_661 = arith.index_cast %get3A_660 : i32 to index
        %get3A_662 = arith.index_cast %mul3A_440 : i32 to index
        %get3A_663 = tpu.vector_load %arg6[%get3A_661, %get3A_662] {strides = array<i32>} : memref<16x1024xf32, #tpu.memory_space<vmem>>, vector<1x16xf32>,
        %get3A_664 = vector.shape_cast %get3A_663 : vector<1x16xf32> to vector<16xf32>
        %get3A_665 = arith.constant 13 : i32
        %get3A_666 = arith.index_cast %get3A_665 : i32 to index
        %get3A_667 = arith.index_cast %mul3A_440 : i32 to index
        %get3A_668 = tpu.vector_load %arg9[%get3A_666, %get3A_667] {strides = array<i32>} : memref<16x1024xf32, #tpu.memory_space<vmem>>, vector<1x16xf32>,
        %get3A_669 = vector.shape_cast %get3A_668 : vector<1x16xf32> to vector<16xf32>
        %add3A_670 = arith.addf %get3A_664, %get3A_669 : vector<16xf32>
        %swap3A_671 = arith.constant 13 : i32
        %swap3A_672 = arith.index_cast %swap3A_671 : i32 to index
        %swap3A_673 = arith.index_cast %mul3A_440 : i32 to index
        %swap3A_674 = tpu.vector_load %arg6[%swap3A_672, %swap3A_673] {strides = array<i32>} : memref<16x1024xf32, #tpu.memory_space<vmem>>, vector<1x16xf32>,
        %swap3A_675 = vector.shape_cast %swap3A_674 : vector<1x16xf32> to vector<16xf32>
        %swap3A_676 = vector.shape_cast %add3A_670 : vector<16xf32> to vector<1x16xf32>
        tpu.vector_store %arg6[%swap3A_672, %swap3A_673], %swap3A_676 {strides = array<i32>} : memref<16x1024xf32, #tpu.memory_space<vmem>>, vector<1x16xf32>,
        %get3A_677 = arith.constant 14 : i32
        %get3A_678 = arith.index_cast %get3A_677 : i32 to index
        %get3A_679 = arith.index_cast %mul3A_440 : i32 to index
        %get3A_680 = tpu.vector_load %arg6[%get3A_678, %get3A_679] {strides = array<i32>} : memref<16x1024xf32, #tpu.memory_space<vmem>>, vector<1x16xf32>,
        %get3A_681 = vector.shape_cast %get3A_680 : vector<1x16xf32> to vector<16xf32>
        %get3A_682 = arith.constant 14 : i32
        %get3A_683 = arith.index_cast %get3A_682 : i32 to index
        %get3A_684 = arith.index_cast %mul3A_440 : i32 to index
        %get3A_685 = tpu.vector_load %arg9[%get3A_683, %get3A_684] {strides = array<i32>} : memref<16x1024xf32, #tpu.memory_space<vmem>>, vector<1x16xf32>,
        %get3A_686 = vector.shape_cast %get3A_685 : vector<1x16xf32> to vector<16xf32>
        %add3A_687 = arith.addf %get3A_681, %get3A_686 : vector<16xf32>
        %swap3A_688 = arith.constant 14 : i32
        %swap3A_689 = arith.index_cast %swap3A_688 : i32 to index
        %swap3A_690 = arith.index_cast %mul3A_440 : i32 to index
        %swap3A_691 = tpu.vector_load %arg6[%swap3A_689, %swap3A_690] {strides = array<i32>} : memref<16x1024xf32, #tpu.memory_space<vmem>>, vector<1x16xf32>,
        %swap3A_692 = vector.shape_cast %swap3A_691 : vector<1x16xf32> to vector<16xf32>
        %swap3A_693 = vector.shape_cast %add3A_687 : vector<16xf32> to vector<1x16xf32>
        tpu.vector_store %arg6[%swap3A_689, %swap3A_690], %swap3A_693 {strides = array<i32>} : memref<16x1024xf32, #tpu.memory_space<vmem>>, vector<1x16xf32>,
        %get3A_694 = arith.constant 15 : i32
        %get3A_695 = arith.index_cast %get3A_694 : i32 to index
        %get3A_696 = arith.index_cast %mul3A_440 : i32 to index
        %get3A_697 = tpu.vector_load %arg6[%get3A_695, %get3A_696] {strides = array<i32>} : memref<16x1024xf32, #tpu.memory_space<vmem>>, vector<1x16xf32>,
        %get3A_698 = vector.shape_cast %get3A_697 : vector<1x16xf32> to vector<16xf32>
        %get3A_699 = arith.constant 15 : i32
        %get3A_700 = arith.index_cast %get3A_699 : i32 to index
        %get3A_701 = arith.index_cast %mul3A_440 : i32 to index
        %get3A_702 = tpu.vector_load %arg9[%get3A_700, %get3A_701] {strides = array<i32>} : memref<16x1024xf32, #tpu.memory_space<vmem>>, vector<1x16xf32>,
        %get3A_703 = vector.shape_cast %get3A_702 : vector<1x16xf32> to vector<16xf32>
        %add3A_704 = arith.addf %get3A_698, %get3A_703 : vector<16xf32>
        %swap3A_705 = arith.constant 15 : i32
        %swap3A_706 = arith.index_cast %swap3A_705 : i32 to index
        %swap3A_707 = arith.index_cast %mul3A_440 : i32 to index
        %swap3A_708 = tpu.vector_load %arg6[%swap3A_706, %swap3A_707] {strides = array<i32>} : memref<16x1024xf32, #tpu.memory_space<vmem>>, vector<1x16xf32>,
        %swap3A_709 = vector.shape_cast %swap3A_708 : vector<1x16xf32> to vector<16xf32>
        %swap3A_710 = vector.shape_cast %add3A_704 : vector<16xf32> to vector<1x16xf32>
        tpu.vector_store %arg6[%swap3A_706, %swap3A_707], %swap3A_710 {strides = array<i32>} : memref<16x1024xf32, #tpu.memory_space<vmem>>, vector<1x16xf32>,
      }
      %scan3A_138 = arith.constant 64 : i32
      %add3A_139 = arith.constant 8192 : i32
      %add3A_140 = arith.addi %add3A_139, %mul3A_2 : i32
      %mul3A_141 = arith.constant 16 : i32
      %mul3A_142 = arith.muli %add3A_103, %mul3A_141 : i32
      %add3A_143 = arith.addi %add3A_140, %mul3A_142 : i32
      %dma_start3A_144 = arith.constant 0 : i32
      %dma_start3A_145 = tpu.memref_slice %arg4[%add3A_143, %dma_start3A_144] : memref<32768x1024xf32, #tpu.memory_space<hbm>> -> memref<16x1024xf32, #tpu.memory_space<hbm>>
      %dma_start3A_146 = arith.constant 0 : i32
      %dma_start3A_147 = tpu.memref_slice %arg4[%add3A_143, %dma_start3A_146] : memref<32768x1024xf32, #tpu.memory_space<hbm>> -> memref<16x1024xf32, #tpu.memory_space<hbm>>
      tpu.enqueue_dma source(%arg6 : memref<16x1024xf32, #tpu.memory_space<vmem>>) target(%dma_start3A_147 : memref<16x1024xf32, #tpu.memory_space<hbm>>) target_semaphore(%arg18 : memref<!tpu.dma_semaphore, #tpu.memory_space<semaphore_mem>>)
      %add3A_148 = arith.constant 0 : i32
      %add3A_149 = arith.addi %mul3A_46, %add3A_148 : i32
      %mul3A_150 = arith.constant 8 : i32
      %mul3A_151 = arith.muli %scan3A_44, %mul3A_150 : i32
      %add3A_152 = arith.constant 2 : i32
      %add3A_153 = arith.addi %mul3A_151, %add3A_152 : i32
      %add3A_154 = arith.constant 1 : i32
      %add3A_155 = arith.addi %mul3A_46, %add3A_154 : i32
      %gt3A_156 = arith.constant 0 : i32
      %gt3A_157 = arith.cmpi sgt, %scan3A_44, %gt3A_156 : i32
      %or3A_158 = arith.constant true
      %or3A_159 = arith.ori %gt3A_157, %or3A_158 : i1
      %convert_element_type3A_160 = arith.extui %or3A_159 : i1 to i32
      %cond3A_161 = arith.constant 0 : i32
      %cond3A_162 = arith.cmpi ne, %convert_element_type3A_160, %cond3A_161 : i32
      scf.if %cond3A_162 {
        %add3A_438 = arith.constant 0 : i32
        %add3A_439 = arith.addi %add3A_438, %mul3A_2 : i32
        %add3A_440 = arith.constant 0 : i32
        %add3A_441 = arith.addi %add3A_439, %add3A_440 : i32
        %dma_wait3A_442 = arith.constant 0 : i32
        %dma_wait3A_443 = tpu.memref_slice %arg4[%add3A_441, %dma_wait3A_442] : memref<32768x1024xf32, #tpu.memory_space<hbm>> -> memref<16x1024xf32, #tpu.memory_space<hbm>>
        %dma_wait3A_444 = arith.constant 0 : i32
        %dma_wait3A_445 = tpu.memref_slice %arg4[%add3A_441, %dma_wait3A_444] : memref<32768x1024xf32, #tpu.memory_space<hbm>> -> memref<16x1024xf32, #tpu.memory_space<hbm>>
        tpu.wait_dma2 semaphore(%arg17 : memref<!tpu.dma_semaphore, #tpu.memory_space<semaphore_mem>>) src(%arg5 : memref<16x1024xf32, #tpu.memory_space<vmem>>) dst(%dma_wait3A_445 : memref<16x1024xf32, #tpu.memory_space<hbm>>)
      } else {
      }
      %add3A_163 = arith.constant 2 : i32
      %add3A_164 = arith.addi %add3A_153, %add3A_163 : i32
      %lt3A_165 = arith.constant 64 : i32
      %lt3A_166 = arith.cmpi slt, %add3A_164, %lt3A_165 : i32
      %convert_element_type3A_167 = arith.extui %lt3A_166 : i1 to i32
      %cond3A_168 = arith.constant 0 : i32
      %cond3A_169 = arith.cmpi ne, %convert_element_type3A_167, %cond3A_168 : i32
      scf.if %cond3A_169 {
        %add3A_438 = arith.constant 0 : i32
        %add3A_439 = arith.addi %add3A_438, %mul3A_2 : i32
        %mul3A_440 = arith.constant 16 : i32
        %mul3A_441 = arith.muli %add3A_155, %mul3A_440 : i32
        %add3A_442 = arith.addi %add3A_439, %mul3A_441 : i32
        %dma_start3A_443 = arith.constant 0 : i32
        %dma_start3A_444 = tpu.memref_slice %arg2[%add3A_442, %dma_start3A_443] : memref<32768x1024xf32, #tpu.memory_space<hbm>> -> memref<16x1024xf32, #tpu.memory_space<hbm>>
        %dma_start3A_445 = arith.constant 0 : i32
        %dma_start3A_446 = tpu.memref_slice %arg2[%add3A_442, %dma_start3A_445] : memref<32768x1024xf32, #tpu.memory_space<hbm>> -> memref<16x1024xf32, #tpu.memory_space<hbm>>
        tpu.enqueue_dma source(%dma_start3A_446 : memref<16x1024xf32, #tpu.memory_space<hbm>>) target(%arg5 : memref<16x1024xf32, #tpu.memory_space<vmem>>) target_semaphore(%arg11 : memref<!tpu.dma_semaphore, #tpu.memory_space<semaphore_mem>>)
      } else {
      }
      %add3A_170 = arith.constant 16384 : i32
      %add3A_171 = arith.addi %add3A_170, %mul3A_2 : i32
      %mul3A_172 = arith.constant 16 : i32
      %mul3A_173 = arith.muli %add3A_149, %mul3A_172 : i32
      %add3A_174 = arith.addi %add3A_171, %mul3A_173 : i32
      %dma_wait3A_175 = arith.constant 0 : i32
      %dma_wait3A_176 = tpu.memref_slice %arg2[%add3A_174, %dma_wait3A_175] : memref<32768x1024xf32, #tpu.memory_space<hbm>> -> memref<16x1024xf32, #tpu.memory_space<hbm>>
      %dma_wait3A_177 = arith.constant 0 : i32
      %dma_wait3A_178 = tpu.memref_slice %arg2[%add3A_174, %dma_wait3A_177] : memref<32768x1024xf32, #tpu.memory_space<hbm>> -> memref<16x1024xf32, #tpu.memory_space<hbm>>
      tpu.wait_dma2 semaphore(%arg13 : memref<!tpu.dma_semaphore, #tpu.memory_space<semaphore_mem>>) src(%dma_wait3A_178 : memref<16x1024xf32, #tpu.memory_space<hbm>>) dst(%arg7 : memref<16x1024xf32, #tpu.memory_space<vmem>>)
      %scan3A_179 = arith.constant 0 : i32
      %scan3A_180 = arith.constant 0 : i32
      %scan3A_181 = arith.constant 64 : i32
      %scan3A_182 = arith.addi %scan3A_180, %scan3A_181 : i32
      %scan3A_183 = arith.constant 1 : i32
      scf.for %scan3A_438 = %scan3A_180 to %scan3A_182 step %scan3A_183  : i32 {
        %mul3A_439 = arith.constant 16 : i32
        %mul3A_440 = arith.muli %scan3A_438, %mul3A_439 : i32
        %get3A = arith.constant 0 : i32
        %get3A_441 = arith.index_cast %get3A : i32 to index
        %get3A_442 = arith.index_cast %mul3A_440 : i32 to index
        %get3A_443 = tpu.vector_load %arg7[%get3A_441, %get3A_442] {strides = array<i32>} : memref<16x1024xf32, #tpu.memory_space<vmem>>, vector<1x16xf32>,
        %get3A_444 = vector.shape_cast %get3A_443 : vector<1x16xf32> to vector<16xf32>
        %get3A_445 = arith.constant 0 : i32
        %get3A_446 = arith.index_cast %get3A_445 : i32 to index
        %get3A_447 = arith.index_cast %mul3A_440 : i32 to index
        %get3A_448 = tpu.vector_load %arg9[%get3A_446, %get3A_447] {strides = array<i32>} : memref<16x1024xf32, #tpu.memory_space<vmem>>, vector<1x16xf32>,
        %get3A_449 = vector.shape_cast %get3A_448 : vector<1x16xf32> to vector<16xf32>
        %add3A_450 = arith.addf %get3A_444, %get3A_449 : vector<16xf32>
        %swap3A = arith.constant 0 : i32
        %swap3A_451 = arith.index_cast %swap3A : i32 to index
        %swap3A_452 = arith.index_cast %mul3A_440 : i32 to index
        %swap3A_453 = tpu.vector_load %arg7[%swap3A_451, %swap3A_452] {strides = array<i32>} : memref<16x1024xf32, #tpu.memory_space<vmem>>, vector<1x16xf32>,
        %swap3A_454 = vector.shape_cast %swap3A_453 : vector<1x16xf32> to vector<16xf32>
        %swap3A_455 = vector.shape_cast %add3A_450 : vector<16xf32> to vector<1x16xf32>
        tpu.vector_store %arg7[%swap3A_451, %swap3A_452], %swap3A_455 {strides = array<i32>} : memref<16x1024xf32, #tpu.memory_space<vmem>>, vector<1x16xf32>,
        %get3A_456 = arith.constant 1 : i32
        %get3A_457 = arith.index_cast %get3A_456 : i32 to index
        %get3A_458 = arith.index_cast %mul3A_440 : i32 to index
        %get3A_459 = tpu.vector_load %arg7[%get3A_457, %get3A_458] {strides = array<i32>} : memref<16x1024xf32, #tpu.memory_space<vmem>>, vector<1x16xf32>,
        %get3A_460 = vector.shape_cast %get3A_459 : vector<1x16xf32> to vector<16xf32>
        %get3A_461 = arith.constant 1 : i32
        %get3A_462 = arith.index_cast %get3A_461 : i32 to index
        %get3A_463 = arith.index_cast %mul3A_440 : i32 to index
        %get3A_464 = tpu.vector_load %arg9[%get3A_462, %get3A_463] {strides = array<i32>} : memref<16x1024xf32, #tpu.memory_space<vmem>>, vector<1x16xf32>,
        %get3A_465 = vector.shape_cast %get3A_464 : vector<1x16xf32> to vector<16xf32>
        %add3A_466 = arith.addf %get3A_460, %get3A_465 : vector<16xf32>
        %swap3A_467 = arith.constant 1 : i32
        %swap3A_468 = arith.index_cast %swap3A_467 : i32 to index
        %swap3A_469 = arith.index_cast %mul3A_440 : i32 to index
        %swap3A_470 = tpu.vector_load %arg7[%swap3A_468, %swap3A_469] {strides = array<i32>} : memref<16x1024xf32, #tpu.memory_space<vmem>>, vector<1x16xf32>,
        %swap3A_471 = vector.shape_cast %swap3A_470 : vector<1x16xf32> to vector<16xf32>
        %swap3A_472 = vector.shape_cast %add3A_466 : vector<16xf32> to vector<1x16xf32>
        tpu.vector_store %arg7[%swap3A_468, %swap3A_469], %swap3A_472 {strides = array<i32>} : memref<16x1024xf32, #tpu.memory_space<vmem>>, vector<1x16xf32>,
        %get3A_473 = arith.constant 2 : i32
        %get3A_474 = arith.index_cast %get3A_473 : i32 to index
        %get3A_475 = arith.index_cast %mul3A_440 : i32 to index
        %get3A_476 = tpu.vector_load %arg7[%get3A_474, %get3A_475] {strides = array<i32>} : memref<16x1024xf32, #tpu.memory_space<vmem>>, vector<1x16xf32>,
        %get3A_477 = vector.shape_cast %get3A_476 : vector<1x16xf32> to vector<16xf32>
        %get3A_478 = arith.constant 2 : i32
        %get3A_479 = arith.index_cast %get3A_478 : i32 to index
        %get3A_480 = arith.index_cast %mul3A_440 : i32 to index
        %get3A_481 = tpu.vector_load %arg9[%get3A_479, %get3A_480] {strides = array<i32>} : memref<16x1024xf32, #tpu.memory_space<vmem>>, vector<1x16xf32>,
        %get3A_482 = vector.shape_cast %get3A_481 : vector<1x16xf32> to vector<16xf32>
        %add3A_483 = arith.addf %get3A_477, %get3A_482 : vector<16xf32>
        %swap3A_484 = arith.constant 2 : i32
        %swap3A_485 = arith.index_cast %swap3A_484 : i32 to index
        %swap3A_486 = arith.index_cast %mul3A_440 : i32 to index
        %swap3A_487 = tpu.vector_load %arg7[%swap3A_485, %swap3A_486] {strides = array<i32>} : memref<16x1024xf32, #tpu.memory_space<vmem>>, vector<1x16xf32>,
        %swap3A_488 = vector.shape_cast %swap3A_487 : vector<1x16xf32> to vector<16xf32>
        %swap3A_489 = vector.shape_cast %add3A_483 : vector<16xf32> to vector<1x16xf32>
        tpu.vector_store %arg7[%swap3A_485, %swap3A_486], %swap3A_489 {strides = array<i32>} : memref<16x1024xf32, #tpu.memory_space<vmem>>, vector<1x16xf32>,
        %get3A_490 = arith.constant 3 : i32
        %get3A_491 = arith.index_cast %get3A_490 : i32 to index
        %get3A_492 = arith.index_cast %mul3A_440 : i32 to index
        %get3A_493 = tpu.vector_load %arg7[%get3A_491, %get3A_492] {strides = array<i32>} : memref<16x1024xf32, #tpu.memory_space<vmem>>, vector<1x16xf32>,
        %get3A_494 = vector.shape_cast %get3A_493 : vector<1x16xf32> to vector<16xf32>
        %get3A_495 = arith.constant 3 : i32
        %get3A_496 = arith.index_cast %get3A_495 : i32 to index
        %get3A_497 = arith.index_cast %mul3A_440 : i32 to index
        %get3A_498 = tpu.vector_load %arg9[%get3A_496, %get3A_497] {strides = array<i32>} : memref<16x1024xf32, #tpu.memory_space<vmem>>, vector<1x16xf32>,
        %get3A_499 = vector.shape_cast %get3A_498 : vector<1x16xf32> to vector<16xf32>
        %add3A_500 = arith.addf %get3A_494, %get3A_499 : vector<16xf32>
        %swap3A_501 = arith.constant 3 : i32
        %swap3A_502 = arith.index_cast %swap3A_501 : i32 to index
        %swap3A_503 = arith.index_cast %mul3A_440 : i32 to index
        %swap3A_504 = tpu.vector_load %arg7[%swap3A_502, %swap3A_503] {strides = array<i32>} : memref<16x1024xf32, #tpu.memory_space<vmem>>, vector<1x16xf32>,
        %swap3A_505 = vector.shape_cast %swap3A_504 : vector<1x16xf32> to vector<16xf32>
        %swap3A_506 = vector.shape_cast %add3A_500 : vector<16xf32> to vector<1x16xf32>
        tpu.vector_store %arg7[%swap3A_502, %swap3A_503], %swap3A_506 {strides = array<i32>} : memref<16x1024xf32, #tpu.memory_space<vmem>>, vector<1x16xf32>,
        %get3A_507 = arith.constant 4 : i32
        %get3A_508 = arith.index_cast %get3A_507 : i32 to index
        %get3A_509 = arith.index_cast %mul3A_440 : i32 to index
        %get3A_510 = tpu.vector_load %arg7[%get3A_508, %get3A_509] {strides = array<i32>} : memref<16x1024xf32, #tpu.memory_space<vmem>>, vector<1x16xf32>,
        %get3A_511 = vector.shape_cast %get3A_510 : vector<1x16xf32> to vector<16xf32>
        %get3A_512 = arith.constant 4 : i32
        %get3A_513 = arith.index_cast %get3A_512 : i32 to index
        %get3A_514 = arith.index_cast %mul3A_440 : i32 to index
        %get3A_515 = tpu.vector_load %arg9[%get3A_513, %get3A_514] {strides = array<i32>} : memref<16x1024xf32, #tpu.memory_space<vmem>>, vector<1x16xf32>,
        %get3A_516 = vector.shape_cast %get3A_515 : vector<1x16xf32> to vector<16xf32>
        %add3A_517 = arith.addf %get3A_511, %get3A_516 : vector<16xf32>
        %swap3A_518 = arith.constant 4 : i32
        %swap3A_519 = arith.index_cast %swap3A_518 : i32 to index
        %swap3A_520 = arith.index_cast %mul3A_440 : i32 to index
        %swap3A_521 = tpu.vector_load %arg7[%swap3A_519, %swap3A_520] {strides = array<i32>} : memref<16x1024xf32, #tpu.memory_space<vmem>>, vector<1x16xf32>,
        %swap3A_522 = vector.shape_cast %swap3A_521 : vector<1x16xf32> to vector<16xf32>
        %swap3A_523 = vector.shape_cast %add3A_517 : vector<16xf32> to vector<1x16xf32>
        tpu.vector_store %arg7[%swap3A_519, %swap3A_520], %swap3A_523 {strides = array<i32>} : memref<16x1024xf32, #tpu.memory_space<vmem>>, vector<1x16xf32>,
        %get3A_524 = arith.constant 5 : i32
        %get3A_525 = arith.index_cast %get3A_524 : i32 to index
        %get3A_526 = arith.index_cast %mul3A_440 : i32 to index
        %get3A_527 = tpu.vector_load %arg7[%get3A_525, %get3A_526] {strides = array<i32>} : memref<16x1024xf32, #tpu.memory_space<vmem>>, vector<1x16xf32>,
        %get3A_528 = vector.shape_cast %get3A_527 : vector<1x16xf32> to vector<16xf32>
        %get3A_529 = arith.constant 5 : i32
        %get3A_530 = arith.index_cast %get3A_529 : i32 to index
        %get3A_531 = arith.index_cast %mul3A_440 : i32 to index
        %get3A_532 = tpu.vector_load %arg9[%get3A_530, %get3A_531] {strides = array<i32>} : memref<16x1024xf32, #tpu.memory_space<vmem>>, vector<1x16xf32>,
        %get3A_533 = vector.shape_cast %get3A_532 : vector<1x16xf32> to vector<16xf32>
        %add3A_534 = arith.addf %get3A_528, %get3A_533 : vector<16xf32>
        %swap3A_535 = arith.constant 5 : i32
        %swap3A_536 = arith.index_cast %swap3A_535 : i32 to index
        %swap3A_537 = arith.index_cast %mul3A_440 : i32 to index
        %swap3A_538 = tpu.vector_load %arg7[%swap3A_536, %swap3A_537] {strides = array<i32>} : memref<16x1024xf32, #tpu.memory_space<vmem>>, vector<1x16xf32>,
        %swap3A_539 = vector.shape_cast %swap3A_538 : vector<1x16xf32> to vector<16xf32>
        %swap3A_540 = vector.shape_cast %add3A_534 : vector<16xf32> to vector<1x16xf32>
        tpu.vector_store %arg7[%swap3A_536, %swap3A_537], %swap3A_540 {strides = array<i32>} : memref<16x1024xf32, #tpu.memory_space<vmem>>, vector<1x16xf32>,
        %get3A_541 = arith.constant 6 : i32
        %get3A_542 = arith.index_cast %get3A_541 : i32 to index
        %get3A_543 = arith.index_cast %mul3A_440 : i32 to index
        %get3A_544 = tpu.vector_load %arg7[%get3A_542, %get3A_543] {strides = array<i32>} : memref<16x1024xf32, #tpu.memory_space<vmem>>, vector<1x16xf32>,
        %get3A_545 = vector.shape_cast %get3A_544 : vector<1x16xf32> to vector<16xf32>
        %get3A_546 = arith.constant 6 : i32
        %get3A_547 = arith.index_cast %get3A_546 : i32 to index
        %get3A_548 = arith.index_cast %mul3A_440 : i32 to index
        %get3A_549 = tpu.vector_load %arg9[%get3A_547, %get3A_548] {strides = array<i32>} : memref<16x1024xf32, #tpu.memory_space<vmem>>, vector<1x16xf32>,
        %get3A_550 = vector.shape_cast %get3A_549 : vector<1x16xf32> to vector<16xf32>
        %add3A_551 = arith.addf %get3A_545, %get3A_550 : vector<16xf32>
        %swap3A_552 = arith.constant 6 : i32
        %swap3A_553 = arith.index_cast %swap3A_552 : i32 to index
        %swap3A_554 = arith.index_cast %mul3A_440 : i32 to index
        %swap3A_555 = tpu.vector_load %arg7[%swap3A_553, %swap3A_554] {strides = array<i32>} : memref<16x1024xf32, #tpu.memory_space<vmem>>, vector<1x16xf32>,
        %swap3A_556 = vector.shape_cast %swap3A_555 : vector<1x16xf32> to vector<16xf32>
        %swap3A_557 = vector.shape_cast %add3A_551 : vector<16xf32> to vector<1x16xf32>
        tpu.vector_store %arg7[%swap3A_553, %swap3A_554], %swap3A_557 {strides = array<i32>} : memref<16x1024xf32, #tpu.memory_space<vmem>>, vector<1x16xf32>,
        %get3A_558 = arith.constant 7 : i32
        %get3A_559 = arith.index_cast %get3A_558 : i32 to index
        %get3A_560 = arith.index_cast %mul3A_440 : i32 to index
        %get3A_561 = tpu.vector_load %arg7[%get3A_559, %get3A_560] {strides = array<i32>} : memref<16x1024xf32, #tpu.memory_space<vmem>>, vector<1x16xf32>,
        %get3A_562 = vector.shape_cast %get3A_561 : vector<1x16xf32> to vector<16xf32>
        %get3A_563 = arith.constant 7 : i32
        %get3A_564 = arith.index_cast %get3A_563 : i32 to index
        %get3A_565 = arith.index_cast %mul3A_440 : i32 to index
        %get3A_566 = tpu.vector_load %arg9[%get3A_564, %get3A_565] {strides = array<i32>} : memref<16x1024xf32, #tpu.memory_space<vmem>>, vector<1x16xf32>,
        %get3A_567 = vector.shape_cast %get3A_566 : vector<1x16xf32> to vector<16xf32>
        %add3A_568 = arith.addf %get3A_562, %get3A_567 : vector<16xf32>
        %swap3A_569 = arith.constant 7 : i32
        %swap3A_570 = arith.index_cast %swap3A_569 : i32 to index
        %swap3A_571 = arith.index_cast %mul3A_440 : i32 to index
        %swap3A_572 = tpu.vector_load %arg7[%swap3A_570, %swap3A_571] {strides = array<i32>} : memref<16x1024xf32, #tpu.memory_space<vmem>>, vector<1x16xf32>,
        %swap3A_573 = vector.shape_cast %swap3A_572 : vector<1x16xf32> to vector<16xf32>
        %swap3A_574 = vector.shape_cast %add3A_568 : vector<16xf32> to vector<1x16xf32>
        tpu.vector_store %arg7[%swap3A_570, %swap3A_571], %swap3A_574 {strides = array<i32>} : memref<16x1024xf32, #tpu.memory_space<vmem>>, vector<1x16xf32>,
        %get3A_575 = arith.constant 8 : i32
        %get3A_576 = arith.index_cast %get3A_575 : i32 to index
        %get3A_577 = arith.index_cast %mul3A_440 : i32 to index
        %get3A_578 = tpu.vector_load %arg7[%get3A_576, %get3A_577] {strides = array<i32>} : memref<16x1024xf32, #tpu.memory_space<vmem>>, vector<1x16xf32>,
        %get3A_579 = vector.shape_cast %get3A_578 : vector<1x16xf32> to vector<16xf32>
        %get3A_580 = arith.constant 8 : i32
        %get3A_581 = arith.index_cast %get3A_580 : i32 to index
        %get3A_582 = arith.index_cast %mul3A_440 : i32 to index
        %get3A_583 = tpu.vector_load %arg9[%get3A_581, %get3A_582] {strides = array<i32>} : memref<16x1024xf32, #tpu.memory_space<vmem>>, vector<1x16xf32>,
        %get3A_584 = vector.shape_cast %get3A_583 : vector<1x16xf32> to vector<16xf32>
        %add3A_585 = arith.addf %get3A_579, %get3A_584 : vector<16xf32>
        %swap3A_586 = arith.constant 8 : i32
        %swap3A_587 = arith.index_cast %swap3A_586 : i32 to index
        %swap3A_588 = arith.index_cast %mul3A_440 : i32 to index
        %swap3A_589 = tpu.vector_load %arg7[%swap3A_587, %swap3A_588] {strides = array<i32>} : memref<16x1024xf32, #tpu.memory_space<vmem>>, vector<1x16xf32>,
        %swap3A_590 = vector.shape_cast %swap3A_589 : vector<1x16xf32> to vector<16xf32>
        %swap3A_591 = vector.shape_cast %add3A_585 : vector<16xf32> to vector<1x16xf32>
        tpu.vector_store %arg7[%swap3A_587, %swap3A_588], %swap3A_591 {strides = array<i32>} : memref<16x1024xf32, #tpu.memory_space<vmem>>, vector<1x16xf32>,
        %get3A_592 = arith.constant 9 : i32
        %get3A_593 = arith.index_cast %get3A_592 : i32 to index
        %get3A_594 = arith.index_cast %mul3A_440 : i32 to index
        %get3A_595 = tpu.vector_load %arg7[%get3A_593, %get3A_594] {strides = array<i32>} : memref<16x1024xf32, #tpu.memory_space<vmem>>, vector<1x16xf32>,
        %get3A_596 = vector.shape_cast %get3A_595 : vector<1x16xf32> to vector<16xf32>
        %get3A_597 = arith.constant 9 : i32
        %get3A_598 = arith.index_cast %get3A_597 : i32 to index
        %get3A_599 = arith.index_cast %mul3A_440 : i32 to index
        %get3A_600 = tpu.vector_load %arg9[%get3A_598, %get3A_599] {strides = array<i32>} : memref<16x1024xf32, #tpu.memory_space<vmem>>, vector<1x16xf32>,
        %get3A_601 = vector.shape_cast %get3A_600 : vector<1x16xf32> to vector<16xf32>
        %add3A_602 = arith.addf %get3A_596, %get3A_601 : vector<16xf32>
        %swap3A_603 = arith.constant 9 : i32
        %swap3A_604 = arith.index_cast %swap3A_603 : i32 to index
        %swap3A_605 = arith.index_cast %mul3A_440 : i32 to index
        %swap3A_606 = tpu.vector_load %arg7[%swap3A_604, %swap3A_605] {strides = array<i32>} : memref<16x1024xf32, #tpu.memory_space<vmem>>, vector<1x16xf32>,
        %swap3A_607 = vector.shape_cast %swap3A_606 : vector<1x16xf32> to vector<16xf32>
        %swap3A_608 = vector.shape_cast %add3A_602 : vector<16xf32> to vector<1x16xf32>
        tpu.vector_store %arg7[%swap3A_604, %swap3A_605], %swap3A_608 {strides = array<i32>} : memref<16x1024xf32, #tpu.memory_space<vmem>>, vector<1x16xf32>,
        %get3A_609 = arith.constant 10 : i32
        %get3A_610 = arith.index_cast %get3A_609 : i32 to index
        %get3A_611 = arith.index_cast %mul3A_440 : i32 to index
        %get3A_612 = tpu.vector_load %arg7[%get3A_610, %get3A_611] {strides = array<i32>} : memref<16x1024xf32, #tpu.memory_space<vmem>>, vector<1x16xf32>,
        %get3A_613 = vector.shape_cast %get3A_612 : vector<1x16xf32> to vector<16xf32>
        %get3A_614 = arith.constant 10 : i32
        %get3A_615 = arith.index_cast %get3A_614 : i32 to index
        %get3A_616 = arith.index_cast %mul3A_440 : i32 to index
        %get3A_617 = tpu.vector_load %arg9[%get3A_615, %get3A_616] {strides = array<i32>} : memref<16x1024xf32, #tpu.memory_space<vmem>>, vector<1x16xf32>,
        %get3A_618 = vector.shape_cast %get3A_617 : vector<1x16xf32> to vector<16xf32>
        %add3A_619 = arith.addf %get3A_613, %get3A_618 : vector<16xf32>
        %swap3A_620 = arith.constant 10 : i32
        %swap3A_621 = arith.index_cast %swap3A_620 : i32 to index
        %swap3A_622 = arith.index_cast %mul3A_440 : i32 to index
        %swap3A_623 = tpu.vector_load %arg7[%swap3A_621, %swap3A_622] {strides = array<i32>} : memref<16x1024xf32, #tpu.memory_space<vmem>>, vector<1x16xf32>,
        %swap3A_624 = vector.shape_cast %swap3A_623 : vector<1x16xf32> to vector<16xf32>
        %swap3A_625 = vector.shape_cast %add3A_619 : vector<16xf32> to vector<1x16xf32>
        tpu.vector_store %arg7[%swap3A_621, %swap3A_622], %swap3A_625 {strides = array<i32>} : memref<16x1024xf32, #tpu.memory_space<vmem>>, vector<1x16xf32>,
        %get3A_626 = arith.constant 11 : i32
        %get3A_627 = arith.index_cast %get3A_626 : i32 to index
        %get3A_628 = arith.index_cast %mul3A_440 : i32 to index
        %get3A_629 = tpu.vector_load %arg7[%get3A_627, %get3A_628] {strides = array<i32>} : memref<16x1024xf32, #tpu.memory_space<vmem>>, vector<1x16xf32>,
        %get3A_630 = vector.shape_cast %get3A_629 : vector<1x16xf32> to vector<16xf32>
        %get3A_631 = arith.constant 11 : i32
        %get3A_632 = arith.index_cast %get3A_631 : i32 to index
        %get3A_633 = arith.index_cast %mul3A_440 : i32 to index
        %get3A_634 = tpu.vector_load %arg9[%get3A_632, %get3A_633] {strides = array<i32>} : memref<16x1024xf32, #tpu.memory_space<vmem>>, vector<1x16xf32>,
        %get3A_635 = vector.shape_cast %get3A_634 : vector<1x16xf32> to vector<16xf32>
        %add3A_636 = arith.addf %get3A_630, %get3A_635 : vector<16xf32>
        %swap3A_637 = arith.constant 11 : i32
        %swap3A_638 = arith.index_cast %swap3A_637 : i32 to index
        %swap3A_639 = arith.index_cast %mul3A_440 : i32 to index
        %swap3A_640 = tpu.vector_load %arg7[%swap3A_638, %swap3A_639] {strides = array<i32>} : memref<16x1024xf32, #tpu.memory_space<vmem>>, vector<1x16xf32>,
        %swap3A_641 = vector.shape_cast %swap3A_640 : vector<1x16xf32> to vector<16xf32>
        %swap3A_642 = vector.shape_cast %add3A_636 : vector<16xf32> to vector<1x16xf32>
        tpu.vector_store %arg7[%swap3A_638, %swap3A_639], %swap3A_642 {strides = array<i32>} : memref<16x1024xf32, #tpu.memory_space<vmem>>, vector<1x16xf32>,
        %get3A_643 = arith.constant 12 : i32
        %get3A_644 = arith.index_cast %get3A_643 : i32 to index
        %get3A_645 = arith.index_cast %mul3A_440 : i32 to index
        %get3A_646 = tpu.vector_load %arg7[%get3A_644, %get3A_645] {strides = array<i32>} : memref<16x1024xf32, #tpu.memory_space<vmem>>, vector<1x16xf32>,
        %get3A_647 = vector.shape_cast %get3A_646 : vector<1x16xf32> to vector<16xf32>
        %get3A_648 = arith.constant 12 : i32
        %get3A_649 = arith.index_cast %get3A_648 : i32 to index
        %get3A_650 = arith.index_cast %mul3A_440 : i32 to index
        %get3A_651 = tpu.vector_load %arg9[%get3A_649, %get3A_650] {strides = array<i32>} : memref<16x1024xf32, #tpu.memory_space<vmem>>, vector<1x16xf32>,
        %get3A_652 = vector.shape_cast %get3A_651 : vector<1x16xf32> to vector<16xf32>
        %add3A_653 = arith.addf %get3A_647, %get3A_652 : vector<16xf32>
        %swap3A_654 = arith.constant 12 : i32
        %swap3A_655 = arith.index_cast %swap3A_654 : i32 to index
        %swap3A_656 = arith.index_cast %mul3A_440 : i32 to index
        %swap3A_657 = tpu.vector_load %arg7[%swap3A_655, %swap3A_656] {strides = array<i32>} : memref<16x1024xf32, #tpu.memory_space<vmem>>, vector<1x16xf32>,
        %swap3A_658 = vector.shape_cast %swap3A_657 : vector<1x16xf32> to vector<16xf32>
        %swap3A_659 = vector.shape_cast %add3A_653 : vector<16xf32> to vector<1x16xf32>
        tpu.vector_store %arg7[%swap3A_655, %swap3A_656], %swap3A_659 {strides = array<i32>} : memref<16x1024xf32, #tpu.memory_space<vmem>>, vector<1x16xf32>,
        %get3A_660 = arith.constant 13 : i32
        %get3A_661 = arith.index_cast %get3A_660 : i32 to index
        %get3A_662 = arith.index_cast %mul3A_440 : i32 to index
        %get3A_663 = tpu.vector_load %arg7[%get3A_661, %get3A_662] {strides = array<i32>} : memref<16x1024xf32, #tpu.memory_space<vmem>>, vector<1x16xf32>,
        %get3A_664 = vector.shape_cast %get3A_663 : vector<1x16xf32> to vector<16xf32>
        %get3A_665 = arith.constant 13 : i32
        %get3A_666 = arith.index_cast %get3A_665 : i32 to index
        %get3A_667 = arith.index_cast %mul3A_440 : i32 to index
        %get3A_668 = tpu.vector_load %arg9[%get3A_666, %get3A_667] {strides = array<i32>} : memref<16x1024xf32, #tpu.memory_space<vmem>>, vector<1x16xf32>,
        %get3A_669 = vector.shape_cast %get3A_668 : vector<1x16xf32> to vector<16xf32>
        %add3A_670 = arith.addf %get3A_664, %get3A_669 : vector<16xf32>
        %swap3A_671 = arith.constant 13 : i32
        %swap3A_672 = arith.index_cast %swap3A_671 : i32 to index
        %swap3A_673 = arith.index_cast %mul3A_440 : i32 to index
        %swap3A_674 = tpu.vector_load %arg7[%swap3A_672, %swap3A_673] {strides = array<i32>} : memref<16x1024xf32, #tpu.memory_space<vmem>>, vector<1x16xf32>,
        %swap3A_675 = vector.shape_cast %swap3A_674 : vector<1x16xf32> to vector<16xf32>
        %swap3A_676 = vector.shape_cast %add3A_670 : vector<16xf32> to vector<1x16xf32>
        tpu.vector_store %arg7[%swap3A_672, %swap3A_673], %swap3A_676 {strides = array<i32>} : memref<16x1024xf32, #tpu.memory_space<vmem>>, vector<1x16xf32>,
        %get3A_677 = arith.constant 14 : i32
        %get3A_678 = arith.index_cast %get3A_677 : i32 to index
        %get3A_679 = arith.index_cast %mul3A_440 : i32 to index
        %get3A_680 = tpu.vector_load %arg7[%get3A_678, %get3A_679] {strides = array<i32>} : memref<16x1024xf32, #tpu.memory_space<vmem>>, vector<1x16xf32>,
        %get3A_681 = vector.shape_cast %get3A_680 : vector<1x16xf32> to vector<16xf32>
        %get3A_682 = arith.constant 14 : i32
        %get3A_683 = arith.index_cast %get3A_682 : i32 to index
        %get3A_684 = arith.index_cast %mul3A_440 : i32 to index
        %get3A_685 = tpu.vector_load %arg9[%get3A_683, %get3A_684] {strides = array<i32>} : memref<16x1024xf32, #tpu.memory_space<vmem>>, vector<1x16xf32>,
        %get3A_686 = vector.shape_cast %get3A_685 : vector<1x16xf32> to vector<16xf32>
        %add3A_687 = arith.addf %get3A_681, %get3A_686 : vector<16xf32>
        %swap3A_688 = arith.constant 14 : i32
        %swap3A_689 = arith.index_cast %swap3A_688 : i32 to index
        %swap3A_690 = arith.index_cast %mul3A_440 : i32 to index
        %swap3A_691 = tpu.vector_load %arg7[%swap3A_689, %swap3A_690] {strides = array<i32>} : memref<16x1024xf32, #tpu.memory_space<vmem>>, vector<1x16xf32>,
        %swap3A_692 = vector.shape_cast %swap3A_691 : vector<1x16xf32> to vector<16xf32>
        %swap3A_693 = vector.shape_cast %add3A_687 : vector<16xf32> to vector<1x16xf32>
        tpu.vector_store %arg7[%swap3A_689, %swap3A_690], %swap3A_693 {strides = array<i32>} : memref<16x1024xf32, #tpu.memory_space<vmem>>, vector<1x16xf32>,
        %get3A_694 = arith.constant 15 : i32
        %get3A_695 = arith.index_cast %get3A_694 : i32 to index
        %get3A_696 = arith.index_cast %mul3A_440 : i32 to index
        %get3A_697 = tpu.vector_load %arg7[%get3A_695, %get3A_696] {strides = array<i32>} : memref<16x1024xf32, #tpu.memory_space<vmem>>, vector<1x16xf32>,
        %get3A_698 = vector.shape_cast %get3A_697 : vector<1x16xf32> to vector<16xf32>
        %get3A_699 = arith.constant 15 : i32
        %get3A_700 = arith.index_cast %get3A_699 : i32 to index
        %get3A_701 = arith.index_cast %mul3A_440 : i32 to index
        %get3A_702 = tpu.vector_load %arg9[%get3A_700, %get3A_701] {strides = array<i32>} : memref<16x1024xf32, #tpu.memory_space<vmem>>, vector<1x16xf32>,
        %get3A_703 = vector.shape_cast %get3A_702 : vector<1x16xf32> to vector<16xf32>
        %add3A_704 = arith.addf %get3A_698, %get3A_703 : vector<16xf32>
        %swap3A_705 = arith.constant 15 : i32
        %swap3A_706 = arith.index_cast %swap3A_705 : i32 to index
        %swap3A_707 = arith.index_cast %mul3A_440 : i32 to index
        %swap3A_708 = tpu.vector_load %arg7[%swap3A_706, %swap3A_707] {strides = array<i32>} : memref<16x1024xf32, #tpu.memory_space<vmem>>, vector<1x16xf32>,
        %swap3A_709 = vector.shape_cast %swap3A_708 : vector<1x16xf32> to vector<16xf32>
        %swap3A_710 = vector.shape_cast %add3A_704 : vector<16xf32> to vector<1x16xf32>
        tpu.vector_store %arg7[%swap3A_706, %swap3A_707], %swap3A_710 {strides = array<i32>} : memref<16x1024xf32, #tpu.memory_space<vmem>>, vector<1x16xf32>,
      }
      %scan3A_184 = arith.constant 64 : i32
      %add3A_185 = arith.constant 16384 : i32
      %add3A_186 = arith.addi %add3A_185, %mul3A_2 : i32
      %mul3A_187 = arith.constant 16 : i32
      %mul3A_188 = arith.muli %add3A_149, %mul3A_187 : i32
      %add3A_189 = arith.addi %add3A_186, %mul3A_188 : i32
      %dma_start3A_190 = arith.constant 0 : i32
      %dma_start3A_191 = tpu.memref_slice %arg4[%add3A_189, %dma_start3A_190] : memref<32768x1024xf32, #tpu.memory_space<hbm>> -> memref<16x1024xf32, #tpu.memory_space<hbm>>
      %dma_start3A_192 = arith.constant 0 : i32
      %dma_start3A_193 = tpu.memref_slice %arg4[%add3A_189, %dma_start3A_192] : memref<32768x1024xf32, #tpu.memory_space<hbm>> -> memref<16x1024xf32, #tpu.memory_space<hbm>>
      tpu.enqueue_dma source(%arg7 : memref<16x1024xf32, #tpu.memory_space<vmem>>) target(%dma_start3A_193 : memref<16x1024xf32, #tpu.memory_space<hbm>>) target_semaphore(%arg19 : memref<!tpu.dma_semaphore, #tpu.memory_space<semaphore_mem>>)
      %add3A_194 = arith.constant 0 : i32
      %add3A_195 = arith.addi %mul3A_46, %add3A_194 : i32
      %mul3A_196 = arith.constant 8 : i32
      %mul3A_197 = arith.muli %scan3A_44, %mul3A_196 : i32
      %add3A_198 = arith.constant 3 : i32
      %add3A_199 = arith.addi %mul3A_197, %add3A_198 : i32
      %add3A_200 = arith.constant 1 : i32
      %add3A_201 = arith.addi %mul3A_46, %add3A_200 : i32
      %gt3A_202 = arith.constant 0 : i32
      %gt3A_203 = arith.cmpi sgt, %scan3A_44, %gt3A_202 : i32
      %or3A_204 = arith.constant true
      %or3A_205 = arith.ori %gt3A_203, %or3A_204 : i1
      %convert_element_type3A_206 = arith.extui %or3A_205 : i1 to i32
      %cond3A_207 = arith.constant 0 : i32
      %cond3A_208 = arith.cmpi ne, %convert_element_type3A_206, %cond3A_207 : i32
      scf.if %cond3A_208 {
        %add3A_438 = arith.constant 0 : i32
        %add3A_439 = arith.addi %add3A_438, %mul3A_2 : i32
        %add3A_440 = arith.constant 0 : i32
        %add3A_441 = arith.addi %add3A_439, %add3A_440 : i32
        %dma_wait3A_442 = arith.constant 0 : i32
        %dma_wait3A_443 = tpu.memref_slice %arg4[%add3A_441, %dma_wait3A_442] : memref<32768x1024xf32, #tpu.memory_space<hbm>> -> memref<16x1024xf32, #tpu.memory_space<hbm>>
        %dma_wait3A_444 = arith.constant 0 : i32
        %dma_wait3A_445 = tpu.memref_slice %arg4[%add3A_441, %dma_wait3A_444] : memref<32768x1024xf32, #tpu.memory_space<hbm>> -> memref<16x1024xf32, #tpu.memory_space<hbm>>
        tpu.wait_dma2 semaphore(%arg18 : memref<!tpu.dma_semaphore, #tpu.memory_space<semaphore_mem>>) src(%arg6 : memref<16x1024xf32, #tpu.memory_space<vmem>>) dst(%dma_wait3A_445 : memref<16x1024xf32, #tpu.memory_space<hbm>>)
      } else {
      }
      %add3A_209 = arith.constant 2 : i32
      %add3A_210 = arith.addi %add3A_199, %add3A_209 : i32
      %lt3A_211 = arith.constant 64 : i32
      %lt3A_212 = arith.cmpi slt, %add3A_210, %lt3A_211 : i32
      %convert_element_type3A_213 = arith.extui %lt3A_212 : i1 to i32
      %cond3A_214 = arith.constant 0 : i32
      %cond3A_215 = arith.cmpi ne, %convert_element_type3A_213, %cond3A_214 : i32
      scf.if %cond3A_215 {
        %add3A_438 = arith.constant 8192 : i32
        %add3A_439 = arith.addi %add3A_438, %mul3A_2 : i32
        %mul3A_440 = arith.constant 16 : i32
        %mul3A_441 = arith.muli %add3A_201, %mul3A_440 : i32
        %add3A_442 = arith.addi %add3A_439, %mul3A_441 : i32
        %dma_start3A_443 = arith.constant 0 : i32
        %dma_start3A_444 = tpu.memref_slice %arg2[%add3A_442, %dma_start3A_443] : memref<32768x1024xf32, #tpu.memory_space<hbm>> -> memref<16x1024xf32, #tpu.memory_space<hbm>>
        %dma_start3A_445 = arith.constant 0 : i32
        %dma_start3A_446 = tpu.memref_slice %arg2[%add3A_442, %dma_start3A_445] : memref<32768x1024xf32, #tpu.memory_space<hbm>> -> memref<16x1024xf32, #tpu.memory_space<hbm>>
        tpu.enqueue_dma source(%dma_start3A_446 : memref<16x1024xf32, #tpu.memory_space<hbm>>) target(%arg6 : memref<16x1024xf32, #tpu.memory_space<vmem>>) target_semaphore(%arg12 : memref<!tpu.dma_semaphore, #tpu.memory_space<semaphore_mem>>)
      } else {
      }
      %add3A_216 = arith.constant 24576 : i32
      %add3A_217 = arith.addi %add3A_216, %mul3A_2 : i32
      %mul3A_218 = arith.constant 16 : i32
      %mul3A_219 = arith.muli %add3A_195, %mul3A_218 : i32
      %add3A_220 = arith.addi %add3A_217, %mul3A_219 : i32
      %dma_wait3A_221 = arith.constant 0 : i32
      %dma_wait3A_222 = tpu.memref_slice %arg2[%add3A_220, %dma_wait3A_221] : memref<32768x1024xf32, #tpu.memory_space<hbm>> -> memref<16x1024xf32, #tpu.memory_space<hbm>>
      %dma_wait3A_223 = arith.constant 0 : i32
      %dma_wait3A_224 = tpu.memref_slice %arg2[%add3A_220, %dma_wait3A_223] : memref<32768x1024xf32, #tpu.memory_space<hbm>> -> memref<16x1024xf32, #tpu.memory_space<hbm>>
      tpu.wait_dma2 semaphore(%arg14 : memref<!tpu.dma_semaphore, #tpu.memory_space<semaphore_mem>>) src(%dma_wait3A_224 : memref<16x1024xf32, #tpu.memory_space<hbm>>) dst(%arg8 : memref<16x1024xf32, #tpu.memory_space<vmem>>)
      %scan3A_225 = arith.constant 0 : i32
      %scan3A_226 = arith.constant 0 : i32
      %scan3A_227 = arith.constant 64 : i32
      %scan3A_228 = arith.addi %scan3A_226, %scan3A_227 : i32
      %scan3A_229 = arith.constant 1 : i32
      scf.for %scan3A_438 = %scan3A_226 to %scan3A_228 step %scan3A_229  : i32 {
        %mul3A_439 = arith.constant 16 : i32
        %mul3A_440 = arith.muli %scan3A_438, %mul3A_439 : i32
        %get3A = arith.constant 0 : i32
        %get3A_441 = arith.index_cast %get3A : i32 to index
        %get3A_442 = arith.index_cast %mul3A_440 : i32 to index
        %get3A_443 = tpu.vector_load %arg8[%get3A_441, %get3A_442] {strides = array<i32>} : memref<16x1024xf32, #tpu.memory_space<vmem>>, vector<1x16xf32>,
        %get3A_444 = vector.shape_cast %get3A_443 : vector<1x16xf32> to vector<16xf32>
        %get3A_445 = arith.constant 0 : i32
        %get3A_446 = arith.index_cast %get3A_445 : i32 to index
        %get3A_447 = arith.index_cast %mul3A_440 : i32 to index
        %get3A_448 = tpu.vector_load %arg9[%get3A_446, %get3A_447] {strides = array<i32>} : memref<16x1024xf32, #tpu.memory_space<vmem>>, vector<1x16xf32>,
        %get3A_449 = vector.shape_cast %get3A_448 : vector<1x16xf32> to vector<16xf32>
        %add3A_450 = arith.addf %get3A_444, %get3A_449 : vector<16xf32>
        %swap3A = arith.constant 0 : i32
        %swap3A_451 = arith.index_cast %swap3A : i32 to index
        %swap3A_452 = arith.index_cast %mul3A_440 : i32 to index
        %swap3A_453 = tpu.vector_load %arg8[%swap3A_451, %swap3A_452] {strides = array<i32>} : memref<16x1024xf32, #tpu.memory_space<vmem>>, vector<1x16xf32>,
        %swap3A_454 = vector.shape_cast %swap3A_453 : vector<1x16xf32> to vector<16xf32>
        %swap3A_455 = vector.shape_cast %add3A_450 : vector<16xf32> to vector<1x16xf32>
        tpu.vector_store %arg8[%swap3A_451, %swap3A_452], %swap3A_455 {strides = array<i32>} : memref<16x1024xf32, #tpu.memory_space<vmem>>, vector<1x16xf32>,
        %get3A_456 = arith.constant 1 : i32
        %get3A_457 = arith.index_cast %get3A_456 : i32 to index
        %get3A_458 = arith.index_cast %mul3A_440 : i32 to index
        %get3A_459 = tpu.vector_load %arg8[%get3A_457, %get3A_458] {strides = array<i32>} : memref<16x1024xf32, #tpu.memory_space<vmem>>, vector<1x16xf32>,
        %get3A_460 = vector.shape_cast %get3A_459 : vector<1x16xf32> to vector<16xf32>
        %get3A_461 = arith.constant 1 : i32
        %get3A_462 = arith.index_cast %get3A_461 : i32 to index
        %get3A_463 = arith.index_cast %mul3A_440 : i32 to index
        %get3A_464 = tpu.vector_load %arg9[%get3A_462, %get3A_463] {strides = array<i32>} : memref<16x1024xf32, #tpu.memory_space<vmem>>, vector<1x16xf32>,
        %get3A_465 = vector.shape_cast %get3A_464 : vector<1x16xf32> to vector<16xf32>
        %add3A_466 = arith.addf %get3A_460, %get3A_465 : vector<16xf32>
        %swap3A_467 = arith.constant 1 : i32
        %swap3A_468 = arith.index_cast %swap3A_467 : i32 to index
        %swap3A_469 = arith.index_cast %mul3A_440 : i32 to index
        %swap3A_470 = tpu.vector_load %arg8[%swap3A_468, %swap3A_469] {strides = array<i32>} : memref<16x1024xf32, #tpu.memory_space<vmem>>, vector<1x16xf32>,
        %swap3A_471 = vector.shape_cast %swap3A_470 : vector<1x16xf32> to vector<16xf32>
        %swap3A_472 = vector.shape_cast %add3A_466 : vector<16xf32> to vector<1x16xf32>
        tpu.vector_store %arg8[%swap3A_468, %swap3A_469], %swap3A_472 {strides = array<i32>} : memref<16x1024xf32, #tpu.memory_space<vmem>>, vector<1x16xf32>,
        %get3A_473 = arith.constant 2 : i32
        %get3A_474 = arith.index_cast %get3A_473 : i32 to index
        %get3A_475 = arith.index_cast %mul3A_440 : i32 to index
        %get3A_476 = tpu.vector_load %arg8[%get3A_474, %get3A_475] {strides = array<i32>} : memref<16x1024xf32, #tpu.memory_space<vmem>>, vector<1x16xf32>,
        %get3A_477 = vector.shape_cast %get3A_476 : vector<1x16xf32> to vector<16xf32>
        %get3A_478 = arith.constant 2 : i32
        %get3A_479 = arith.index_cast %get3A_478 : i32 to index
        %get3A_480 = arith.index_cast %mul3A_440 : i32 to index
        %get3A_481 = tpu.vector_load %arg9[%get3A_479, %get3A_480] {strides = array<i32>} : memref<16x1024xf32, #tpu.memory_space<vmem>>, vector<1x16xf32>,
        %get3A_482 = vector.shape_cast %get3A_481 : vector<1x16xf32> to vector<16xf32>
        %add3A_483 = arith.addf %get3A_477, %get3A_482 : vector<16xf32>
        %swap3A_484 = arith.constant 2 : i32
        %swap3A_485 = arith.index_cast %swap3A_484 : i32 to index
        %swap3A_486 = arith.index_cast %mul3A_440 : i32 to index
        %swap3A_487 = tpu.vector_load %arg8[%swap3A_485, %swap3A_486] {strides = array<i32>} : memref<16x1024xf32, #tpu.memory_space<vmem>>, vector<1x16xf32>,
        %swap3A_488 = vector.shape_cast %swap3A_487 : vector<1x16xf32> to vector<16xf32>
        %swap3A_489 = vector.shape_cast %add3A_483 : vector<16xf32> to vector<1x16xf32>
        tpu.vector_store %arg8[%swap3A_485, %swap3A_486], %swap3A_489 {strides = array<i32>} : memref<16x1024xf32, #tpu.memory_space<vmem>>, vector<1x16xf32>,
        %get3A_490 = arith.constant 3 : i32
        %get3A_491 = arith.index_cast %get3A_490 : i32 to index
        %get3A_492 = arith.index_cast %mul3A_440 : i32 to index
        %get3A_493 = tpu.vector_load %arg8[%get3A_491, %get3A_492] {strides = array<i32>} : memref<16x1024xf32, #tpu.memory_space<vmem>>, vector<1x16xf32>,
        %get3A_494 = vector.shape_cast %get3A_493 : vector<1x16xf32> to vector<16xf32>
        %get3A_495 = arith.constant 3 : i32
        %get3A_496 = arith.index_cast %get3A_495 : i32 to index
        %get3A_497 = arith.index_cast %mul3A_440 : i32 to index
        %get3A_498 = tpu.vector_load %arg9[%get3A_496, %get3A_497] {strides = array<i32>} : memref<16x1024xf32, #tpu.memory_space<vmem>>, vector<1x16xf32>,
        %get3A_499 = vector.shape_cast %get3A_498 : vector<1x16xf32> to vector<16xf32>
        %add3A_500 = arith.addf %get3A_494, %get3A_499 : vector<16xf32>
        %swap3A_501 = arith.constant 3 : i32
        %swap3A_502 = arith.index_cast %swap3A_501 : i32 to index
        %swap3A_503 = arith.index_cast %mul3A_440 : i32 to index
        %swap3A_504 = tpu.vector_load %arg8[%swap3A_502, %swap3A_503] {strides = array<i32>} : memref<16x1024xf32, #tpu.memory_space<vmem>>, vector<1x16xf32>,
        %swap3A_505 = vector.shape_cast %swap3A_504 : vector<1x16xf32> to vector<16xf32>
        %swap3A_506 = vector.shape_cast %add3A_500 : vector<16xf32> to vector<1x16xf32>
        tpu.vector_store %arg8[%swap3A_502, %swap3A_503], %swap3A_506 {strides = array<i32>} : memref<16x1024xf32, #tpu.memory_space<vmem>>, vector<1x16xf32>,
        %get3A_507 = arith.constant 4 : i32
        %get3A_508 = arith.index_cast %get3A_507 : i32 to index
        %get3A_509 = arith.index_cast %mul3A_440 : i32 to index
        %get3A_510 = tpu.vector_load %arg8[%get3A_508, %get3A_509] {strides = array<i32>} : memref<16x1024xf32, #tpu.memory_space<vmem>>, vector<1x16xf32>,
        %get3A_511 = vector.shape_cast %get3A_510 : vector<1x16xf32> to vector<16xf32>
        %get3A_512 = arith.constant 4 : i32
        %get3A_513 = arith.index_cast %get3A_512 : i32 to index
        %get3A_514 = arith.index_cast %mul3A_440 : i32 to index
        %get3A_515 = tpu.vector_load %arg9[%get3A_513, %get3A_514] {strides = array<i32>} : memref<16x1024xf32, #tpu.memory_space<vmem>>, vector<1x16xf32>,
        %get3A_516 = vector.shape_cast %get3A_515 : vector<1x16xf32> to vector<16xf32>
        %add3A_517 = arith.addf %get3A_511, %get3A_516 : vector<16xf32>
        %swap3A_518 = arith.constant 4 : i32
        %swap3A_519 = arith.index_cast %swap3A_518 : i32 to index
        %swap3A_520 = arith.index_cast %mul3A_440 : i32 to index
        %swap3A_521 = tpu.vector_load %arg8[%swap3A_519, %swap3A_520] {strides = array<i32>} : memref<16x1024xf32, #tpu.memory_space<vmem>>, vector<1x16xf32>,
        %swap3A_522 = vector.shape_cast %swap3A_521 : vector<1x16xf32> to vector<16xf32>
        %swap3A_523 = vector.shape_cast %add3A_517 : vector<16xf32> to vector<1x16xf32>
        tpu.vector_store %arg8[%swap3A_519, %swap3A_520], %swap3A_523 {strides = array<i32>} : memref<16x1024xf32, #tpu.memory_space<vmem>>, vector<1x16xf32>,
        %get3A_524 = arith.constant 5 : i32
        %get3A_525 = arith.index_cast %get3A_524 : i32 to index
        %get3A_526 = arith.index_cast %mul3A_440 : i32 to index
        %get3A_527 = tpu.vector_load %arg8[%get3A_525, %get3A_526] {strides = array<i32>} : memref<16x1024xf32, #tpu.memory_space<vmem>>, vector<1x16xf32>,
        %get3A_528 = vector.shape_cast %get3A_527 : vector<1x16xf32> to vector<16xf32>
        %get3A_529 = arith.constant 5 : i32
        %get3A_530 = arith.index_cast %get3A_529 : i32 to index
        %get3A_531 = arith.index_cast %mul3A_440 : i32 to index
        %get3A_532 = tpu.vector_load %arg9[%get3A_530, %get3A_531] {strides = array<i32>} : memref<16x1024xf32, #tpu.memory_space<vmem>>, vector<1x16xf32>,
        %get3A_533 = vector.shape_cast %get3A_532 : vector<1x16xf32> to vector<16xf32>
        %add3A_534 = arith.addf %get3A_528, %get3A_533 : vector<16xf32>
        %swap3A_535 = arith.constant 5 : i32
        %swap3A_536 = arith.index_cast %swap3A_535 : i32 to index
        %swap3A_537 = arith.index_cast %mul3A_440 : i32 to index
        %swap3A_538 = tpu.vector_load %arg8[%swap3A_536, %swap3A_537] {strides = array<i32>} : memref<16x1024xf32, #tpu.memory_space<vmem>>, vector<1x16xf32>,
        %swap3A_539 = vector.shape_cast %swap3A_538 : vector<1x16xf32> to vector<16xf32>
        %swap3A_540 = vector.shape_cast %add3A_534 : vector<16xf32> to vector<1x16xf32>
        tpu.vector_store %arg8[%swap3A_536, %swap3A_537], %swap3A_540 {strides = array<i32>} : memref<16x1024xf32, #tpu.memory_space<vmem>>, vector<1x16xf32>,
        %get3A_541 = arith.constant 6 : i32
        %get3A_542 = arith.index_cast %get3A_541 : i32 to index
        %get3A_543 = arith.index_cast %mul3A_440 : i32 to index
        %get3A_544 = tpu.vector_load %arg8[%get3A_542, %get3A_543] {strides = array<i32>} : memref<16x1024xf32, #tpu.memory_space<vmem>>, vector<1x16xf32>,
        %get3A_545 = vector.shape_cast %get3A_544 : vector<1x16xf32> to vector<16xf32>
        %get3A_546 = arith.constant 6 : i32
        %get3A_547 = arith.index_cast %get3A_546 : i32 to index
        %get3A_548 = arith.index_cast %mul3A_440 : i32 to index
        %get3A_549 = tpu.vector_load %arg9[%get3A_547, %get3A_548] {strides = array<i32>} : memref<16x1024xf32, #tpu.memory_space<vmem>>, vector<1x16xf32>,
        %get3A_550 = vector.shape_cast %get3A_549 : vector<1x16xf32> to vector<16xf32>
        %add3A_551 = arith.addf %get3A_545, %get3A_550 : vector<16xf32>
        %swap3A_552 = arith.constant 6 : i32
        %swap3A_553 = arith.index_cast %swap3A_552 : i32 to index
        %swap3A_554 = arith.index_cast %mul3A_440 : i32 to index
        %swap3A_555 = tpu.vector_load %arg8[%swap3A_553, %swap3A_554] {strides = array<i32>} : memref<16x1024xf32, #tpu.memory_space<vmem>>, vector<1x16xf32>,
        %swap3A_556 = vector.shape_cast %swap3A_555 : vector<1x16xf32> to vector<16xf32>
        %swap3A_557 = vector.shape_cast %add3A_551 : vector<16xf32> to vector<1x16xf32>
        tpu.vector_store %arg8[%swap3A_553, %swap3A_554], %swap3A_557 {strides = array<i32>} : memref<16x1024xf32, #tpu.memory_space<vmem>>, vector<1x16xf32>,
        %get3A_558 = arith.constant 7 : i32
        %get3A_559 = arith.index_cast %get3A_558 : i32 to index
        %get3A_560 = arith.index_cast %mul3A_440 : i32 to index
        %get3A_561 = tpu.vector_load %arg8[%get3A_559, %get3A_560] {strides = array<i32>} : memref<16x1024xf32, #tpu.memory_space<vmem>>, vector<1x16xf32>,
        %get3A_562 = vector.shape_cast %get3A_561 : vector<1x16xf32> to vector<16xf32>
        %get3A_563 = arith.constant 7 : i32
        %get3A_564 = arith.index_cast %get3A_563 : i32 to index
        %get3A_565 = arith.index_cast %mul3A_440 : i32 to index
        %get3A_566 = tpu.vector_load %arg9[%get3A_564, %get3A_565] {strides = array<i32>} : memref<16x1024xf32, #tpu.memory_space<vmem>>, vector<1x16xf32>,
        %get3A_567 = vector.shape_cast %get3A_566 : vector<1x16xf32> to vector<16xf32>
        %add3A_568 = arith.addf %get3A_562, %get3A_567 : vector<16xf32>
        %swap3A_569 = arith.constant 7 : i32
        %swap3A_570 = arith.index_cast %swap3A_569 : i32 to index
        %swap3A_571 = arith.index_cast %mul3A_440 : i32 to index
        %swap3A_572 = tpu.vector_load %arg8[%swap3A_570, %swap3A_571] {strides = array<i32>} : memref<16x1024xf32, #tpu.memory_space<vmem>>, vector<1x16xf32>,
        %swap3A_573 = vector.shape_cast %swap3A_572 : vector<1x16xf32> to vector<16xf32>
        %swap3A_574 = vector.shape_cast %add3A_568 : vector<16xf32> to vector<1x16xf32>
        tpu.vector_store %arg8[%swap3A_570, %swap3A_571], %swap3A_574 {strides = array<i32>} : memref<16x1024xf32, #tpu.memory_space<vmem>>, vector<1x16xf32>,
        %get3A_575 = arith.constant 8 : i32
        %get3A_576 = arith.index_cast %get3A_575 : i32 to index
        %get3A_577 = arith.index_cast %mul3A_440 : i32 to index
        %get3A_578 = tpu.vector_load %arg8[%get3A_576, %get3A_577] {strides = array<i32>} : memref<16x1024xf32, #tpu.memory_space<vmem>>, vector<1x16xf32>,
        %get3A_579 = vector.shape_cast %get3A_578 : vector<1x16xf32> to vector<16xf32>
        %get3A_580 = arith.constant 8 : i32
        %get3A_581 = arith.index_cast %get3A_580 : i32 to index
        %get3A_582 = arith.index_cast %mul3A_440 : i32 to index
        %get3A_583 = tpu.vector_load %arg9[%get3A_581, %get3A_582] {strides = array<i32>} : memref<16x1024xf32, #tpu.memory_space<vmem>>, vector<1x16xf32>,
        %get3A_584 = vector.shape_cast %get3A_583 : vector<1x16xf32> to vector<16xf32>
        %add3A_585 = arith.addf %get3A_579, %get3A_584 : vector<16xf32>
        %swap3A_586 = arith.constant 8 : i32
        %swap3A_587 = arith.index_cast %swap3A_586 : i32 to index
        %swap3A_588 = arith.index_cast %mul3A_440 : i32 to index
        %swap3A_589 = tpu.vector_load %arg8[%swap3A_587, %swap3A_588] {strides = array<i32>} : memref<16x1024xf32, #tpu.memory_space<vmem>>, vector<1x16xf32>,
        %swap3A_590 = vector.shape_cast %swap3A_589 : vector<1x16xf32> to vector<16xf32>
        %swap3A_591 = vector.shape_cast %add3A_585 : vector<16xf32> to vector<1x16xf32>
        tpu.vector_store %arg8[%swap3A_587, %swap3A_588], %swap3A_591 {strides = array<i32>} : memref<16x1024xf32, #tpu.memory_space<vmem>>, vector<1x16xf32>,
        %get3A_592 = arith.constant 9 : i32
        %get3A_593 = arith.index_cast %get3A_592 : i32 to index
        %get3A_594 = arith.index_cast %mul3A_440 : i32 to index
        %get3A_595 = tpu.vector_load %arg8[%get3A_593, %get3A_594] {strides = array<i32>} : memref<16x1024xf32, #tpu.memory_space<vmem>>, vector<1x16xf32>,
        %get3A_596 = vector.shape_cast %get3A_595 : vector<1x16xf32> to vector<16xf32>
        %get3A_597 = arith.constant 9 : i32
        %get3A_598 = arith.index_cast %get3A_597 : i32 to index
        %get3A_599 = arith.index_cast %mul3A_440 : i32 to index
        %get3A_600 = tpu.vector_load %arg9[%get3A_598, %get3A_599] {strides = array<i32>} : memref<16x1024xf32, #tpu.memory_space<vmem>>, vector<1x16xf32>,
        %get3A_601 = vector.shape_cast %get3A_600 : vector<1x16xf32> to vector<16xf32>
        %add3A_602 = arith.addf %get3A_596, %get3A_601 : vector<16xf32>
        %swap3A_603 = arith.constant 9 : i32
        %swap3A_604 = arith.index_cast %swap3A_603 : i32 to index
        %swap3A_605 = arith.index_cast %mul3A_440 : i32 to index
        %swap3A_606 = tpu.vector_load %arg8[%swap3A_604, %swap3A_605] {strides = array<i32>} : memref<16x1024xf32, #tpu.memory_space<vmem>>, vector<1x16xf32>,
        %swap3A_607 = vector.shape_cast %swap3A_606 : vector<1x16xf32> to vector<16xf32>
        %swap3A_608 = vector.shape_cast %add3A_602 : vector<16xf32> to vector<1x16xf32>
        tpu.vector_store %arg8[%swap3A_604, %swap3A_605], %swap3A_608 {strides = array<i32>} : memref<16x1024xf32, #tpu.memory_space<vmem>>, vector<1x16xf32>,
        %get3A_609 = arith.constant 10 : i32
        %get3A_610 = arith.index_cast %get3A_609 : i32 to index
        %get3A_611 = arith.index_cast %mul3A_440 : i32 to index
        %get3A_612 = tpu.vector_load %arg8[%get3A_610, %get3A_611] {strides = array<i32>} : memref<16x1024xf32, #tpu.memory_space<vmem>>, vector<1x16xf32>,
        %get3A_613 = vector.shape_cast %get3A_612 : vector<1x16xf32> to vector<16xf32>
        %get3A_614 = arith.constant 10 : i32
        %get3A_615 = arith.index_cast %get3A_614 : i32 to index
        %get3A_616 = arith.index_cast %mul3A_440 : i32 to index
        %get3A_617 = tpu.vector_load %arg9[%get3A_615, %get3A_616] {strides = array<i32>} : memref<16x1024xf32, #tpu.memory_space<vmem>>, vector<1x16xf32>,
        %get3A_618 = vector.shape_cast %get3A_617 : vector<1x16xf32> to vector<16xf32>
        %add3A_619 = arith.addf %get3A_613, %get3A_618 : vector<16xf32>
        %swap3A_620 = arith.constant 10 : i32
        %swap3A_621 = arith.index_cast %swap3A_620 : i32 to index
        %swap3A_622 = arith.index_cast %mul3A_440 : i32 to index
        %swap3A_623 = tpu.vector_load %arg8[%swap3A_621, %swap3A_622] {strides = array<i32>} : memref<16x1024xf32, #tpu.memory_space<vmem>>, vector<1x16xf32>,
        %swap3A_624 = vector.shape_cast %swap3A_623 : vector<1x16xf32> to vector<16xf32>
        %swap3A_625 = vector.shape_cast %add3A_619 : vector<16xf32> to vector<1x16xf32>
        tpu.vector_store %arg8[%swap3A_621, %swap3A_622], %swap3A_625 {strides = array<i32>} : memref<16x1024xf32, #tpu.memory_space<vmem>>, vector<1x16xf32>,
        %get3A_626 = arith.constant 11 : i32
        %get3A_627 = arith.index_cast %get3A_626 : i32 to index
        %get3A_628 = arith.index_cast %mul3A_440 : i32 to index
        %get3A_629 = tpu.vector_load %arg8[%get3A_627, %get3A_628] {strides = array<i32>} : memref<16x1024xf32, #tpu.memory_space<vmem>>, vector<1x16xf32>,
        %get3A_630 = vector.shape_cast %get3A_629 : vector<1x16xf32> to vector<16xf32>
        %get3A_631 = arith.constant 11 : i32
        %get3A_632 = arith.index_cast %get3A_631 : i32 to index
        %get3A_633 = arith.index_cast %mul3A_440 : i32 to index
        %get3A_634 = tpu.vector_load %arg9[%get3A_632, %get3A_633] {strides = array<i32>} : memref<16x1024xf32, #tpu.memory_space<vmem>>, vector<1x16xf32>,
        %get3A_635 = vector.shape_cast %get3A_634 : vector<1x16xf32> to vector<16xf32>
        %add3A_636 = arith.addf %get3A_630, %get3A_635 : vector<16xf32>
        %swap3A_637 = arith.constant 11 : i32
        %swap3A_638 = arith.index_cast %swap3A_637 : i32 to index
        %swap3A_639 = arith.index_cast %mul3A_440 : i32 to index
        %swap3A_640 = tpu.vector_load %arg8[%swap3A_638, %swap3A_639] {strides = array<i32>} : memref<16x1024xf32, #tpu.memory_space<vmem>>, vector<1x16xf32>,
        %swap3A_641 = vector.shape_cast %swap3A_640 : vector<1x16xf32> to vector<16xf32>
        %swap3A_642 = vector.shape_cast %add3A_636 : vector<16xf32> to vector<1x16xf32>
        tpu.vector_store %arg8[%swap3A_638, %swap3A_639], %swap3A_642 {strides = array<i32>} : memref<16x1024xf32, #tpu.memory_space<vmem>>, vector<1x16xf32>,
        %get3A_643 = arith.constant 12 : i32
        %get3A_644 = arith.index_cast %get3A_643 : i32 to index
        %get3A_645 = arith.index_cast %mul3A_440 : i32 to index
        %get3A_646 = tpu.vector_load %arg8[%get3A_644, %get3A_645] {strides = array<i32>} : memref<16x1024xf32, #tpu.memory_space<vmem>>, vector<1x16xf32>,
        %get3A_647 = vector.shape_cast %get3A_646 : vector<1x16xf32> to vector<16xf32>
        %get3A_648 = arith.constant 12 : i32
        %get3A_649 = arith.index_cast %get3A_648 : i32 to index
        %get3A_650 = arith.index_cast %mul3A_440 : i32 to index
        %get3A_651 = tpu.vector_load %arg9[%get3A_649, %get3A_650] {strides = array<i32>} : memref<16x1024xf32, #tpu.memory_space<vmem>>, vector<1x16xf32>,
        %get3A_652 = vector.shape_cast %get3A_651 : vector<1x16xf32> to vector<16xf32>
        %add3A_653 = arith.addf %get3A_647, %get3A_652 : vector<16xf32>
        %swap3A_654 = arith.constant 12 : i32
        %swap3A_655 = arith.index_cast %swap3A_654 : i32 to index
        %swap3A_656 = arith.index_cast %mul3A_440 : i32 to index
        %swap3A_657 = tpu.vector_load %arg8[%swap3A_655, %swap3A_656] {strides = array<i32>} : memref<16x1024xf32, #tpu.memory_space<vmem>>, vector<1x16xf32>,
        %swap3A_658 = vector.shape_cast %swap3A_657 : vector<1x16xf32> to vector<16xf32>
        %swap3A_659 = vector.shape_cast %add3A_653 : vector<16xf32> to vector<1x16xf32>
        tpu.vector_store %arg8[%swap3A_655, %swap3A_656], %swap3A_659 {strides = array<i32>} : memref<16x1024xf32, #tpu.memory_space<vmem>>, vector<1x16xf32>,
        %get3A_660 = arith.constant 13 : i32
        %get3A_661 = arith.index_cast %get3A_660 : i32 to index
        %get3A_662 = arith.index_cast %mul3A_440 : i32 to index
        %get3A_663 = tpu.vector_load %arg8[%get3A_661, %get3A_662] {strides = array<i32>} : memref<16x1024xf32, #tpu.memory_space<vmem>>, vector<1x16xf32>,
        %get3A_664 = vector.shape_cast %get3A_663 : vector<1x16xf32> to vector<16xf32>
        %get3A_665 = arith.constant 13 : i32
        %get3A_666 = arith.index_cast %get3A_665 : i32 to index
        %get3A_667 = arith.index_cast %mul3A_440 : i32 to index
        %get3A_668 = tpu.vector_load %arg9[%get3A_666, %get3A_667] {strides = array<i32>} : memref<16x1024xf32, #tpu.memory_space<vmem>>, vector<1x16xf32>,
        %get3A_669 = vector.shape_cast %get3A_668 : vector<1x16xf32> to vector<16xf32>
        %add3A_670 = arith.addf %get3A_664, %get3A_669 : vector<16xf32>
        %swap3A_671 = arith.constant 13 : i32
        %swap3A_672 = arith.index_cast %swap3A_671 : i32 to index
        %swap3A_673 = arith.index_cast %mul3A_440 : i32 to index
        %swap3A_674 = tpu.vector_load %arg8[%swap3A_672, %swap3A_673] {strides = array<i32>} : memref<16x1024xf32, #tpu.memory_space<vmem>>, vector<1x16xf32>,
        %swap3A_675 = vector.shape_cast %swap3A_674 : vector<1x16xf32> to vector<16xf32>
        %swap3A_676 = vector.shape_cast %add3A_670 : vector<16xf32> to vector<1x16xf32>
        tpu.vector_store %arg8[%swap3A_672, %swap3A_673], %swap3A_676 {strides = array<i32>} : memref<16x1024xf32, #tpu.memory_space<vmem>>, vector<1x16xf32>,
        %get3A_677 = arith.constant 14 : i32
        %get3A_678 = arith.index_cast %get3A_677 : i32 to index
        %get3A_679 = arith.index_cast %mul3A_440 : i32 to index
        %get3A_680 = tpu.vector_load %arg8[%get3A_678, %get3A_679] {strides = array<i32>} : memref<16x1024xf32, #tpu.memory_space<vmem>>, vector<1x16xf32>,
        %get3A_681 = vector.shape_cast %get3A_680 : vector<1x16xf32> to vector<16xf32>
        %get3A_682 = arith.constant 14 : i32
        %get3A_683 = arith.index_cast %get3A_682 : i32 to index
        %get3A_684 = arith.index_cast %mul3A_440 : i32 to index
        %get3A_685 = tpu.vector_load %arg9[%get3A_683, %get3A_684] {strides = array<i32>} : memref<16x1024xf32, #tpu.memory_space<vmem>>, vector<1x16xf32>,
        %get3A_686 = vector.shape_cast %get3A_685 : vector<1x16xf32> to vector<16xf32>
        %add3A_687 = arith.addf %get3A_681, %get3A_686 : vector<16xf32>
        %swap3A_688 = arith.constant 14 : i32
        %swap3A_689 = arith.index_cast %swap3A_688 : i32 to index
        %swap3A_690 = arith.index_cast %mul3A_440 : i32 to index
        %swap3A_691 = tpu.vector_load %arg8[%swap3A_689, %swap3A_690] {strides = array<i32>} : memref<16x1024xf32, #tpu.memory_space<vmem>>, vector<1x16xf32>,
        %swap3A_692 = vector.shape_cast %swap3A_691 : vector<1x16xf32> to vector<16xf32>
        %swap3A_693 = vector.shape_cast %add3A_687 : vector<16xf32> to vector<1x16xf32>
        tpu.vector_store %arg8[%swap3A_689, %swap3A_690], %swap3A_693 {strides = array<i32>} : memref<16x1024xf32, #tpu.memory_space<vmem>>, vector<1x16xf32>,
        %get3A_694 = arith.constant 15 : i32
        %get3A_695 = arith.index_cast %get3A_694 : i32 to index
        %get3A_696 = arith.index_cast %mul3A_440 : i32 to index
        %get3A_697 = tpu.vector_load %arg8[%get3A_695, %get3A_696] {strides = array<i32>} : memref<16x1024xf32, #tpu.memory_space<vmem>>, vector<1x16xf32>,
        %get3A_698 = vector.shape_cast %get3A_697 : vector<1x16xf32> to vector<16xf32>
        %get3A_699 = arith.constant 15 : i32
        %get3A_700 = arith.index_cast %get3A_699 : i32 to index
        %get3A_701 = arith.index_cast %mul3A_440 : i32 to index
        %get3A_702 = tpu.vector_load %arg9[%get3A_700, %get3A_701] {strides = array<i32>} : memref<16x1024xf32, #tpu.memory_space<vmem>>, vector<1x16xf32>,
        %get3A_703 = vector.shape_cast %get3A_702 : vector<1x16xf32> to vector<16xf32>
        %add3A_704 = arith.addf %get3A_698, %get3A_703 : vector<16xf32>
        %swap3A_705 = arith.constant 15 : i32
        %swap3A_706 = arith.index_cast %swap3A_705 : i32 to index
        %swap3A_707 = arith.index_cast %mul3A_440 : i32 to index
        %swap3A_708 = tpu.vector_load %arg8[%swap3A_706, %swap3A_707] {strides = array<i32>} : memref<16x1024xf32, #tpu.memory_space<vmem>>, vector<1x16xf32>,
        %swap3A_709 = vector.shape_cast %swap3A_708 : vector<1x16xf32> to vector<16xf32>
        %swap3A_710 = vector.shape_cast %add3A_704 : vector<16xf32> to vector<1x16xf32>
        tpu.vector_store %arg8[%swap3A_706, %swap3A_707], %swap3A_710 {strides = array<i32>} : memref<16x1024xf32, #tpu.memory_space<vmem>>, vector<1x16xf32>,
      }
      %scan3A_230 = arith.constant 64 : i32
      %add3A_231 = arith.constant 24576 : i32
      %add3A_232 = arith.addi %add3A_231, %mul3A_2 : i32
      %mul3A_233 = arith.constant 16 : i32
      %mul3A_234 = arith.muli %add3A_195, %mul3A_233 : i32
      %add3A_235 = arith.addi %add3A_232, %mul3A_234 : i32
      %dma_start3A_236 = arith.constant 0 : i32
      %dma_start3A_237 = tpu.memref_slice %arg4[%add3A_235, %dma_start3A_236] : memref<32768x1024xf32, #tpu.memory_space<hbm>> -> memref<16x1024xf32, #tpu.memory_space<hbm>>
      %dma_start3A_238 = arith.constant 0 : i32
      %dma_start3A_239 = tpu.memref_slice %arg4[%add3A_235, %dma_start3A_238] : memref<32768x1024xf32, #tpu.memory_space<hbm>> -> memref<16x1024xf32, #tpu.memory_space<hbm>>
      tpu.enqueue_dma source(%arg8 : memref<16x1024xf32, #tpu.memory_space<vmem>>) target(%dma_start3A_239 : memref<16x1024xf32, #tpu.memory_space<hbm>>) target_semaphore(%arg20 : memref<!tpu.dma_semaphore, #tpu.memory_space<semaphore_mem>>)
      %add3A_240 = arith.constant 1 : i32
      %add3A_241 = arith.addi %mul3A_46, %add3A_240 : i32
      %mul3A_242 = arith.constant 8 : i32
      %mul3A_243 = arith.muli %scan3A_44, %mul3A_242 : i32
      %add3A_244 = arith.constant 4 : i32
      %add3A_245 = arith.addi %mul3A_243, %add3A_244 : i32
      %add3A_246 = arith.constant 1 : i32
      %add3A_247 = arith.addi %mul3A_46, %add3A_246 : i32
      %gt3A_248 = arith.constant 0 : i32
      %gt3A_249 = arith.cmpi sgt, %scan3A_44, %gt3A_248 : i32
      %or3A_250 = arith.constant true
      %or3A_251 = arith.ori %gt3A_249, %or3A_250 : i1
      %convert_element_type3A_252 = arith.extui %or3A_251 : i1 to i32
      %cond3A_253 = arith.constant 0 : i32
      %cond3A_254 = arith.cmpi ne, %convert_element_type3A_252, %cond3A_253 : i32
      scf.if %cond3A_254 {
        %add3A_438 = arith.constant 0 : i32
        %add3A_439 = arith.addi %add3A_438, %mul3A_2 : i32
        %add3A_440 = arith.constant 0 : i32
        %add3A_441 = arith.addi %add3A_439, %add3A_440 : i32
        %dma_wait3A_442 = arith.constant 0 : i32
        %dma_wait3A_443 = tpu.memref_slice %arg4[%add3A_441, %dma_wait3A_442] : memref<32768x1024xf32, #tpu.memory_space<hbm>> -> memref<16x1024xf32, #tpu.memory_space<hbm>>
        %dma_wait3A_444 = arith.constant 0 : i32
        %dma_wait3A_445 = tpu.memref_slice %arg4[%add3A_441, %dma_wait3A_444] : memref<32768x1024xf32, #tpu.memory_space<hbm>> -> memref<16x1024xf32, #tpu.memory_space<hbm>>
        tpu.wait_dma2 semaphore(%arg19 : memref<!tpu.dma_semaphore, #tpu.memory_space<semaphore_mem>>) src(%arg7 : memref<16x1024xf32, #tpu.memory_space<vmem>>) dst(%dma_wait3A_445 : memref<16x1024xf32, #tpu.memory_space<hbm>>)
      } else {
      }
      %add3A_255 = arith.constant 2 : i32
      %add3A_256 = arith.addi %add3A_245, %add3A_255 : i32
      %lt3A_257 = arith.constant 64 : i32
      %lt3A_258 = arith.cmpi slt, %add3A_256, %lt3A_257 : i32
      %convert_element_type3A_259 = arith.extui %lt3A_258 : i1 to i32
      %cond3A_260 = arith.constant 0 : i32
      %cond3A_261 = arith.cmpi ne, %convert_element_type3A_259, %cond3A_260 : i32
      scf.if %cond3A_261 {
        %add3A_438 = arith.constant 16384 : i32
        %add3A_439 = arith.addi %add3A_438, %mul3A_2 : i32
        %mul3A_440 = arith.constant 16 : i32
        %mul3A_441 = arith.muli %add3A_247, %mul3A_440 : i32
        %add3A_442 = arith.addi %add3A_439, %mul3A_441 : i32
        %dma_start3A_443 = arith.constant 0 : i32
        %dma_start3A_444 = tpu.memref_slice %arg2[%add3A_442, %dma_start3A_443] : memref<32768x1024xf32, #tpu.memory_space<hbm>> -> memref<16x1024xf32, #tpu.memory_space<hbm>>
        %dma_start3A_445 = arith.constant 0 : i32
        %dma_start3A_446 = tpu.memref_slice %arg2[%add3A_442, %dma_start3A_445] : memref<32768x1024xf32, #tpu.memory_space<hbm>> -> memref<16x1024xf32, #tpu.memory_space<hbm>>
        tpu.enqueue_dma source(%dma_start3A_446 : memref<16x1024xf32, #tpu.memory_space<hbm>>) target(%arg7 : memref<16x1024xf32, #tpu.memory_space<vmem>>) target_semaphore(%arg13 : memref<!tpu.dma_semaphore, #tpu.memory_space<semaphore_mem>>)
      } else {
      }
      %add3A_262 = arith.constant 1 : i32
      %add3A_263 = arith.addi %add3A_241, %add3A_262 : i32
      %lt3A_264 = arith.constant 16 : i32
      %lt3A_265 = arith.cmpi slt, %add3A_263, %lt3A_264 : i32
      %convert_element_type3A_266 = arith.extui %lt3A_265 : i1 to i32
      %cond3A_267 = arith.constant 0 : i32
      %cond3A_268 = arith.cmpi ne, %convert_element_type3A_266, %cond3A_267 : i32
      scf.if %cond3A_268 {
        %add3A_438 = arith.constant 1 : i32
        %add3A_439 = arith.addi %add3A_241, %add3A_438 : i32
        %mul3A_440 = arith.constant 16 : i32
        %mul3A_441 = arith.muli %add3A_439, %mul3A_440 : i32
        %add3A_442 = arith.addi %mul3A_2, %mul3A_441 : i32
        %dma_start3A_443 = arith.constant 0 : i32
        %dma_start3A_444 = tpu.memref_slice %arg3[%add3A_442, %dma_start3A_443] : memref<8192x1024xf32, #tpu.memory_space<hbm>> -> memref<16x1024xf32, #tpu.memory_space<hbm>>
        %dma_start3A_445 = arith.constant 0 : i32
        %dma_start3A_446 = tpu.memref_slice %arg3[%add3A_442, %dma_start3A_445] : memref<8192x1024xf32, #tpu.memory_space<hbm>> -> memref<16x1024xf32, #tpu.memory_space<hbm>>
        tpu.enqueue_dma source(%dma_start3A_446 : memref<16x1024xf32, #tpu.memory_space<hbm>>) target(%arg9 : memref<16x1024xf32, #tpu.memory_space<vmem>>) target_semaphore(%arg15 : memref<!tpu.dma_semaphore, #tpu.memory_space<semaphore_mem>>)
      } else {
      }
      %add3A_269 = arith.constant 0 : i32
      %add3A_270 = arith.addi %add3A_269, %mul3A_2 : i32
      %mul3A_271 = arith.constant 16 : i32
      %mul3A_272 = arith.muli %add3A_241, %mul3A_271 : i32
      %add3A_273 = arith.addi %add3A_270, %mul3A_272 : i32
      %dma_wait3A_274 = arith.constant 0 : i32
      %dma_wait3A_275 = tpu.memref_slice %arg2[%add3A_273, %dma_wait3A_274] : memref<32768x1024xf32, #tpu.memory_space<hbm>> -> memref<16x1024xf32, #tpu.memory_space<hbm>>
      %dma_wait3A_276 = arith.constant 0 : i32
      %dma_wait3A_277 = tpu.memref_slice %arg2[%add3A_273, %dma_wait3A_276] : memref<32768x1024xf32, #tpu.memory_space<hbm>> -> memref<16x1024xf32, #tpu.memory_space<hbm>>
      tpu.wait_dma2 semaphore(%arg11 : memref<!tpu.dma_semaphore, #tpu.memory_space<semaphore_mem>>) src(%dma_wait3A_277 : memref<16x1024xf32, #tpu.memory_space<hbm>>) dst(%arg5 : memref<16x1024xf32, #tpu.memory_space<vmem>>)
      %mul3A_278 = arith.constant 16 : i32
      %mul3A_279 = arith.muli %add3A_241, %mul3A_278 : i32
      %add3A_280 = arith.addi %mul3A_2, %mul3A_279 : i32
      %dma_wait3A_281 = arith.constant 0 : i32
      %dma_wait3A_282 = tpu.memref_slice %arg3[%add3A_280, %dma_wait3A_281] : memref<8192x1024xf32, #tpu.memory_space<hbm>> -> memref<16x1024xf32, #tpu.memory_space<hbm>>
      %dma_wait3A_283 = arith.constant 0 : i32
      %dma_wait3A_284 = tpu.memref_slice %arg3[%add3A_280, %dma_wait3A_283] : memref<8192x1024xf32, #tpu.memory_space<hbm>> -> memref<16x1024xf32, #tpu.memory_space<hbm>>
      tpu.wait_dma2 semaphore(%arg16 : memref<!tpu.dma_semaphore, #tpu.memory_space<semaphore_mem>>) src(%dma_wait3A_284 : memref<16x1024xf32, #tpu.memory_space<hbm>>) dst(%arg10 : memref<16x1024xf32, #tpu.memory_space<vmem>>)
      %scan3A_285 = arith.constant 0 : i32
      %scan3A_286 = arith.constant 0 : i32
      %scan3A_287 = arith.constant 64 : i32
      %scan3A_288 = arith.addi %scan3A_286, %scan3A_287 : i32
      %scan3A_289 = arith.constant 1 : i32
      scf.for %scan3A_438 = %scan3A_286 to %scan3A_288 step %scan3A_289  : i32 {
        %mul3A_439 = arith.constant 16 : i32
        %mul3A_440 = arith.muli %scan3A_438, %mul3A_439 : i32
        %get3A = arith.constant 0 : i32
        %get3A_441 = arith.index_cast %get3A : i32 to index
        %get3A_442 = arith.index_cast %mul3A_440 : i32 to index
        %get3A_443 = tpu.vector_load %arg5[%get3A_441, %get3A_442] {strides = array<i32>} : memref<16x1024xf32, #tpu.memory_space<vmem>>, vector<1x16xf32>,
        %get3A_444 = vector.shape_cast %get3A_443 : vector<1x16xf32> to vector<16xf32>
        %get3A_445 = arith.constant 0 : i32
        %get3A_446 = arith.index_cast %get3A_445 : i32 to index
        %get3A_447 = arith.index_cast %mul3A_440 : i32 to index
        %get3A_448 = tpu.vector_load %arg10[%get3A_446, %get3A_447] {strides = array<i32>} : memref<16x1024xf32, #tpu.memory_space<vmem>>, vector<1x16xf32>,
        %get3A_449 = vector.shape_cast %get3A_448 : vector<1x16xf32> to vector<16xf32>
        %add3A_450 = arith.addf %get3A_444, %get3A_449 : vector<16xf32>
        %swap3A = arith.constant 0 : i32
        %swap3A_451 = arith.index_cast %swap3A : i32 to index
        %swap3A_452 = arith.index_cast %mul3A_440 : i32 to index
        %swap3A_453 = tpu.vector_load %arg5[%swap3A_451, %swap3A_452] {strides = array<i32>} : memref<16x1024xf32, #tpu.memory_space<vmem>>, vector<1x16xf32>,
        %swap3A_454 = vector.shape_cast %swap3A_453 : vector<1x16xf32> to vector<16xf32>
        %swap3A_455 = vector.shape_cast %add3A_450 : vector<16xf32> to vector<1x16xf32>
        tpu.vector_store %arg5[%swap3A_451, %swap3A_452], %swap3A_455 {strides = array<i32>} : memref<16x1024xf32, #tpu.memory_space<vmem>>, vector<1x16xf32>,
        %get3A_456 = arith.constant 1 : i32
        %get3A_457 = arith.index_cast %get3A_456 : i32 to index
        %get3A_458 = arith.index_cast %mul3A_440 : i32 to index
        %get3A_459 = tpu.vector_load %arg5[%get3A_457, %get3A_458] {strides = array<i32>} : memref<16x1024xf32, #tpu.memory_space<vmem>>, vector<1x16xf32>,
        %get3A_460 = vector.shape_cast %get3A_459 : vector<1x16xf32> to vector<16xf32>
        %get3A_461 = arith.constant 1 : i32
        %get3A_462 = arith.index_cast %get3A_461 : i32 to index
        %get3A_463 = arith.index_cast %mul3A_440 : i32 to index
        %get3A_464 = tpu.vector_load %arg10[%get3A_462, %get3A_463] {strides = array<i32>} : memref<16x1024xf32, #tpu.memory_space<vmem>>, vector<1x16xf32>,
        %get3A_465 = vector.shape_cast %get3A_464 : vector<1x16xf32> to vector<16xf32>
        %add3A_466 = arith.addf %get3A_460, %get3A_465 : vector<16xf32>
        %swap3A_467 = arith.constant 1 : i32
        %swap3A_468 = arith.index_cast %swap3A_467 : i32 to index
        %swap3A_469 = arith.index_cast %mul3A_440 : i32 to index
        %swap3A_470 = tpu.vector_load %arg5[%swap3A_468, %swap3A_469] {strides = array<i32>} : memref<16x1024xf32, #tpu.memory_space<vmem>>, vector<1x16xf32>,
        %swap3A_471 = vector.shape_cast %swap3A_470 : vector<1x16xf32> to vector<16xf32>
        %swap3A_472 = vector.shape_cast %add3A_466 : vector<16xf32> to vector<1x16xf32>
        tpu.vector_store %arg5[%swap3A_468, %swap3A_469], %swap3A_472 {strides = array<i32>} : memref<16x1024xf32, #tpu.memory_space<vmem>>, vector<1x16xf32>,
        %get3A_473 = arith.constant 2 : i32
        %get3A_474 = arith.index_cast %get3A_473 : i32 to index
        %get3A_475 = arith.index_cast %mul3A_440 : i32 to index
        %get3A_476 = tpu.vector_load %arg5[%get3A_474, %get3A_475] {strides = array<i32>} : memref<16x1024xf32, #tpu.memory_space<vmem>>, vector<1x16xf32>,
        %get3A_477 = vector.shape_cast %get3A_476 : vector<1x16xf32> to vector<16xf32>
        %get3A_478 = arith.constant 2 : i32
        %get3A_479 = arith.index_cast %get3A_478 : i32 to index
        %get3A_480 = arith.index_cast %mul3A_440 : i32 to index
        %get3A_481 = tpu.vector_load %arg10[%get3A_479, %get3A_480] {strides = array<i32>} : memref<16x1024xf32, #tpu.memory_space<vmem>>, vector<1x16xf32>,
        %get3A_482 = vector.shape_cast %get3A_481 : vector<1x16xf32> to vector<16xf32>
        %add3A_483 = arith.addf %get3A_477, %get3A_482 : vector<16xf32>
        %swap3A_484 = arith.constant 2 : i32
        %swap3A_485 = arith.index_cast %swap3A_484 : i32 to index
        %swap3A_486 = arith.index_cast %mul3A_440 : i32 to index
        %swap3A_487 = tpu.vector_load %arg5[%swap3A_485, %swap3A_486] {strides = array<i32>} : memref<16x1024xf32, #tpu.memory_space<vmem>>, vector<1x16xf32>,
        %swap3A_488 = vector.shape_cast %swap3A_487 : vector<1x16xf32> to vector<16xf32>
        %swap3A_489 = vector.shape_cast %add3A_483 : vector<16xf32> to vector<1x16xf32>
        tpu.vector_store %arg5[%swap3A_485, %swap3A_486], %swap3A_489 {strides = array<i32>} : memref<16x1024xf32, #tpu.memory_space<vmem>>, vector<1x16xf32>,
        %get3A_490 = arith.constant 3 : i32
        %get3A_491 = arith.index_cast %get3A_490 : i32 to index
        %get3A_492 = arith.index_cast %mul3A_440 : i32 to index
        %get3A_493 = tpu.vector_load %arg5[%get3A_491, %get3A_492] {strides = array<i32>} : memref<16x1024xf32, #tpu.memory_space<vmem>>, vector<1x16xf32>,
        %get3A_494 = vector.shape_cast %get3A_493 : vector<1x16xf32> to vector<16xf32>
        %get3A_495 = arith.constant 3 : i32
        %get3A_496 = arith.index_cast %get3A_495 : i32 to index
        %get3A_497 = arith.index_cast %mul3A_440 : i32 to index
        %get3A_498 = tpu.vector_load %arg10[%get3A_496, %get3A_497] {strides = array<i32>} : memref<16x1024xf32, #tpu.memory_space<vmem>>, vector<1x16xf32>,
        %get3A_499 = vector.shape_cast %get3A_498 : vector<1x16xf32> to vector<16xf32>
        %add3A_500 = arith.addf %get3A_494, %get3A_499 : vector<16xf32>
        %swap3A_501 = arith.constant 3 : i32
        %swap3A_502 = arith.index_cast %swap3A_501 : i32 to index
        %swap3A_503 = arith.index_cast %mul3A_440 : i32 to index
        %swap3A_504 = tpu.vector_load %arg5[%swap3A_502, %swap3A_503] {strides = array<i32>} : memref<16x1024xf32, #tpu.memory_space<vmem>>, vector<1x16xf32>,
        %swap3A_505 = vector.shape_cast %swap3A_504 : vector<1x16xf32> to vector<16xf32>
        %swap3A_506 = vector.shape_cast %add3A_500 : vector<16xf32> to vector<1x16xf32>
        tpu.vector_store %arg5[%swap3A_502, %swap3A_503], %swap3A_506 {strides = array<i32>} : memref<16x1024xf32, #tpu.memory_space<vmem>>, vector<1x16xf32>,
        %get3A_507 = arith.constant 4 : i32
        %get3A_508 = arith.index_cast %get3A_507 : i32 to index
        %get3A_509 = arith.index_cast %mul3A_440 : i32 to index
        %get3A_510 = tpu.vector_load %arg5[%get3A_508, %get3A_509] {strides = array<i32>} : memref<16x1024xf32, #tpu.memory_space<vmem>>, vector<1x16xf32>,
        %get3A_511 = vector.shape_cast %get3A_510 : vector<1x16xf32> to vector<16xf32>
        %get3A_512 = arith.constant 4 : i32
        %get3A_513 = arith.index_cast %get3A_512 : i32 to index
        %get3A_514 = arith.index_cast %mul3A_440 : i32 to index
        %get3A_515 = tpu.vector_load %arg10[%get3A_513, %get3A_514] {strides = array<i32>} : memref<16x1024xf32, #tpu.memory_space<vmem>>, vector<1x16xf32>,
        %get3A_516 = vector.shape_cast %get3A_515 : vector<1x16xf32> to vector<16xf32>
        %add3A_517 = arith.addf %get3A_511, %get3A_516 : vector<16xf32>
        %swap3A_518 = arith.constant 4 : i32
        %swap3A_519 = arith.index_cast %swap3A_518 : i32 to index
        %swap3A_520 = arith.index_cast %mul3A_440 : i32 to index
        %swap3A_521 = tpu.vector_load %arg5[%swap3A_519, %swap3A_520] {strides = array<i32>} : memref<16x1024xf32, #tpu.memory_space<vmem>>, vector<1x16xf32>,
        %swap3A_522 = vector.shape_cast %swap3A_521 : vector<1x16xf32> to vector<16xf32>
        %swap3A_523 = vector.shape_cast %add3A_517 : vector<16xf32> to vector<1x16xf32>
        tpu.vector_store %arg5[%swap3A_519, %swap3A_520], %swap3A_523 {strides = array<i32>} : memref<16x1024xf32, #tpu.memory_space<vmem>>, vector<1x16xf32>,
        %get3A_524 = arith.constant 5 : i32
        %get3A_525 = arith.index_cast %get3A_524 : i32 to index
        %get3A_526 = arith.index_cast %mul3A_440 : i32 to index
        %get3A_527 = tpu.vector_load %arg5[%get3A_525, %get3A_526] {strides = array<i32>} : memref<16x1024xf32, #tpu.memory_space<vmem>>, vector<1x16xf32>,
        %get3A_528 = vector.shape_cast %get3A_527 : vector<1x16xf32> to vector<16xf32>
        %get3A_529 = arith.constant 5 : i32
        %get3A_530 = arith.index_cast %get3A_529 : i32 to index
        %get3A_531 = arith.index_cast %mul3A_440 : i32 to index
        %get3A_532 = tpu.vector_load %arg10[%get3A_530, %get3A_531] {strides = array<i32>} : memref<16x1024xf32, #tpu.memory_space<vmem>>, vector<1x16xf32>,
        %get3A_533 = vector.shape_cast %get3A_532 : vector<1x16xf32> to vector<16xf32>
        %add3A_534 = arith.addf %get3A_528, %get3A_533 : vector<16xf32>
        %swap3A_535 = arith.constant 5 : i32
        %swap3A_536 = arith.index_cast %swap3A_535 : i32 to index
        %swap3A_537 = arith.index_cast %mul3A_440 : i32 to index
        %swap3A_538 = tpu.vector_load %arg5[%swap3A_536, %swap3A_537] {strides = array<i32>} : memref<16x1024xf32, #tpu.memory_space<vmem>>, vector<1x16xf32>,
        %swap3A_539 = vector.shape_cast %swap3A_538 : vector<1x16xf32> to vector<16xf32>
        %swap3A_540 = vector.shape_cast %add3A_534 : vector<16xf32> to vector<1x16xf32>
        tpu.vector_store %arg5[%swap3A_536, %swap3A_537], %swap3A_540 {strides = array<i32>} : memref<16x1024xf32, #tpu.memory_space<vmem>>, vector<1x16xf32>,
        %get3A_541 = arith.constant 6 : i32
        %get3A_542 = arith.index_cast %get3A_541 : i32 to index
        %get3A_543 = arith.index_cast %mul3A_440 : i32 to index
        %get3A_544 = tpu.vector_load %arg5[%get3A_542, %get3A_543] {strides = array<i32>} : memref<16x1024xf32, #tpu.memory_space<vmem>>, vector<1x16xf32>,
        %get3A_545 = vector.shape_cast %get3A_544 : vector<1x16xf32> to vector<16xf32>
        %get3A_546 = arith.constant 6 : i32
        %get3A_547 = arith.index_cast %get3A_546 : i32 to index
        %get3A_548 = arith.index_cast %mul3A_440 : i32 to index
        %get3A_549 = tpu.vector_load %arg10[%get3A_547, %get3A_548] {strides = array<i32>} : memref<16x1024xf32, #tpu.memory_space<vmem>>, vector<1x16xf32>,
        %get3A_550 = vector.shape_cast %get3A_549 : vector<1x16xf32> to vector<16xf32>
        %add3A_551 = arith.addf %get3A_545, %get3A_550 : vector<16xf32>
        %swap3A_552 = arith.constant 6 : i32
        %swap3A_553 = arith.index_cast %swap3A_552 : i32 to index
        %swap3A_554 = arith.index_cast %mul3A_440 : i32 to index
        %swap3A_555 = tpu.vector_load %arg5[%swap3A_553, %swap3A_554] {strides = array<i32>} : memref<16x1024xf32, #tpu.memory_space<vmem>>, vector<1x16xf32>,
        %swap3A_556 = vector.shape_cast %swap3A_555 : vector<1x16xf32> to vector<16xf32>
        %swap3A_557 = vector.shape_cast %add3A_551 : vector<16xf32> to vector<1x16xf32>
        tpu.vector_store %arg5[%swap3A_553, %swap3A_554], %swap3A_557 {strides = array<i32>} : memref<16x1024xf32, #tpu.memory_space<vmem>>, vector<1x16xf32>,
        %get3A_558 = arith.constant 7 : i32
        %get3A_559 = arith.index_cast %get3A_558 : i32 to index
        %get3A_560 = arith.index_cast %mul3A_440 : i32 to index
        %get3A_561 = tpu.vector_load %arg5[%get3A_559, %get3A_560] {strides = array<i32>} : memref<16x1024xf32, #tpu.memory_space<vmem>>, vector<1x16xf32>,
        %get3A_562 = vector.shape_cast %get3A_561 : vector<1x16xf32> to vector<16xf32>
        %get3A_563 = arith.constant 7 : i32
        %get3A_564 = arith.index_cast %get3A_563 : i32 to index
        %get3A_565 = arith.index_cast %mul3A_440 : i32 to index
        %get3A_566 = tpu.vector_load %arg10[%get3A_564, %get3A_565] {strides = array<i32>} : memref<16x1024xf32, #tpu.memory_space<vmem>>, vector<1x16xf32>,
        %get3A_567 = vector.shape_cast %get3A_566 : vector<1x16xf32> to vector<16xf32>
        %add3A_568 = arith.addf %get3A_562, %get3A_567 : vector<16xf32>
        %swap3A_569 = arith.constant 7 : i32
        %swap3A_570 = arith.index_cast %swap3A_569 : i32 to index
        %swap3A_571 = arith.index_cast %mul3A_440 : i32 to index
        %swap3A_572 = tpu.vector_load %arg5[%swap3A_570, %swap3A_571] {strides = array<i32>} : memref<16x1024xf32, #tpu.memory_space<vmem>>, vector<1x16xf32>,
        %swap3A_573 = vector.shape_cast %swap3A_572 : vector<1x16xf32> to vector<16xf32>
        %swap3A_574 = vector.shape_cast %add3A_568 : vector<16xf32> to vector<1x16xf32>
        tpu.vector_store %arg5[%swap3A_570, %swap3A_571], %swap3A_574 {strides = array<i32>} : memref<16x1024xf32, #tpu.memory_space<vmem>>, vector<1x16xf32>,
        %get3A_575 = arith.constant 8 : i32
        %get3A_576 = arith.index_cast %get3A_575 : i32 to index
        %get3A_577 = arith.index_cast %mul3A_440 : i32 to index
        %get3A_578 = tpu.vector_load %arg5[%get3A_576, %get3A_577] {strides = array<i32>} : memref<16x1024xf32, #tpu.memory_space<vmem>>, vector<1x16xf32>,
        %get3A_579 = vector.shape_cast %get3A_578 : vector<1x16xf32> to vector<16xf32>
        %get3A_580 = arith.constant 8 : i32
        %get3A_581 = arith.index_cast %get3A_580 : i32 to index
        %get3A_582 = arith.index_cast %mul3A_440 : i32 to index
        %get3A_583 = tpu.vector_load %arg10[%get3A_581, %get3A_582] {strides = array<i32>} : memref<16x1024xf32, #tpu.memory_space<vmem>>, vector<1x16xf32>,
        %get3A_584 = vector.shape_cast %get3A_583 : vector<1x16xf32> to vector<16xf32>
        %add3A_585 = arith.addf %get3A_579, %get3A_584 : vector<16xf32>
        %swap3A_586 = arith.constant 8 : i32
        %swap3A_587 = arith.index_cast %swap3A_586 : i32 to index
        %swap3A_588 = arith.index_cast %mul3A_440 : i32 to index
        %swap3A_589 = tpu.vector_load %arg5[%swap3A_587, %swap3A_588] {strides = array<i32>} : memref<16x1024xf32, #tpu.memory_space<vmem>>, vector<1x16xf32>,
        %swap3A_590 = vector.shape_cast %swap3A_589 : vector<1x16xf32> to vector<16xf32>
        %swap3A_591 = vector.shape_cast %add3A_585 : vector<16xf32> to vector<1x16xf32>
        tpu.vector_store %arg5[%swap3A_587, %swap3A_588], %swap3A_591 {strides = array<i32>} : memref<16x1024xf32, #tpu.memory_space<vmem>>, vector<1x16xf32>,
        %get3A_592 = arith.constant 9 : i32
        %get3A_593 = arith.index_cast %get3A_592 : i32 to index
        %get3A_594 = arith.index_cast %mul3A_440 : i32 to index
        %get3A_595 = tpu.vector_load %arg5[%get3A_593, %get3A_594] {strides = array<i32>} : memref<16x1024xf32, #tpu.memory_space<vmem>>, vector<1x16xf32>,
        %get3A_596 = vector.shape_cast %get3A_595 : vector<1x16xf32> to vector<16xf32>
        %get3A_597 = arith.constant 9 : i32
        %get3A_598 = arith.index_cast %get3A_597 : i32 to index
        %get3A_599 = arith.index_cast %mul3A_440 : i32 to index
        %get3A_600 = tpu.vector_load %arg10[%get3A_598, %get3A_599] {strides = array<i32>} : memref<16x1024xf32, #tpu.memory_space<vmem>>, vector<1x16xf32>,
        %get3A_601 = vector.shape_cast %get3A_600 : vector<1x16xf32> to vector<16xf32>
        %add3A_602 = arith.addf %get3A_596, %get3A_601 : vector<16xf32>
        %swap3A_603 = arith.constant 9 : i32
        %swap3A_604 = arith.index_cast %swap3A_603 : i32 to index
        %swap3A_605 = arith.index_cast %mul3A_440 : i32 to index
        %swap3A_606 = tpu.vector_load %arg5[%swap3A_604, %swap3A_605] {strides = array<i32>} : memref<16x1024xf32, #tpu.memory_space<vmem>>, vector<1x16xf32>,
        %swap3A_607 = vector.shape_cast %swap3A_606 : vector<1x16xf32> to vector<16xf32>
        %swap3A_608 = vector.shape_cast %add3A_602 : vector<16xf32> to vector<1x16xf32>
        tpu.vector_store %arg5[%swap3A_604, %swap3A_605], %swap3A_608 {strides = array<i32>} : memref<16x1024xf32, #tpu.memory_space<vmem>>, vector<1x16xf32>,
        %get3A_609 = arith.constant 10 : i32
        %get3A_610 = arith.index_cast %get3A_609 : i32 to index
        %get3A_611 = arith.index_cast %mul3A_440 : i32 to index
        %get3A_612 = tpu.vector_load %arg5[%get3A_610, %get3A_611] {strides = array<i32>} : memref<16x1024xf32, #tpu.memory_space<vmem>>, vector<1x16xf32>,
        %get3A_613 = vector.shape_cast %get3A_612 : vector<1x16xf32> to vector<16xf32>
        %get3A_614 = arith.constant 10 : i32
        %get3A_615 = arith.index_cast %get3A_614 : i32 to index
        %get3A_616 = arith.index_cast %mul3A_440 : i32 to index
        %get3A_617 = tpu.vector_load %arg10[%get3A_615, %get3A_616] {strides = array<i32>} : memref<16x1024xf32, #tpu.memory_space<vmem>>, vector<1x16xf32>,
        %get3A_618 = vector.shape_cast %get3A_617 : vector<1x16xf32> to vector<16xf32>
        %add3A_619 = arith.addf %get3A_613, %get3A_618 : vector<16xf32>
        %swap3A_620 = arith.constant 10 : i32
        %swap3A_621 = arith.index_cast %swap3A_620 : i32 to index
        %swap3A_622 = arith.index_cast %mul3A_440 : i32 to index
        %swap3A_623 = tpu.vector_load %arg5[%swap3A_621, %swap3A_622] {strides = array<i32>} : memref<16x1024xf32, #tpu.memory_space<vmem>>, vector<1x16xf32>,
        %swap3A_624 = vector.shape_cast %swap3A_623 : vector<1x16xf32> to vector<16xf32>
        %swap3A_625 = vector.shape_cast %add3A_619 : vector<16xf32> to vector<1x16xf32>
        tpu.vector_store %arg5[%swap3A_621, %swap3A_622], %swap3A_625 {strides = array<i32>} : memref<16x1024xf32, #tpu.memory_space<vmem>>, vector<1x16xf32>,
        %get3A_626 = arith.constant 11 : i32
        %get3A_627 = arith.index_cast %get3A_626 : i32 to index
        %get3A_628 = arith.index_cast %mul3A_440 : i32 to index
        %get3A_629 = tpu.vector_load %arg5[%get3A_627, %get3A_628] {strides = array<i32>} : memref<16x1024xf32, #tpu.memory_space<vmem>>, vector<1x16xf32>,
        %get3A_630 = vector.shape_cast %get3A_629 : vector<1x16xf32> to vector<16xf32>
        %get3A_631 = arith.constant 11 : i32
        %get3A_632 = arith.index_cast %get3A_631 : i32 to index
        %get3A_633 = arith.index_cast %mul3A_440 : i32 to index
        %get3A_634 = tpu.vector_load %arg10[%get3A_632, %get3A_633] {strides = array<i32>} : memref<16x1024xf32, #tpu.memory_space<vmem>>, vector<1x16xf32>,
        %get3A_635 = vector.shape_cast %get3A_634 : vector<1x16xf32> to vector<16xf32>
        %add3A_636 = arith.addf %get3A_630, %get3A_635 : vector<16xf32>
        %swap3A_637 = arith.constant 11 : i32
        %swap3A_638 = arith.index_cast %swap3A_637 : i32 to index
        %swap3A_639 = arith.index_cast %mul3A_440 : i32 to index
        %swap3A_640 = tpu.vector_load %arg5[%swap3A_638, %swap3A_639] {strides = array<i32>} : memref<16x1024xf32, #tpu.memory_space<vmem>>, vector<1x16xf32>,
        %swap3A_641 = vector.shape_cast %swap3A_640 : vector<1x16xf32> to vector<16xf32>
        %swap3A_642 = vector.shape_cast %add3A_636 : vector<16xf32> to vector<1x16xf32>
        tpu.vector_store %arg5[%swap3A_638, %swap3A_639], %swap3A_642 {strides = array<i32>} : memref<16x1024xf32, #tpu.memory_space<vmem>>, vector<1x16xf32>,
        %get3A_643 = arith.constant 12 : i32
        %get3A_644 = arith.index_cast %get3A_643 : i32 to index
        %get3A_645 = arith.index_cast %mul3A_440 : i32 to index
        %get3A_646 = tpu.vector_load %arg5[%get3A_644, %get3A_645] {strides = array<i32>} : memref<16x1024xf32, #tpu.memory_space<vmem>>, vector<1x16xf32>,
        %get3A_647 = vector.shape_cast %get3A_646 : vector<1x16xf32> to vector<16xf32>
        %get3A_648 = arith.constant 12 : i32
        %get3A_649 = arith.index_cast %get3A_648 : i32 to index
        %get3A_650 = arith.index_cast %mul3A_440 : i32 to index
        %get3A_651 = tpu.vector_load %arg10[%get3A_649, %get3A_650] {strides = array<i32>} : memref<16x1024xf32, #tpu.memory_space<vmem>>, vector<1x16xf32>,
        %get3A_652 = vector.shape_cast %get3A_651 : vector<1x16xf32> to vector<16xf32>
        %add3A_653 = arith.addf %get3A_647, %get3A_652 : vector<16xf32>
        %swap3A_654 = arith.constant 12 : i32
        %swap3A_655 = arith.index_cast %swap3A_654 : i32 to index
        %swap3A_656 = arith.index_cast %mul3A_440 : i32 to index
        %swap3A_657 = tpu.vector_load %arg5[%swap3A_655, %swap3A_656] {strides = array<i32>} : memref<16x1024xf32, #tpu.memory_space<vmem>>, vector<1x16xf32>,
        %swap3A_658 = vector.shape_cast %swap3A_657 : vector<1x16xf32> to vector<16xf32>
        %swap3A_659 = vector.shape_cast %add3A_653 : vector<16xf32> to vector<1x16xf32>
        tpu.vector_store %arg5[%swap3A_655, %swap3A_656], %swap3A_659 {strides = array<i32>} : memref<16x1024xf32, #tpu.memory_space<vmem>>, vector<1x16xf32>,
        %get3A_660 = arith.constant 13 : i32
        %get3A_661 = arith.index_cast %get3A_660 : i32 to index
        %get3A_662 = arith.index_cast %mul3A_440 : i32 to index
        %get3A_663 = tpu.vector_load %arg5[%get3A_661, %get3A_662] {strides = array<i32>} : memref<16x1024xf32, #tpu.memory_space<vmem>>, vector<1x16xf32>,
        %get3A_664 = vector.shape_cast %get3A_663 : vector<1x16xf32> to vector<16xf32>
        %get3A_665 = arith.constant 13 : i32
        %get3A_666 = arith.index_cast %get3A_665 : i32 to index
        %get3A_667 = arith.index_cast %mul3A_440 : i32 to index
        %get3A_668 = tpu.vector_load %arg10[%get3A_666, %get3A_667] {strides = array<i32>} : memref<16x1024xf32, #tpu.memory_space<vmem>>, vector<1x16xf32>,
        %get3A_669 = vector.shape_cast %get3A_668 : vector<1x16xf32> to vector<16xf32>
        %add3A_670 = arith.addf %get3A_664, %get3A_669 : vector<16xf32>
        %swap3A_671 = arith.constant 13 : i32
        %swap3A_672 = arith.index_cast %swap3A_671 : i32 to index
        %swap3A_673 = arith.index_cast %mul3A_440 : i32 to index
        %swap3A_674 = tpu.vector_load %arg5[%swap3A_672, %swap3A_673] {strides = array<i32>} : memref<16x1024xf32, #tpu.memory_space<vmem>>, vector<1x16xf32>,
        %swap3A_675 = vector.shape_cast %swap3A_674 : vector<1x16xf32> to vector<16xf32>
        %swap3A_676 = vector.shape_cast %add3A_670 : vector<16xf32> to vector<1x16xf32>
        tpu.vector_store %arg5[%swap3A_672, %swap3A_673], %swap3A_676 {strides = array<i32>} : memref<16x1024xf32, #tpu.memory_space<vmem>>, vector<1x16xf32>,
        %get3A_677 = arith.constant 14 : i32
        %get3A_678 = arith.index_cast %get3A_677 : i32 to index
        %get3A_679 = arith.index_cast %mul3A_440 : i32 to index
        %get3A_680 = tpu.vector_load %arg5[%get3A_678, %get3A_679] {strides = array<i32>} : memref<16x1024xf32, #tpu.memory_space<vmem>>, vector<1x16xf32>,
        %get3A_681 = vector.shape_cast %get3A_680 : vector<1x16xf32> to vector<16xf32>
        %get3A_682 = arith.constant 14 : i32
        %get3A_683 = arith.index_cast %get3A_682 : i32 to index
        %get3A_684 = arith.index_cast %mul3A_440 : i32 to index
        %get3A_685 = tpu.vector_load %arg10[%get3A_683, %get3A_684] {strides = array<i32>} : memref<16x1024xf32, #tpu.memory_space<vmem>>, vector<1x16xf32>,
        %get3A_686 = vector.shape_cast %get3A_685 : vector<1x16xf32> to vector<16xf32>
        %add3A_687 = arith.addf %get3A_681, %get3A_686 : vector<16xf32>
        %swap3A_688 = arith.constant 14 : i32
        %swap3A_689 = arith.index_cast %swap3A_688 : i32 to index
        %swap3A_690 = arith.index_cast %mul3A_440 : i32 to index
        %swap3A_691 = tpu.vector_load %arg5[%swap3A_689, %swap3A_690] {strides = array<i32>} : memref<16x1024xf32, #tpu.memory_space<vmem>>, vector<1x16xf32>,
        %swap3A_692 = vector.shape_cast %swap3A_691 : vector<1x16xf32> to vector<16xf32>
        %swap3A_693 = vector.shape_cast %add3A_687 : vector<16xf32> to vector<1x16xf32>
        tpu.vector_store %arg5[%swap3A_689, %swap3A_690], %swap3A_693 {strides = array<i32>} : memref<16x1024xf32, #tpu.memory_space<vmem>>, vector<1x16xf32>,
        %get3A_694 = arith.constant 15 : i32
        %get3A_695 = arith.index_cast %get3A_694 : i32 to index
        %get3A_696 = arith.index_cast %mul3A_440 : i32 to index
        %get3A_697 = tpu.vector_load %arg5[%get3A_695, %get3A_696] {strides = array<i32>} : memref<16x1024xf32, #tpu.memory_space<vmem>>, vector<1x16xf32>,
        %get3A_698 = vector.shape_cast %get3A_697 : vector<1x16xf32> to vector<16xf32>
        %get3A_699 = arith.constant 15 : i32
        %get3A_700 = arith.index_cast %get3A_699 : i32 to index
        %get3A_701 = arith.index_cast %mul3A_440 : i32 to index
        %get3A_702 = tpu.vector_load %arg10[%get3A_700, %get3A_701] {strides = array<i32>} : memref<16x1024xf32, #tpu.memory_space<vmem>>, vector<1x16xf32>,
        %get3A_703 = vector.shape_cast %get3A_702 : vector<1x16xf32> to vector<16xf32>
        %add3A_704 = arith.addf %get3A_698, %get3A_703 : vector<16xf32>
        %swap3A_705 = arith.constant 15 : i32
        %swap3A_706 = arith.index_cast %swap3A_705 : i32 to index
        %swap3A_707 = arith.index_cast %mul3A_440 : i32 to index
        %swap3A_708 = tpu.vector_load %arg5[%swap3A_706, %swap3A_707] {strides = array<i32>} : memref<16x1024xf32, #tpu.memory_space<vmem>>, vector<1x16xf32>,
        %swap3A_709 = vector.shape_cast %swap3A_708 : vector<1x16xf32> to vector<16xf32>
        %swap3A_710 = vector.shape_cast %add3A_704 : vector<16xf32> to vector<1x16xf32>
        tpu.vector_store %arg5[%swap3A_706, %swap3A_707], %swap3A_710 {strides = array<i32>} : memref<16x1024xf32, #tpu.memory_space<vmem>>, vector<1x16xf32>,
      }
      %scan3A_290 = arith.constant 64 : i32
      %add3A_291 = arith.constant 0 : i32
      %add3A_292 = arith.addi %add3A_291, %mul3A_2 : i32
      %mul3A_293 = arith.constant 16 : i32
      %mul3A_294 = arith.muli %add3A_241, %mul3A_293 : i32
      %add3A_295 = arith.addi %add3A_292, %mul3A_294 : i32
      %dma_start3A_296 = arith.constant 0 : i32
      %dma_start3A_297 = tpu.memref_slice %arg4[%add3A_295, %dma_start3A_296] : memref<32768x1024xf32, #tpu.memory_space<hbm>> -> memref<16x1024xf32, #tpu.memory_space<hbm>>
      %dma_start3A_298 = arith.constant 0 : i32
      %dma_start3A_299 = tpu.memref_slice %arg4[%add3A_295, %dma_start3A_298] : memref<32768x1024xf32, #tpu.memory_space<hbm>> -> memref<16x1024xf32, #tpu.memory_space<hbm>>
      tpu.enqueue_dma source(%arg5 : memref<16x1024xf32, #tpu.memory_space<vmem>>) target(%dma_start3A_299 : memref<16x1024xf32, #tpu.memory_space<hbm>>) target_semaphore(%arg17 : memref<!tpu.dma_semaphore, #tpu.memory_space<semaphore_mem>>)
      %add3A_300 = arith.constant 1 : i32
      %add3A_301 = arith.addi %mul3A_46, %add3A_300 : i32
      %mul3A_302 = arith.constant 8 : i32
      %mul3A_303 = arith.muli %scan3A_44, %mul3A_302 : i32
      %add3A_304 = arith.constant 5 : i32
      %add3A_305 = arith.addi %mul3A_303, %add3A_304 : i32
      %add3A_306 = arith.constant 1 : i32
      %add3A_307 = arith.addi %mul3A_46, %add3A_306 : i32
      %gt3A_308 = arith.constant 0 : i32
      %gt3A_309 = arith.cmpi sgt, %scan3A_44, %gt3A_308 : i32
      %or3A_310 = arith.constant true
      %or3A_311 = arith.ori %gt3A_309, %or3A_310 : i1
      %convert_element_type3A_312 = arith.extui %or3A_311 : i1 to i32
      %cond3A_313 = arith.constant 0 : i32
      %cond3A_314 = arith.cmpi ne, %convert_element_type3A_312, %cond3A_313 : i32
      scf.if %cond3A_314 {
        %add3A_438 = arith.constant 0 : i32
        %add3A_439 = arith.addi %add3A_438, %mul3A_2 : i32
        %add3A_440 = arith.constant 0 : i32
        %add3A_441 = arith.addi %add3A_439, %add3A_440 : i32
        %dma_wait3A_442 = arith.constant 0 : i32
        %dma_wait3A_443 = tpu.memref_slice %arg4[%add3A_441, %dma_wait3A_442] : memref<32768x1024xf32, #tpu.memory_space<hbm>> -> memref<16x1024xf32, #tpu.memory_space<hbm>>
        %dma_wait3A_444 = arith.constant 0 : i32
        %dma_wait3A_445 = tpu.memref_slice %arg4[%add3A_441, %dma_wait3A_444] : memref<32768x1024xf32, #tpu.memory_space<hbm>> -> memref<16x1024xf32, #tpu.memory_space<hbm>>
        tpu.wait_dma2 semaphore(%arg20 : memref<!tpu.dma_semaphore, #tpu.memory_space<semaphore_mem>>) src(%arg8 : memref<16x1024xf32, #tpu.memory_space<vmem>>) dst(%dma_wait3A_445 : memref<16x1024xf32, #tpu.memory_space<hbm>>)
      } else {
      }
      %add3A_315 = arith.constant 2 : i32
      %add3A_316 = arith.addi %add3A_305, %add3A_315 : i32
      %lt3A_317 = arith.constant 64 : i32
      %lt3A_318 = arith.cmpi slt, %add3A_316, %lt3A_317 : i32
      %convert_element_type3A_319 = arith.extui %lt3A_318 : i1 to i32
      %cond3A_320 = arith.constant 0 : i32
      %cond3A_321 = arith.cmpi ne, %convert_element_type3A_319, %cond3A_320 : i32
      scf.if %cond3A_321 {
        %add3A_438 = arith.constant 24576 : i32
        %add3A_439 = arith.addi %add3A_438, %mul3A_2 : i32
        %mul3A_440 = arith.constant 16 : i32
        %mul3A_441 = arith.muli %add3A_307, %mul3A_440 : i32
        %add3A_442 = arith.addi %add3A_439, %mul3A_441 : i32
        %dma_start3A_443 = arith.constant 0 : i32
        %dma_start3A_444 = tpu.memref_slice %arg2[%add3A_442, %dma_start3A_443] : memref<32768x1024xf32, #tpu.memory_space<hbm>> -> memref<16x1024xf32, #tpu.memory_space<hbm>>
        %dma_start3A_445 = arith.constant 0 : i32
        %dma_start3A_446 = tpu.memref_slice %arg2[%add3A_442, %dma_start3A_445] : memref<32768x1024xf32, #tpu.memory_space<hbm>> -> memref<16x1024xf32, #tpu.memory_space<hbm>>
        tpu.enqueue_dma source(%dma_start3A_446 : memref<16x1024xf32, #tpu.memory_space<hbm>>) target(%arg8 : memref<16x1024xf32, #tpu.memory_space<vmem>>) target_semaphore(%arg14 : memref<!tpu.dma_semaphore, #tpu.memory_space<semaphore_mem>>)
      } else {
      }
      %add3A_322 = arith.constant 8192 : i32
      %add3A_323 = arith.addi %add3A_322, %mul3A_2 : i32
      %mul3A_324 = arith.constant 16 : i32
      %mul3A_325 = arith.muli %add3A_301, %mul3A_324 : i32
      %add3A_326 = arith.addi %add3A_323, %mul3A_325 : i32
      %dma_wait3A_327 = arith.constant 0 : i32
      %dma_wait3A_328 = tpu.memref_slice %arg2[%add3A_326, %dma_wait3A_327] : memref<32768x1024xf32, #tpu.memory_space<hbm>> -> memref<16x1024xf32, #tpu.memory_space<hbm>>
      %dma_wait3A_329 = arith.constant 0 : i32
      %dma_wait3A_330 = tpu.memref_slice %arg2[%add3A_326, %dma_wait3A_329] : memref<32768x1024xf32, #tpu.memory_space<hbm>> -> memref<16x1024xf32, #tpu.memory_space<hbm>>
      tpu.wait_dma2 semaphore(%arg12 : memref<!tpu.dma_semaphore, #tpu.memory_space<semaphore_mem>>) src(%dma_wait3A_330 : memref<16x1024xf32, #tpu.memory_space<hbm>>) dst(%arg6 : memref<16x1024xf32, #tpu.memory_space<vmem>>)
      %scan3A_331 = arith.constant 0 : i32
      %scan3A_332 = arith.constant 0 : i32
      %scan3A_333 = arith.constant 64 : i32
      %scan3A_334 = arith.addi %scan3A_332, %scan3A_333 : i32
      %scan3A_335 = arith.constant 1 : i32
      scf.for %scan3A_438 = %scan3A_332 to %scan3A_334 step %scan3A_335  : i32 {
        %mul3A_439 = arith.constant 16 : i32
        %mul3A_440 = arith.muli %scan3A_438, %mul3A_439 : i32
        %get3A = arith.constant 0 : i32
        %get3A_441 = arith.index_cast %get3A : i32 to index
        %get3A_442 = arith.index_cast %mul3A_440 : i32 to index
        %get3A_443 = tpu.vector_load %arg6[%get3A_441, %get3A_442] {strides = array<i32>} : memref<16x1024xf32, #tpu.memory_space<vmem>>, vector<1x16xf32>,
        %get3A_444 = vector.shape_cast %get3A_443 : vector<1x16xf32> to vector<16xf32>
        %get3A_445 = arith.constant 0 : i32
        %get3A_446 = arith.index_cast %get3A_445 : i32 to index
        %get3A_447 = arith.index_cast %mul3A_440 : i32 to index
        %get3A_448 = tpu.vector_load %arg10[%get3A_446, %get3A_447] {strides = array<i32>} : memref<16x1024xf32, #tpu.memory_space<vmem>>, vector<1x16xf32>,
        %get3A_449 = vector.shape_cast %get3A_448 : vector<1x16xf32> to vector<16xf32>
        %add3A_450 = arith.addf %get3A_444, %get3A_449 : vector<16xf32>
        %swap3A = arith.constant 0 : i32
        %swap3A_451 = arith.index_cast %swap3A : i32 to index
        %swap3A_452 = arith.index_cast %mul3A_440 : i32 to index
        %swap3A_453 = tpu.vector_load %arg6[%swap3A_451, %swap3A_452] {strides = array<i32>} : memref<16x1024xf32, #tpu.memory_space<vmem>>, vector<1x16xf32>,
        %swap3A_454 = vector.shape_cast %swap3A_453 : vector<1x16xf32> to vector<16xf32>
        %swap3A_455 = vector.shape_cast %add3A_450 : vector<16xf32> to vector<1x16xf32>
        tpu.vector_store %arg6[%swap3A_451, %swap3A_452], %swap3A_455 {strides = array<i32>} : memref<16x1024xf32, #tpu.memory_space<vmem>>, vector<1x16xf32>,
        %get3A_456 = arith.constant 1 : i32
        %get3A_457 = arith.index_cast %get3A_456 : i32 to index
        %get3A_458 = arith.index_cast %mul3A_440 : i32 to index
        %get3A_459 = tpu.vector_load %arg6[%get3A_457, %get3A_458] {strides = array<i32>} : memref<16x1024xf32, #tpu.memory_space<vmem>>, vector<1x16xf32>,
        %get3A_460 = vector.shape_cast %get3A_459 : vector<1x16xf32> to vector<16xf32>
        %get3A_461 = arith.constant 1 : i32
        %get3A_462 = arith.index_cast %get3A_461 : i32 to index
        %get3A_463 = arith.index_cast %mul3A_440 : i32 to index
        %get3A_464 = tpu.vector_load %arg10[%get3A_462, %get3A_463] {strides = array<i32>} : memref<16x1024xf32, #tpu.memory_space<vmem>>, vector<1x16xf32>,
        %get3A_465 = vector.shape_cast %get3A_464 : vector<1x16xf32> to vector<16xf32>
        %add3A_466 = arith.addf %get3A_460, %get3A_465 : vector<16xf32>
        %swap3A_467 = arith.constant 1 : i32
        %swap3A_468 = arith.index_cast %swap3A_467 : i32 to index
        %swap3A_469 = arith.index_cast %mul3A_440 : i32 to index
        %swap3A_470 = tpu.vector_load %arg6[%swap3A_468, %swap3A_469] {strides = array<i32>} : memref<16x1024xf32, #tpu.memory_space<vmem>>, vector<1x16xf32>,
        %swap3A_471 = vector.shape_cast %swap3A_470 : vector<1x16xf32> to vector<16xf32>
        %swap3A_472 = vector.shape_cast %add3A_466 : vector<16xf32> to vector<1x16xf32>
        tpu.vector_store %arg6[%swap3A_468, %swap3A_469], %swap3A_472 {strides = array<i32>} : memref<16x1024xf32, #tpu.memory_space<vmem>>, vector<1x16xf32>,
        %get3A_473 = arith.constant 2 : i32
        %get3A_474 = arith.index_cast %get3A_473 : i32 to index
        %get3A_475 = arith.index_cast %mul3A_440 : i32 to index
        %get3A_476 = tpu.vector_load %arg6[%get3A_474, %get3A_475] {strides = array<i32>} : memref<16x1024xf32, #tpu.memory_space<vmem>>, vector<1x16xf32>,
        %get3A_477 = vector.shape_cast %get3A_476 : vector<1x16xf32> to vector<16xf32>
        %get3A_478 = arith.constant 2 : i32
        %get3A_479 = arith.index_cast %get3A_478 : i32 to index
        %get3A_480 = arith.index_cast %mul3A_440 : i32 to index
        %get3A_481 = tpu.vector_load %arg10[%get3A_479, %get3A_480] {strides = array<i32>} : memref<16x1024xf32, #tpu.memory_space<vmem>>, vector<1x16xf32>,
        %get3A_482 = vector.shape_cast %get3A_481 : vector<1x16xf32> to vector<16xf32>
        %add3A_483 = arith.addf %get3A_477, %get3A_482 : vector<16xf32>
        %swap3A_484 = arith.constant 2 : i32
        %swap3A_485 = arith.index_cast %swap3A_484 : i32 to index
        %swap3A_486 = arith.index_cast %mul3A_440 : i32 to index
        %swap3A_487 = tpu.vector_load %arg6[%swap3A_485, %swap3A_486] {strides = array<i32>} : memref<16x1024xf32, #tpu.memory_space<vmem>>, vector<1x16xf32>,
        %swap3A_488 = vector.shape_cast %swap3A_487 : vector<1x16xf32> to vector<16xf32>
        %swap3A_489 = vector.shape_cast %add3A_483 : vector<16xf32> to vector<1x16xf32>
        tpu.vector_store %arg6[%swap3A_485, %swap3A_486], %swap3A_489 {strides = array<i32>} : memref<16x1024xf32, #tpu.memory_space<vmem>>, vector<1x16xf32>,
        %get3A_490 = arith.constant 3 : i32
        %get3A_491 = arith.index_cast %get3A_490 : i32 to index
        %get3A_492 = arith.index_cast %mul3A_440 : i32 to index
        %get3A_493 = tpu.vector_load %arg6[%get3A_491, %get3A_492] {strides = array<i32>} : memref<16x1024xf32, #tpu.memory_space<vmem>>, vector<1x16xf32>,
        %get3A_494 = vector.shape_cast %get3A_493 : vector<1x16xf32> to vector<16xf32>
        %get3A_495 = arith.constant 3 : i32
        %get3A_496 = arith.index_cast %get3A_495 : i32 to index
        %get3A_497 = arith.index_cast %mul3A_440 : i32 to index
        %get3A_498 = tpu.vector_load %arg10[%get3A_496, %get3A_497] {strides = array<i32>} : memref<16x1024xf32, #tpu.memory_space<vmem>>, vector<1x16xf32>,
        %get3A_499 = vector.shape_cast %get3A_498 : vector<1x16xf32> to vector<16xf32>
        %add3A_500 = arith.addf %get3A_494, %get3A_499 : vector<16xf32>
        %swap3A_501 = arith.constant 3 : i32
        %swap3A_502 = arith.index_cast %swap3A_501 : i32 to index
        %swap3A_503 = arith.index_cast %mul3A_440 : i32 to index
        %swap3A_504 = tpu.vector_load %arg6[%swap3A_502, %swap3A_503] {strides = array<i32>} : memref<16x1024xf32, #tpu.memory_space<vmem>>, vector<1x16xf32>,
        %swap3A_505 = vector.shape_cast %swap3A_504 : vector<1x16xf32> to vector<16xf32>
        %swap3A_506 = vector.shape_cast %add3A_500 : vector<16xf32> to vector<1x16xf32>
        tpu.vector_store %arg6[%swap3A_502, %swap3A_503], %swap3A_506 {strides = array<i32>} : memref<16x1024xf32, #tpu.memory_space<vmem>>, vector<1x16xf32>,
        %get3A_507 = arith.constant 4 : i32
        %get3A_508 = arith.index_cast %get3A_507 : i32 to index
        %get3A_509 = arith.index_cast %mul3A_440 : i32 to index
        %get3A_510 = tpu.vector_load %arg6[%get3A_508, %get3A_509] {strides = array<i32>} : memref<16x1024xf32, #tpu.memory_space<vmem>>, vector<1x16xf32>,
        %get3A_511 = vector.shape_cast %get3A_510 : vector<1x16xf32> to vector<16xf32>
        %get3A_512 = arith.constant 4 : i32
        %get3A_513 = arith.index_cast %get3A_512 : i32 to index
        %get3A_514 = arith.index_cast %mul3A_440 : i32 to index
        %get3A_515 = tpu.vector_load %arg10[%get3A_513, %get3A_514] {strides = array<i32>} : memref<16x1024xf32, #tpu.memory_space<vmem>>, vector<1x16xf32>,
        %get3A_516 = vector.shape_cast %get3A_515 : vector<1x16xf32> to vector<16xf32>
        %add3A_517 = arith.addf %get3A_511, %get3A_516 : vector<16xf32>
        %swap3A_518 = arith.constant 4 : i32
        %swap3A_519 = arith.index_cast %swap3A_518 : i32 to index
        %swap3A_520 = arith.index_cast %mul3A_440 : i32 to index
        %swap3A_521 = tpu.vector_load %arg6[%swap3A_519, %swap3A_520] {strides = array<i32>} : memref<16x1024xf32, #tpu.memory_space<vmem>>, vector<1x16xf32>,
        %swap3A_522 = vector.shape_cast %swap3A_521 : vector<1x16xf32> to vector<16xf32>
        %swap3A_523 = vector.shape_cast %add3A_517 : vector<16xf32> to vector<1x16xf32>
        tpu.vector_store %arg6[%swap3A_519, %swap3A_520], %swap3A_523 {strides = array<i32>} : memref<16x1024xf32, #tpu.memory_space<vmem>>, vector<1x16xf32>,
        %get3A_524 = arith.constant 5 : i32
        %get3A_525 = arith.index_cast %get3A_524 : i32 to index
        %get3A_526 = arith.index_cast %mul3A_440 : i32 to index
        %get3A_527 = tpu.vector_load %arg6[%get3A_525, %get3A_526] {strides = array<i32>} : memref<16x1024xf32, #tpu.memory_space<vmem>>, vector<1x16xf32>,
        %get3A_528 = vector.shape_cast %get3A_527 : vector<1x16xf32> to vector<16xf32>
        %get3A_529 = arith.constant 5 : i32
        %get3A_530 = arith.index_cast %get3A_529 : i32 to index
        %get3A_531 = arith.index_cast %mul3A_440 : i32 to index
        %get3A_532 = tpu.vector_load %arg10[%get3A_530, %get3A_531] {strides = array<i32>} : memref<16x1024xf32, #tpu.memory_space<vmem>>, vector<1x16xf32>,
        %get3A_533 = vector.shape_cast %get3A_532 : vector<1x16xf32> to vector<16xf32>
        %add3A_534 = arith.addf %get3A_528, %get3A_533 : vector<16xf32>
        %swap3A_535 = arith.constant 5 : i32
        %swap3A_536 = arith.index_cast %swap3A_535 : i32 to index
        %swap3A_537 = arith.index_cast %mul3A_440 : i32 to index
        %swap3A_538 = tpu.vector_load %arg6[%swap3A_536, %swap3A_537] {strides = array<i32>} : memref<16x1024xf32, #tpu.memory_space<vmem>>, vector<1x16xf32>,
        %swap3A_539 = vector.shape_cast %swap3A_538 : vector<1x16xf32> to vector<16xf32>
        %swap3A_540 = vector.shape_cast %add3A_534 : vector<16xf32> to vector<1x16xf32>
        tpu.vector_store %arg6[%swap3A_536, %swap3A_537], %swap3A_540 {strides = array<i32>} : memref<16x1024xf32, #tpu.memory_space<vmem>>, vector<1x16xf32>,
        %get3A_541 = arith.constant 6 : i32
        %get3A_542 = arith.index_cast %get3A_541 : i32 to index
        %get3A_543 = arith.index_cast %mul3A_440 : i32 to index
        %get3A_544 = tpu.vector_load %arg6[%get3A_542, %get3A_543] {strides = array<i32>} : memref<16x1024xf32, #tpu.memory_space<vmem>>, vector<1x16xf32>,
        %get3A_545 = vector.shape_cast %get3A_544 : vector<1x16xf32> to vector<16xf32>
        %get3A_546 = arith.constant 6 : i32
        %get3A_547 = arith.index_cast %get3A_546 : i32 to index
        %get3A_548 = arith.index_cast %mul3A_440 : i32 to index
        %get3A_549 = tpu.vector_load %arg10[%get3A_547, %get3A_548] {strides = array<i32>} : memref<16x1024xf32, #tpu.memory_space<vmem>>, vector<1x16xf32>,
        %get3A_550 = vector.shape_cast %get3A_549 : vector<1x16xf32> to vector<16xf32>
        %add3A_551 = arith.addf %get3A_545, %get3A_550 : vector<16xf32>
        %swap3A_552 = arith.constant 6 : i32
        %swap3A_553 = arith.index_cast %swap3A_552 : i32 to index
        %swap3A_554 = arith.index_cast %mul3A_440 : i32 to index
        %swap3A_555 = tpu.vector_load %arg6[%swap3A_553, %swap3A_554] {strides = array<i32>} : memref<16x1024xf32, #tpu.memory_space<vmem>>, vector<1x16xf32>,
        %swap3A_556 = vector.shape_cast %swap3A_555 : vector<1x16xf32> to vector<16xf32>
        %swap3A_557 = vector.shape_cast %add3A_551 : vector<16xf32> to vector<1x16xf32>
        tpu.vector_store %arg6[%swap3A_553, %swap3A_554], %swap3A_557 {strides = array<i32>} : memref<16x1024xf32, #tpu.memory_space<vmem>>, vector<1x16xf32>,
        %get3A_558 = arith.constant 7 : i32
        %get3A_559 = arith.index_cast %get3A_558 : i32 to index
        %get3A_560 = arith.index_cast %mul3A_440 : i32 to index
        %get3A_561 = tpu.vector_load %arg6[%get3A_559, %get3A_560] {strides = array<i32>} : memref<16x1024xf32, #tpu.memory_space<vmem>>, vector<1x16xf32>,
        %get3A_562 = vector.shape_cast %get3A_561 : vector<1x16xf32> to vector<16xf32>
        %get3A_563 = arith.constant 7 : i32
        %get3A_564 = arith.index_cast %get3A_563 : i32 to index
        %get3A_565 = arith.index_cast %mul3A_440 : i32 to index
        %get3A_566 = tpu.vector_load %arg10[%get3A_564, %get3A_565] {strides = array<i32>} : memref<16x1024xf32, #tpu.memory_space<vmem>>, vector<1x16xf32>,
        %get3A_567 = vector.shape_cast %get3A_566 : vector<1x16xf32> to vector<16xf32>
        %add3A_568 = arith.addf %get3A_562, %get3A_567 : vector<16xf32>
        %swap3A_569 = arith.constant 7 : i32
        %swap3A_570 = arith.index_cast %swap3A_569 : i32 to index
        %swap3A_571 = arith.index_cast %mul3A_440 : i32 to index
        %swap3A_572 = tpu.vector_load %arg6[%swap3A_570, %swap3A_571] {strides = array<i32>} : memref<16x1024xf32, #tpu.memory_space<vmem>>, vector<1x16xf32>,
        %swap3A_573 = vector.shape_cast %swap3A_572 : vector<1x16xf32> to vector<16xf32>
        %swap3A_574 = vector.shape_cast %add3A_568 : vector<16xf32> to vector<1x16xf32>
        tpu.vector_store %arg6[%swap3A_570, %swap3A_571], %swap3A_574 {strides = array<i32>} : memref<16x1024xf32, #tpu.memory_space<vmem>>, vector<1x16xf32>,
        %get3A_575 = arith.constant 8 : i32
        %get3A_576 = arith.index_cast %get3A_575 : i32 to index
        %get3A_577 = arith.index_cast %mul3A_440 : i32 to index
        %get3A_578 = tpu.vector_load %arg6[%get3A_576, %get3A_577] {strides = array<i32>} : memref<16x1024xf32, #tpu.memory_space<vmem>>, vector<1x16xf32>,
        %get3A_579 = vector.shape_cast %get3A_578 : vector<1x16xf32> to vector<16xf32>
        %get3A_580 = arith.constant 8 : i32
        %get3A_581 = arith.index_cast %get3A_580 : i32 to index
        %get3A_582 = arith.index_cast %mul3A_440 : i32 to index
        %get3A_583 = tpu.vector_load %arg10[%get3A_581, %get3A_582] {strides = array<i32>} : memref<16x1024xf32, #tpu.memory_space<vmem>>, vector<1x16xf32>,
        %get3A_584 = vector.shape_cast %get3A_583 : vector<1x16xf32> to vector<16xf32>
        %add3A_585 = arith.addf %get3A_579, %get3A_584 : vector<16xf32>
        %swap3A_586 = arith.constant 8 : i32
        %swap3A_587 = arith.index_cast %swap3A_586 : i32 to index
        %swap3A_588 = arith.index_cast %mul3A_440 : i32 to index
        %swap3A_589 = tpu.vector_load %arg6[%swap3A_587, %swap3A_588] {strides = array<i32>} : memref<16x1024xf32, #tpu.memory_space<vmem>>, vector<1x16xf32>,
        %swap3A_590 = vector.shape_cast %swap3A_589 : vector<1x16xf32> to vector<16xf32>
        %swap3A_591 = vector.shape_cast %add3A_585 : vector<16xf32> to vector<1x16xf32>
        tpu.vector_store %arg6[%swap3A_587, %swap3A_588], %swap3A_591 {strides = array<i32>} : memref<16x1024xf32, #tpu.memory_space<vmem>>, vector<1x16xf32>,
        %get3A_592 = arith.constant 9 : i32
        %get3A_593 = arith.index_cast %get3A_592 : i32 to index
        %get3A_594 = arith.index_cast %mul3A_440 : i32 to index
        %get3A_595 = tpu.vector_load %arg6[%get3A_593, %get3A_594] {strides = array<i32>} : memref<16x1024xf32, #tpu.memory_space<vmem>>, vector<1x16xf32>,
        %get3A_596 = vector.shape_cast %get3A_595 : vector<1x16xf32> to vector<16xf32>
        %get3A_597 = arith.constant 9 : i32
        %get3A_598 = arith.index_cast %get3A_597 : i32 to index
        %get3A_599 = arith.index_cast %mul3A_440 : i32 to index
        %get3A_600 = tpu.vector_load %arg10[%get3A_598, %get3A_599] {strides = array<i32>} : memref<16x1024xf32, #tpu.memory_space<vmem>>, vector<1x16xf32>,
        %get3A_601 = vector.shape_cast %get3A_600 : vector<1x16xf32> to vector<16xf32>
        %add3A_602 = arith.addf %get3A_596, %get3A_601 : vector<16xf32>
        %swap3A_603 = arith.constant 9 : i32
        %swap3A_604 = arith.index_cast %swap3A_603 : i32 to index
        %swap3A_605 = arith.index_cast %mul3A_440 : i32 to index
        %swap3A_606 = tpu.vector_load %arg6[%swap3A_604, %swap3A_605] {strides = array<i32>} : memref<16x1024xf32, #tpu.memory_space<vmem>>, vector<1x16xf32>,
        %swap3A_607 = vector.shape_cast %swap3A_606 : vector<1x16xf32> to vector<16xf32>
        %swap3A_608 = vector.shape_cast %add3A_602 : vector<16xf32> to vector<1x16xf32>
        tpu.vector_store %arg6[%swap3A_604, %swap3A_605], %swap3A_608 {strides = array<i32>} : memref<16x1024xf32, #tpu.memory_space<vmem>>, vector<1x16xf32>,
        %get3A_609 = arith.constant 10 : i32
        %get3A_610 = arith.index_cast %get3A_609 : i32 to index
        %get3A_611 = arith.index_cast %mul3A_440 : i32 to index
        %get3A_612 = tpu.vector_load %arg6[%get3A_610, %get3A_611] {strides = array<i32>} : memref<16x1024xf32, #tpu.memory_space<vmem>>, vector<1x16xf32>,
        %get3A_613 = vector.shape_cast %get3A_612 : vector<1x16xf32> to vector<16xf32>
        %get3A_614 = arith.constant 10 : i32
        %get3A_615 = arith.index_cast %get3A_614 : i32 to index
        %get3A_616 = arith.index_cast %mul3A_440 : i32 to index
        %get3A_617 = tpu.vector_load %arg10[%get3A_615, %get3A_616] {strides = array<i32>} : memref<16x1024xf32, #tpu.memory_space<vmem>>, vector<1x16xf32>,
        %get3A_618 = vector.shape_cast %get3A_617 : vector<1x16xf32> to vector<16xf32>
        %add3A_619 = arith.addf %get3A_613, %get3A_618 : vector<16xf32>
        %swap3A_620 = arith.constant 10 : i32
        %swap3A_621 = arith.index_cast %swap3A_620 : i32 to index
        %swap3A_622 = arith.index_cast %mul3A_440 : i32 to index
        %swap3A_623 = tpu.vector_load %arg6[%swap3A_621, %swap3A_622] {strides = array<i32>} : memref<16x1024xf32, #tpu.memory_space<vmem>>, vector<1x16xf32>,
        %swap3A_624 = vector.shape_cast %swap3A_623 : vector<1x16xf32> to vector<16xf32>
        %swap3A_625 = vector.shape_cast %add3A_619 : vector<16xf32> to vector<1x16xf32>
        tpu.vector_store %arg6[%swap3A_621, %swap3A_622], %swap3A_625 {strides = array<i32>} : memref<16x1024xf32, #tpu.memory_space<vmem>>, vector<1x16xf32>,
        %get3A_626 = arith.constant 11 : i32
        %get3A_627 = arith.index_cast %get3A_626 : i32 to index
        %get3A_628 = arith.index_cast %mul3A_440 : i32 to index
        %get3A_629 = tpu.vector_load %arg6[%get3A_627, %get3A_628] {strides = array<i32>} : memref<16x1024xf32, #tpu.memory_space<vmem>>, vector<1x16xf32>,
        %get3A_630 = vector.shape_cast %get3A_629 : vector<1x16xf32> to vector<16xf32>
        %get3A_631 = arith.constant 11 : i32
        %get3A_632 = arith.index_cast %get3A_631 : i32 to index
        %get3A_633 = arith.index_cast %mul3A_440 : i32 to index
        %get3A_634 = tpu.vector_load %arg10[%get3A_632, %get3A_633] {strides = array<i32>} : memref<16x1024xf32, #tpu.memory_space<vmem>>, vector<1x16xf32>,
        %get3A_635 = vector.shape_cast %get3A_634 : vector<1x16xf32> to vector<16xf32>
        %add3A_636 = arith.addf %get3A_630, %get3A_635 : vector<16xf32>
        %swap3A_637 = arith.constant 11 : i32
        %swap3A_638 = arith.index_cast %swap3A_637 : i32 to index
        %swap3A_639 = arith.index_cast %mul3A_440 : i32 to index
        %swap3A_640 = tpu.vector_load %arg6[%swap3A_638, %swap3A_639] {strides = array<i32>} : memref<16x1024xf32, #tpu.memory_space<vmem>>, vector<1x16xf32>,
        %swap3A_641 = vector.shape_cast %swap3A_640 : vector<1x16xf32> to vector<16xf32>
        %swap3A_642 = vector.shape_cast %add3A_636 : vector<16xf32> to vector<1x16xf32>
        tpu.vector_store %arg6[%swap3A_638, %swap3A_639], %swap3A_642 {strides = array<i32>} : memref<16x1024xf32, #tpu.memory_space<vmem>>, vector<1x16xf32>,
        %get3A_643 = arith.constant 12 : i32
        %get3A_644 = arith.index_cast %get3A_643 : i32 to index
        %get3A_645 = arith.index_cast %mul3A_440 : i32 to index
        %get3A_646 = tpu.vector_load %arg6[%get3A_644, %get3A_645] {strides = array<i32>} : memref<16x1024xf32, #tpu.memory_space<vmem>>, vector<1x16xf32>,
        %get3A_647 = vector.shape_cast %get3A_646 : vector<1x16xf32> to vector<16xf32>
        %get3A_648 = arith.constant 12 : i32
        %get3A_649 = arith.index_cast %get3A_648 : i32 to index
        %get3A_650 = arith.index_cast %mul3A_440 : i32 to index
        %get3A_651 = tpu.vector_load %arg10[%get3A_649, %get3A_650] {strides = array<i32>} : memref<16x1024xf32, #tpu.memory_space<vmem>>, vector<1x16xf32>,
        %get3A_652 = vector.shape_cast %get3A_651 : vector<1x16xf32> to vector<16xf32>
        %add3A_653 = arith.addf %get3A_647, %get3A_652 : vector<16xf32>
        %swap3A_654 = arith.constant 12 : i32
        %swap3A_655 = arith.index_cast %swap3A_654 : i32 to index
        %swap3A_656 = arith.index_cast %mul3A_440 : i32 to index
        %swap3A_657 = tpu.vector_load %arg6[%swap3A_655, %swap3A_656] {strides = array<i32>} : memref<16x1024xf32, #tpu.memory_space<vmem>>, vector<1x16xf32>,
        %swap3A_658 = vector.shape_cast %swap3A_657 : vector<1x16xf32> to vector<16xf32>
        %swap3A_659 = vector.shape_cast %add3A_653 : vector<16xf32> to vector<1x16xf32>
        tpu.vector_store %arg6[%swap3A_655, %swap3A_656], %swap3A_659 {strides = array<i32>} : memref<16x1024xf32, #tpu.memory_space<vmem>>, vector<1x16xf32>,
        %get3A_660 = arith.constant 13 : i32
        %get3A_661 = arith.index_cast %get3A_660 : i32 to index
        %get3A_662 = arith.index_cast %mul3A_440 : i32 to index
        %get3A_663 = tpu.vector_load %arg6[%get3A_661, %get3A_662] {strides = array<i32>} : memref<16x1024xf32, #tpu.memory_space<vmem>>, vector<1x16xf32>,
        %get3A_664 = vector.shape_cast %get3A_663 : vector<1x16xf32> to vector<16xf32>
        %get3A_665 = arith.constant 13 : i32
        %get3A_666 = arith.index_cast %get3A_665 : i32 to index
        %get3A_667 = arith.index_cast %mul3A_440 : i32 to index
        %get3A_668 = tpu.vector_load %arg10[%get3A_666, %get3A_667] {strides = array<i32>} : memref<16x1024xf32, #tpu.memory_space<vmem>>, vector<1x16xf32>,
        %get3A_669 = vector.shape_cast %get3A_668 : vector<1x16xf32> to vector<16xf32>
        %add3A_670 = arith.addf %get3A_664, %get3A_669 : vector<16xf32>
        %swap3A_671 = arith.constant 13 : i32
        %swap3A_672 = arith.index_cast %swap3A_671 : i32 to index
        %swap3A_673 = arith.index_cast %mul3A_440 : i32 to index
        %swap3A_674 = tpu.vector_load %arg6[%swap3A_672, %swap3A_673] {strides = array<i32>} : memref<16x1024xf32, #tpu.memory_space<vmem>>, vector<1x16xf32>,
        %swap3A_675 = vector.shape_cast %swap3A_674 : vector<1x16xf32> to vector<16xf32>
        %swap3A_676 = vector.shape_cast %add3A_670 : vector<16xf32> to vector<1x16xf32>
        tpu.vector_store %arg6[%swap3A_672, %swap3A_673], %swap3A_676 {strides = array<i32>} : memref<16x1024xf32, #tpu.memory_space<vmem>>, vector<1x16xf32>,
        %get3A_677 = arith.constant 14 : i32
        %get3A_678 = arith.index_cast %get3A_677 : i32 to index
        %get3A_679 = arith.index_cast %mul3A_440 : i32 to index
        %get3A_680 = tpu.vector_load %arg6[%get3A_678, %get3A_679] {strides = array<i32>} : memref<16x1024xf32, #tpu.memory_space<vmem>>, vector<1x16xf32>,
        %get3A_681 = vector.shape_cast %get3A_680 : vector<1x16xf32> to vector<16xf32>
        %get3A_682 = arith.constant 14 : i32
        %get3A_683 = arith.index_cast %get3A_682 : i32 to index
        %get3A_684 = arith.index_cast %mul3A_440 : i32 to index
        %get3A_685 = tpu.vector_load %arg10[%get3A_683, %get3A_684] {strides = array<i32>} : memref<16x1024xf32, #tpu.memory_space<vmem>>, vector<1x16xf32>,
        %get3A_686 = vector.shape_cast %get3A_685 : vector<1x16xf32> to vector<16xf32>
        %add3A_687 = arith.addf %get3A_681, %get3A_686 : vector<16xf32>
        %swap3A_688 = arith.constant 14 : i32
        %swap3A_689 = arith.index_cast %swap3A_688 : i32 to index
        %swap3A_690 = arith.index_cast %mul3A_440 : i32 to index
        %swap3A_691 = tpu.vector_load %arg6[%swap3A_689, %swap3A_690] {strides = array<i32>} : memref<16x1024xf32, #tpu.memory_space<vmem>>, vector<1x16xf32>,
        %swap3A_692 = vector.shape_cast %swap3A_691 : vector<1x16xf32> to vector<16xf32>
        %swap3A_693 = vector.shape_cast %add3A_687 : vector<16xf32> to vector<1x16xf32>
        tpu.vector_store %arg6[%swap3A_689, %swap3A_690], %swap3A_693 {strides = array<i32>} : memref<16x1024xf32, #tpu.memory_space<vmem>>, vector<1x16xf32>,
        %get3A_694 = arith.constant 15 : i32
        %get3A_695 = arith.index_cast %get3A_694 : i32 to index
        %get3A_696 = arith.index_cast %mul3A_440 : i32 to index
        %get3A_697 = tpu.vector_load %arg6[%get3A_695, %get3A_696] {strides = array<i32>} : memref<16x1024xf32, #tpu.memory_space<vmem>>, vector<1x16xf32>,
        %get3A_698 = vector.shape_cast %get3A_697 : vector<1x16xf32> to vector<16xf32>
        %get3A_699 = arith.constant 15 : i32
        %get3A_700 = arith.index_cast %get3A_699 : i32 to index
        %get3A_701 = arith.index_cast %mul3A_440 : i32 to index
        %get3A_702 = tpu.vector_load %arg10[%get3A_700, %get3A_701] {strides = array<i32>} : memref<16x1024xf32, #tpu.memory_space<vmem>>, vector<1x16xf32>,
        %get3A_703 = vector.shape_cast %get3A_702 : vector<1x16xf32> to vector<16xf32>
        %add3A_704 = arith.addf %get3A_698, %get3A_703 : vector<16xf32>
        %swap3A_705 = arith.constant 15 : i32
        %swap3A_706 = arith.index_cast %swap3A_705 : i32 to index
        %swap3A_707 = arith.index_cast %mul3A_440 : i32 to index
        %swap3A_708 = tpu.vector_load %arg6[%swap3A_706, %swap3A_707] {strides = array<i32>} : memref<16x1024xf32, #tpu.memory_space<vmem>>, vector<1x16xf32>,
        %swap3A_709 = vector.shape_cast %swap3A_708 : vector<1x16xf32> to vector<16xf32>
        %swap3A_710 = vector.shape_cast %add3A_704 : vector<16xf32> to vector<1x16xf32>
        tpu.vector_store %arg6[%swap3A_706, %swap3A_707], %swap3A_710 {strides = array<i32>} : memref<16x1024xf32, #tpu.memory_space<vmem>>, vector<1x16xf32>,
      }
      %scan3A_336 = arith.constant 64 : i32
      %add3A_337 = arith.constant 8192 : i32
      %add3A_338 = arith.addi %add3A_337, %mul3A_2 : i32
      %mul3A_339 = arith.constant 16 : i32
      %mul3A_340 = arith.muli %add3A_301, %mul3A_339 : i32
      %add3A_341 = arith.addi %add3A_338, %mul3A_340 : i32
      %dma_start3A_342 = arith.constant 0 : i32
      %dma_start3A_343 = tpu.memref_slice %arg4[%add3A_341, %dma_start3A_342] : memref<32768x1024xf32, #tpu.memory_space<hbm>> -> memref<16x1024xf32, #tpu.memory_space<hbm>>
      %dma_start3A_344 = arith.constant 0 : i32
      %dma_start3A_345 = tpu.memref_slice %arg4[%add3A_341, %dma_start3A_344] : memref<32768x1024xf32, #tpu.memory_space<hbm>> -> memref<16x1024xf32, #tpu.memory_space<hbm>>
      tpu.enqueue_dma source(%arg6 : memref<16x1024xf32, #tpu.memory_space<vmem>>) target(%dma_start3A_345 : memref<16x1024xf32, #tpu.memory_space<hbm>>) target_semaphore(%arg18 : memref<!tpu.dma_semaphore, #tpu.memory_space<semaphore_mem>>)
      %add3A_346 = arith.constant 1 : i32
      %add3A_347 = arith.addi %mul3A_46, %add3A_346 : i32
      %mul3A_348 = arith.constant 8 : i32
      %mul3A_349 = arith.muli %scan3A_44, %mul3A_348 : i32
      %add3A_350 = arith.constant 6 : i32
      %add3A_351 = arith.addi %mul3A_349, %add3A_350 : i32
      %add3A_352 = arith.constant 2 : i32
      %add3A_353 = arith.addi %mul3A_46, %add3A_352 : i32
      %gt3A_354 = arith.constant 0 : i32
      %gt3A_355 = arith.cmpi sgt, %scan3A_44, %gt3A_354 : i32
      %or3A_356 = arith.constant true
      %or3A_357 = arith.ori %gt3A_355, %or3A_356 : i1
      %convert_element_type3A_358 = arith.extui %or3A_357 : i1 to i32
      %cond3A_359 = arith.constant 0 : i32
      %cond3A_360 = arith.cmpi ne, %convert_element_type3A_358, %cond3A_359 : i32
      scf.if %cond3A_360 {
        %add3A_438 = arith.constant 0 : i32
        %add3A_439 = arith.addi %add3A_438, %mul3A_2 : i32
        %add3A_440 = arith.constant 0 : i32
        %add3A_441 = arith.addi %add3A_439, %add3A_440 : i32
        %dma_wait3A_442 = arith.constant 0 : i32
        %dma_wait3A_443 = tpu.memref_slice %arg4[%add3A_441, %dma_wait3A_442] : memref<32768x1024xf32, #tpu.memory_space<hbm>> -> memref<16x1024xf32, #tpu.memory_space<hbm>>
        %dma_wait3A_444 = arith.constant 0 : i32
        %dma_wait3A_445 = tpu.memref_slice %arg4[%add3A_441, %dma_wait3A_444] : memref<32768x1024xf32, #tpu.memory_space<hbm>> -> memref<16x1024xf32, #tpu.memory_space<hbm>>
        tpu.wait_dma2 semaphore(%arg17 : memref<!tpu.dma_semaphore, #tpu.memory_space<semaphore_mem>>) src(%arg5 : memref<16x1024xf32, #tpu.memory_space<vmem>>) dst(%dma_wait3A_445 : memref<16x1024xf32, #tpu.memory_space<hbm>>)
      } else {
      }
      %add3A_361 = arith.constant 2 : i32
      %add3A_362 = arith.addi %add3A_351, %add3A_361 : i32
      %lt3A_363 = arith.constant 64 : i32
      %lt3A_364 = arith.cmpi slt, %add3A_362, %lt3A_363 : i32
      %convert_element_type3A_365 = arith.extui %lt3A_364 : i1 to i32
      %cond3A_366 = arith.constant 0 : i32
      %cond3A_367 = arith.cmpi ne, %convert_element_type3A_365, %cond3A_366 : i32
      scf.if %cond3A_367 {
        %add3A_438 = arith.constant 0 : i32
        %add3A_439 = arith.addi %add3A_438, %mul3A_2 : i32
        %mul3A_440 = arith.constant 16 : i32
        %mul3A_441 = arith.muli %add3A_353, %mul3A_440 : i32
        %add3A_442 = arith.addi %add3A_439, %mul3A_441 : i32
        %dma_start3A_443 = arith.constant 0 : i32
        %dma_start3A_444 = tpu.memref_slice %arg2[%add3A_442, %dma_start3A_443] : memref<32768x1024xf32, #tpu.memory_space<hbm>> -> memref<16x1024xf32, #tpu.memory_space<hbm>>
        %dma_start3A_445 = arith.constant 0 : i32
        %dma_start3A_446 = tpu.memref_slice %arg2[%add3A_442, %dma_start3A_445] : memref<32768x1024xf32, #tpu.memory_space<hbm>> -> memref<16x1024xf32, #tpu.memory_space<hbm>>
        tpu.enqueue_dma source(%dma_start3A_446 : memref<16x1024xf32, #tpu.memory_space<hbm>>) target(%arg5 : memref<16x1024xf32, #tpu.memory_space<vmem>>) target_semaphore(%arg11 : memref<!tpu.dma_semaphore, #tpu.memory_space<semaphore_mem>>)
      } else {
      }
      %add3A_368 = arith.constant 16384 : i32
      %add3A_369 = arith.addi %add3A_368, %mul3A_2 : i32
      %mul3A_370 = arith.constant 16 : i32
      %mul3A_371 = arith.muli %add3A_347, %mul3A_370 : i32
      %add3A_372 = arith.addi %add3A_369, %mul3A_371 : i32
      %dma_wait3A_373 = arith.constant 0 : i32
      %dma_wait3A_374 = tpu.memref_slice %arg2[%add3A_372, %dma_wait3A_373] : memref<32768x1024xf32, #tpu.memory_space<hbm>> -> memref<16x1024xf32, #tpu.memory_space<hbm>>
      %dma_wait3A_375 = arith.constant 0 : i32
      %dma_wait3A_376 = tpu.memref_slice %arg2[%add3A_372, %dma_wait3A_375] : memref<32768x1024xf32, #tpu.memory_space<hbm>> -> memref<16x1024xf32, #tpu.memory_space<hbm>>
      tpu.wait_dma2 semaphore(%arg13 : memref<!tpu.dma_semaphore, #tpu.memory_space<semaphore_mem>>) src(%dma_wait3A_376 : memref<16x1024xf32, #tpu.memory_space<hbm>>) dst(%arg7 : memref<16x1024xf32, #tpu.memory_space<vmem>>)
      %scan3A_377 = arith.constant 0 : i32
      %scan3A_378 = arith.constant 0 : i32
      %scan3A_379 = arith.constant 64 : i32
      %scan3A_380 = arith.addi %scan3A_378, %scan3A_379 : i32
      %scan3A_381 = arith.constant 1 : i32
      scf.for %scan3A_438 = %scan3A_378 to %scan3A_380 step %scan3A_381  : i32 {
        %mul3A_439 = arith.constant 16 : i32
        %mul3A_440 = arith.muli %scan3A_438, %mul3A_439 : i32
        %get3A = arith.constant 0 : i32
        %get3A_441 = arith.index_cast %get3A : i32 to index
        %get3A_442 = arith.index_cast %mul3A_440 : i32 to index
        %get3A_443 = tpu.vector_load %arg7[%get3A_441, %get3A_442] {strides = array<i32>} : memref<16x1024xf32, #tpu.memory_space<vmem>>, vector<1x16xf32>,
        %get3A_444 = vector.shape_cast %get3A_443 : vector<1x16xf32> to vector<16xf32>
        %get3A_445 = arith.constant 0 : i32
        %get3A_446 = arith.index_cast %get3A_445 : i32 to index
        %get3A_447 = arith.index_cast %mul3A_440 : i32 to index
        %get3A_448 = tpu.vector_load %arg10[%get3A_446, %get3A_447] {strides = array<i32>} : memref<16x1024xf32, #tpu.memory_space<vmem>>, vector<1x16xf32>,
        %get3A_449 = vector.shape_cast %get3A_448 : vector<1x16xf32> to vector<16xf32>
        %add3A_450 = arith.addf %get3A_444, %get3A_449 : vector<16xf32>
        %swap3A = arith.constant 0 : i32
        %swap3A_451 = arith.index_cast %swap3A : i32 to index
        %swap3A_452 = arith.index_cast %mul3A_440 : i32 to index
        %swap3A_453 = tpu.vector_load %arg7[%swap3A_451, %swap3A_452] {strides = array<i32>} : memref<16x1024xf32, #tpu.memory_space<vmem>>, vector<1x16xf32>,
        %swap3A_454 = vector.shape_cast %swap3A_453 : vector<1x16xf32> to vector<16xf32>
        %swap3A_455 = vector.shape_cast %add3A_450 : vector<16xf32> to vector<1x16xf32>
        tpu.vector_store %arg7[%swap3A_451, %swap3A_452], %swap3A_455 {strides = array<i32>} : memref<16x1024xf32, #tpu.memory_space<vmem>>, vector<1x16xf32>,
        %get3A_456 = arith.constant 1 : i32
        %get3A_457 = arith.index_cast %get3A_456 : i32 to index
        %get3A_458 = arith.index_cast %mul3A_440 : i32 to index
        %get3A_459 = tpu.vector_load %arg7[%get3A_457, %get3A_458] {strides = array<i32>} : memref<16x1024xf32, #tpu.memory_space<vmem>>, vector<1x16xf32>,
        %get3A_460 = vector.shape_cast %get3A_459 : vector<1x16xf32> to vector<16xf32>
        %get3A_461 = arith.constant 1 : i32
        %get3A_462 = arith.index_cast %get3A_461 : i32 to index
        %get3A_463 = arith.index_cast %mul3A_440 : i32 to index
        %get3A_464 = tpu.vector_load %arg10[%get3A_462, %get3A_463] {strides = array<i32>} : memref<16x1024xf32, #tpu.memory_space<vmem>>, vector<1x16xf32>,
        %get3A_465 = vector.shape_cast %get3A_464 : vector<1x16xf32> to vector<16xf32>
        %add3A_466 = arith.addf %get3A_460, %get3A_465 : vector<16xf32>
        %swap3A_467 = arith.constant 1 : i32
        %swap3A_468 = arith.index_cast %swap3A_467 : i32 to index
        %swap3A_469 = arith.index_cast %mul3A_440 : i32 to index
        %swap3A_470 = tpu.vector_load %arg7[%swap3A_468, %swap3A_469] {strides = array<i32>} : memref<16x1024xf32, #tpu.memory_space<vmem>>, vector<1x16xf32>,
        %swap3A_471 = vector.shape_cast %swap3A_470 : vector<1x16xf32> to vector<16xf32>
        %swap3A_472 = vector.shape_cast %add3A_466 : vector<16xf32> to vector<1x16xf32>
        tpu.vector_store %arg7[%swap3A_468, %swap3A_469], %swap3A_472 {strides = array<i32>} : memref<16x1024xf32, #tpu.memory_space<vmem>>, vector<1x16xf32>,
        %get3A_473 = arith.constant 2 : i32
        %get3A_474 = arith.index_cast %get3A_473 : i32 to index
        %get3A_475 = arith.index_cast %mul3A_440 : i32 to index
        %get3A_476 = tpu.vector_load %arg7[%get3A_474, %get3A_475] {strides = array<i32>} : memref<16x1024xf32, #tpu.memory_space<vmem>>, vector<1x16xf32>,
        %get3A_477 = vector.shape_cast %get3A_476 : vector<1x16xf32> to vector<16xf32>
        %get3A_478 = arith.constant 2 : i32
        %get3A_479 = arith.index_cast %get3A_478 : i32 to index
        %get3A_480 = arith.index_cast %mul3A_440 : i32 to index
        %get3A_481 = tpu.vector_load %arg10[%get3A_479, %get3A_480] {strides = array<i32>} : memref<16x1024xf32, #tpu.memory_space<vmem>>, vector<1x16xf32>,
        %get3A_482 = vector.shape_cast %get3A_481 : vector<1x16xf32> to vector<16xf32>
        %add3A_483 = arith.addf %get3A_477, %get3A_482 : vector<16xf32>
        %swap3A_484 = arith.constant 2 : i32
        %swap3A_485 = arith.index_cast %swap3A_484 : i32 to index
        %swap3A_486 = arith.index_cast %mul3A_440 : i32 to index
        %swap3A_487 = tpu.vector_load %arg7[%swap3A_485, %swap3A_486] {strides = array<i32>} : memref<16x1024xf32, #tpu.memory_space<vmem>>, vector<1x16xf32>,
        %swap3A_488 = vector.shape_cast %swap3A_487 : vector<1x16xf32> to vector<16xf32>
        %swap3A_489 = vector.shape_cast %add3A_483 : vector<16xf32> to vector<1x16xf32>
        tpu.vector_store %arg7[%swap3A_485, %swap3A_486], %swap3A_489 {strides = array<i32>} : memref<16x1024xf32, #tpu.memory_space<vmem>>, vector<1x16xf32>,
        %get3A_490 = arith.constant 3 : i32
        %get3A_491 = arith.index_cast %get3A_490 : i32 to index
        %get3A_492 = arith.index_cast %mul3A_440 : i32 to index
        %get3A_493 = tpu.vector_load %arg7[%get3A_491, %get3A_492] {strides = array<i32>} : memref<16x1024xf32, #tpu.memory_space<vmem>>, vector<1x16xf32>,
        %get3A_494 = vector.shape_cast %get3A_493 : vector<1x16xf32> to vector<16xf32>
        %get3A_495 = arith.constant 3 : i32
        %get3A_496 = arith.index_cast %get3A_495 : i32 to index
        %get3A_497 = arith.index_cast %mul3A_440 : i32 to index
        %get3A_498 = tpu.vector_load %arg10[%get3A_496, %get3A_497] {strides = array<i32>} : memref<16x1024xf32, #tpu.memory_space<vmem>>, vector<1x16xf32>,
        %get3A_499 = vector.shape_cast %get3A_498 : vector<1x16xf32> to vector<16xf32>
        %add3A_500 = arith.addf %get3A_494, %get3A_499 : vector<16xf32>
        %swap3A_501 = arith.constant 3 : i32
        %swap3A_502 = arith.index_cast %swap3A_501 : i32 to index
        %swap3A_503 = arith.index_cast %mul3A_440 : i32 to index
        %swap3A_504 = tpu.vector_load %arg7[%swap3A_502, %swap3A_503] {strides = array<i32>} : memref<16x1024xf32, #tpu.memory_space<vmem>>, vector<1x16xf32>,
        %swap3A_505 = vector.shape_cast %swap3A_504 : vector<1x16xf32> to vector<16xf32>
        %swap3A_506 = vector.shape_cast %add3A_500 : vector<16xf32> to vector<1x16xf32>
        tpu.vector_store %arg7[%swap3A_502, %swap3A_503], %swap3A_506 {strides = array<i32>} : memref<16x1024xf32, #tpu.memory_space<vmem>>, vector<1x16xf32>,
        %get3A_507 = arith.constant 4 : i32
        %get3A_508 = arith.index_cast %get3A_507 : i32 to index
        %get3A_509 = arith.index_cast %mul3A_440 : i32 to index
        %get3A_510 = tpu.vector_load %arg7[%get3A_508, %get3A_509] {strides = array<i32>} : memref<16x1024xf32, #tpu.memory_space<vmem>>, vector<1x16xf32>,
        %get3A_511 = vector.shape_cast %get3A_510 : vector<1x16xf32> to vector<16xf32>
        %get3A_512 = arith.constant 4 : i32
        %get3A_513 = arith.index_cast %get3A_512 : i32 to index
        %get3A_514 = arith.index_cast %mul3A_440 : i32 to index
        %get3A_515 = tpu.vector_load %arg10[%get3A_513, %get3A_514] {strides = array<i32>} : memref<16x1024xf32, #tpu.memory_space<vmem>>, vector<1x16xf32>,
        %get3A_516 = vector.shape_cast %get3A_515 : vector<1x16xf32> to vector<16xf32>
        %add3A_517 = arith.addf %get3A_511, %get3A_516 : vector<16xf32>
        %swap3A_518 = arith.constant 4 : i32
        %swap3A_519 = arith.index_cast %swap3A_518 : i32 to index
        %swap3A_520 = arith.index_cast %mul3A_440 : i32 to index
        %swap3A_521 = tpu.vector_load %arg7[%swap3A_519, %swap3A_520] {strides = array<i32>} : memref<16x1024xf32, #tpu.memory_space<vmem>>, vector<1x16xf32>,
        %swap3A_522 = vector.shape_cast %swap3A_521 : vector<1x16xf32> to vector<16xf32>
        %swap3A_523 = vector.shape_cast %add3A_517 : vector<16xf32> to vector<1x16xf32>
        tpu.vector_store %arg7[%swap3A_519, %swap3A_520], %swap3A_523 {strides = array<i32>} : memref<16x1024xf32, #tpu.memory_space<vmem>>, vector<1x16xf32>,
        %get3A_524 = arith.constant 5 : i32
        %get3A_525 = arith.index_cast %get3A_524 : i32 to index
        %get3A_526 = arith.index_cast %mul3A_440 : i32 to index
        %get3A_527 = tpu.vector_load %arg7[%get3A_525, %get3A_526] {strides = array<i32>} : memref<16x1024xf32, #tpu.memory_space<vmem>>, vector<1x16xf32>,
        %get3A_528 = vector.shape_cast %get3A_527 : vector<1x16xf32> to vector<16xf32>
        %get3A_529 = arith.constant 5 : i32
        %get3A_530 = arith.index_cast %get3A_529 : i32 to index
        %get3A_531 = arith.index_cast %mul3A_440 : i32 to index
        %get3A_532 = tpu.vector_load %arg10[%get3A_530, %get3A_531] {strides = array<i32>} : memref<16x1024xf32, #tpu.memory_space<vmem>>, vector<1x16xf32>,
        %get3A_533 = vector.shape_cast %get3A_532 : vector<1x16xf32> to vector<16xf32>
        %add3A_534 = arith.addf %get3A_528, %get3A_533 : vector<16xf32>
        %swap3A_535 = arith.constant 5 : i32
        %swap3A_536 = arith.index_cast %swap3A_535 : i32 to index
        %swap3A_537 = arith.index_cast %mul3A_440 : i32 to index
        %swap3A_538 = tpu.vector_load %arg7[%swap3A_536, %swap3A_537] {strides = array<i32>} : memref<16x1024xf32, #tpu.memory_space<vmem>>, vector<1x16xf32>,
        %swap3A_539 = vector.shape_cast %swap3A_538 : vector<1x16xf32> to vector<16xf32>
        %swap3A_540 = vector.shape_cast %add3A_534 : vector<16xf32> to vector<1x16xf32>
        tpu.vector_store %arg7[%swap3A_536, %swap3A_537], %swap3A_540 {strides = array<i32>} : memref<16x1024xf32, #tpu.memory_space<vmem>>, vector<1x16xf32>,
        %get3A_541 = arith.constant 6 : i32
        %get3A_542 = arith.index_cast %get3A_541 : i32 to index
        %get3A_543 = arith.index_cast %mul3A_440 : i32 to index
        %get3A_544 = tpu.vector_load %arg7[%get3A_542, %get3A_543] {strides = array<i32>} : memref<16x1024xf32, #tpu.memory_space<vmem>>, vector<1x16xf32>,
        %get3A_545 = vector.shape_cast %get3A_544 : vector<1x16xf32> to vector<16xf32>
        %get3A_546 = arith.constant 6 : i32
        %get3A_547 = arith.index_cast %get3A_546 : i32 to index
        %get3A_548 = arith.index_cast %mul3A_440 : i32 to index
        %get3A_549 = tpu.vector_load %arg10[%get3A_547, %get3A_548] {strides = array<i32>} : memref<16x1024xf32, #tpu.memory_space<vmem>>, vector<1x16xf32>,
        %get3A_550 = vector.shape_cast %get3A_549 : vector<1x16xf32> to vector<16xf32>
        %add3A_551 = arith.addf %get3A_545, %get3A_550 : vector<16xf32>
        %swap3A_552 = arith.constant 6 : i32
        %swap3A_553 = arith.index_cast %swap3A_552 : i32 to index
        %swap3A_554 = arith.index_cast %mul3A_440 : i32 to index
        %swap3A_555 = tpu.vector_load %arg7[%swap3A_553, %swap3A_554] {strides = array<i32>} : memref<16x1024xf32, #tpu.memory_space<vmem>>, vector<1x16xf32>,
        %swap3A_556 = vector.shape_cast %swap3A_555 : vector<1x16xf32> to vector<16xf32>
        %swap3A_557 = vector.shape_cast %add3A_551 : vector<16xf32> to vector<1x16xf32>
        tpu.vector_store %arg7[%swap3A_553, %swap3A_554], %swap3A_557 {strides = array<i32>} : memref<16x1024xf32, #tpu.memory_space<vmem>>, vector<1x16xf32>,
        %get3A_558 = arith.constant 7 : i32
        %get3A_559 = arith.index_cast %get3A_558 : i32 to index
        %get3A_560 = arith.index_cast %mul3A_440 : i32 to index
        %get3A_561 = tpu.vector_load %arg7[%get3A_559, %get3A_560] {strides = array<i32>} : memref<16x1024xf32, #tpu.memory_space<vmem>>, vector<1x16xf32>,
        %get3A_562 = vector.shape_cast %get3A_561 : vector<1x16xf32> to vector<16xf32>
        %get3A_563 = arith.constant 7 : i32
        %get3A_564 = arith.index_cast %get3A_563 : i32 to index
        %get3A_565 = arith.index_cast %mul3A_440 : i32 to index
        %get3A_566 = tpu.vector_load %arg10[%get3A_564, %get3A_565] {strides = array<i32>} : memref<16x1024xf32, #tpu.memory_space<vmem>>, vector<1x16xf32>,
        %get3A_567 = vector.shape_cast %get3A_566 : vector<1x16xf32> to vector<16xf32>
        %add3A_568 = arith.addf %get3A_562, %get3A_567 : vector<16xf32>
        %swap3A_569 = arith.constant 7 : i32
        %swap3A_570 = arith.index_cast %swap3A_569 : i32 to index
        %swap3A_571 = arith.index_cast %mul3A_440 : i32 to index
        %swap3A_572 = tpu.vector_load %arg7[%swap3A_570, %swap3A_571] {strides = array<i32>} : memref<16x1024xf32, #tpu.memory_space<vmem>>, vector<1x16xf32>,
        %swap3A_573 = vector.shape_cast %swap3A_572 : vector<1x16xf32> to vector<16xf32>
        %swap3A_574 = vector.shape_cast %add3A_568 : vector<16xf32> to vector<1x16xf32>
        tpu.vector_store %arg7[%swap3A_570, %swap3A_571], %swap3A_574 {strides = array<i32>} : memref<16x1024xf32, #tpu.memory_space<vmem>>, vector<1x16xf32>,
        %get3A_575 = arith.constant 8 : i32
        %get3A_576 = arith.index_cast %get3A_575 : i32 to index
        %get3A_577 = arith.index_cast %mul3A_440 : i32 to index
        %get3A_578 = tpu.vector_load %arg7[%get3A_576, %get3A_577] {strides = array<i32>} : memref<16x1024xf32, #tpu.memory_space<vmem>>, vector<1x16xf32>,
        %get3A_579 = vector.shape_cast %get3A_578 : vector<1x16xf32> to vector<16xf32>
        %get3A_580 = arith.constant 8 : i32
        %get3A_581 = arith.index_cast %get3A_580 : i32 to index
        %get3A_582 = arith.index_cast %mul3A_440 : i32 to index
        %get3A_583 = tpu.vector_load %arg10[%get3A_581, %get3A_582] {strides = array<i32>} : memref<16x1024xf32, #tpu.memory_space<vmem>>, vector<1x16xf32>,
        %get3A_584 = vector.shape_cast %get3A_583 : vector<1x16xf32> to vector<16xf32>
        %add3A_585 = arith.addf %get3A_579, %get3A_584 : vector<16xf32>
        %swap3A_586 = arith.constant 8 : i32
        %swap3A_587 = arith.index_cast %swap3A_586 : i32 to index
        %swap3A_588 = arith.index_cast %mul3A_440 : i32 to index
        %swap3A_589 = tpu.vector_load %arg7[%swap3A_587, %swap3A_588] {strides = array<i32>} : memref<16x1024xf32, #tpu.memory_space<vmem>>, vector<1x16xf32>,
        %swap3A_590 = vector.shape_cast %swap3A_589 : vector<1x16xf32> to vector<16xf32>
        %swap3A_591 = vector.shape_cast %add3A_585 : vector<16xf32> to vector<1x16xf32>
        tpu.vector_store %arg7[%swap3A_587, %swap3A_588], %swap3A_591 {strides = array<i32>} : memref<16x1024xf32, #tpu.memory_space<vmem>>, vector<1x16xf32>,
        %get3A_592 = arith.constant 9 : i32
        %get3A_593 = arith.index_cast %get3A_592 : i32 to index
        %get3A_594 = arith.index_cast %mul3A_440 : i32 to index
        %get3A_595 = tpu.vector_load %arg7[%get3A_593, %get3A_594] {strides = array<i32>} : memref<16x1024xf32, #tpu.memory_space<vmem>>, vector<1x16xf32>,
        %get3A_596 = vector.shape_cast %get3A_595 : vector<1x16xf32> to vector<16xf32>
        %get3A_597 = arith.constant 9 : i32
        %get3A_598 = arith.index_cast %get3A_597 : i32 to index
        %get3A_599 = arith.index_cast %mul3A_440 : i32 to index
        %get3A_600 = tpu.vector_load %arg10[%get3A_598, %get3A_599] {strides = array<i32>} : memref<16x1024xf32, #tpu.memory_space<vmem>>, vector<1x16xf32>,
        %get3A_601 = vector.shape_cast %get3A_600 : vector<1x16xf32> to vector<16xf32>
        %add3A_602 = arith.addf %get3A_596, %get3A_601 : vector<16xf32>
        %swap3A_603 = arith.constant 9 : i32
        %swap3A_604 = arith.index_cast %swap3A_603 : i32 to index
        %swap3A_605 = arith.index_cast %mul3A_440 : i32 to index
        %swap3A_606 = tpu.vector_load %arg7[%swap3A_604, %swap3A_605] {strides = array<i32>} : memref<16x1024xf32, #tpu.memory_space<vmem>>, vector<1x16xf32>,
        %swap3A_607 = vector.shape_cast %swap3A_606 : vector<1x16xf32> to vector<16xf32>
        %swap3A_608 = vector.shape_cast %add3A_602 : vector<16xf32> to vector<1x16xf32>
        tpu.vector_store %arg7[%swap3A_604, %swap3A_605], %swap3A_608 {strides = array<i32>} : memref<16x1024xf32, #tpu.memory_space<vmem>>, vector<1x16xf32>,
        %get3A_609 = arith.constant 10 : i32
        %get3A_610 = arith.index_cast %get3A_609 : i32 to index
        %get3A_611 = arith.index_cast %mul3A_440 : i32 to index
        %get3A_612 = tpu.vector_load %arg7[%get3A_610, %get3A_611] {strides = array<i32>} : memref<16x1024xf32, #tpu.memory_space<vmem>>, vector<1x16xf32>,
        %get3A_613 = vector.shape_cast %get3A_612 : vector<1x16xf32> to vector<16xf32>
        %get3A_614 = arith.constant 10 : i32
        %get3A_615 = arith.index_cast %get3A_614 : i32 to index
        %get3A_616 = arith.index_cast %mul3A_440 : i32 to index
        %get3A_617 = tpu.vector_load %arg10[%get3A_615, %get3A_616] {strides = array<i32>} : memref<16x1024xf32, #tpu.memory_space<vmem>>, vector<1x16xf32>,
        %get3A_618 = vector.shape_cast %get3A_617 : vector<1x16xf32> to vector<16xf32>
        %add3A_619 = arith.addf %get3A_613, %get3A_618 : vector<16xf32>
        %swap3A_620 = arith.constant 10 : i32
        %swap3A_621 = arith.index_cast %swap3A_620 : i32 to index
        %swap3A_622 = arith.index_cast %mul3A_440 : i32 to index
        %swap3A_623 = tpu.vector_load %arg7[%swap3A_621, %swap3A_622] {strides = array<i32>} : memref<16x1024xf32, #tpu.memory_space<vmem>>, vector<1x16xf32>,
        %swap3A_624 = vector.shape_cast %swap3A_623 : vector<1x16xf32> to vector<16xf32>
        %swap3A_625 = vector.shape_cast %add3A_619 : vector<16xf32> to vector<1x16xf32>
        tpu.vector_store %arg7[%swap3A_621, %swap3A_622], %swap3A_625 {strides = array<i32>} : memref<16x1024xf32, #tpu.memory_space<vmem>>, vector<1x16xf32>,
        %get3A_626 = arith.constant 11 : i32
        %get3A_627 = arith.index_cast %get3A_626 : i32 to index
        %get3A_628 = arith.index_cast %mul3A_440 : i32 to index
        %get3A_629 = tpu.vector_load %arg7[%get3A_627, %get3A_628] {strides = array<i32>} : memref<16x1024xf32, #tpu.memory_space<vmem>>, vector<1x16xf32>,
        %get3A_630 = vector.shape_cast %get3A_629 : vector<1x16xf32> to vector<16xf32>
        %get3A_631 = arith.constant 11 : i32
        %get3A_632 = arith.index_cast %get3A_631 : i32 to index
        %get3A_633 = arith.index_cast %mul3A_440 : i32 to index
        %get3A_634 = tpu.vector_load %arg10[%get3A_632, %get3A_633] {strides = array<i32>} : memref<16x1024xf32, #tpu.memory_space<vmem>>, vector<1x16xf32>,
        %get3A_635 = vector.shape_cast %get3A_634 : vector<1x16xf32> to vector<16xf32>
        %add3A_636 = arith.addf %get3A_630, %get3A_635 : vector<16xf32>
        %swap3A_637 = arith.constant 11 : i32
        %swap3A_638 = arith.index_cast %swap3A_637 : i32 to index
        %swap3A_639 = arith.index_cast %mul3A_440 : i32 to index
        %swap3A_640 = tpu.vector_load %arg7[%swap3A_638, %swap3A_639] {strides = array<i32>} : memref<16x1024xf32, #tpu.memory_space<vmem>>, vector<1x16xf32>,
        %swap3A_641 = vector.shape_cast %swap3A_640 : vector<1x16xf32> to vector<16xf32>
        %swap3A_642 = vector.shape_cast %add3A_636 : vector<16xf32> to vector<1x16xf32>
        tpu.vector_store %arg7[%swap3A_638, %swap3A_639], %swap3A_642 {strides = array<i32>} : memref<16x1024xf32, #tpu.memory_space<vmem>>, vector<1x16xf32>,
        %get3A_643 = arith.constant 12 : i32
        %get3A_644 = arith.index_cast %get3A_643 : i32 to index
        %get3A_645 = arith.index_cast %mul3A_440 : i32 to index
        %get3A_646 = tpu.vector_load %arg7[%get3A_644, %get3A_645] {strides = array<i32>} : memref<16x1024xf32, #tpu.memory_space<vmem>>, vector<1x16xf32>,
        %get3A_647 = vector.shape_cast %get3A_646 : vector<1x16xf32> to vector<16xf32>
        %get3A_648 = arith.constant 12 : i32
        %get3A_649 = arith.index_cast %get3A_648 : i32 to index
        %get3A_650 = arith.index_cast %mul3A_440 : i32 to index
        %get3A_651 = tpu.vector_load %arg10[%get3A_649, %get3A_650] {strides = array<i32>} : memref<16x1024xf32, #tpu.memory_space<vmem>>, vector<1x16xf32>,
        %get3A_652 = vector.shape_cast %get3A_651 : vector<1x16xf32> to vector<16xf32>
        %add3A_653 = arith.addf %get3A_647, %get3A_652 : vector<16xf32>
        %swap3A_654 = arith.constant 12 : i32
        %swap3A_655 = arith.index_cast %swap3A_654 : i32 to index
        %swap3A_656 = arith.index_cast %mul3A_440 : i32 to index
        %swap3A_657 = tpu.vector_load %arg7[%swap3A_655, %swap3A_656] {strides = array<i32>} : memref<16x1024xf32, #tpu.memory_space<vmem>>, vector<1x16xf32>,
        %swap3A_658 = vector.shape_cast %swap3A_657 : vector<1x16xf32> to vector<16xf32>
        %swap3A_659 = vector.shape_cast %add3A_653 : vector<16xf32> to vector<1x16xf32>
        tpu.vector_store %arg7[%swap3A_655, %swap3A_656], %swap3A_659 {strides = array<i32>} : memref<16x1024xf32, #tpu.memory_space<vmem>>, vector<1x16xf32>,
        %get3A_660 = arith.constant 13 : i32
        %get3A_661 = arith.index_cast %get3A_660 : i32 to index
        %get3A_662 = arith.index_cast %mul3A_440 : i32 to index
        %get3A_663 = tpu.vector_load %arg7[%get3A_661, %get3A_662] {strides = array<i32>} : memref<16x1024xf32, #tpu.memory_space<vmem>>, vector<1x16xf32>,
        %get3A_664 = vector.shape_cast %get3A_663 : vector<1x16xf32> to vector<16xf32>
        %get3A_665 = arith.constant 13 : i32
        %get3A_666 = arith.index_cast %get3A_665 : i32 to index
        %get3A_667 = arith.index_cast %mul3A_440 : i32 to index
        %get3A_668 = tpu.vector_load %arg10[%get3A_666, %get3A_667] {strides = array<i32>} : memref<16x1024xf32, #tpu.memory_space<vmem>>, vector<1x16xf32>,
        %get3A_669 = vector.shape_cast %get3A_668 : vector<1x16xf32> to vector<16xf32>
        %add3A_670 = arith.addf %get3A_664, %get3A_669 : vector<16xf32>
        %swap3A_671 = arith.constant 13 : i32
        %swap3A_672 = arith.index_cast %swap3A_671 : i32 to index
        %swap3A_673 = arith.index_cast %mul3A_440 : i32 to index
        %swap3A_674 = tpu.vector_load %arg7[%swap3A_672, %swap3A_673] {strides = array<i32>} : memref<16x1024xf32, #tpu.memory_space<vmem>>, vector<1x16xf32>,
        %swap3A_675 = vector.shape_cast %swap3A_674 : vector<1x16xf32> to vector<16xf32>
        %swap3A_676 = vector.shape_cast %add3A_670 : vector<16xf32> to vector<1x16xf32>
        tpu.vector_store %arg7[%swap3A_672, %swap3A_673], %swap3A_676 {strides = array<i32>} : memref<16x1024xf32, #tpu.memory_space<vmem>>, vector<1x16xf32>,
        %get3A_677 = arith.constant 14 : i32
        %get3A_678 = arith.index_cast %get3A_677 : i32 to index
        %get3A_679 = arith.index_cast %mul3A_440 : i32 to index
        %get3A_680 = tpu.vector_load %arg7[%get3A_678, %get3A_679] {strides = array<i32>} : memref<16x1024xf32, #tpu.memory_space<vmem>>, vector<1x16xf32>,
        %get3A_681 = vector.shape_cast %get3A_680 : vector<1x16xf32> to vector<16xf32>
        %get3A_682 = arith.constant 14 : i32
        %get3A_683 = arith.index_cast %get3A_682 : i32 to index
        %get3A_684 = arith.index_cast %mul3A_440 : i32 to index
        %get3A_685 = tpu.vector_load %arg10[%get3A_683, %get3A_684] {strides = array<i32>} : memref<16x1024xf32, #tpu.memory_space<vmem>>, vector<1x16xf32>,
        %get3A_686 = vector.shape_cast %get3A_685 : vector<1x16xf32> to vector<16xf32>
        %add3A_687 = arith.addf %get3A_681, %get3A_686 : vector<16xf32>
        %swap3A_688 = arith.constant 14 : i32
        %swap3A_689 = arith.index_cast %swap3A_688 : i32 to index
        %swap3A_690 = arith.index_cast %mul3A_440 : i32 to index
        %swap3A_691 = tpu.vector_load %arg7[%swap3A_689, %swap3A_690] {strides = array<i32>} : memref<16x1024xf32, #tpu.memory_space<vmem>>, vector<1x16xf32>,
        %swap3A_692 = vector.shape_cast %swap3A_691 : vector<1x16xf32> to vector<16xf32>
        %swap3A_693 = vector.shape_cast %add3A_687 : vector<16xf32> to vector<1x16xf32>
        tpu.vector_store %arg7[%swap3A_689, %swap3A_690], %swap3A_693 {strides = array<i32>} : memref<16x1024xf32, #tpu.memory_space<vmem>>, vector<1x16xf32>,
        %get3A_694 = arith.constant 15 : i32
        %get3A_695 = arith.index_cast %get3A_694 : i32 to index
        %get3A_696 = arith.index_cast %mul3A_440 : i32 to index
        %get3A_697 = tpu.vector_load %arg7[%get3A_695, %get3A_696] {strides = array<i32>} : memref<16x1024xf32, #tpu.memory_space<vmem>>, vector<1x16xf32>,
        %get3A_698 = vector.shape_cast %get3A_697 : vector<1x16xf32> to vector<16xf32>
        %get3A_699 = arith.constant 15 : i32
        %get3A_700 = arith.index_cast %get3A_699 : i32 to index
        %get3A_701 = arith.index_cast %mul3A_440 : i32 to index
        %get3A_702 = tpu.vector_load %arg10[%get3A_700, %get3A_701] {strides = array<i32>} : memref<16x1024xf32, #tpu.memory_space<vmem>>, vector<1x16xf32>,
        %get3A_703 = vector.shape_cast %get3A_702 : vector<1x16xf32> to vector<16xf32>
        %add3A_704 = arith.addf %get3A_698, %get3A_703 : vector<16xf32>
        %swap3A_705 = arith.constant 15 : i32
        %swap3A_706 = arith.index_cast %swap3A_705 : i32 to index
        %swap3A_707 = arith.index_cast %mul3A_440 : i32 to index
        %swap3A_708 = tpu.vector_load %arg7[%swap3A_706, %swap3A_707] {strides = array<i32>} : memref<16x1024xf32, #tpu.memory_space<vmem>>, vector<1x16xf32>,
        %swap3A_709 = vector.shape_cast %swap3A_708 : vector<1x16xf32> to vector<16xf32>
        %swap3A_710 = vector.shape_cast %add3A_704 : vector<16xf32> to vector<1x16xf32>
        tpu.vector_store %arg7[%swap3A_706, %swap3A_707], %swap3A_710 {strides = array<i32>} : memref<16x1024xf32, #tpu.memory_space<vmem>>, vector<1x16xf32>,
      }
      %scan3A_382 = arith.constant 64 : i32
      %add3A_383 = arith.constant 16384 : i32
      %add3A_384 = arith.addi %add3A_383, %mul3A_2 : i32
      %mul3A_385 = arith.constant 16 : i32
      %mul3A_386 = arith.muli %add3A_347, %mul3A_385 : i32
      %add3A_387 = arith.addi %add3A_384, %mul3A_386 : i32
      %dma_start3A_388 = arith.constant 0 : i32
      %dma_start3A_389 = tpu.memref_slice %arg4[%add3A_387, %dma_start3A_388] : memref<32768x1024xf32, #tpu.memory_space<hbm>> -> memref<16x1024xf32, #tpu.memory_space<hbm>>
      %dma_start3A_390 = arith.constant 0 : i32
      %dma_start3A_391 = tpu.memref_slice %arg4[%add3A_387, %dma_start3A_390] : memref<32768x1024xf32, #tpu.memory_space<hbm>> -> memref<16x1024xf32, #tpu.memory_space<hbm>>
      tpu.enqueue_dma source(%arg7 : memref<16x1024xf32, #tpu.memory_space<vmem>>) target(%dma_start3A_391 : memref<16x1024xf32, #tpu.memory_space<hbm>>) target_semaphore(%arg19 : memref<!tpu.dma_semaphore, #tpu.memory_space<semaphore_mem>>)
      %add3A_392 = arith.constant 1 : i32
      %add3A_393 = arith.addi %mul3A_46, %add3A_392 : i32
      %mul3A_394 = arith.constant 8 : i32
      %mul3A_395 = arith.muli %scan3A_44, %mul3A_394 : i32
      %add3A_396 = arith.constant 7 : i32
      %add3A_397 = arith.addi %mul3A_395, %add3A_396 : i32
      %add3A_398 = arith.constant 2 : i32
      %add3A_399 = arith.addi %mul3A_46, %add3A_398 : i32
      %gt3A_400 = arith.constant 0 : i32
      %gt3A_401 = arith.cmpi sgt, %scan3A_44, %gt3A_400 : i32
      %or3A_402 = arith.constant true
      %or3A_403 = arith.ori %gt3A_401, %or3A_402 : i1
      %convert_element_type3A_404 = arith.extui %or3A_403 : i1 to i32
      %cond3A_405 = arith.constant 0 : i32
      %cond3A_406 = arith.cmpi ne, %convert_element_type3A_404, %cond3A_405 : i32
      scf.if %cond3A_406 {
        %add3A_438 = arith.constant 0 : i32
        %add3A_439 = arith.addi %add3A_438, %mul3A_2 : i32
        %add3A_440 = arith.constant 0 : i32
        %add3A_441 = arith.addi %add3A_439, %add3A_440 : i32
        %dma_wait3A_442 = arith.constant 0 : i32
        %dma_wait3A_443 = tpu.memref_slice %arg4[%add3A_441, %dma_wait3A_442] : memref<32768x1024xf32, #tpu.memory_space<hbm>> -> memref<16x1024xf32, #tpu.memory_space<hbm>>
        %dma_wait3A_444 = arith.constant 0 : i32
        %dma_wait3A_445 = tpu.memref_slice %arg4[%add3A_441, %dma_wait3A_444] : memref<32768x1024xf32, #tpu.memory_space<hbm>> -> memref<16x1024xf32, #tpu.memory_space<hbm>>
        tpu.wait_dma2 semaphore(%arg18 : memref<!tpu.dma_semaphore, #tpu.memory_space<semaphore_mem>>) src(%arg6 : memref<16x1024xf32, #tpu.memory_space<vmem>>) dst(%dma_wait3A_445 : memref<16x1024xf32, #tpu.memory_space<hbm>>)
      } else {
      }
      %add3A_407 = arith.constant 2 : i32
      %add3A_408 = arith.addi %add3A_397, %add3A_407 : i32
      %lt3A_409 = arith.constant 64 : i32
      %lt3A_410 = arith.cmpi slt, %add3A_408, %lt3A_409 : i32
      %convert_element_type3A_411 = arith.extui %lt3A_410 : i1 to i32
      %cond3A_412 = arith.constant 0 : i32
      %cond3A_413 = arith.cmpi ne, %convert_element_type3A_411, %cond3A_412 : i32
      scf.if %cond3A_413 {
        %add3A_438 = arith.constant 8192 : i32
        %add3A_439 = arith.addi %add3A_438, %mul3A_2 : i32
        %mul3A_440 = arith.constant 16 : i32
        %mul3A_441 = arith.muli %add3A_399, %mul3A_440 : i32
        %add3A_442 = arith.addi %add3A_439, %mul3A_441 : i32
        %dma_start3A_443 = arith.constant 0 : i32
        %dma_start3A_444 = tpu.memref_slice %arg2[%add3A_442, %dma_start3A_443] : memref<32768x1024xf32, #tpu.memory_space<hbm>> -> memref<16x1024xf32, #tpu.memory_space<hbm>>
        %dma_start3A_445 = arith.constant 0 : i32
        %dma_start3A_446 = tpu.memref_slice %arg2[%add3A_442, %dma_start3A_445] : memref<32768x1024xf32, #tpu.memory_space<hbm>> -> memref<16x1024xf32, #tpu.memory_space<hbm>>
        tpu.enqueue_dma source(%dma_start3A_446 : memref<16x1024xf32, #tpu.memory_space<hbm>>) target(%arg6 : memref<16x1024xf32, #tpu.memory_space<vmem>>) target_semaphore(%arg12 : memref<!tpu.dma_semaphore, #tpu.memory_space<semaphore_mem>>)
      } else {
      }
      %add3A_414 = arith.constant 24576 : i32
      %add3A_415 = arith.addi %add3A_414, %mul3A_2 : i32
      %mul3A_416 = arith.constant 16 : i32
      %mul3A_417 = arith.muli %add3A_393, %mul3A_416 : i32
      %add3A_418 = arith.addi %add3A_415, %mul3A_417 : i32
      %dma_wait3A_419 = arith.constant 0 : i32
      %dma_wait3A_420 = tpu.memref_slice %arg2[%add3A_418, %dma_wait3A_419] : memref<32768x1024xf32, #tpu.memory_space<hbm>> -> memref<16x1024xf32, #tpu.memory_space<hbm>>
      %dma_wait3A_421 = arith.constant 0 : i32
      %dma_wait3A_422 = tpu.memref_slice %arg2[%add3A_418, %dma_wait3A_421] : memref<32768x1024xf32, #tpu.memory_space<hbm>> -> memref<16x1024xf32, #tpu.memory_space<hbm>>
      tpu.wait_dma2 semaphore(%arg14 : memref<!tpu.dma_semaphore, #tpu.memory_space<semaphore_mem>>) src(%dma_wait3A_422 : memref<16x1024xf32, #tpu.memory_space<hbm>>) dst(%arg8 : memref<16x1024xf32, #tpu.memory_space<vmem>>)
      %scan3A_423 = arith.constant 0 : i32
      %scan3A_424 = arith.constant 0 : i32
      %scan3A_425 = arith.constant 64 : i32
      %scan3A_426 = arith.addi %scan3A_424, %scan3A_425 : i32
      %scan3A_427 = arith.constant 1 : i32
      scf.for %scan3A_438 = %scan3A_424 to %scan3A_426 step %scan3A_427  : i32 {
        %mul3A_439 = arith.constant 16 : i32
        %mul3A_440 = arith.muli %scan3A_438, %mul3A_439 : i32
        %get3A = arith.constant 0 : i32
        %get3A_441 = arith.index_cast %get3A : i32 to index
        %get3A_442 = arith.index_cast %mul3A_440 : i32 to index
        %get3A_443 = tpu.vector_load %arg8[%get3A_441, %get3A_442] {strides = array<i32>} : memref<16x1024xf32, #tpu.memory_space<vmem>>, vector<1x16xf32>,
        %get3A_444 = vector.shape_cast %get3A_443 : vector<1x16xf32> to vector<16xf32>
        %get3A_445 = arith.constant 0 : i32
        %get3A_446 = arith.index_cast %get3A_445 : i32 to index
        %get3A_447 = arith.index_cast %mul3A_440 : i32 to index
        %get3A_448 = tpu.vector_load %arg10[%get3A_446, %get3A_447] {strides = array<i32>} : memref<16x1024xf32, #tpu.memory_space<vmem>>, vector<1x16xf32>,
        %get3A_449 = vector.shape_cast %get3A_448 : vector<1x16xf32> to vector<16xf32>
        %add3A_450 = arith.addf %get3A_444, %get3A_449 : vector<16xf32>
        %swap3A = arith.constant 0 : i32
        %swap3A_451 = arith.index_cast %swap3A : i32 to index
        %swap3A_452 = arith.index_cast %mul3A_440 : i32 to index
        %swap3A_453 = tpu.vector_load %arg8[%swap3A_451, %swap3A_452] {strides = array<i32>} : memref<16x1024xf32, #tpu.memory_space<vmem>>, vector<1x16xf32>,
        %swap3A_454 = vector.shape_cast %swap3A_453 : vector<1x16xf32> to vector<16xf32>
        %swap3A_455 = vector.shape_cast %add3A_450 : vector<16xf32> to vector<1x16xf32>
        tpu.vector_store %arg8[%swap3A_451, %swap3A_452], %swap3A_455 {strides = array<i32>} : memref<16x1024xf32, #tpu.memory_space<vmem>>, vector<1x16xf32>,
        %get3A_456 = arith.constant 1 : i32
        %get3A_457 = arith.index_cast %get3A_456 : i32 to index
        %get3A_458 = arith.index_cast %mul3A_440 : i32 to index
        %get3A_459 = tpu.vector_load %arg8[%get3A_457, %get3A_458] {strides = array<i32>} : memref<16x1024xf32, #tpu.memory_space<vmem>>, vector<1x16xf32>,
        %get3A_460 = vector.shape_cast %get3A_459 : vector<1x16xf32> to vector<16xf32>
        %get3A_461 = arith.constant 1 : i32
        %get3A_462 = arith.index_cast %get3A_461 : i32 to index
        %get3A_463 = arith.index_cast %mul3A_440 : i32 to index
        %get3A_464 = tpu.vector_load %arg10[%get3A_462, %get3A_463] {strides = array<i32>} : memref<16x1024xf32, #tpu.memory_space<vmem>>, vector<1x16xf32>,
        %get3A_465 = vector.shape_cast %get3A_464 : vector<1x16xf32> to vector<16xf32>
        %add3A_466 = arith.addf %get3A_460, %get3A_465 : vector<16xf32>
        %swap3A_467 = arith.constant 1 : i32
        %swap3A_468 = arith.index_cast %swap3A_467 : i32 to index
        %swap3A_469 = arith.index_cast %mul3A_440 : i32 to index
        %swap3A_470 = tpu.vector_load %arg8[%swap3A_468, %swap3A_469] {strides = array<i32>} : memref<16x1024xf32, #tpu.memory_space<vmem>>, vector<1x16xf32>,
        %swap3A_471 = vector.shape_cast %swap3A_470 : vector<1x16xf32> to vector<16xf32>
        %swap3A_472 = vector.shape_cast %add3A_466 : vector<16xf32> to vector<1x16xf32>
        tpu.vector_store %arg8[%swap3A_468, %swap3A_469], %swap3A_472 {strides = array<i32>} : memref<16x1024xf32, #tpu.memory_space<vmem>>, vector<1x16xf32>,
        %get3A_473 = arith.constant 2 : i32
        %get3A_474 = arith.index_cast %get3A_473 : i32 to index
        %get3A_475 = arith.index_cast %mul3A_440 : i32 to index
        %get3A_476 = tpu.vector_load %arg8[%get3A_474, %get3A_475] {strides = array<i32>} : memref<16x1024xf32, #tpu.memory_space<vmem>>, vector<1x16xf32>,
        %get3A_477 = vector.shape_cast %get3A_476 : vector<1x16xf32> to vector<16xf32>
        %get3A_478 = arith.constant 2 : i32
        %get3A_479 = arith.index_cast %get3A_478 : i32 to index
        %get3A_480 = arith.index_cast %mul3A_440 : i32 to index
        %get3A_481 = tpu.vector_load %arg10[%get3A_479, %get3A_480] {strides = array<i32>} : memref<16x1024xf32, #tpu.memory_space<vmem>>, vector<1x16xf32>,
        %get3A_482 = vector.shape_cast %get3A_481 : vector<1x16xf32> to vector<16xf32>
        %add3A_483 = arith.addf %get3A_477, %get3A_482 : vector<16xf32>
        %swap3A_484 = arith.constant 2 : i32
        %swap3A_485 = arith.index_cast %swap3A_484 : i32 to index
        %swap3A_486 = arith.index_cast %mul3A_440 : i32 to index
        %swap3A_487 = tpu.vector_load %arg8[%swap3A_485, %swap3A_486] {strides = array<i32>} : memref<16x1024xf32, #tpu.memory_space<vmem>>, vector<1x16xf32>,
        %swap3A_488 = vector.shape_cast %swap3A_487 : vector<1x16xf32> to vector<16xf32>
        %swap3A_489 = vector.shape_cast %add3A_483 : vector<16xf32> to vector<1x16xf32>
        tpu.vector_store %arg8[%swap3A_485, %swap3A_486], %swap3A_489 {strides = array<i32>} : memref<16x1024xf32, #tpu.memory_space<vmem>>, vector<1x16xf32>,
        %get3A_490 = arith.constant 3 : i32
        %get3A_491 = arith.index_cast %get3A_490 : i32 to index
        %get3A_492 = arith.index_cast %mul3A_440 : i32 to index
        %get3A_493 = tpu.vector_load %arg8[%get3A_491, %get3A_492] {strides = array<i32>} : memref<16x1024xf32, #tpu.memory_space<vmem>>, vector<1x16xf32>,
        %get3A_494 = vector.shape_cast %get3A_493 : vector<1x16xf32> to vector<16xf32>
        %get3A_495 = arith.constant 3 : i32
        %get3A_496 = arith.index_cast %get3A_495 : i32 to index
        %get3A_497 = arith.index_cast %mul3A_440 : i32 to index
        %get3A_498 = tpu.vector_load %arg10[%get3A_496, %get3A_497] {strides = array<i32>} : memref<16x1024xf32, #tpu.memory_space<vmem>>, vector<1x16xf32>,
        %get3A_499 = vector.shape_cast %get3A_498 : vector<1x16xf32> to vector<16xf32>
        %add3A_500 = arith.addf %get3A_494, %get3A_499 : vector<16xf32>
        %swap3A_501 = arith.constant 3 : i32
        %swap3A_502 = arith.index_cast %swap3A_501 : i32 to index
        %swap3A_503 = arith.index_cast %mul3A_440 : i32 to index
        %swap3A_504 = tpu.vector_load %arg8[%swap3A_502, %swap3A_503] {strides = array<i32>} : memref<16x1024xf32, #tpu.memory_space<vmem>>, vector<1x16xf32>,
        %swap3A_505 = vector.shape_cast %swap3A_504 : vector<1x16xf32> to vector<16xf32>
        %swap3A_506 = vector.shape_cast %add3A_500 : vector<16xf32> to vector<1x16xf32>
        tpu.vector_store %arg8[%swap3A_502, %swap3A_503], %swap3A_506 {strides = array<i32>} : memref<16x1024xf32, #tpu.memory_space<vmem>>, vector<1x16xf32>,
        %get3A_507 = arith.constant 4 : i32
        %get3A_508 = arith.index_cast %get3A_507 : i32 to index
        %get3A_509 = arith.index_cast %mul3A_440 : i32 to index
        %get3A_510 = tpu.vector_load %arg8[%get3A_508, %get3A_509] {strides = array<i32>} : memref<16x1024xf32, #tpu.memory_space<vmem>>, vector<1x16xf32>,
        %get3A_511 = vector.shape_cast %get3A_510 : vector<1x16xf32> to vector<16xf32>
        %get3A_512 = arith.constant 4 : i32
        %get3A_513 = arith.index_cast %get3A_512 : i32 to index
        %get3A_514 = arith.index_cast %mul3A_440 : i32 to index
        %get3A_515 = tpu.vector_load %arg10[%get3A_513, %get3A_514] {strides = array<i32>} : memref<16x1024xf32, #tpu.memory_space<vmem>>, vector<1x16xf32>,
        %get3A_516 = vector.shape_cast %get3A_515 : vector<1x16xf32> to vector<16xf32>
        %add3A_517 = arith.addf %get3A_511, %get3A_516 : vector<16xf32>
        %swap3A_518 = arith.constant 4 : i32
        %swap3A_519 = arith.index_cast %swap3A_518 : i32 to index
        %swap3A_520 = arith.index_cast %mul3A_440 : i32 to index
        %swap3A_521 = tpu.vector_load %arg8[%swap3A_519, %swap3A_520] {strides = array<i32>} : memref<16x1024xf32, #tpu.memory_space<vmem>>, vector<1x16xf32>,
        %swap3A_522 = vector.shape_cast %swap3A_521 : vector<1x16xf32> to vector<16xf32>
        %swap3A_523 = vector.shape_cast %add3A_517 : vector<16xf32> to vector<1x16xf32>
        tpu.vector_store %arg8[%swap3A_519, %swap3A_520], %swap3A_523 {strides = array<i32>} : memref<16x1024xf32, #tpu.memory_space<vmem>>, vector<1x16xf32>,
        %get3A_524 = arith.constant 5 : i32
        %get3A_525 = arith.index_cast %get3A_524 : i32 to index
        %get3A_526 = arith.index_cast %mul3A_440 : i32 to index
        %get3A_527 = tpu.vector_load %arg8[%get3A_525, %get3A_526] {strides = array<i32>} : memref<16x1024xf32, #tpu.memory_space<vmem>>, vector<1x16xf32>,
        %get3A_528 = vector.shape_cast %get3A_527 : vector<1x16xf32> to vector<16xf32>
        %get3A_529 = arith.constant 5 : i32
        %get3A_530 = arith.index_cast %get3A_529 : i32 to index
        %get3A_531 = arith.index_cast %mul3A_440 : i32 to index
        %get3A_532 = tpu.vector_load %arg10[%get3A_530, %get3A_531] {strides = array<i32>} : memref<16x1024xf32, #tpu.memory_space<vmem>>, vector<1x16xf32>,
        %get3A_533 = vector.shape_cast %get3A_532 : vector<1x16xf32> to vector<16xf32>
        %add3A_534 = arith.addf %get3A_528, %get3A_533 : vector<16xf32>
        %swap3A_535 = arith.constant 5 : i32
        %swap3A_536 = arith.index_cast %swap3A_535 : i32 to index
        %swap3A_537 = arith.index_cast %mul3A_440 : i32 to index
        %swap3A_538 = tpu.vector_load %arg8[%swap3A_536, %swap3A_537] {strides = array<i32>} : memref<16x1024xf32, #tpu.memory_space<vmem>>, vector<1x16xf32>,
        %swap3A_539 = vector.shape_cast %swap3A_538 : vector<1x16xf32> to vector<16xf32>
        %swap3A_540 = vector.shape_cast %add3A_534 : vector<16xf32> to vector<1x16xf32>
        tpu.vector_store %arg8[%swap3A_536, %swap3A_537], %swap3A_540 {strides = array<i32>} : memref<16x1024xf32, #tpu.memory_space<vmem>>, vector<1x16xf32>,
        %get3A_541 = arith.constant 6 : i32
        %get3A_542 = arith.index_cast %get3A_541 : i32 to index
        %get3A_543 = arith.index_cast %mul3A_440 : i32 to index
        %get3A_544 = tpu.vector_load %arg8[%get3A_542, %get3A_543] {strides = array<i32>} : memref<16x1024xf32, #tpu.memory_space<vmem>>, vector<1x16xf32>,
        %get3A_545 = vector.shape_cast %get3A_544 : vector<1x16xf32> to vector<16xf32>
        %get3A_546 = arith.constant 6 : i32
        %get3A_547 = arith.index_cast %get3A_546 : i32 to index
        %get3A_548 = arith.index_cast %mul3A_440 : i32 to index
        %get3A_549 = tpu.vector_load %arg10[%get3A_547, %get3A_548] {strides = array<i32>} : memref<16x1024xf32, #tpu.memory_space<vmem>>, vector<1x16xf32>,
        %get3A_550 = vector.shape_cast %get3A_549 : vector<1x16xf32> to vector<16xf32>
        %add3A_551 = arith.addf %get3A_545, %get3A_550 : vector<16xf32>
        %swap3A_552 = arith.constant 6 : i32
        %swap3A_553 = arith.index_cast %swap3A_552 : i32 to index
        %swap3A_554 = arith.index_cast %mul3A_440 : i32 to index
        %swap3A_555 = tpu.vector_load %arg8[%swap3A_553, %swap3A_554] {strides = array<i32>} : memref<16x1024xf32, #tpu.memory_space<vmem>>, vector<1x16xf32>,
        %swap3A_556 = vector.shape_cast %swap3A_555 : vector<1x16xf32> to vector<16xf32>
        %swap3A_557 = vector.shape_cast %add3A_551 : vector<16xf32> to vector<1x16xf32>
        tpu.vector_store %arg8[%swap3A_553, %swap3A_554], %swap3A_557 {strides = array<i32>} : memref<16x1024xf32, #tpu.memory_space<vmem>>, vector<1x16xf32>,
        %get3A_558 = arith.constant 7 : i32
        %get3A_559 = arith.index_cast %get3A_558 : i32 to index
        %get3A_560 = arith.index_cast %mul3A_440 : i32 to index
        %get3A_561 = tpu.vector_load %arg8[%get3A_559, %get3A_560] {strides = array<i32>} : memref<16x1024xf32, #tpu.memory_space<vmem>>, vector<1x16xf32>,
        %get3A_562 = vector.shape_cast %get3A_561 : vector<1x16xf32> to vector<16xf32>
        %get3A_563 = arith.constant 7 : i32
        %get3A_564 = arith.index_cast %get3A_563 : i32 to index
        %get3A_565 = arith.index_cast %mul3A_440 : i32 to index
        %get3A_566 = tpu.vector_load %arg10[%get3A_564, %get3A_565] {strides = array<i32>} : memref<16x1024xf32, #tpu.memory_space<vmem>>, vector<1x16xf32>,
        %get3A_567 = vector.shape_cast %get3A_566 : vector<1x16xf32> to vector<16xf32>
        %add3A_568 = arith.addf %get3A_562, %get3A_567 : vector<16xf32>
        %swap3A_569 = arith.constant 7 : i32
        %swap3A_570 = arith.index_cast %swap3A_569 : i32 to index
        %swap3A_571 = arith.index_cast %mul3A_440 : i32 to index
        %swap3A_572 = tpu.vector_load %arg8[%swap3A_570, %swap3A_571] {strides = array<i32>} : memref<16x1024xf32, #tpu.memory_space<vmem>>, vector<1x16xf32>,
        %swap3A_573 = vector.shape_cast %swap3A_572 : vector<1x16xf32> to vector<16xf32>
        %swap3A_574 = vector.shape_cast %add3A_568 : vector<16xf32> to vector<1x16xf32>
        tpu.vector_store %arg8[%swap3A_570, %swap3A_571], %swap3A_574 {strides = array<i32>} : memref<16x1024xf32, #tpu.memory_space<vmem>>, vector<1x16xf32>,
        %get3A_575 = arith.constant 8 : i32
        %get3A_576 = arith.index_cast %get3A_575 : i32 to index
        %get3A_577 = arith.index_cast %mul3A_440 : i32 to index
        %get3A_578 = tpu.vector_load %arg8[%get3A_576, %get3A_577] {strides = array<i32>} : memref<16x1024xf32, #tpu.memory_space<vmem>>, vector<1x16xf32>,
        %get3A_579 = vector.shape_cast %get3A_578 : vector<1x16xf32> to vector<16xf32>
        %get3A_580 = arith.constant 8 : i32
        %get3A_581 = arith.index_cast %get3A_580 : i32 to index
        %get3A_582 = arith.index_cast %mul3A_440 : i32 to index
        %get3A_583 = tpu.vector_load %arg10[%get3A_581, %get3A_582] {strides = array<i32>} : memref<16x1024xf32, #tpu.memory_space<vmem>>, vector<1x16xf32>,
        %get3A_584 = vector.shape_cast %get3A_583 : vector<1x16xf32> to vector<16xf32>
        %add3A_585 = arith.addf %get3A_579, %get3A_584 : vector<16xf32>
        %swap3A_586 = arith.constant 8 : i32
        %swap3A_587 = arith.index_cast %swap3A_586 : i32 to index
        %swap3A_588 = arith.index_cast %mul3A_440 : i32 to index
        %swap3A_589 = tpu.vector_load %arg8[%swap3A_587, %swap3A_588] {strides = array<i32>} : memref<16x1024xf32, #tpu.memory_space<vmem>>, vector<1x16xf32>,
        %swap3A_590 = vector.shape_cast %swap3A_589 : vector<1x16xf32> to vector<16xf32>
        %swap3A_591 = vector.shape_cast %add3A_585 : vector<16xf32> to vector<1x16xf32>
        tpu.vector_store %arg8[%swap3A_587, %swap3A_588], %swap3A_591 {strides = array<i32>} : memref<16x1024xf32, #tpu.memory_space<vmem>>, vector<1x16xf32>,
        %get3A_592 = arith.constant 9 : i32
        %get3A_593 = arith.index_cast %get3A_592 : i32 to index
        %get3A_594 = arith.index_cast %mul3A_440 : i32 to index
        %get3A_595 = tpu.vector_load %arg8[%get3A_593, %get3A_594] {strides = array<i32>} : memref<16x1024xf32, #tpu.memory_space<vmem>>, vector<1x16xf32>,
        %get3A_596 = vector.shape_cast %get3A_595 : vector<1x16xf32> to vector<16xf32>
        %get3A_597 = arith.constant 9 : i32
        %get3A_598 = arith.index_cast %get3A_597 : i32 to index
        %get3A_599 = arith.index_cast %mul3A_440 : i32 to index
        %get3A_600 = tpu.vector_load %arg10[%get3A_598, %get3A_599] {strides = array<i32>} : memref<16x1024xf32, #tpu.memory_space<vmem>>, vector<1x16xf32>,
        %get3A_601 = vector.shape_cast %get3A_600 : vector<1x16xf32> to vector<16xf32>
        %add3A_602 = arith.addf %get3A_596, %get3A_601 : vector<16xf32>
        %swap3A_603 = arith.constant 9 : i32
        %swap3A_604 = arith.index_cast %swap3A_603 : i32 to index
        %swap3A_605 = arith.index_cast %mul3A_440 : i32 to index
        %swap3A_606 = tpu.vector_load %arg8[%swap3A_604, %swap3A_605] {strides = array<i32>} : memref<16x1024xf32, #tpu.memory_space<vmem>>, vector<1x16xf32>,
        %swap3A_607 = vector.shape_cast %swap3A_606 : vector<1x16xf32> to vector<16xf32>
        %swap3A_608 = vector.shape_cast %add3A_602 : vector<16xf32> to vector<1x16xf32>
        tpu.vector_store %arg8[%swap3A_604, %swap3A_605], %swap3A_608 {strides = array<i32>} : memref<16x1024xf32, #tpu.memory_space<vmem>>, vector<1x16xf32>,
        %get3A_609 = arith.constant 10 : i32
        %get3A_610 = arith.index_cast %get3A_609 : i32 to index
        %get3A_611 = arith.index_cast %mul3A_440 : i32 to index
        %get3A_612 = tpu.vector_load %arg8[%get3A_610, %get3A_611] {strides = array<i32>} : memref<16x1024xf32, #tpu.memory_space<vmem>>, vector<1x16xf32>,
        %get3A_613 = vector.shape_cast %get3A_612 : vector<1x16xf32> to vector<16xf32>
        %get3A_614 = arith.constant 10 : i32
        %get3A_615 = arith.index_cast %get3A_614 : i32 to index
        %get3A_616 = arith.index_cast %mul3A_440 : i32 to index
        %get3A_617 = tpu.vector_load %arg10[%get3A_615, %get3A_616] {strides = array<i32>} : memref<16x1024xf32, #tpu.memory_space<vmem>>, vector<1x16xf32>,
        %get3A_618 = vector.shape_cast %get3A_617 : vector<1x16xf32> to vector<16xf32>
        %add3A_619 = arith.addf %get3A_613, %get3A_618 : vector<16xf32>
        %swap3A_620 = arith.constant 10 : i32
        %swap3A_621 = arith.index_cast %swap3A_620 : i32 to index
        %swap3A_622 = arith.index_cast %mul3A_440 : i32 to index
        %swap3A_623 = tpu.vector_load %arg8[%swap3A_621, %swap3A_622] {strides = array<i32>} : memref<16x1024xf32, #tpu.memory_space<vmem>>, vector<1x16xf32>,
        %swap3A_624 = vector.shape_cast %swap3A_623 : vector<1x16xf32> to vector<16xf32>
        %swap3A_625 = vector.shape_cast %add3A_619 : vector<16xf32> to vector<1x16xf32>
        tpu.vector_store %arg8[%swap3A_621, %swap3A_622], %swap3A_625 {strides = array<i32>} : memref<16x1024xf32, #tpu.memory_space<vmem>>, vector<1x16xf32>,
        %get3A_626 = arith.constant 11 : i32
        %get3A_627 = arith.index_cast %get3A_626 : i32 to index
        %get3A_628 = arith.index_cast %mul3A_440 : i32 to index
        %get3A_629 = tpu.vector_load %arg8[%get3A_627, %get3A_628] {strides = array<i32>} : memref<16x1024xf32, #tpu.memory_space<vmem>>, vector<1x16xf32>,
        %get3A_630 = vector.shape_cast %get3A_629 : vector<1x16xf32> to vector<16xf32>
        %get3A_631 = arith.constant 11 : i32
        %get3A_632 = arith.index_cast %get3A_631 : i32 to index
        %get3A_633 = arith.index_cast %mul3A_440 : i32 to index
        %get3A_634 = tpu.vector_load %arg10[%get3A_632, %get3A_633] {strides = array<i32>} : memref<16x1024xf32, #tpu.memory_space<vmem>>, vector<1x16xf32>,
        %get3A_635 = vector.shape_cast %get3A_634 : vector<1x16xf32> to vector<16xf32>
        %add3A_636 = arith.addf %get3A_630, %get3A_635 : vector<16xf32>
        %swap3A_637 = arith.constant 11 : i32
        %swap3A_638 = arith.index_cast %swap3A_637 : i32 to index
        %swap3A_639 = arith.index_cast %mul3A_440 : i32 to index
        %swap3A_640 = tpu.vector_load %arg8[%swap3A_638, %swap3A_639] {strides = array<i32>} : memref<16x1024xf32, #tpu.memory_space<vmem>>, vector<1x16xf32>,
        %swap3A_641 = vector.shape_cast %swap3A_640 : vector<1x16xf32> to vector<16xf32>
        %swap3A_642 = vector.shape_cast %add3A_636 : vector<16xf32> to vector<1x16xf32>
        tpu.vector_store %arg8[%swap3A_638, %swap3A_639], %swap3A_642 {strides = array<i32>} : memref<16x1024xf32, #tpu.memory_space<vmem>>, vector<1x16xf32>,
        %get3A_643 = arith.constant 12 : i32
        %get3A_644 = arith.index_cast %get3A_643 : i32 to index
        %get3A_645 = arith.index_cast %mul3A_440 : i32 to index
        %get3A_646 = tpu.vector_load %arg8[%get3A_644, %get3A_645] {strides = array<i32>} : memref<16x1024xf32, #tpu.memory_space<vmem>>, vector<1x16xf32>,
        %get3A_647 = vector.shape_cast %get3A_646 : vector<1x16xf32> to vector<16xf32>
        %get3A_648 = arith.constant 12 : i32
        %get3A_649 = arith.index_cast %get3A_648 : i32 to index
        %get3A_650 = arith.index_cast %mul3A_440 : i32 to index
        %get3A_651 = tpu.vector_load %arg10[%get3A_649, %get3A_650] {strides = array<i32>} : memref<16x1024xf32, #tpu.memory_space<vmem>>, vector<1x16xf32>,
        %get3A_652 = vector.shape_cast %get3A_651 : vector<1x16xf32> to vector<16xf32>
        %add3A_653 = arith.addf %get3A_647, %get3A_652 : vector<16xf32>
        %swap3A_654 = arith.constant 12 : i32
        %swap3A_655 = arith.index_cast %swap3A_654 : i32 to index
        %swap3A_656 = arith.index_cast %mul3A_440 : i32 to index
        %swap3A_657 = tpu.vector_load %arg8[%swap3A_655, %swap3A_656] {strides = array<i32>} : memref<16x1024xf32, #tpu.memory_space<vmem>>, vector<1x16xf32>,
        %swap3A_658 = vector.shape_cast %swap3A_657 : vector<1x16xf32> to vector<16xf32>
        %swap3A_659 = vector.shape_cast %add3A_653 : vector<16xf32> to vector<1x16xf32>
        tpu.vector_store %arg8[%swap3A_655, %swap3A_656], %swap3A_659 {strides = array<i32>} : memref<16x1024xf32, #tpu.memory_space<vmem>>, vector<1x16xf32>,
        %get3A_660 = arith.constant 13 : i32
        %get3A_661 = arith.index_cast %get3A_660 : i32 to index
        %get3A_662 = arith.index_cast %mul3A_440 : i32 to index
        %get3A_663 = tpu.vector_load %arg8[%get3A_661, %get3A_662] {strides = array<i32>} : memref<16x1024xf32, #tpu.memory_space<vmem>>, vector<1x16xf32>,
        %get3A_664 = vector.shape_cast %get3A_663 : vector<1x16xf32> to vector<16xf32>
        %get3A_665 = arith.constant 13 : i32
        %get3A_666 = arith.index_cast %get3A_665 : i32 to index
        %get3A_667 = arith.index_cast %mul3A_440 : i32 to index
        %get3A_668 = tpu.vector_load %arg10[%get3A_666, %get3A_667] {strides = array<i32>} : memref<16x1024xf32, #tpu.memory_space<vmem>>, vector<1x16xf32>,
        %get3A_669 = vector.shape_cast %get3A_668 : vector<1x16xf32> to vector<16xf32>
        %add3A_670 = arith.addf %get3A_664, %get3A_669 : vector<16xf32>
        %swap3A_671 = arith.constant 13 : i32
        %swap3A_672 = arith.index_cast %swap3A_671 : i32 to index
        %swap3A_673 = arith.index_cast %mul3A_440 : i32 to index
        %swap3A_674 = tpu.vector_load %arg8[%swap3A_672, %swap3A_673] {strides = array<i32>} : memref<16x1024xf32, #tpu.memory_space<vmem>>, vector<1x16xf32>,
        %swap3A_675 = vector.shape_cast %swap3A_674 : vector<1x16xf32> to vector<16xf32>
        %swap3A_676 = vector.shape_cast %add3A_670 : vector<16xf32> to vector<1x16xf32>
        tpu.vector_store %arg8[%swap3A_672, %swap3A_673], %swap3A_676 {strides = array<i32>} : memref<16x1024xf32, #tpu.memory_space<vmem>>, vector<1x16xf32>,
        %get3A_677 = arith.constant 14 : i32
        %get3A_678 = arith.index_cast %get3A_677 : i32 to index
        %get3A_679 = arith.index_cast %mul3A_440 : i32 to index
        %get3A_680 = tpu.vector_load %arg8[%get3A_678, %get3A_679] {strides = array<i32>} : memref<16x1024xf32, #tpu.memory_space<vmem>>, vector<1x16xf32>,
        %get3A_681 = vector.shape_cast %get3A_680 : vector<1x16xf32> to vector<16xf32>
        %get3A_682 = arith.constant 14 : i32
        %get3A_683 = arith.index_cast %get3A_682 : i32 to index
        %get3A_684 = arith.index_cast %mul3A_440 : i32 to index
        %get3A_685 = tpu.vector_load %arg10[%get3A_683, %get3A_684] {strides = array<i32>} : memref<16x1024xf32, #tpu.memory_space<vmem>>, vector<1x16xf32>,
        %get3A_686 = vector.shape_cast %get3A_685 : vector<1x16xf32> to vector<16xf32>
        %add3A_687 = arith.addf %get3A_681, %get3A_686 : vector<16xf32>
        %swap3A_688 = arith.constant 14 : i32
        %swap3A_689 = arith.index_cast %swap3A_688 : i32 to index
        %swap3A_690 = arith.index_cast %mul3A_440 : i32 to index
        %swap3A_691 = tpu.vector_load %arg8[%swap3A_689, %swap3A_690] {strides = array<i32>} : memref<16x1024xf32, #tpu.memory_space<vmem>>, vector<1x16xf32>,
        %swap3A_692 = vector.shape_cast %swap3A_691 : vector<1x16xf32> to vector<16xf32>
        %swap3A_693 = vector.shape_cast %add3A_687 : vector<16xf32> to vector<1x16xf32>
        tpu.vector_store %arg8[%swap3A_689, %swap3A_690], %swap3A_693 {strides = array<i32>} : memref<16x1024xf32, #tpu.memory_space<vmem>>, vector<1x16xf32>,
        %get3A_694 = arith.constant 15 : i32
        %get3A_695 = arith.index_cast %get3A_694 : i32 to index
        %get3A_696 = arith.index_cast %mul3A_440 : i32 to index
        %get3A_697 = tpu.vector_load %arg8[%get3A_695, %get3A_696] {strides = array<i32>} : memref<16x1024xf32, #tpu.memory_space<vmem>>, vector<1x16xf32>,
        %get3A_698 = vector.shape_cast %get3A_697 : vector<1x16xf32> to vector<16xf32>
        %get3A_699 = arith.constant 15 : i32
        %get3A_700 = arith.index_cast %get3A_699 : i32 to index
        %get3A_701 = arith.index_cast %mul3A_440 : i32 to index
        %get3A_702 = tpu.vector_load %arg10[%get3A_700, %get3A_701] {strides = array<i32>} : memref<16x1024xf32, #tpu.memory_space<vmem>>, vector<1x16xf32>,
        %get3A_703 = vector.shape_cast %get3A_702 : vector<1x16xf32> to vector<16xf32>
        %add3A_704 = arith.addf %get3A_698, %get3A_703 : vector<16xf32>
        %swap3A_705 = arith.constant 15 : i32
        %swap3A_706 = arith.index_cast %swap3A_705 : i32 to index
        %swap3A_707 = arith.index_cast %mul3A_440 : i32 to index
        %swap3A_708 = tpu.vector_load %arg8[%swap3A_706, %swap3A_707] {strides = array<i32>} : memref<16x1024xf32, #tpu.memory_space<vmem>>, vector<1x16xf32>,
        %swap3A_709 = vector.shape_cast %swap3A_708 : vector<1x16xf32> to vector<16xf32>
        %swap3A_710 = vector.shape_cast %add3A_704 : vector<16xf32> to vector<1x16xf32>
        tpu.vector_store %arg8[%swap3A_706, %swap3A_707], %swap3A_710 {strides = array<i32>} : memref<16x1024xf32, #tpu.memory_space<vmem>>, vector<1x16xf32>,
      }
      %scan3A_428 = arith.constant 64 : i32
      %add3A_429 = arith.constant 24576 : i32
      %add3A_430 = arith.addi %add3A_429, %mul3A_2 : i32
      %mul3A_431 = arith.constant 16 : i32
      %mul3A_432 = arith.muli %add3A_393, %mul3A_431 : i32
      %add3A_433 = arith.addi %add3A_430, %mul3A_432 : i32
      %dma_start3A_434 = arith.constant 0 : i32
      %dma_start3A_435 = tpu.memref_slice %arg4[%add3A_433, %dma_start3A_434] : memref<32768x1024xf32, #tpu.memory_space<hbm>> -> memref<16x1024xf32, #tpu.memory_space<hbm>>
      %dma_start3A_436 = arith.constant 0 : i32
      %dma_start3A_437 = tpu.memref_slice %arg4[%add3A_433, %dma_start3A_436] : memref<32768x1024xf32, #tpu.memory_space<hbm>> -> memref<16x1024xf32, #tpu.memory_space<hbm>>
      tpu.enqueue_dma source(%arg8 : memref<16x1024xf32, #tpu.memory_space<vmem>>) target(%dma_start3A_437 : memref<16x1024xf32, #tpu.memory_space<hbm>>) target_semaphore(%arg20 : memref<!tpu.dma_semaphore, #tpu.memory_space<semaphore_mem>>)
    }
    %scan3A_28 = arith.constant 8 : i32
    %add3A_29 = arith.constant 0 : i32
    %add3A_30 = arith.addi %add3A_29, %mul3A_2 : i32
    %add3A_31 = arith.constant 0 : i32
    %add3A_32 = arith.addi %add3A_30, %add3A_31 : i32
    %dma_wait3A = arith.constant 0 : i32
    %dma_wait3A_33 = tpu.memref_slice %arg4[%add3A_32, %dma_wait3A] : memref<32768x1024xf32, #tpu.memory_space<hbm>> -> memref<16x1024xf32, #tpu.memory_space<hbm>>
    %dma_wait3A_34 = arith.constant 0 : i32
    %dma_wait3A_35 = tpu.memref_slice %arg4[%add3A_32, %dma_wait3A_34] : memref<32768x1024xf32, #tpu.memory_space<hbm>> -> memref<16x1024xf32, #tpu.memory_space<hbm>>
    tpu.wait_dma2 semaphore(%arg19 : memref<!tpu.dma_semaphore, #tpu.memory_space<semaphore_mem>>) src(%arg7 : memref<16x1024xf32, #tpu.memory_space<vmem>>) dst(%dma_wait3A_35 : memref<16x1024xf32, #tpu.memory_space<hbm>>)
    %add3A_36 = arith.constant 0 : i32
    %add3A_37 = arith.addi %add3A_36, %mul3A_2 : i32
    %add3A_38 = arith.constant 0 : i32
    %add3A_39 = arith.addi %add3A_37, %add3A_38 : i32
    %dma_wait3A_40 = arith.constant 0 : i32
    %dma_wait3A_41 = tpu.memref_slice %arg4[%add3A_39, %dma_wait3A_40] : memref<32768x1024xf32, #tpu.memory_space<hbm>> -> memref<16x1024xf32, #tpu.memory_space<hbm>>
    %dma_wait3A_42 = arith.constant 0 : i32
    %dma_wait3A_43 = tpu.memref_slice %arg4[%add3A_39, %dma_wait3A_42] : memref<32768x1024xf32, #tpu.memory_space<hbm>> -> memref<16x1024xf32, #tpu.memory_space<hbm>>
    tpu.wait_dma2 semaphore(%arg20 : memref<!tpu.dma_semaphore, #tpu.memory_space<semaphore_mem>>) src(%arg8 : memref<16x1024xf32, #tpu.memory_space<vmem>>) dst(%dma_wait3A_43 : memref<16x1024xf32, #tpu.memory_space<hbm>>)
    return
  }
}

</mosaic_0001>

<sc_bundles>
// kernel: kernel.3.cloned.1.call-start
scs
__scs_entry_jumppad:
0x0: {  	(pc) =	sbr.rel $0x88, $3  }
0x1: {  	(tag) =	ssettag $0x0;
	lr =	simm.s32 $0x1  }
0x2: {  	[smem:$0x3F9F] =	sst lr;
	_ =	strace $0xD0000000  }
0x3: {  	_ = 	snop  }
0x4: {  	_ = 	snop  }
0x5: {  	_ = 	snop  }
0x6: {  	_ = 	snop  }
0x7: {  	_ = 	snop  }
__scs_overlays_trampoline_lowered:
0x8: {  	[smem:$0x3FAE] =	sst s0  }
0x9: {  	[smem:$0x3FAF] =	sst s1  }
0xa: {  	[smem:$0x3FB0] =	sst s2  }
0xb: {  	[smem:$0x3FB1] =	sst s3  }
0xc: {  	[smem:$0x3FB2] =	sst s4  }
0xd: {  	[smem:$0x3FB3] =	sst s5  }
0xe: {  	[smem:$0x3FB4] =	sst s6  }
0xf: {  	[smem:$0x3FB5] =	sst s7  }
0x10: {  	[smem:$0x3FB6] =	sst s8  }
0x11: {  	[smem:$0x3FB7] =	sst s9;
	s0 =	simm.s32 @!p0 $0x0  }
0x12: {  	s1 =	sld [smem:$0x3F9D];
	s0 =	simm.s32 @p0 $0x1  }
0x13: {  	[smem:$0x3FB8] =	sst s0;
	s0 =	simm.s32 @!p1 $0x0  }
0x14: {  	s2 =	sld [smem:$0x3F9C];
	s0 =	simm.s32 @p1 $0x1  }
0x15: {  	[smem:$0x3FB9] =	sst s0;
	s0 =	simm.s32 @!p2 $0x0  }
0x16: {  	s3 =	sld [smem:$0x3FDB];
	s0 =	simm.s32 @p2 $0x1  }
0x17: {  	s4 =	simm.s32 $0x1BF5;
	[smem:$0x3FBB] =	sst s0  }
0x18: {  	s0 =	sld [smem:$0x3F9E];
	_ =	swait.ge [sflag:s4], $0x0  }
0x19: {  	s7 =	sld [smem:$0x3F9F]  }
0x1a: {  	s8 =	sadd.s32 $0xFFFFE003, lr  }
0x1b: {  	s9 =	sadd.s32 $0xFFFFFEF7, lr;
	s5 =	simm.s32 $0xFFFFFFFF;
	p2 =	slt.u32 s8, $0xFFFFF086  }
0x1c: {  	p1 =	slt.u32 s9, $0xF7A;
	s5 =	simm.s32 @!p2 $0x0  }
0x1d: {  	s5 =	simm.s32 @p1 $0x1;
	p0 =	seq.s32 s7, s2  }
0x1e: {  	s7 =	smul.u32 @!p0 $0xF7A, s2;
	p2 =	seq.s32 @!p0 s5, $0x0  }
0x1f: {  	s9 =	smul.u32 $0xF7A, s1;
	s8 =	simm.s32 @!p0 $0x1BF5;
	p2 =	por !p2, p0  }
0x20: {  	[sflag:s8] =	ssyncset.s32 @!p0 $0xFFFFF086;
	s6 =	sadd.s32 @!p0 s3, s7;
	s7 =	simm.s32 @!p0 $0x108  }
0x21: {  	s3 =	sadd.s32 s3, s9;
	s6 =	sadd.s32 @!p0 $0x88, s6;
	s7 =	simm.s32 @p2 $0x1082  }
0x22: {  	[simem:s7], [sflag:s8] =	dma.local @!p0 [hbm:s6], $0xF7A  }
0x23: {  	s9 =	sor.u32 $0xD0000000, s2;
	s6 =	simm.s32 $0x108;
	_ =	swait.ge @!p0 [sflag:s8], $0x0  }
0x24: {  	s3 =	sadd.s32 $0x88, s3;
	s6 =	simm.s32 @!p1 $0x1082;
	[sflag:s4] =	ssyncset.s32 $0xFFFFF086  }
0x25: {  	[simem:s6], [sflag:s4] =	dma.local [hbm:s3], $0xF7A  }
0x26: {  	[smem:$0x3F9F] =	sst s1;
	(tag) =	ssettag s2;
	_ =	strace s9  }
0x27: {  	s1 =	sld [smem:$0x3FAF]  }
0x28: {  	s2 =	sld [smem:$0x3FB0]  }
0x29: {  	s4 =	sld [smem:$0x3FB2]  }
0x2a: {  	p0 =	seq.s32 s5, $0x0;
	s5 =	sld [smem:$0x3FB3]  }
0x2b: {  	s6 =	sld [smem:$0x3FB4]  }
0x2c: {  	s7 =	sld [smem:$0x3FB5]  }
0x2d: {  	s3 =	simm.s32 $0x108;
	s8 =	sld [smem:$0x3FB6]  }
0x2e: {  	s3 =	simm.s32 @!p0 $0x1082;
	s9 =	sld [smem:$0x3FB7]  }
0x2f: {  	lr =	sadd.s32 s0, s3;
	s0 =	sld [smem:$0x3FAE]  }
0x30: {  	s3 =	sld [smem:$0x3FB1]  }
0x31: {  	[smem:$0x3FBA] =	sst s10  }
0x32: {  	s10 =	sld [smem:$0x3FB8];
	_ =	sdelay $0x3  }
0x33: {  	p0 =	seq.s32 s10, $0x1;
	s10 =	sld [smem:$0x3FBA];
	_ =	sdelay $0x3  }
0x34: {  	[smem:$0x3FBA] =	sst s10  }
0x35: {  	s10 =	sld [smem:$0x3FB9];
	_ =	sdelay $0x3  }
0x36: {  	p1 =	seq.s32 s10, $0x1;
	s10 =	sld [smem:$0x3FBA];
	_ =	sdelay $0x3  }
0x37: {  	[smem:$0x3FBA] =	sst s10  }
0x38: {  	s10 =	sld [smem:$0x3FBB]  }
0x39: {  	_ = 	snop;
	(pc) =	sbr.ind lr, $3  }
0x3a: {  	_ = 	snop  }
0x3b: {  	_ = 	snop  }
0x3c: {  	p2 =	seq.s32 s10, $0x1;
	s10 =	sld [smem:$0x3FBA]  }
0x3d: {  	_ =	shalt  }
0x3e: {  	_ =	shalt  }
0x3f: {  	_ =	shalt  }
0x40: {  	_ =	shalt  }
0x41: {  	_ =	shalt  }
0x42: {  	_ =	shalt  }
0x43: {  	_ =	shalt  }
0x44: {  	_ =	shalt  }
0x45: {  	_ =	shalt  }
0x46: {  	_ =	shalt  }
0x47: {  	_ =	shalt  }
0x48: {  	_ =	shalt  }
0x49: {  	_ =	shalt  }
0x4a: {  	_ =	shalt  }
0x4b: {  	_ =	shalt  }
0x4c: {  	_ =	shalt  }
0x4d: {  	_ =	shalt  }
0x4e: {  	_ =	shalt  }
0x4f: {  	_ =	shalt  }
0x50: {  	_ =	shalt  }
0x51: {  	_ =	shalt  }
0x52: {  	_ =	shalt  }
0x53: {  	_ =	shalt  }
0x54: {  	_ =	shalt  }
0x55: {  	_ =	shalt  }
0x56: {  	_ =	shalt  }
0x57: {  	_ =	shalt  }
0x58: {  	_ =	shalt  }
0x59: {  	_ =	shalt  }
0x5a: {  	_ =	shalt  }
0x5b: {  	_ =	shalt  }
0x5c: {  	_ =	shalt  }
0x5d: {  	_ =	shalt  }
0x5e: {  	_ =	shalt  }
0x5f: {  	_ =	shalt  }
0x60: {  	_ =	shalt  }
0x61: {  	_ =	shalt  }
0x62: {  	_ =	shalt  }
0x63: {  	_ =	shalt  }
0x64: {  	_ =	shalt  }
0x65: {  	_ =	shalt  }
0x66: {  	_ =	shalt  }
0x67: {  	_ =	shalt  }
0x68: {  	_ =	shalt  }
0x69: {  	_ =	shalt  }
0x6a: {  	_ =	shalt  }
0x6b: {  	_ =	shalt  }
0x6c: {  	_ =	shalt  }
0x6d: {  	_ =	shalt  }
0x6e: {  	_ =	shalt  }
0x6f: {  	_ =	shalt  }
0x70: {  	_ =	shalt  }
0x71: {  	_ =	shalt  }
0x72: {  	_ =	shalt  }
0x73: {  	_ =	shalt  }
0x74: {  	_ =	shalt  }
0x75: {  	_ =	shalt  }
0x76: {  	_ =	shalt  }
0x77: {  	_ =	shalt  }
0x78: {  	_ =	shalt  }
0x79: {  	_ =	shalt  }
0x7a: {  	_ =	shalt  }
0x7b: {  	_ =	shalt  }
0x7c: {  	_ =	shalt  }
0x7d: {  	_ =	shalt  }
0x7e: {  	_ =	shalt  }
0x7f: {  	_ =	shalt  }
0x80: {  	_ =	shalt  }
0x81: {  	_ =	shalt  }
0x82: {  	_ =	shalt  }
0x83: {  	_ =	shalt  }
0x84: {  	_ =	shalt  }
0x85: {  	_ =	shalt  }
0x86: {  	_ =	shalt  }
0x87: {  	_ =	shalt  }
.Lfunc_end0:
.L_simem_size_0:
called_computation_lowered:
.L_overlay_start_0:
0x88: {  	s2 =	sld [smem:$0x3FD9]  }
0x89: {  	s3 =	sld [smem:$0x3FFE];
	_ =	sdelay $0x1  }
0x8a: {  	s1 =	srdreg.scid  }
0x8b: {  	s0 =	sand.u32 $0x1, s1  }
0x8c: {  	s18 =	sshll.u32 s0, $0xA;
	s2 =	sadd.s32 s3, s2  }
0x8d: {  	s2 =	sadd.s32 s2, s18  }
0x8e: {  	[smem:$0x3FC6] =	sst s2  }
0x8f: {  	_ = 	snop  }
0x90: {  	s2 =	sld [smem:$0x3FC9]  }
0x91: {  	s19 =	sld [smem:$0x3FC8]  }
0x92: {  	s4 =	sld [smem:$0x3FD0];
	(tm) =	ssettm $0x1  }
0x93: {  	s5 =	sld [smem:$0x3FFB];
	_ =	sdelay $0x3  }
0x94: {  	_ =	strace s5  }
0x95: {  	s5 =	sld [smem:$0x3FFC];
	_ =	sdelay $0x3  }
0x96: {  	_ =	strace s5  }
0x97: {  	s5 =	sld [smem:$0x3FFD];
	_ =	sdelay $0x3  }
0x98: {  	_ =	strace s5  }
0x99: {  	_ =	strace $0x8FFFFFFF  }
0x9a: {  	s20 =	sld [smem:$0x3FDB];
	_ =	sdelay $0x1  }
0x9b: {  	s6 =	simm.s32 $_scs_section_size  }
0x9c: {  	s7 =	simm.s32 $_size__tile_overlayer_lowered;
	s8 =	simm.s32 $_tile_overlayer_lowered  }
0x9d: {  	s23 =	simm.s32 $0x1BFF;
	s22 =	sshll.u32 s8, $0x1;
	s5 =	sadd.s32 s6, s20  }
0x9e: {  	s9 =	simm.s32 $0x0;
	s21 =	sshll.u32 s7, $0x1;
	s7 =	sadd.s32 s22, s5  }
0x9f: {  	[timem:s9], [sflag:s23] =	dma.local [hbm:s7], s21  }
0xa0: {  	_ =	swait.ge [sflag:s23], s21  }
0xa1: {  	s6 =	ssub.s32 $0x0, s21;
	[sflag:s23] =	ssyncset.done $0x0  }
0xa2: {  	[sflag:s23] =	ssyncadd.s32 s6;
	_ =	sdelay $0x1  }
0xa3: {  	s24 =	simm.s32 $0x1B8B  }
0xa4: {  	_ =	swait.ge [sflag:s24], $0x1  }
0xa5: {  	[sflag:s24] =	ssyncset.done $0x0  }
0xa6: {  	s25 =	simm.s32 $0x1B8E;
	[sflag:s24] =	ssyncadd.s32 $0xFFFFFFFF  }
0xa7: {  	s26 =	simm.s32 $execute0_lowered;
	[smem:$0x3FD2] =	sst s25  }
0xa8: {  	s6 =	sshll.u32 s26, $0x1;
	_ =	strace $0x80000046;
	[dreg:$0x1] =	wrdreg $0xFFFFFFFF  }
0xa9: {  	s28 =	simm.s32 $_size_execute0_lowered;
	s5 =	sadd.s32 s5, s6;
	[dreg:$0x0] =	wrdreg $0x0  }
0xaa: {  	s6 =	sshll.u32 s28, $0x1;
	[dreg:$0x2] =	wrdreg s5  }
0xab: {  	[dreg:$0x3] =	wrdreg s6  }
0xac: {  	[dreg:$0x4] =	wrdreg $0xC0  }
0xad: {  	_ =	task [dreg:s9], $0x5FFFF  }
0xae: {  	[dreg:$0x1] =	wrdreg $0xFFFFFFFF  }
0xaf: {  	[dreg:$0x0] =	wrdreg $0x60  }
0xb0: {  	[dreg:$0x2] =	wrdreg s2  }
0xb1: {  	[dreg:$0x3] =	wrdreg s19  }
0xb2: {  	[dreg:$0x4] =	wrdreg s4  }
0xb3: {  	[dreg:$0x5] =	wrdreg $0x9  }
0xb4: {  	_ =	task.clear_ibuf [dreg:s9], $0x6FFFF;
	_ =	strace $0x90000046  }
0xb5: {  	s29 =	simm.s32 $0x9;
	_ =	strace $0x80000048  }
0xb6: {  	_ =	swait.ge [sflag:s29], $0x1  }
0xb7: {  	[sflag:s29] =	ssyncadd.s32 $0xFFFFFFFF  }
0xb8: {  	_ =	strace $0x90000048  }
0xb9: {  	_ =	sfence  }
0xba: {  	s30 =	sld [smem:$0x0];
	_ =	sdelay $0x2  }
0xbb: {  	s31 =	sshll.u32 s1, $0xD;
	s1 =	sshrl.u32 s1, $0x2  }
0xbc: {  	s3 =	sand.u32 $0x4000, s31;
	s1 =	sadd.s32 s1, s30  }
0xbd: {  	s0 =	sor.u32 s3, s0;
	s1 =	sshll.u32 s1, $0x11  }
0xbe: {  	s0 =	sor.u32 s1, s0  }
0xbf: {  	s0 =	sadd.s32 $0x8F2B, s0  }
0xc0: {  	[sflag:s0] =	ssyncadd.remote.s32 $0x1  }
0xc1: {  	_ =	sfence.sel $0xFFFF  }
0xc2: {  	[dreg:$0x0] =	wrdreg $0xFFFFFFFF;
	(pc) =	sbr.abs _section_cstart, $3  }
0xc3: {  	[dreg:$0x1] =	wrdreg $0xFFFFFFFF  }
0xc4: {  	_ =	task.clear_ibuf [dreg:s9], $0x2FFFF;
	_ =	strace $0x9FFFFFFF  }
0xc5: {  	(tm) =	ssettm $0x7FFFFFFF  }
tec
execute0_lowered:
.L_overlay_start_1:
0x0: {  	(tag) =	ssettag $0x1  }
0x1: {  	s7 =	rddreg [dreg:$0x0]  }
0x2: {  	s9 =	rddreg [dreg:$0x1]  }
0x3: {  	s3 =	rddreg [dreg:$0x2];
	s5 =	simm.s32 $0x0;
	s0 =	srdreg.scid  }
0x4: {  	s2 =	stileid.u32;
	s28 =	simm.s32 $0x3;
	s29 =	simm.s32 $0x8  }
0x5: {  	s30 =	simm.s32 $0x4;
	s31 =	simm.s32 $0x9;
	[smem:$0x7FF] =	sst s5  }
0x6: {  	s0 =	sand.u32 $0x1, s0;
	s2 =	sshll.u32 s2, $0x8;
	s25 =	sadd.s32 $0x300000, s7  }
0x7: {  	s1 =	ssub.s32 $0x2, s0;
	s0 =	sshll.u32 s0, $0xC;
	_ =	strace $0x80000047  }
0x8: {  	[dreg:$0x8] =	wrdreg s25;
	s4 =	sshrl.u32 s1, $0x1;
	s6 =	sor.u32 s2, s0  }
0x9: {  	s25 =	simm.s32 $0x2;
	s19 =	ssub.s32 s1, s4;
	s20 =	sshll.u32 s6, $0x7  }
0xa: {  	s8 =	sor.u32 $0x2000, s6;
	s13 =	sor.u32 $0x4000, s6;
	s15 =	sor.u32 $0x6000, s6  }
0xb: {  	s4 =	simm.s32 $0xA;
	s21 =	sadd.s32 s9, s20;
	[dreg:$0x4] =	wrdreg s20  }
0xc: {  	s22 =	sadd.s32 s7, s20;
	s23 =	sshll.u32 s8, $0x7;
	s26 =	sshll.u32 s13, $0x7  }
0xd: {  	s0 =	smax.u32 s19, $0x1;
	s20 =	simm.s32 $0x8000;
	[dreg:$0x5] =	wrdreg s21  }
0xe: {  	s11 =	sadd.s32 s7, s23;
	[dreg:$0x6] =	wrdreg s22;
	s24 =	sadd.s32 $0x200000, s22  }
0xf: {  	s1 =	sadd.s32 s7, s26;
	[dreg:$0xa] =	wrdreg s0;
	s23 =	simm.s32 $0x4000  }
0x10: {  	s22 =	simm.s32 $0x1;
	s26 =	simm.s32 $0x7;
	[dreg:$0x7] =	wrdreg s24  }
0x11: {  	[dreg:$0x9] =	wrdreg s1;
	s24 =	simm.s32 $0xC000;
	s1 =	simm.s32 $0x0  }
.LBB2_1:
0x12: {  	s0 =	rddreg [dreg:$0x5];
	s19 =	simm.s32 $0x10000  }
0x13: {  	[tilespmem:s19], [sflag:$0x5] =	stream.linear.gather [hbm4b:s0+s5], $0x4000, $0x38;
	[tilespmem:$0x18000] =	vst v63  }
0x14: {  	s21 =	rddreg [dreg:$0x6]  }
0x15: {  	[tilespmem:s5], [sflag:$0x1] =	stream.linear.gather [hbm4b:s21+s5], $0x4000, $0x38;
	[tilespmem:$0x18000] =	vst v63  }
0x16: {  	[dreg:$0xb] =	wrdreg s1;
	s17 =	simm.s32 $0x0  }
0x17: {  	[tilespmem:s23], [sflag:$0x2] =	stream.linear.gather [hbm4b:s11+s5], $0x4000, $0x38;
	[tilespmem:$0x18000] =	vst v63  }
.LBB2_2:
0x18: {  	p0 =	seq.s32 s17, $0x0  }
0x19: {  	s2 =	sshll.u32 s17, $0x1;
	s7 =	sshll.u32 s17, $0xC;
	s1 =	simm.s32 @!p0 $0x9  }
0x1a: {  	s14 =	simm.s32 $0x0;
	s18 =	sor.u32 $0x1, s2;
	_ =	swait.ge @!p0 [sflag:s1], $0x4000  }
0x1b: {  	s21 =	sshll.u32 s18, $0xB;
	[sflag:s1] =	ssyncset.done @!p0 $0x0;
	s0 =	rddreg [dreg:$0x7]  }
0x1c: {  	s9 =	rddreg [dreg:$0x4];
	[sflag:s1] =	ssyncadd.s32 @!p0 $0xFFFFC000;
	s7 =	sadd.s32 s7, s0  }
0x1d: {  	[tilespmem:s20], [sflag:$0x3] =	stream.linear.gather [hbm4b:s7+s14], $0x4000, $0x38;
	[tilespmem:$0x18000] =	vst v63  }
0x1e: {  	s7 =	sor.u32 s9, s21;
	s10 =	rddreg [dreg:$0x1]  }
0x1f: {  	s16 =	simm.s32 $0x14000;
	s12 =	sadd.s32 s10, s7  }
0x20: {  	[tilespmem:s16], [sflag:$0x6] =	stream.linear.gather [hbm4b:s12+s14], $0x4000, $0x38;
	[tilespmem:$0x18000] =	vst v63  }
0x21: {  	_ =	swait.ge [sflag:s22], $0x4000  }
0x22: {  	[sflag:s22] =	ssyncset.done $0x0  }
0x23: {  	s19 =	simm.s32 $0x5;
	[sflag:s22] =	ssyncadd.s32 $0xFFFFC000  }
0x24: {  	_ =	swait.ge [sflag:s19], $0x4000  }
0x25: {  	s23 =	sand.u32 $0x70, s14;
	s9 =	sand.u32 $0x1C00, s14;
	[sflag:s19] =	ssyncset.done $0x0  }
0x26: {  	s1 =	sor.u32 s23, s9;
	[sflag:s19] =	ssyncadd.s32 $0xFFFFC000  }
0x27: {  	v0 =	vld [tilespmem:s1+$0x180]  }
0x28: {  	v1 =	vld [tilespmem:s1+$0x0]  }
0x29: {  	v2 =	vld [tilespmem:s1+$0x300]  }
0x2a: {  	v3 =	vld [tilespmem:s1+$0x200]  }
0x2b: {  	v4 =	vld [tilespmem:s1+$0x100]  }
0x2c: {  	v5 =	vld [tilespmem:s1+$0x280]  }
0x2d: {  	v6 =	vld [tilespmem:s1+$0x80]  }
0x2e: {  	v7 =	vld [tilespmem:s1+$0x10080]  }
0x2f: {  	s16 =	simm.s32 $0x10;
	s12 =	sor.u32 s14, s14;
	v8 =	vld [tilespmem:s1+$0x10280]  }
.LBB2_3:
0x30: {  	p1 =	sne.s32 s16, $0x3F0  }
0x31: {  	v9 =	vld [tilespmem:s1+$0x10180];
	s14 =	sadd.s32 $0x80, s14;
	s10 =	smov.u32 s16;
	s16 =	sadd.s32 $0x10, s16  }
0x32: {  	s9 =	sor.u32 s10, s14;
	v10 =	vld [tilespmem:s1+$0x10100]  }
0x33: {  	v11 =	vld [tilespmem:s1+$0x10200]  }
0x34: {  	v12 =	vld [tilespmem:s1+$0x10300]  }
0x35: {  	v6 =	vadd.f32 v7, v6;
	v13 =	vld [tilespmem:s1+$0x10000];
	v5 =	vadd.f32 v8, v5  }
0x36: {  	v0 =	vadd.f32 v9, v0  }
0x37: {  	v4 =	vadd.f32 v10, v4;
	[tilespmem:s1+$0x280] =	vst v5  }
0x38: {  	[tilespmem:s1+$0x180] =	vst v0;
	v0 =	vadd.f32 v11, v3  }
0x39: {  	[tilespmem:s1+$0x80] =	vst v6;
	v2 =	vadd.f32 v12, v2  }
0x3a: {  	v1 =	vadd.f32 v13, v1;
	[tilespmem:s1+$0x100] =	vst v4  }
0x3b: {  	[tilespmem:s1+$0x300] =	vst v2  }
0x3c: {  	[tilespmem:s1+$0x200] =	vst v0  }
0x3d: {  	s23 =	sor.u32 $0x380, s12;
	[tilespmem:s1+$0x0] =	vst v1  }
0x3e: {  	v0 =	vld [tilespmem:s23+$0x0]  }
0x3f: {  	v1 =	vld [tilespmem:s23+$0x10000];
	_ =	sdelay $0x4  }
0x40: {  	v0 =	vadd.f32 v1, v0;
	_ =	sdelay $0x1  }
0x41: {  	s10 =	sand.u32 $0x70, s10;
	s0 =	sand.u32 $0x1C00, s14;
	[tilespmem:s23+$0x0] =	vst v0  }
0x42: {  	s0 =	sor.u32 s10, s0;
	v0 =	vld [tilespmem:s1+$0x2000]  }
0x43: {  	v1 =	vld [tilespmem:s1+$0x12000]  }
0x44: {  	v2 =	vld [tilespmem:s1+$0x2080]  }
0x45: {  	v3 =	vld [tilespmem:s1+$0x12080]  }
0x46: {  	v4 =	vld [tilespmem:s1+$0x12300]  }
0x47: {  	v5 =	vld [tilespmem:s1+$0x2300]  }
0x48: {  	v0 =	vadd.f32 v1, v0;
	v1 =	vld [tilespmem:s1+$0x12280]  }
0x49: {  	v6 =	vld [tilespmem:s1+$0x12180]  }
0x4a: {  	[tilespmem:s1+$0x2000] =	vst v0;
	v0 =	vadd.f32 v3, v2;
	v2 =	vld [tilespmem:s1+$0x12200]  }
0x4b: {  	v3 =	vld [tilespmem:s1+$0x2280]  }
0x4c: {  	[tilespmem:s1+$0x2080] =	vst v0;
	v7 =	vld [tilespmem:s1+$0x2200];
	v0 =	vadd.f32 v4, v5  }
0x4d: {  	v4 =	vld [tilespmem:s1+$0x2180]  }
0x4e: {  	v5 =	vld [tilespmem:s1+$0x12100];
	[tilespmem:s1+$0x2300] =	vst v0  }
0x4f: {  	v8 =	vld [tilespmem:s1+$0x2100]  }
0x50: {  	v0 =	vld [tilespmem:s0+$0x180];
	v1 =	vadd.f32 v1, v3  }
0x51: {  	v2 =	vadd.f32 v2, v7  }
0x52: {  	v3 =	vadd.f32 v6, v4;
	[tilespmem:s1+$0x2280] =	vst v1  }
0x53: {  	[tilespmem:s1+$0x2200] =	vst v2  }
0x54: {  	v1 =	vadd.f32 v5, v8  }
0x55: {  	[tilespmem:s1+$0x2180] =	vst v3  }
0x56: {  	s10 =	sor.u32 $0x2380, s12;
	s12 =	smov.u32 s9;
	[tilespmem:s1+$0x2100] =	vst v1;
	s1 =	smov.u32 s0  }
0x57: {  	v5 =	vld [tilespmem:s10+$0x0]  }
0x58: {  	v6 =	vld [tilespmem:s10+$0x10000];
	_ =	sdelay $0x1  }
0x59: {  	v1 =	vld [tilespmem:s1+$0x0]  }
0x5a: {  	v2 =	vld [tilespmem:s1+$0x300]  }
0x5b: {  	v3 =	vld [tilespmem:s1+$0x200]  }
.Ltmp0:
0x5c: {  	v4 =	vld [tilespmem:s1+$0x100];
	v7 =	vadd.f32 v6, v5;
	(pc) =	sbr.rel @p1 .LBB2_3-.Ltmp0, $4  }
0x5d: {  	v5 =	vld [tilespmem:s1+$0x280]  }
0x5e: {  	v6 =	vld [tilespmem:s1+$0x80];
	[tilespmem:s10+$0x0] =	vst v7  }
0x5f: {  	v7 =	vld [tilespmem:s1+$0x10080]  }
0x60: {  	v8 =	vld [tilespmem:s1+$0x10280]  }
0x61: {  	v9 =	vld [tilespmem:s1+$0x10180]  }
0x62: {  	v10 =	vld [tilespmem:s1+$0x10100]  }
0x63: {  	v11 =	vld [tilespmem:s1+$0x10300]  }
0x64: {  	v12 =	vld [tilespmem:s1+$0x10200];
	v6 =	vadd.f32 v7, v6  }
0x65: {  	v5 =	vadd.f32 v8, v5;
	v8 =	vld [tilespmem:s1+$0x10000]  }
0x66: {  	v0 =	vadd.f32 v9, v0;
	[tilespmem:s1+$0x80] =	vst v6  }
0x67: {  	v4 =	vadd.f32 v10, v4;
	[tilespmem:s1+$0x280] =	vst v5  }
0x68: {  	[tilespmem:s1+$0x180] =	vst v0;
	v0 =	vadd.f32 v11, v2  }
0x69: {  	v2 =	vadd.f32 v12, v3;
	[tilespmem:s1+$0x100] =	vst v4  }
0x6a: {  	v1 =	vadd.f32 v8, v1;
	[tilespmem:s1+$0x300] =	vst v0  }
0x6b: {  	[tilespmem:s1+$0x200] =	vst v2  }
0x6c: {  	s0 =	sor.u32 $0x380, s12;
	[tilespmem:s1+$0x0] =	vst v1  }
0x6d: {  	v0 =	vld [tilespmem:s0+$0x0]  }
0x6e: {  	v1 =	vld [tilespmem:s0+$0x10000];
	_ =	sdelay $0x4  }
0x6f: {  	v0 =	vadd.f32 v1, v0;
	_ =	sdelay $0x1  }
0x70: {  	[tilespmem:s0+$0x0] =	vst v0  }
0x71: {  	v0 =	vld [tilespmem:s1+$0x2000]  }
0x72: {  	v1 =	vld [tilespmem:s1+$0x12000]  }
0x73: {  	v2 =	vld [tilespmem:s1+$0x2080]  }
0x74: {  	v3 =	vld [tilespmem:s1+$0x12080]  }
0x75: {  	v4 =	vld [tilespmem:s1+$0x12300]  }
0x76: {  	v5 =	vld [tilespmem:s1+$0x12180]  }
0x77: {  	v6 =	vld [tilespmem:s1+$0x2300]  }
0x78: {  	v7 =	vld [tilespmem:s1+$0x2200]  }
0x79: {  	v8 =	vld [tilespmem:s1+$0x12100]  }
0x7a: {  	v0 =	vadd.f32 v1, v0;
	v1 =	vld [tilespmem:s1+$0x12280]  }
0x7b: {  	v2 =	vadd.f32 v3, v2;
	v3 =	vld [tilespmem:s1+$0x2280]  }
0x7c: {  	[tilespmem:s1+$0x2000] =	vst v0;
	v0 =	vld [tilespmem:s1+$0x12200]  }
0x7d: {  	[tilespmem:s1+$0x2080] =	vst v2;
	v2 =	vld [tilespmem:s1+$0x2180]  }
0x7e: {  	v9 =	vld [tilespmem:s1+$0x2100]  }
0x7f: {  	v4 =	vadd.f32 v4, v6  }
0x80: {  	v1 =	vadd.f32 v1, v3  }
0x81: {  	[tilespmem:s1+$0x2300] =	vst v4;
	v0 =	vadd.f32 v0, v7  }
0x82: {  	v2 =	vadd.f32 v5, v2;
	[tilespmem:s1+$0x2280] =	vst v1  }
0x83: {  	[tilespmem:s1+$0x2200] =	vst v0;
	v0 =	vadd.f32 v8, v9  }
0x84: {  	[tilespmem:s1+$0x2180] =	vst v2  }
0x85: {  	s12 =	sor.u32 $0x2380, s12;
	[tilespmem:s1+$0x2100] =	vst v0  }
0x86: {  	v0 =	vld [tilespmem:s12+$0x0]  }
0x87: {  	v1 =	vld [tilespmem:s12+$0x10000];
	_ =	sdelay $0x3  }
0x88: {  	s1 =	sshll.u32 s17, $0x5  }
0x89: {  	s9 =	sor.u32 s6, s1;
	v0 =	vadd.f32 v1, v0  }
0x8a: {  	s9 =	sshll.u32 s9, $0x7  }
0x8b: {  	s0 =	simm.s32 @!p0 $0xA;
	s14 =	sadd.s32 s3, s9;
	[tilespmem:s12+$0x0] =	vst v0  }
0x8c: {  	[hbm4b:s14+s5] =	stream.linear.scatter [tilespmem:s5], [sflag:$0x7], $0x4000, $0x38;
	[tilespmem:$0x18000] =	vst v63  }
0x8d: {  	_ =	swait.ge @!p0 [sflag:s0], $0x4000  }
0x8e: {  	[sflag:s0] =	ssyncset.done @!p0 $0x0;
	s16 =	rddreg [dreg:$0x8]  }
0x8f: {  	[sflag:s0] =	ssyncadd.s32 @!p0 $0xFFFFC000;
	s0 =	sadd.s32 s9, s16;
	s16 =	simm.s32 $0x0  }
0x90: {  	[tilespmem:s24], [sflag:$0x4] =	stream.linear.gather [hbm4b:s0+s16], $0x4000, $0x38;
	[tilespmem:$0x18000] =	vst v63  }
0x91: {  	_ =	swait.ge [sflag:s25], $0x4000  }
0x92: {  	s19 =	sand.u32 $0x70, s16;
	s23 =	sand.u32 $0x1C00, s16;
	[sflag:s25] =	ssyncset.done $0x0  }
0x93: {  	s12 =	sor.u32 s19, s23;
	[sflag:s25] =	ssyncadd.s32 $0xFFFFC000  }
0x94: {  	v0 =	vld [tilespmem:s12+$0x4180]  }
0x95: {  	v1 =	vld [tilespmem:s12+$0x4000]  }
0x96: {  	v2 =	vld [tilespmem:s12+$0x4300]  }
0x97: {  	v3 =	vld [tilespmem:s12+$0x4200]  }
0x98: {  	v4 =	vld [tilespmem:s12+$0x4100]  }
0x99: {  	v5 =	vld [tilespmem:s12+$0x4280]  }
0x9a: {  	v6 =	vld [tilespmem:s12+$0x4080]  }
0x9b: {  	v7 =	vld [tilespmem:s12+$0x10080]  }
0x9c: {  	s9 =	simm.s32 $0x10;
	s14 =	sor.u32 s16, s16;
	v8 =	vld [tilespmem:s12+$0x10280]  }
.LBB2_5:
0x9d: {  	p0 =	sne.s32 s9, $0x3F0  }
0x9e: {  	v9 =	vld [tilespmem:s12+$0x10180];
	s16 =	sadd.s32 $0x80, s16;
	s0 =	smov.u32 s9;
	s9 =	sadd.s32 $0x10, s9  }
0x9f: {  	s10 =	sor.u32 s0, s16;
	v10 =	vld [tilespmem:s12+$0x10100]  }
0xa0: {  	v11 =	vld [tilespmem:s12+$0x10200]  }
0xa1: {  	v12 =	vld [tilespmem:s12+$0x10300]  }
0xa2: {  	v6 =	vadd.f32 v7, v6;
	v13 =	vld [tilespmem:s12+$0x10000];
	v5 =	vadd.f32 v8, v5  }
0xa3: {  	v0 =	vadd.f32 v9, v0  }
0xa4: {  	v4 =	vadd.f32 v10, v4;
	[tilespmem:s12+$0x4280] =	vst v5  }
0xa5: {  	[tilespmem:s12+$0x4180] =	vst v0;
	v0 =	vadd.f32 v11, v3  }
0xa6: {  	[tilespmem:s12+$0x4080] =	vst v6;
	v2 =	vadd.f32 v12, v2  }
0xa7: {  	v1 =	vadd.f32 v13, v1;
	[tilespmem:s12+$0x4100] =	vst v4  }
0xa8: {  	[tilespmem:s12+$0x4300] =	vst v2  }
0xa9: {  	[tilespmem:s12+$0x4200] =	vst v0  }
0xaa: {  	s23 =	sor.u32 $0x380, s14;
	[tilespmem:s12+$0x4000] =	vst v1  }
0xab: {  	v0 =	vld [tilespmem:s23+$0x4000]  }
0xac: {  	v1 =	vld [tilespmem:s23+$0x10000];
	_ =	sdelay $0x4  }
0xad: {  	v0 =	vadd.f32 v1, v0;
	_ =	sdelay $0x1  }
0xae: {  	s0 =	sand.u32 $0x70, s0;
	s19 =	sand.u32 $0x1C00, s16;
	[tilespmem:s23+$0x4000] =	vst v0  }
0xaf: {  	s0 =	sor.u32 s0, s19;
	v0 =	vld [tilespmem:s12+$0x6000]  }
0xb0: {  	v1 =	vld [tilespmem:s12+$0x12000]  }
0xb1: {  	v2 =	vld [tilespmem:s12+$0x6080]  }
0xb2: {  	v3 =	vld [tilespmem:s12+$0x12080]  }
0xb3: {  	v4 =	vld [tilespmem:s12+$0x12300]  }
0xb4: {  	v5 =	vld [tilespmem:s12+$0x6300]  }
0xb5: {  	v0 =	vadd.f32 v1, v0;
	v1 =	vld [tilespmem:s12+$0x12280]  }
0xb6: {  	v6 =	vld [tilespmem:s12+$0x12180]  }
0xb7: {  	[tilespmem:s12+$0x6000] =	vst v0;
	v0 =	vadd.f32 v3, v2;
	v2 =	vld [tilespmem:s12+$0x12200]  }
0xb8: {  	v3 =	vld [tilespmem:s12+$0x6280]  }
0xb9: {  	[tilespmem:s12+$0x6080] =	vst v0;
	v7 =	vld [tilespmem:s12+$0x6200];
	v0 =	vadd.f32 v4, v5  }
0xba: {  	v4 =	vld [tilespmem:s12+$0x6180]  }
0xbb: {  	v5 =	vld [tilespmem:s12+$0x12100];
	[tilespmem:s12+$0x6300] =	vst v0  }
0xbc: {  	v8 =	vld [tilespmem:s12+$0x6100]  }
0xbd: {  	v0 =	vld [tilespmem:s0+$0x4180];
	v1 =	vadd.f32 v1, v3  }
0xbe: {  	v2 =	vadd.f32 v2, v7  }
0xbf: {  	v3 =	vadd.f32 v6, v4;
	[tilespmem:s12+$0x6280] =	vst v1  }
0xc0: {  	[tilespmem:s12+$0x6200] =	vst v2  }
0xc1: {  	v1 =	vadd.f32 v5, v8  }
0xc2: {  	[tilespmem:s12+$0x6180] =	vst v3  }
0xc3: {  	s19 =	sor.u32 $0x2380, s14;
	s14 =	smov.u32 s10;
	[tilespmem:s12+$0x6100] =	vst v1;
	s12 =	smov.u32 s0  }
0xc4: {  	v5 =	vld [tilespmem:s19+$0x4000]  }
0xc5: {  	v6 =	vld [tilespmem:s19+$0x10000];
	_ =	sdelay $0x1  }
0xc6: {  	v1 =	vld [tilespmem:s12+$0x4000]  }
0xc7: {  	v2 =	vld [tilespmem:s12+$0x4300]  }
0xc8: {  	v3 =	vld [tilespmem:s12+$0x4200]  }
.Ltmp1:
0xc9: {  	v4 =	vld [tilespmem:s12+$0x4100];
	v7 =	vadd.f32 v6, v5;
	(pc) =	sbr.rel @p0 .LBB2_5-.Ltmp1, $4  }
0xca: {  	v5 =	vld [tilespmem:s12+$0x4280]  }
0xcb: {  	v6 =	vld [tilespmem:s12+$0x4080];
	[tilespmem:s19+$0x4000] =	vst v7  }
0xcc: {  	v7 =	vld [tilespmem:s12+$0x10080]  }
0xcd: {  	v8 =	vld [tilespmem:s12+$0x10280]  }
0xce: {  	v9 =	vld [tilespmem:s12+$0x10180]  }
0xcf: {  	v10 =	vld [tilespmem:s12+$0x10100]  }
0xd0: {  	v11 =	vld [tilespmem:s12+$0x10300]  }
0xd1: {  	v12 =	vld [tilespmem:s12+$0x10200];
	v6 =	vadd.f32 v7, v6  }
0xd2: {  	v5 =	vadd.f32 v8, v5;
	v8 =	vld [tilespmem:s12+$0x10000]  }
0xd3: {  	v0 =	vadd.f32 v9, v0;
	[tilespmem:s12+$0x4080] =	vst v6  }
0xd4: {  	v4 =	vadd.f32 v10, v4;
	[tilespmem:s12+$0x4280] =	vst v5  }
0xd5: {  	[tilespmem:s12+$0x4180] =	vst v0;
	v0 =	vadd.f32 v11, v2  }
0xd6: {  	v2 =	vadd.f32 v12, v3;
	[tilespmem:s12+$0x4100] =	vst v4  }
0xd7: {  	v1 =	vadd.f32 v8, v1;
	[tilespmem:s12+$0x4300] =	vst v0  }
0xd8: {  	[tilespmem:s12+$0x4200] =	vst v2  }
0xd9: {  	s0 =	sor.u32 $0x380, s14;
	[tilespmem:s12+$0x4000] =	vst v1  }
0xda: {  	v0 =	vld [tilespmem:s0+$0x4000]  }
0xdb: {  	v1 =	vld [tilespmem:s0+$0x10000];
	_ =	sdelay $0x4  }
0xdc: {  	v0 =	vadd.f32 v1, v0;
	_ =	sdelay $0x1  }
0xdd: {  	[tilespmem:s0+$0x4000] =	vst v0  }
0xde: {  	v0 =	vld [tilespmem:s12+$0x6000]  }
0xdf: {  	v1 =	vld [tilespmem:s12+$0x12000]  }
0xe0: {  	v2 =	vld [tilespmem:s12+$0x6080]  }
0xe1: {  	v3 =	vld [tilespmem:s12+$0x12080]  }
0xe2: {  	v4 =	vld [tilespmem:s12+$0x12300]  }
0xe3: {  	v5 =	vld [tilespmem:s12+$0x12180]  }
0xe4: {  	v6 =	vld [tilespmem:s12+$0x6300]  }
0xe5: {  	v7 =	vld [tilespmem:s12+$0x6200]  }
0xe6: {  	v8 =	vld [tilespmem:s12+$0x12100]  }
0xe7: {  	v0 =	vadd.f32 v1, v0;
	v1 =	vld [tilespmem:s12+$0x12280]  }
0xe8: {  	v2 =	vadd.f32 v3, v2;
	v3 =	vld [tilespmem:s12+$0x6280]  }
0xe9: {  	[tilespmem:s12+$0x6000] =	vst v0;
	v0 =	vld [tilespmem:s12+$0x12200]  }
0xea: {  	[tilespmem:s12+$0x6080] =	vst v2;
	v2 =	vld [tilespmem:s12+$0x6180]  }
0xeb: {  	v9 =	vld [tilespmem:s12+$0x6100]  }
0xec: {  	v4 =	vadd.f32 v4, v6  }
0xed: {  	v1 =	vadd.f32 v1, v3  }
0xee: {  	[tilespmem:s12+$0x6300] =	vst v4;
	v0 =	vadd.f32 v0, v7  }
0xef: {  	v2 =	vadd.f32 v5, v2;
	[tilespmem:s12+$0x6280] =	vst v1  }
0xf0: {  	[tilespmem:s12+$0x6200] =	vst v0;
	v0 =	vadd.f32 v8, v9  }
0xf1: {  	[tilespmem:s12+$0x6180] =	vst v2  }
0xf2: {  	s23 =	sor.u32 $0x2380, s14;
	[tilespmem:s12+$0x6100] =	vst v0  }
0xf3: {  	v0 =	vld [tilespmem:s23+$0x4000]  }
0xf4: {  	v1 =	vld [tilespmem:s23+$0x10000];
	_ =	sdelay $0x4  }
0xf5: {  	s9 =	sadd.s32 s8, s1;
	v0 =	vadd.f32 v1, v0  }
0xf6: {  	s9 =	sshll.u32 s9, $0x7  }
0xf7: {  	s14 =	simm.s32 $0x0;
	s10 =	sadd.s32 s3, s9;
	[tilespmem:s23+$0x4000] =	vst v0;
	s23 =	simm.s32 $0x4000  }
0xf8: {  	[hbm4b:s10+s14] =	stream.linear.scatter [tilespmem:s23], [sflag:$0x8], $0x4000, $0x38;
	[tilespmem:$0x18000] =	vst v63  }
0xf9: {  	_ =	swait.ge [sflag:s26], $0x4000  }
0xfa: {  	[sflag:s26] =	ssyncset.done $0x0  }
0xfb: {  	[sflag:s26] =	ssyncadd.s32 $0xFFFFC000  }
0xfc: {  	s12 =	rddreg [dreg:$0x0]  }
0xfd: {  	s0 =	sadd.s32 s12, s7  }
0xfe: {  	[tilespmem:s14], [sflag:$0x1] =	stream.linear.gather [hbm4b:s0+s14], $0x4000, $0x38;
	[tilespmem:$0x18000] =	vst v63  }
0xff: {  	_ =	swait.ge [sflag:s28], $0x4000  }
0x100: {  	s16 =	sand.u32 $0x70, s14;
	s19 =	sand.u32 $0x1C00, s14;
	[sflag:s28] =	ssyncset.done $0x0  }
0x101: {  	s7 =	sor.u32 s16, s19;
	[sflag:s28] =	ssyncadd.s32 $0xFFFFC000  }
0x102: {  	v0 =	vld [tilespmem:s7+$0x8180]  }
0x103: {  	v1 =	vld [tilespmem:s7+$0x8000]  }
0x104: {  	v2 =	vld [tilespmem:s7+$0x8300]  }
0x105: {  	v3 =	vld [tilespmem:s7+$0x8200]  }
0x106: {  	v4 =	vld [tilespmem:s7+$0x8100]  }
0x107: {  	v5 =	vld [tilespmem:s7+$0x8280]  }
0x108: {  	v6 =	vld [tilespmem:s7+$0x8080]  }
0x109: {  	v7 =	vld [tilespmem:s7+$0x10080]  }
0x10a: {  	s9 =	simm.s32 $0x10;
	s12 =	sor.u32 s14, s14;
	v8 =	vld [tilespmem:s7+$0x10280]  }
.LBB2_7:
0x10b: {  	p0 =	sne.s32 s9, $0x3F0  }
0x10c: {  	v9 =	vld [tilespmem:s7+$0x10180];
	s14 =	sadd.s32 $0x80, s14;
	s0 =	smov.u32 s9;
	s9 =	sadd.s32 $0x10, s9  }
0x10d: {  	s10 =	sor.u32 s0, s14;
	v10 =	vld [tilespmem:s7+$0x10100]  }
0x10e: {  	v11 =	vld [tilespmem:s7+$0x10200]  }
0x10f: {  	v12 =	vld [tilespmem:s7+$0x10300]  }
0x110: {  	v6 =	vadd.f32 v7, v6;
	v13 =	vld [tilespmem:s7+$0x10000];
	v5 =	vadd.f32 v8, v5  }
0x111: {  	v0 =	vadd.f32 v9, v0  }
0x112: {  	v4 =	vadd.f32 v10, v4;
	[tilespmem:s7+$0x8280] =	vst v5  }
0x113: {  	[tilespmem:s7+$0x8180] =	vst v0;
	v0 =	vadd.f32 v11, v3  }
0x114: {  	[tilespmem:s7+$0x8080] =	vst v6;
	v2 =	vadd.f32 v12, v2  }
0x115: {  	v1 =	vadd.f32 v13, v1;
	[tilespmem:s7+$0x8100] =	vst v4  }
0x116: {  	[tilespmem:s7+$0x8300] =	vst v2  }
0x117: {  	[tilespmem:s7+$0x8200] =	vst v0  }
0x118: {  	s16 =	sor.u32 $0x380, s12;
	[tilespmem:s7+$0x8000] =	vst v1  }
0x119: {  	v0 =	vld [tilespmem:s16+$0x8000]  }
0x11a: {  	v1 =	vld [tilespmem:s16+$0x10000];
	_ =	sdelay $0x4  }
0x11b: {  	v0 =	vadd.f32 v1, v0;
	_ =	sdelay $0x1  }
0x11c: {  	s0 =	sand.u32 $0x70, s0;
	s19 =	sand.u32 $0x1C00, s14;
	[tilespmem:s16+$0x8000] =	vst v0  }
0x11d: {  	s0 =	sor.u32 s0, s19;
	v0 =	vld [tilespmem:s7+$0xA000]  }
0x11e: {  	v1 =	vld [tilespmem:s7+$0x12000]  }
0x11f: {  	v2 =	vld [tilespmem:s7+$0xA080]  }
0x120: {  	v3 =	vld [tilespmem:s7+$0x12080]  }
0x121: {  	v4 =	vld [tilespmem:s7+$0x12300]  }
0x122: {  	v5 =	vld [tilespmem:s7+$0xA300]  }
0x123: {  	v0 =	vadd.f32 v1, v0;
	v1 =	vld [tilespmem:s7+$0x12280]  }
0x124: {  	v6 =	vld [tilespmem:s7+$0x12180]  }
0x125: {  	[tilespmem:s7+$0xA000] =	vst v0;
	v0 =	vadd.f32 v3, v2;
	v2 =	vld [tilespmem:s7+$0x12200]  }
0x126: {  	v3 =	vld [tilespmem:s7+$0xA280]  }
0x127: {  	[tilespmem:s7+$0xA080] =	vst v0;
	v7 =	vld [tilespmem:s7+$0xA200];
	v0 =	vadd.f32 v4, v5  }
0x128: {  	v4 =	vld [tilespmem:s7+$0xA180]  }
0x129: {  	v5 =	vld [tilespmem:s7+$0x12100];
	[tilespmem:s7+$0xA300] =	vst v0  }
0x12a: {  	v8 =	vld [tilespmem:s7+$0xA100]  }
0x12b: {  	v0 =	vld [tilespmem:s0+$0x8180];
	v1 =	vadd.f32 v1, v3  }
0x12c: {  	v2 =	vadd.f32 v2, v7  }
0x12d: {  	v3 =	vadd.f32 v6, v4;
	[tilespmem:s7+$0xA280] =	vst v1  }
0x12e: {  	[tilespmem:s7+$0xA200] =	vst v2  }
0x12f: {  	v1 =	vadd.f32 v5, v8  }
0x130: {  	[tilespmem:s7+$0xA180] =	vst v3  }
0x131: {  	s16 =	sor.u32 $0x2380, s12;
	s12 =	smov.u32 s10;
	[tilespmem:s7+$0xA100] =	vst v1;
	s7 =	smov.u32 s0  }
0x132: {  	v5 =	vld [tilespmem:s16+$0x8000]  }
0x133: {  	v6 =	vld [tilespmem:s16+$0x10000];
	_ =	sdelay $0x1  }
0x134: {  	v1 =	vld [tilespmem:s7+$0x8000]  }
0x135: {  	v2 =	vld [tilespmem:s7+$0x8300]  }
0x136: {  	v3 =	vld [tilespmem:s7+$0x8200]  }
.Ltmp2:
0x137: {  	v4 =	vld [tilespmem:s7+$0x8100];
	v7 =	vadd.f32 v6, v5;
	(pc) =	sbr.rel @p0 .LBB2_7-.Ltmp2, $4  }
0x138: {  	v5 =	vld [tilespmem:s7+$0x8280]  }
0x139: {  	v6 =	vld [tilespmem:s7+$0x8080];
	[tilespmem:s16+$0x8000] =	vst v7  }
0x13a: {  	v7 =	vld [tilespmem:s7+$0x10080]  }
0x13b: {  	v8 =	vld [tilespmem:s7+$0x10280]  }
0x13c: {  	v9 =	vld [tilespmem:s7+$0x10180]  }
0x13d: {  	v10 =	vld [tilespmem:s7+$0x10100]  }
0x13e: {  	v11 =	vld [tilespmem:s7+$0x10300]  }
0x13f: {  	v12 =	vld [tilespmem:s7+$0x10200];
	v6 =	vadd.f32 v7, v6  }
0x140: {  	v5 =	vadd.f32 v8, v5;
	v8 =	vld [tilespmem:s7+$0x10000]  }
0x141: {  	v0 =	vadd.f32 v9, v0;
	[tilespmem:s7+$0x8080] =	vst v6  }
0x142: {  	v4 =	vadd.f32 v10, v4;
	[tilespmem:s7+$0x8280] =	vst v5  }
0x143: {  	[tilespmem:s7+$0x8180] =	vst v0;
	v0 =	vadd.f32 v11, v2  }
0x144: {  	v2 =	vadd.f32 v12, v3;
	[tilespmem:s7+$0x8100] =	vst v4  }
0x145: {  	v1 =	vadd.f32 v8, v1;
	[tilespmem:s7+$0x8300] =	vst v0  }
0x146: {  	[tilespmem:s7+$0x8200] =	vst v2  }
0x147: {  	s0 =	sor.u32 $0x380, s12;
	[tilespmem:s7+$0x8000] =	vst v1  }
0x148: {  	v0 =	vld [tilespmem:s0+$0x8000]  }
0x149: {  	v1 =	vld [tilespmem:s0+$0x10000];
	_ =	sdelay $0x4  }
0x14a: {  	v0 =	vadd.f32 v1, v0;
	_ =	sdelay $0x1  }
0x14b: {  	[tilespmem:s0+$0x8000] =	vst v0  }
0x14c: {  	v0 =	vld [tilespmem:s7+$0xA000]  }
0x14d: {  	v1 =	vld [tilespmem:s7+$0x12000]  }
0x14e: {  	v2 =	vld [tilespmem:s7+$0xA080]  }
0x14f: {  	v3 =	vld [tilespmem:s7+$0x12080]  }
0x150: {  	v4 =	vld [tilespmem:s7+$0x12300]  }
0x151: {  	v5 =	vld [tilespmem:s7+$0x12180]  }
0x152: {  	v6 =	vld [tilespmem:s7+$0xA300]  }
0x153: {  	v7 =	vld [tilespmem:s7+$0xA200]  }
0x154: {  	v8 =	vld [tilespmem:s7+$0x12100]  }
0x155: {  	v0 =	vadd.f32 v1, v0;
	v1 =	vld [tilespmem:s7+$0x12280]  }
0x156: {  	v2 =	vadd.f32 v3, v2;
	v3 =	vld [tilespmem:s7+$0xA280]  }
0x157: {  	[tilespmem:s7+$0xA000] =	vst v0;
	v0 =	vld [tilespmem:s7+$0x12200]  }
0x158: {  	[tilespmem:s7+$0xA080] =	vst v2;
	v2 =	vld [tilespmem:s7+$0xA180]  }
0x159: {  	v9 =	vld [tilespmem:s7+$0xA100]  }
0x15a: {  	v4 =	vadd.f32 v4, v6  }
0x15b: {  	v1 =	vadd.f32 v1, v3  }
0x15c: {  	[tilespmem:s7+$0xA300] =	vst v4;
	v0 =	vadd.f32 v0, v7  }
0x15d: {  	v2 =	vadd.f32 v5, v2;
	[tilespmem:s7+$0xA280] =	vst v1  }
0x15e: {  	[tilespmem:s7+$0xA200] =	vst v0;
	v0 =	vadd.f32 v8, v9  }
0x15f: {  	[tilespmem:s7+$0xA180] =	vst v2  }
0x160: {  	s19 =	sor.u32 $0x2380, s12;
	[tilespmem:s7+$0xA100] =	vst v0  }
0x161: {  	v0 =	vld [tilespmem:s19+$0x8000]  }
0x162: {  	v1 =	vld [tilespmem:s19+$0x10000];
	_ =	sdelay $0x4  }
0x163: {  	s9 =	sadd.s32 s13, s1;
	v0 =	vadd.f32 v1, v0  }
0x164: {  	s7 =	sshll.u32 s9, $0x7  }
0x165: {  	s14 =	simm.s32 $0x0;
	s10 =	sadd.s32 s3, s7;
	[tilespmem:s19+$0x8000] =	vst v0  }
0x166: {  	[hbm4b:s10+s14] =	stream.linear.scatter [tilespmem:s20], [sflag:$0x9], $0x4000, $0x38;
	[tilespmem:$0x18000] =	vst v63  }
0x167: {  	_ =	swait.ge [sflag:s29], $0x4000  }
0x168: {  	[sflag:s29] =	ssyncset.done $0x0  }
0x169: {  	s12 =	sadd.s32 s21, s11;
	[sflag:s29] =	ssyncadd.s32 $0xFFFFC000  }
0x16a: {  	[tilespmem:s23], [sflag:$0x2] =	stream.linear.gather [hbm4b:s12+s14], $0x4000, $0x38;
	[tilespmem:$0x18000] =	vst v63  }
0x16b: {  	_ =	swait.ge [sflag:s30], $0x4000  }
0x16c: {  	s16 =	sand.u32 $0x70, s14;
	s19 =	sand.u32 $0x1C00, s14;
	[sflag:s30] =	ssyncset.done $0x0  }
0x16d: {  	s7 =	sor.u32 s16, s19;
	[sflag:s30] =	ssyncadd.s32 $0xFFFFC000  }
0x16e: {  	v0 =	vld [tilespmem:s7+$0xC180]  }
0x16f: {  	v1 =	vld [tilespmem:s7+$0xC000]  }
0x170: {  	v2 =	vld [tilespmem:s7+$0xC300]  }
0x171: {  	v3 =	vld [tilespmem:s7+$0xC200]  }
0x172: {  	v4 =	vld [tilespmem:s7+$0xC100]  }
0x173: {  	v5 =	vld [tilespmem:s7+$0xC280]  }
0x174: {  	v6 =	vld [tilespmem:s7+$0xC080]  }
0x175: {  	v7 =	vld [tilespmem:s7+$0x10080]  }
0x176: {  	s9 =	simm.s32 $0x10;
	s12 =	sor.u32 s14, s14;
	v8 =	vld [tilespmem:s7+$0x10280]  }
.LBB2_9:
0x177: {  	p0 =	sne.s32 s9, $0x3F0  }
0x178: {  	v9 =	vld [tilespmem:s7+$0x10180];
	s14 =	sadd.s32 $0x80, s14;
	s0 =	smov.u32 s9;
	s9 =	sadd.s32 $0x10, s9  }
0x179: {  	s10 =	sor.u32 s0, s14;
	v10 =	vld [tilespmem:s7+$0x10100]  }
0x17a: {  	v11 =	vld [tilespmem:s7+$0x10200]  }
0x17b: {  	v12 =	vld [tilespmem:s7+$0x10300]  }
0x17c: {  	v6 =	vadd.f32 v7, v6;
	v13 =	vld [tilespmem:s7+$0x10000];
	v5 =	vadd.f32 v8, v5  }
0x17d: {  	v0 =	vadd.f32 v9, v0  }
0x17e: {  	v4 =	vadd.f32 v10, v4;
	[tilespmem:s7+$0xC280] =	vst v5  }
0x17f: {  	[tilespmem:s7+$0xC180] =	vst v0;
	v0 =	vadd.f32 v11, v3  }
0x180: {  	[tilespmem:s7+$0xC080] =	vst v6;
	v2 =	vadd.f32 v12, v2  }
0x181: {  	v1 =	vadd.f32 v13, v1;
	[tilespmem:s7+$0xC100] =	vst v4  }
0x182: {  	[tilespmem:s7+$0xC300] =	vst v2  }
0x183: {  	[tilespmem:s7+$0xC200] =	vst v0  }
0x184: {  	s16 =	sor.u32 $0x380, s12;
	[tilespmem:s7+$0xC000] =	vst v1  }
0x185: {  	v0 =	vld [tilespmem:s16+$0xC000]  }
0x186: {  	v1 =	vld [tilespmem:s16+$0x10000];
	_ =	sdelay $0x4  }
0x187: {  	v0 =	vadd.f32 v1, v0;
	_ =	sdelay $0x1  }
0x188: {  	s0 =	sand.u32 $0x70, s0;
	s19 =	sand.u32 $0x1C00, s14;
	[tilespmem:s16+$0xC000] =	vst v0  }
0x189: {  	s0 =	sor.u32 s0, s19;
	v0 =	vld [tilespmem:s7+$0xE000]  }
0x18a: {  	v1 =	vld [tilespmem:s7+$0x12000]  }
0x18b: {  	v2 =	vld [tilespmem:s7+$0xE080]  }
0x18c: {  	v3 =	vld [tilespmem:s7+$0x12080]  }
0x18d: {  	v4 =	vld [tilespmem:s7+$0x12300]  }
0x18e: {  	v5 =	vld [tilespmem:s7+$0xE300]  }
0x18f: {  	v0 =	vadd.f32 v1, v0;
	v1 =	vld [tilespmem:s7+$0x12280]  }
0x190: {  	v6 =	vld [tilespmem:s7+$0x12180]  }
0x191: {  	[tilespmem:s7+$0xE000] =	vst v0;
	v0 =	vadd.f32 v3, v2;
	v2 =	vld [tilespmem:s7+$0x12200]  }
0x192: {  	v3 =	vld [tilespmem:s7+$0xE280]  }
0x193: {  	[tilespmem:s7+$0xE080] =	vst v0;
	v7 =	vld [tilespmem:s7+$0xE200];
	v0 =	vadd.f32 v4, v5  }
0x194: {  	v4 =	vld [tilespmem:s7+$0xE180]  }
0x195: {  	v5 =	vld [tilespmem:s7+$0x12100];
	[tilespmem:s7+$0xE300] =	vst v0  }
0x196: {  	v8 =	vld [tilespmem:s7+$0xE100]  }
0x197: {  	v0 =	vld [tilespmem:s0+$0xC180];
	v1 =	vadd.f32 v1, v3  }
0x198: {  	v2 =	vadd.f32 v2, v7  }
0x199: {  	v3 =	vadd.f32 v6, v4;
	[tilespmem:s7+$0xE280] =	vst v1  }
0x19a: {  	[tilespmem:s7+$0xE200] =	vst v2  }
0x19b: {  	v1 =	vadd.f32 v5, v8  }
0x19c: {  	[tilespmem:s7+$0xE180] =	vst v3  }
0x19d: {  	s16 =	sor.u32 $0x2380, s12;
	s12 =	smov.u32 s10;
	[tilespmem:s7+$0xE100] =	vst v1;
	s7 =	smov.u32 s0  }
0x19e: {  	v5 =	vld [tilespmem:s16+$0xC000]  }
0x19f: {  	v6 =	vld [tilespmem:s16+$0x10000];
	_ =	sdelay $0x1  }
0x1a0: {  	v1 =	vld [tilespmem:s7+$0xC000]  }
0x1a1: {  	v2 =	vld [tilespmem:s7+$0xC300]  }
0x1a2: {  	v3 =	vld [tilespmem:s7+$0xC200]  }
.Ltmp3:
0x1a3: {  	v4 =	vld [tilespmem:s7+$0xC100];
	v7 =	vadd.f32 v6, v5;
	(pc) =	sbr.rel @p0 .LBB2_9-.Ltmp3, $4  }
0x1a4: {  	v5 =	vld [tilespmem:s7+$0xC280]  }
0x1a5: {  	v6 =	vld [tilespmem:s7+$0xC080];
	[tilespmem:s16+$0xC000] =	vst v7  }
0x1a6: {  	v7 =	vld [tilespmem:s7+$0x10080]  }
0x1a7: {  	v8 =	vld [tilespmem:s7+$0x10280]  }
0x1a8: {  	v9 =	vld [tilespmem:s7+$0x10180]  }
0x1a9: {  	v10 =	vld [tilespmem:s7+$0x10100]  }
0x1aa: {  	v11 =	vld [tilespmem:s7+$0x10300]  }
0x1ab: {  	v12 =	vld [tilespmem:s7+$0x10200];
	v6 =	vadd.f32 v7, v6  }
0x1ac: {  	v5 =	vadd.f32 v8, v5;
	v8 =	vld [tilespmem:s7+$0x10000]  }
0x1ad: {  	v0 =	vadd.f32 v9, v0;
	[tilespmem:s7+$0xC080] =	vst v6  }
0x1ae: {  	v4 =	vadd.f32 v10, v4;
	[tilespmem:s7+$0xC280] =	vst v5  }
0x1af: {  	[tilespmem:s7+$0xC180] =	vst v0;
	v0 =	vadd.f32 v11, v2  }
0x1b0: {  	v2 =	vadd.f32 v12, v3;
	[tilespmem:s7+$0xC100] =	vst v4  }
0x1b1: {  	v1 =	vadd.f32 v8, v1;
	[tilespmem:s7+$0xC300] =	vst v0  }
0x1b2: {  	[tilespmem:s7+$0xC200] =	vst v2  }
0x1b3: {  	s0 =	sor.u32 $0x380, s12;
	[tilespmem:s7+$0xC000] =	vst v1  }
0x1b4: {  	v0 =	vld [tilespmem:s0+$0xC000]  }
0x1b5: {  	v1 =	vld [tilespmem:s0+$0x10000];
	_ =	sdelay $0x4  }
0x1b6: {  	v0 =	vadd.f32 v1, v0;
	_ =	sdelay $0x1  }
0x1b7: {  	[tilespmem:s0+$0xC000] =	vst v0  }
0x1b8: {  	v0 =	vld [tilespmem:s7+$0xE000]  }
0x1b9: {  	v1 =	vld [tilespmem:s7+$0x12000]  }
0x1ba: {  	v2 =	vld [tilespmem:s7+$0xE080]  }
0x1bb: {  	v3 =	vld [tilespmem:s7+$0x12080]  }
0x1bc: {  	v4 =	vld [tilespmem:s7+$0x12300]  }
0x1bd: {  	v5 =	vld [tilespmem:s7+$0x12180]  }
0x1be: {  	v6 =	vld [tilespmem:s7+$0xE300]  }
0x1bf: {  	v7 =	vld [tilespmem:s7+$0xE200]  }
0x1c0: {  	v8 =	vld [tilespmem:s7+$0x12100]  }
0x1c1: {  	v0 =	vadd.f32 v1, v0;
	v1 =	vld [tilespmem:s7+$0x12280]  }
0x1c2: {  	v2 =	vadd.f32 v3, v2;
	v3 =	vld [tilespmem:s7+$0xE280]  }
0x1c3: {  	[tilespmem:s7+$0xE000] =	vst v0;
	v0 =	vld [tilespmem:s7+$0x12200]  }
0x1c4: {  	[tilespmem:s7+$0xE080] =	vst v2;
	v2 =	vld [tilespmem:s7+$0xE180]  }
0x1c5: {  	v9 =	vld [tilespmem:s7+$0xE100]  }
0x1c6: {  	v4 =	vadd.f32 v4, v6  }
0x1c7: {  	v1 =	vadd.f32 v1, v3  }
0x1c8: {  	[tilespmem:s7+$0xE300] =	vst v4;
	v0 =	vadd.f32 v0, v7  }
0x1c9: {  	v2 =	vadd.f32 v5, v2;
	[tilespmem:s7+$0xE280] =	vst v1  }
0x1ca: {  	[tilespmem:s7+$0xE200] =	vst v0;
	v0 =	vadd.f32 v8, v9  }
0x1cb: {  	[tilespmem:s7+$0xE180] =	vst v2  }
0x1cc: {  	s10 =	sor.u32 $0x2380, s12;
	[tilespmem:s7+$0xE100] =	vst v0  }
0x1cd: {  	v0 =	vld [tilespmem:s10+$0xC000]  }
0x1ce: {  	v1 =	vld [tilespmem:s10+$0x10000];
	_ =	sdelay $0x4  }
0x1cf: {  	s1 =	sadd.s32 s15, s1;
	v0 =	vadd.f32 v1, v0  }
0x1d0: {  	s1 =	sshll.u32 s1, $0x7  }
0x1d1: {  	s12 =	sadd.s32 s3, s1;
	[tilespmem:s10+$0xC000] =	vst v0  }
0x1d2: {  	[hbm4b:s12+s5] =	stream.linear.scatter [tilespmem:s24], [sflag:$0xA], $0x4000, $0x38;
	[tilespmem:$0x18000] =	vst v63  }
0x1d3: {  	_ =	swait.ge [sflag:s31], $0x4000  }
0x1d4: {  	[sflag:s31] =	ssyncset.done $0x0;
	s14 =	rddreg [dreg:$0x9]  }
0x1d5: {  	[sflag:s31] =	ssyncadd.s32 $0xFFFFC000;
	s0 =	sadd.s32 s21, s14  }
0x1d6: {  	[tilespmem:s20], [sflag:$0x3] =	stream.linear.gather [hbm4b:s0+s5], $0x4000, $0x38;
	[tilespmem:$0x18000] =	vst v63  }
0x1d7: {  	p0 =	seq.s32 s17, $0x7;
	s0 =	sadd.s32 $0x2, s2  }
0x1d8: {  	s2 =	sshll.u32 @!p0 s0, $0xB;
	s0 =	rddreg [dreg:$0x5]  }
0x1d9: {  	s1 =	simm.s32 @!p0 $0x0;
	s7 =	simm.s32 @!p0 $0x10000;
	s0 =	sadd.s32 @!p0 s2, s0  }
0x1da: {  	[tilespmem:s7], [sflag:$0x5] =	stream.linear.gather @!p0 [hbm4b:s0+s1], $0x4000, $0x38;
	[tilespmem:$0x18000] =	vst v63  }
0x1db: {  	_ =	swait.ge [sflag:s22], $0x4000  }
0x1dc: {  	[sflag:s22] =	ssyncset.done $0x0  }
0x1dd: {  	s16 =	simm.s32 $0x6;
	[sflag:s22] =	ssyncadd.s32 $0xFFFFC000  }
0x1de: {  	s12 =	simm.s32 $0x0;
	_ =	swait.ge [sflag:s16], $0x4000  }
0x1df: {  	s19 =	sand.u32 $0x70, s12;
	s21 =	sand.u32 $0x1C00, s12;
	[sflag:s16] =	ssyncset.done $0x0  }
0x1e0: {  	s1 =	sor.u32 s19, s21;
	[sflag:s16] =	ssyncadd.s32 $0xFFFFC000  }
0x1e1: {  	v0 =	vld [tilespmem:s1+$0x180]  }
0x1e2: {  	v1 =	vld [tilespmem:s1+$0x0]  }
0x1e3: {  	v2 =	vld [tilespmem:s1+$0x300]  }
0x1e4: {  	v3 =	vld [tilespmem:s1+$0x200]  }
0x1e5: {  	v4 =	vld [tilespmem:s1+$0x100]  }
0x1e6: {  	v5 =	vld [tilespmem:s1+$0x280]  }
0x1e7: {  	v6 =	vld [tilespmem:s1+$0x80]  }
0x1e8: {  	v7 =	vld [tilespmem:s1+$0x14080]  }
0x1e9: {  	s9 =	simm.s32 $0x10;
	s7 =	sor.u32 s12, s12;
	v8 =	vld [tilespmem:s1+$0x14280]  }
.LBB2_11:
0x1ea: {  	p1 =	sne.s32 s9, $0x3F0  }
0x1eb: {  	v9 =	vld [tilespmem:s1+$0x14180];
	s12 =	sadd.s32 $0x80, s12;
	s0 =	smov.u32 s9;
	s9 =	sadd.s32 $0x10, s9  }
0x1ec: {  	s10 =	sor.u32 s0, s12;
	v10 =	vld [tilespmem:s1+$0x14100]  }
0x1ed: {  	v11 =	vld [tilespmem:s1+$0x14200]  }
0x1ee: {  	v12 =	vld [tilespmem:s1+$0x14300]  }
0x1ef: {  	v6 =	vadd.f32 v7, v6;
	v13 =	vld [tilespmem:s1+$0x14000];
	v5 =	vadd.f32 v8, v5  }
0x1f0: {  	v0 =	vadd.f32 v9, v0  }
0x1f1: {  	v4 =	vadd.f32 v10, v4;
	[tilespmem:s1+$0x280] =	vst v5  }
0x1f2: {  	[tilespmem:s1+$0x180] =	vst v0;
	v0 =	vadd.f32 v11, v3  }
0x1f3: {  	[tilespmem:s1+$0x80] =	vst v6;
	v2 =	vadd.f32 v12, v2  }
0x1f4: {  	v1 =	vadd.f32 v13, v1;
	[tilespmem:s1+$0x100] =	vst v4  }
0x1f5: {  	[tilespmem:s1+$0x300] =	vst v2  }
0x1f6: {  	[tilespmem:s1+$0x200] =	vst v0  }
0x1f7: {  	s14 =	sor.u32 $0x380, s7;
	[tilespmem:s1+$0x0] =	vst v1  }
0x1f8: {  	v0 =	vld [tilespmem:s14+$0x0]  }
0x1f9: {  	v1 =	vld [tilespmem:s14+$0x14000];
	_ =	sdelay $0x4  }
0x1fa: {  	v0 =	vadd.f32 v1, v0;
	_ =	sdelay $0x1  }
0x1fb: {  	s0 =	sand.u32 $0x70, s0;
	s16 =	sand.u32 $0x1C00, s12;
	[tilespmem:s14+$0x0] =	vst v0  }
0x1fc: {  	s0 =	sor.u32 s0, s16;
	v0 =	vld [tilespmem:s1+$0x2000]  }
0x1fd: {  	v1 =	vld [tilespmem:s1+$0x16000]  }
0x1fe: {  	v2 =	vld [tilespmem:s1+$0x2080]  }
0x1ff: {  	v3 =	vld [tilespmem:s1+$0x16080]  }
0x200: {  	v4 =	vld [tilespmem:s1+$0x16300]  }
0x201: {  	v5 =	vld [tilespmem:s1+$0x2300]  }
0x202: {  	v0 =	vadd.f32 v1, v0;
	v1 =	vld [tilespmem:s1+$0x16280]  }
0x203: {  	v6 =	vld [tilespmem:s1+$0x16180]  }
0x204: {  	[tilespmem:s1+$0x2000] =	vst v0;
	v0 =	vadd.f32 v3, v2;
	v2 =	vld [tilespmem:s1+$0x16200]  }
0x205: {  	v3 =	vld [tilespmem:s1+$0x2280]  }
0x206: {  	[tilespmem:s1+$0x2080] =	vst v0;
	v7 =	vld [tilespmem:s1+$0x2200];
	v0 =	vadd.f32 v4, v5  }
0x207: {  	v4 =	vld [tilespmem:s1+$0x2180]  }
0x208: {  	v5 =	vld [tilespmem:s1+$0x16100];
	[tilespmem:s1+$0x2300] =	vst v0  }
0x209: {  	v8 =	vld [tilespmem:s1+$0x2100]  }
0x20a: {  	v0 =	vld [tilespmem:s0+$0x180];
	v1 =	vadd.f32 v1, v3  }
0x20b: {  	v2 =	vadd.f32 v2, v7  }
0x20c: {  	v3 =	vadd.f32 v6, v4;
	[tilespmem:s1+$0x2280] =	vst v1  }
0x20d: {  	[tilespmem:s1+$0x2200] =	vst v2  }
0x20e: {  	v1 =	vadd.f32 v5, v8  }
0x20f: {  	[tilespmem:s1+$0x2180] =	vst v3  }
0x210: {  	s14 =	sor.u32 $0x2380, s7;
	s7 =	smov.u32 s10;
	[tilespmem:s1+$0x2100] =	vst v1;
	s1 =	smov.u32 s0  }
0x211: {  	v5 =	vld [tilespmem:s14+$0x0]  }
0x212: {  	v6 =	vld [tilespmem:s14+$0x14000];
	_ =	sdelay $0x1  }
0x213: {  	v1 =	vld [tilespmem:s1+$0x0]  }
0x214: {  	v2 =	vld [tilespmem:s1+$0x300]  }
0x215: {  	v3 =	vld [tilespmem:s1+$0x200]  }
.Ltmp4:
0x216: {  	v4 =	vld [tilespmem:s1+$0x100];
	v7 =	vadd.f32 v6, v5;
	(pc) =	sbr.rel @p1 .LBB2_11-.Ltmp4, $4  }
0x217: {  	v5 =	vld [tilespmem:s1+$0x280]  }
0x218: {  	v6 =	vld [tilespmem:s1+$0x80];
	[tilespmem:s14+$0x0] =	vst v7  }
0x219: {  	v7 =	vld [tilespmem:s1+$0x14080]  }
0x21a: {  	v8 =	vld [tilespmem:s1+$0x14280]  }
0x21b: {  	v9 =	vld [tilespmem:s1+$0x14180]  }
0x21c: {  	v10 =	vld [tilespmem:s1+$0x14100]  }
0x21d: {  	v11 =	vld [tilespmem:s1+$0x14300]  }
0x21e: {  	v12 =	vld [tilespmem:s1+$0x14200];
	v6 =	vadd.f32 v7, v6  }
0x21f: {  	v5 =	vadd.f32 v8, v5;
	v8 =	vld [tilespmem:s1+$0x14000]  }
0x220: {  	v0 =	vadd.f32 v9, v0;
	[tilespmem:s1+$0x80] =	vst v6  }
0x221: {  	v4 =	vadd.f32 v10, v4;
	[tilespmem:s1+$0x280] =	vst v5  }
0x222: {  	[tilespmem:s1+$0x180] =	vst v0;
	v0 =	vadd.f32 v11, v2  }
0x223: {  	v2 =	vadd.f32 v12, v3;
	[tilespmem:s1+$0x100] =	vst v4  }
0x224: {  	v1 =	vadd.f32 v8, v1;
	[tilespmem:s1+$0x300] =	vst v0  }
0x225: {  	[tilespmem:s1+$0x200] =	vst v2  }
0x226: {  	s0 =	sor.u32 $0x380, s7;
	[tilespmem:s1+$0x0] =	vst v1  }
0x227: {  	v0 =	vld [tilespmem:s0+$0x0]  }
0x228: {  	v1 =	vld [tilespmem:s0+$0x14000];
	_ =	sdelay $0x4  }
0x229: {  	v0 =	vadd.f32 v1, v0;
	_ =	sdelay $0x1  }
0x22a: {  	[tilespmem:s0+$0x0] =	vst v0  }
0x22b: {  	v0 =	vld [tilespmem:s1+$0x2000]  }
0x22c: {  	v1 =	vld [tilespmem:s1+$0x16000]  }
0x22d: {  	v2 =	vld [tilespmem:s1+$0x2080]  }
0x22e: {  	v3 =	vld [tilespmem:s1+$0x16080]  }
0x22f: {  	v4 =	vld [tilespmem:s1+$0x16300]  }
0x230: {  	v5 =	vld [tilespmem:s1+$0x16180]  }
0x231: {  	v6 =	vld [tilespmem:s1+$0x2300]  }
0x232: {  	v7 =	vld [tilespmem:s1+$0x2200]  }
0x233: {  	v8 =	vld [tilespmem:s1+$0x16100]  }
0x234: {  	v0 =	vadd.f32 v1, v0;
	v1 =	vld [tilespmem:s1+$0x16280]  }
0x235: {  	v2 =	vadd.f32 v3, v2;
	v3 =	vld [tilespmem:s1+$0x2280]  }
0x236: {  	[tilespmem:s1+$0x2000] =	vst v0;
	v0 =	vld [tilespmem:s1+$0x16200]  }
0x237: {  	[tilespmem:s1+$0x2080] =	vst v2;
	v2 =	vld [tilespmem:s1+$0x2180]  }
0x238: {  	v9 =	vld [tilespmem:s1+$0x2100]  }
0x239: {  	v4 =	vadd.f32 v4, v6  }
0x23a: {  	v1 =	vadd.f32 v1, v3  }
0x23b: {  	[tilespmem:s1+$0x2300] =	vst v4;
	v0 =	vadd.f32 v0, v7  }
0x23c: {  	v2 =	vadd.f32 v5, v2;
	[tilespmem:s1+$0x2280] =	vst v1  }
0x23d: {  	[tilespmem:s1+$0x2200] =	vst v0;
	v0 =	vadd.f32 v8, v9  }
0x23e: {  	[tilespmem:s1+$0x2180] =	vst v2  }
0x23f: {  	s10 =	sor.u32 $0x2380, s7;
	[tilespmem:s1+$0x2100] =	vst v0  }
0x240: {  	v0 =	vld [tilespmem:s10+$0x0]  }
0x241: {  	v1 =	vld [tilespmem:s10+$0x14000];
	_ =	sdelay $0x3  }
0x242: {  	s7 =	sshll.u32 s18, $0x4  }
0x243: {  	s12 =	sadd.s32 s6, s7;
	v0 =	vadd.f32 v1, v0  }
0x244: {  	s1 =	sshll.u32 s12, $0x7  }
0x245: {  	s18 =	simm.s32 $0x0;
	s14 =	sadd.s32 s3, s1;
	[tilespmem:s10+$0x0] =	vst v0  }
0x246: {  	[hbm4b:s14+s18] =	stream.linear.scatter [tilespmem:s18], [sflag:$0x7], $0x4000, $0x38;
	[tilespmem:$0x18000] =	vst v63  }
0x247: {  	_ =	swait.ge [sflag:s4], $0x4000  }
0x248: {  	[sflag:s4] =	ssyncset.done $0x0  }
0x249: {  	s16 =	sor.u32 s15, s7;
	[sflag:s4] =	ssyncadd.s32 $0xFFFFC000  }
0x24a: {  	s1 =	sshll.u32 s16, $0x7;
	s19 =	rddreg [dreg:$0x0]  }
0x24b: {  	s0 =	sadd.s32 s19, s1  }
0x24c: {  	[tilespmem:s24], [sflag:$0x4] =	stream.linear.gather [hbm4b:s0+s18], $0x4000, $0x38;
	[tilespmem:$0x18000] =	vst v63  }
0x24d: {  	_ =	swait.ge [sflag:s25], $0x4000  }
0x24e: {  	s21 =	sand.u32 $0x70, s18;
	s9 =	sand.u32 $0x1C00, s18;
	[sflag:s25] =	ssyncset.done $0x0  }
0x24f: {  	s12 =	sor.u32 s21, s9;
	[sflag:s25] =	ssyncadd.s32 $0xFFFFC000  }
0x250: {  	v0 =	vld [tilespmem:s12+$0x4180]  }
0x251: {  	v1 =	vld [tilespmem:s12+$0x4000]  }
0x252: {  	v2 =	vld [tilespmem:s12+$0x4300]  }
0x253: {  	v3 =	vld [tilespmem:s12+$0x4200]  }
0x254: {  	v4 =	vld [tilespmem:s12+$0x4100]  }
0x255: {  	v5 =	vld [tilespmem:s12+$0x4280]  }
0x256: {  	v6 =	vld [tilespmem:s12+$0x4080]  }
0x257: {  	v7 =	vld [tilespmem:s12+$0x14080]  }
0x258: {  	s9 =	simm.s32 $0x10;
	s14 =	sor.u32 s18, s18;
	v8 =	vld [tilespmem:s12+$0x14280]  }
.LBB2_13:
0x259: {  	p1 =	sne.s32 s9, $0x3F0  }
0x25a: {  	v9 =	vld [tilespmem:s12+$0x14180];
	s18 =	sadd.s32 $0x80, s18;
	s0 =	smov.u32 s9;
	s9 =	sadd.s32 $0x10, s9  }
0x25b: {  	s10 =	sor.u32 s0, s18;
	v10 =	vld [tilespmem:s12+$0x14100]  }
0x25c: {  	v11 =	vld [tilespmem:s12+$0x14200]  }
0x25d: {  	v12 =	vld [tilespmem:s12+$0x14300]  }
0x25e: {  	v6 =	vadd.f32 v7, v6;
	v13 =	vld [tilespmem:s12+$0x14000];
	v5 =	vadd.f32 v8, v5  }
0x25f: {  	v0 =	vadd.f32 v9, v0  }
0x260: {  	v4 =	vadd.f32 v10, v4;
	[tilespmem:s12+$0x4280] =	vst v5  }
0x261: {  	[tilespmem:s12+$0x4180] =	vst v0;
	v0 =	vadd.f32 v11, v3  }
0x262: {  	[tilespmem:s12+$0x4080] =	vst v6;
	v2 =	vadd.f32 v12, v2  }
0x263: {  	v1 =	vadd.f32 v13, v1;
	[tilespmem:s12+$0x4100] =	vst v4  }
0x264: {  	[tilespmem:s12+$0x4300] =	vst v2  }
0x265: {  	[tilespmem:s12+$0x4200] =	vst v0  }
0x266: {  	s16 =	sor.u32 $0x380, s14;
	[tilespmem:s12+$0x4000] =	vst v1  }
0x267: {  	v0 =	vld [tilespmem:s16+$0x4000]  }
0x268: {  	v1 =	vld [tilespmem:s16+$0x14000];
	_ =	sdelay $0x4  }
0x269: {  	v0 =	vadd.f32 v1, v0;
	_ =	sdelay $0x1  }
0x26a: {  	s0 =	sand.u32 $0x70, s0;
	s19 =	sand.u32 $0x1C00, s18;
	[tilespmem:s16+$0x4000] =	vst v0  }
0x26b: {  	s0 =	sor.u32 s0, s19;
	v0 =	vld [tilespmem:s12+$0x6000]  }
0x26c: {  	v1 =	vld [tilespmem:s12+$0x16000]  }
0x26d: {  	v2 =	vld [tilespmem:s12+$0x6080]  }
0x26e: {  	v3 =	vld [tilespmem:s12+$0x16080]  }
0x26f: {  	v4 =	vld [tilespmem:s12+$0x16300]  }
0x270: {  	v5 =	vld [tilespmem:s12+$0x6300]  }
0x271: {  	v0 =	vadd.f32 v1, v0;
	v1 =	vld [tilespmem:s12+$0x16280]  }
0x272: {  	v6 =	vld [tilespmem:s12+$0x16180]  }
0x273: {  	[tilespmem:s12+$0x6000] =	vst v0;
	v0 =	vadd.f32 v3, v2;
	v2 =	vld [tilespmem:s12+$0x16200]  }
0x274: {  	v3 =	vld [tilespmem:s12+$0x6280]  }
0x275: {  	[tilespmem:s12+$0x6080] =	vst v0;
	v7 =	vld [tilespmem:s12+$0x6200];
	v0 =	vadd.f32 v4, v5  }
0x276: {  	v4 =	vld [tilespmem:s12+$0x6180]  }
0x277: {  	v5 =	vld [tilespmem:s12+$0x16100];
	[tilespmem:s12+$0x6300] =	vst v0  }
0x278: {  	v8 =	vld [tilespmem:s12+$0x6100]  }
0x279: {  	v0 =	vld [tilespmem:s0+$0x4180];
	v1 =	vadd.f32 v1, v3  }
0x27a: {  	v2 =	vadd.f32 v2, v7  }
0x27b: {  	v3 =	vadd.f32 v6, v4;
	[tilespmem:s12+$0x6280] =	vst v1  }
0x27c: {  	[tilespmem:s12+$0x6200] =	vst v2  }
0x27d: {  	v1 =	vadd.f32 v5, v8  }
0x27e: {  	[tilespmem:s12+$0x6180] =	vst v3  }
0x27f: {  	s16 =	sor.u32 $0x2380, s14;
	s14 =	smov.u32 s10;
	[tilespmem:s12+$0x6100] =	vst v1;
	s12 =	smov.u32 s0  }
0x280: {  	v5 =	vld [tilespmem:s16+$0x4000]  }
0x281: {  	v6 =	vld [tilespmem:s16+$0x14000];
	_ =	sdelay $0x1  }
0x282: {  	v1 =	vld [tilespmem:s12+$0x4000]  }
0x283: {  	v2 =	vld [tilespmem:s12+$0x4300]  }
0x284: {  	v3 =	vld [tilespmem:s12+$0x4200]  }
.Ltmp5:
0x285: {  	v4 =	vld [tilespmem:s12+$0x4100];
	v7 =	vadd.f32 v6, v5;
	(pc) =	sbr.rel @p1 .LBB2_13-.Ltmp5, $4  }
0x286: {  	v5 =	vld [tilespmem:s12+$0x4280]  }
0x287: {  	v6 =	vld [tilespmem:s12+$0x4080];
	[tilespmem:s16+$0x4000] =	vst v7  }
0x288: {  	v7 =	vld [tilespmem:s12+$0x14080]  }
0x289: {  	v8 =	vld [tilespmem:s12+$0x14280]  }
0x28a: {  	v9 =	vld [tilespmem:s12+$0x14180]  }
0x28b: {  	v10 =	vld [tilespmem:s12+$0x14100]  }
0x28c: {  	v11 =	vld [tilespmem:s12+$0x14300]  }
0x28d: {  	v12 =	vld [tilespmem:s12+$0x14200];
	v6 =	vadd.f32 v7, v6  }
0x28e: {  	v5 =	vadd.f32 v8, v5;
	v8 =	vld [tilespmem:s12+$0x14000]  }
0x28f: {  	v0 =	vadd.f32 v9, v0;
	[tilespmem:s12+$0x4080] =	vst v6  }
0x290: {  	v4 =	vadd.f32 v10, v4;
	[tilespmem:s12+$0x4280] =	vst v5  }
0x291: {  	[tilespmem:s12+$0x4180] =	vst v0;
	v0 =	vadd.f32 v11, v2  }
0x292: {  	v2 =	vadd.f32 v12, v3;
	[tilespmem:s12+$0x4100] =	vst v4  }
0x293: {  	v1 =	vadd.f32 v8, v1;
	[tilespmem:s12+$0x4300] =	vst v0  }
0x294: {  	[tilespmem:s12+$0x4200] =	vst v2  }
0x295: {  	s0 =	sor.u32 $0x380, s14;
	[tilespmem:s12+$0x4000] =	vst v1  }
0x296: {  	v0 =	vld [tilespmem:s0+$0x4000]  }
0x297: {  	v1 =	vld [tilespmem:s0+$0x14000];
	_ =	sdelay $0x4  }
0x298: {  	v0 =	vadd.f32 v1, v0;
	_ =	sdelay $0x1  }
0x299: {  	[tilespmem:s0+$0x4000] =	vst v0  }
0x29a: {  	v0 =	vld [tilespmem:s12+$0x6000]  }
0x29b: {  	v1 =	vld [tilespmem:s12+$0x16000]  }
0x29c: {  	v2 =	vld [tilespmem:s12+$0x6080]  }
0x29d: {  	v3 =	vld [tilespmem:s12+$0x16080]  }
0x29e: {  	v4 =	vld [tilespmem:s12+$0x16300]  }
0x29f: {  	v5 =	vld [tilespmem:s12+$0x16180]  }
0x2a0: {  	v6 =	vld [tilespmem:s12+$0x6300]  }
0x2a1: {  	v7 =	vld [tilespmem:s12+$0x6200]  }
0x2a2: {  	v8 =	vld [tilespmem:s12+$0x16100]  }
0x2a3: {  	v0 =	vadd.f32 v1, v0;
	v1 =	vld [tilespmem:s12+$0x16280]  }
0x2a4: {  	v2 =	vadd.f32 v3, v2;
	v3 =	vld [tilespmem:s12+$0x6280]  }
0x2a5: {  	[tilespmem:s12+$0x6000] =	vst v0;
	v0 =	vld [tilespmem:s12+$0x16200]  }
0x2a6: {  	[tilespmem:s12+$0x6080] =	vst v2;
	v2 =	vld [tilespmem:s12+$0x6180]  }
0x2a7: {  	v9 =	vld [tilespmem:s12+$0x6100]  }
0x2a8: {  	v4 =	vadd.f32 v4, v6  }
0x2a9: {  	v1 =	vadd.f32 v1, v3  }
0x2aa: {  	[tilespmem:s12+$0x6300] =	vst v4;
	v0 =	vadd.f32 v0, v7  }
0x2ab: {  	v2 =	vadd.f32 v5, v2;
	[tilespmem:s12+$0x6280] =	vst v1  }
0x2ac: {  	[tilespmem:s12+$0x6200] =	vst v0;
	v0 =	vadd.f32 v8, v9  }
0x2ad: {  	[tilespmem:s12+$0x6180] =	vst v2  }
0x2ae: {  	s16 =	sor.u32 $0x2380, s14;
	[tilespmem:s12+$0x6100] =	vst v0  }
0x2af: {  	v0 =	vld [tilespmem:s16+$0x4000]  }
0x2b0: {  	v1 =	vld [tilespmem:s16+$0x14000];
	_ =	sdelay $0x4  }
0x2b1: {  	s9 =	sadd.s32 s8, s7;
	v0 =	vadd.f32 v1, v0  }
0x2b2: {  	s9 =	sshll.u32 s9, $0x7  }
0x2b3: {  	s18 =	sadd.s32 s3, s9;
	[tilespmem:s16+$0x4000] =	vst v0  }
0x2b4: {  	[hbm4b:s18+s5] =	stream.linear.scatter [tilespmem:s23], [sflag:$0x8], $0x4000, $0x38;
	[tilespmem:$0x18000] =	vst v63  }
0x2b5: {  	_ =	swait.ge [sflag:s26], $0x4000  }
0x2b6: {  	[sflag:s26] =	ssyncset.done $0x0;
	s0 =	rddreg [dreg:$0x6]  }
0x2b7: {  	s9 =	simm.s32 @!p0 $0x0;
	[sflag:s26] =	ssyncadd.s32 $0xFFFFC000;
	s0 =	sadd.s32 @!p0 s2, s0  }
0x2b8: {  	[tilespmem:s9], [sflag:$0x1] =	stream.linear.gather @!p0 [hbm4b:s0+s9], $0x4000, $0x38;
	[tilespmem:$0x18000] =	vst v63  }
0x2b9: {  	s16 =	simm.s32 $0x0;
	_ =	swait.ge [sflag:s28], $0x4000  }
0x2ba: {  	s19 =	sand.u32 $0x70, s16;
	s21 =	sand.u32 $0x1C00, s16;
	[sflag:s28] =	ssyncset.done $0x0  }
0x2bb: {  	s12 =	sor.u32 s19, s21;
	[sflag:s28] =	ssyncadd.s32 $0xFFFFC000  }
0x2bc: {  	v0 =	vld [tilespmem:s12+$0x8180]  }
0x2bd: {  	v1 =	vld [tilespmem:s12+$0x8000]  }
0x2be: {  	v2 =	vld [tilespmem:s12+$0x8300]  }
0x2bf: {  	v3 =	vld [tilespmem:s12+$0x8200]  }
0x2c0: {  	v4 =	vld [tilespmem:s12+$0x8100]  }
0x2c1: {  	v5 =	vld [tilespmem:s12+$0x8280]  }
0x2c2: {  	v6 =	vld [tilespmem:s12+$0x8080]  }
0x2c3: {  	v7 =	vld [tilespmem:s12+$0x14080]  }
0x2c4: {  	s14 =	sor.u32 s16, s16;
	s9 =	simm.s32 $0x10;
	v8 =	vld [tilespmem:s12+$0x14280]  }
.LBB2_15:
0x2c5: {  	p1 =	sne.s32 s9, $0x3F0  }
0x2c6: {  	v9 =	vld [tilespmem:s12+$0x14180];
	s16 =	sadd.s32 $0x80, s16;
	s0 =	smov.u32 s9;
	s9 =	sadd.s32 $0x10, s9  }
0x2c7: {  	s10 =	sor.u32 s0, s16;
	v10 =	vld [tilespmem:s12+$0x14100]  }
0x2c8: {  	v11 =	vld [tilespmem:s12+$0x14200]  }
0x2c9: {  	v12 =	vld [tilespmem:s12+$0x14300]  }
0x2ca: {  	v6 =	vadd.f32 v7, v6;
	v13 =	vld [tilespmem:s12+$0x14000];
	v5 =	vadd.f32 v8, v5  }
0x2cb: {  	v0 =	vadd.f32 v9, v0  }
0x2cc: {  	v4 =	vadd.f32 v10, v4;
	[tilespmem:s12+$0x8280] =	vst v5  }
0x2cd: {  	[tilespmem:s12+$0x8180] =	vst v0;
	v0 =	vadd.f32 v11, v3  }
0x2ce: {  	[tilespmem:s12+$0x8080] =	vst v6;
	v2 =	vadd.f32 v12, v2  }
0x2cf: {  	v1 =	vadd.f32 v13, v1;
	[tilespmem:s12+$0x8100] =	vst v4  }
0x2d0: {  	[tilespmem:s12+$0x8300] =	vst v2  }
0x2d1: {  	[tilespmem:s12+$0x8200] =	vst v0  }
0x2d2: {  	s18 =	sor.u32 $0x380, s14;
	[tilespmem:s12+$0x8000] =	vst v1  }
0x2d3: {  	v0 =	vld [tilespmem:s18+$0x8000]  }
0x2d4: {  	v1 =	vld [tilespmem:s18+$0x14000];
	_ =	sdelay $0x4  }
0x2d5: {  	v0 =	vadd.f32 v1, v0;
	_ =	sdelay $0x1  }
0x2d6: {  	s0 =	sand.u32 $0x70, s0;
	s19 =	sand.u32 $0x1C00, s16;
	[tilespmem:s18+$0x8000] =	vst v0  }
0x2d7: {  	s0 =	sor.u32 s0, s19;
	v0 =	vld [tilespmem:s12+$0xA000]  }
0x2d8: {  	v1 =	vld [tilespmem:s12+$0x16000]  }
0x2d9: {  	v2 =	vld [tilespmem:s12+$0xA080]  }
0x2da: {  	v3 =	vld [tilespmem:s12+$0x16080]  }
0x2db: {  	v4 =	vld [tilespmem:s12+$0x16300]  }
0x2dc: {  	v5 =	vld [tilespmem:s12+$0xA300]  }
0x2dd: {  	v0 =	vadd.f32 v1, v0;
	v1 =	vld [tilespmem:s12+$0x16280]  }
0x2de: {  	v6 =	vld [tilespmem:s12+$0x16180]  }
0x2df: {  	[tilespmem:s12+$0xA000] =	vst v0;
	v0 =	vadd.f32 v3, v2;
	v2 =	vld [tilespmem:s12+$0x16200]  }
0x2e0: {  	v3 =	vld [tilespmem:s12+$0xA280]  }
0x2e1: {  	[tilespmem:s12+$0xA080] =	vst v0;
	v7 =	vld [tilespmem:s12+$0xA200];
	v0 =	vadd.f32 v4, v5  }
0x2e2: {  	v4 =	vld [tilespmem:s12+$0xA180]  }
0x2e3: {  	v5 =	vld [tilespmem:s12+$0x16100];
	[tilespmem:s12+$0xA300] =	vst v0  }
0x2e4: {  	v8 =	vld [tilespmem:s12+$0xA100]  }
0x2e5: {  	v0 =	vld [tilespmem:s0+$0x8180];
	v1 =	vadd.f32 v1, v3  }
0x2e6: {  	v2 =	vadd.f32 v2, v7  }
0x2e7: {  	v3 =	vadd.f32 v6, v4;
	[tilespmem:s12+$0xA280] =	vst v1  }
0x2e8: {  	[tilespmem:s12+$0xA200] =	vst v2  }
0x2e9: {  	v1 =	vadd.f32 v5, v8  }
0x2ea: {  	[tilespmem:s12+$0xA180] =	vst v3  }
0x2eb: {  	s18 =	sor.u32 $0x2380, s14;
	s14 =	smov.u32 s10;
	[tilespmem:s12+$0xA100] =	vst v1;
	s12 =	smov.u32 s0  }
0x2ec: {  	v5 =	vld [tilespmem:s18+$0x8000]  }
0x2ed: {  	v6 =	vld [tilespmem:s18+$0x14000];
	_ =	sdelay $0x1  }
0x2ee: {  	v1 =	vld [tilespmem:s12+$0x8000]  }
0x2ef: {  	v2 =	vld [tilespmem:s12+$0x8300]  }
0x2f0: {  	v3 =	vld [tilespmem:s12+$0x8200]  }
.Ltmp6:
0x2f1: {  	v4 =	vld [tilespmem:s12+$0x8100];
	v7 =	vadd.f32 v6, v5;
	(pc) =	sbr.rel @p1 .LBB2_15-.Ltmp6, $4  }
0x2f2: {  	v5 =	vld [tilespmem:s12+$0x8280]  }
0x2f3: {  	v6 =	vld [tilespmem:s12+$0x8080];
	[tilespmem:s18+$0x8000] =	vst v7  }
0x2f4: {  	v7 =	vld [tilespmem:s12+$0x14080]  }
0x2f5: {  	v8 =	vld [tilespmem:s12+$0x14280]  }
0x2f6: {  	v9 =	vld [tilespmem:s12+$0x14180]  }
0x2f7: {  	v10 =	vld [tilespmem:s12+$0x14100]  }
0x2f8: {  	v11 =	vld [tilespmem:s12+$0x14300]  }
0x2f9: {  	v12 =	vld [tilespmem:s12+$0x14200];
	v6 =	vadd.f32 v7, v6  }
0x2fa: {  	v5 =	vadd.f32 v8, v5;
	v8 =	vld [tilespmem:s12+$0x14000]  }
0x2fb: {  	v0 =	vadd.f32 v9, v0;
	[tilespmem:s12+$0x8080] =	vst v6  }
0x2fc: {  	v4 =	vadd.f32 v10, v4;
	[tilespmem:s12+$0x8280] =	vst v5  }
0x2fd: {  	[tilespmem:s12+$0x8180] =	vst v0;
	v0 =	vadd.f32 v11, v2  }
0x2fe: {  	v2 =	vadd.f32 v12, v3;
	[tilespmem:s12+$0x8100] =	vst v4  }
0x2ff: {  	v1 =	vadd.f32 v8, v1;
	[tilespmem:s12+$0x8300] =	vst v0  }
0x300: {  	[tilespmem:s12+$0x8200] =	vst v2  }
0x301: {  	s0 =	sor.u32 $0x380, s14;
	[tilespmem:s12+$0x8000] =	vst v1  }
0x302: {  	v0 =	vld [tilespmem:s0+$0x8000]  }
0x303: {  	v1 =	vld [tilespmem:s0+$0x14000];
	_ =	sdelay $0x4  }
0x304: {  	v0 =	vadd.f32 v1, v0;
	_ =	sdelay $0x1  }
0x305: {  	[tilespmem:s0+$0x8000] =	vst v0  }
0x306: {  	v0 =	vld [tilespmem:s12+$0xA000]  }
0x307: {  	v1 =	vld [tilespmem:s12+$0x16000]  }
0x308: {  	v2 =	vld [tilespmem:s12+$0xA080]  }
0x309: {  	v3 =	vld [tilespmem:s12+$0x16080]  }
0x30a: {  	v4 =	vld [tilespmem:s12+$0x16300]  }
0x30b: {  	v5 =	vld [tilespmem:s12+$0x16180]  }
0x30c: {  	v6 =	vld [tilespmem:s12+$0xA300]  }
0x30d: {  	v7 =	vld [tilespmem:s12+$0xA200]  }
0x30e: {  	v8 =	vld [tilespmem:s12+$0x16100]  }
0x30f: {  	v0 =	vadd.f32 v1, v0;
	v1 =	vld [tilespmem:s12+$0x16280]  }
0x310: {  	v2 =	vadd.f32 v3, v2;
	v3 =	vld [tilespmem:s12+$0xA280]  }
0x311: {  	[tilespmem:s12+$0xA000] =	vst v0;
	v0 =	vld [tilespmem:s12+$0x16200]  }
0x312: {  	[tilespmem:s12+$0xA080] =	vst v2;
	v2 =	vld [tilespmem:s12+$0xA180]  }
0x313: {  	v9 =	vld [tilespmem:s12+$0xA100]  }
0x314: {  	v4 =	vadd.f32 v4, v6  }
0x315: {  	v1 =	vadd.f32 v1, v3  }
0x316: {  	[tilespmem:s12+$0xA300] =	vst v4;
	v0 =	vadd.f32 v0, v7  }
0x317: {  	v2 =	vadd.f32 v5, v2;
	[tilespmem:s12+$0xA280] =	vst v1  }
0x318: {  	[tilespmem:s12+$0xA200] =	vst v0;
	v0 =	vadd.f32 v8, v9  }
0x319: {  	[tilespmem:s12+$0xA180] =	vst v2  }
0x31a: {  	s16 =	sor.u32 $0x2380, s14;
	[tilespmem:s12+$0xA100] =	vst v0  }
0x31b: {  	v0 =	vld [tilespmem:s16+$0x8000]  }
0x31c: {  	v1 =	vld [tilespmem:s16+$0x14000];
	_ =	sdelay $0x4  }
0x31d: {  	s7 =	sadd.s32 s13, s7;
	v0 =	vadd.f32 v1, v0  }
0x31e: {  	s7 =	sshll.u32 s7, $0x7  }
0x31f: {  	s18 =	sadd.s32 s3, s7;
	[tilespmem:s16+$0x8000] =	vst v0  }
0x320: {  	[hbm4b:s18+s5] =	stream.linear.scatter [tilespmem:s20], [sflag:$0x9], $0x4000, $0x38;
	[tilespmem:$0x18000] =	vst v63  }
0x321: {  	_ =	swait.ge [sflag:s29], $0x4000  }
0x322: {  	s7 =	simm.s32 @!p0 $0x4000;
	[sflag:s29] =	ssyncset.done $0x0  }
0x323: {  	s0 =	sadd.s32 @!p0 s2, s11;
	s2 =	simm.s32 @!p0 $0x0;
	[sflag:s29] =	ssyncadd.s32 $0xFFFFC000  }
0x324: {  	[tilespmem:s7], [sflag:$0x2] =	stream.linear.gather @!p0 [hbm4b:s0+s2], $0x4000, $0x38;
	[tilespmem:$0x18000] =	vst v63  }
0x325: {  	s12 =	simm.s32 $0x0;
	_ =	swait.ge [sflag:s30], $0x4000  }
0x326: {  	s19 =	sand.u32 $0x70, s12;
	s21 =	sand.u32 $0x1C00, s12;
	[sflag:s30] =	ssyncset.done $0x0  }
0x327: {  	s2 =	sor.u32 s19, s21;
	[sflag:s30] =	ssyncadd.s32 $0xFFFFC000  }
0x328: {  	v0 =	vld [tilespmem:s2+$0xC180]  }
0x329: {  	v1 =	vld [tilespmem:s2+$0xC000]  }
0x32a: {  	v2 =	vld [tilespmem:s2+$0xC300]  }
0x32b: {  	v3 =	vld [tilespmem:s2+$0xC200]  }
0x32c: {  	v4 =	vld [tilespmem:s2+$0xC100]  }
0x32d: {  	v5 =	vld [tilespmem:s2+$0xC280]  }
0x32e: {  	v6 =	vld [tilespmem:s2+$0xC080]  }
0x32f: {  	v7 =	vld [tilespmem:s2+$0x14080]  }
0x330: {  	s9 =	simm.s32 $0x10;
	s7 =	sor.u32 s12, s12;
	v8 =	vld [tilespmem:s2+$0x14280]  }
.LBB2_17:
0x331: {  	p0 =	sne.s32 s9, $0x3F0  }
0x332: {  	v9 =	vld [tilespmem:s2+$0x14180];
	s12 =	sadd.s32 $0x80, s12;
	s0 =	smov.u32 s9;
	s9 =	sadd.s32 $0x10, s9  }
0x333: {  	s10 =	sor.u32 s0, s12;
	v10 =	vld [tilespmem:s2+$0x14100]  }
0x334: {  	v11 =	vld [tilespmem:s2+$0x14200]  }
0x335: {  	v12 =	vld [tilespmem:s2+$0x14300]  }
0x336: {  	v6 =	vadd.f32 v7, v6;
	v13 =	vld [tilespmem:s2+$0x14000];
	v5 =	vadd.f32 v8, v5  }
0x337: {  	v0 =	vadd.f32 v9, v0  }
0x338: {  	v4 =	vadd.f32 v10, v4;
	[tilespmem:s2+$0xC280] =	vst v5  }
0x339: {  	[tilespmem:s2+$0xC180] =	vst v0;
	v0 =	vadd.f32 v11, v3  }
0x33a: {  	[tilespmem:s2+$0xC080] =	vst v6;
	v2 =	vadd.f32 v12, v2  }
0x33b: {  	v1 =	vadd.f32 v13, v1;
	[tilespmem:s2+$0xC100] =	vst v4  }
0x33c: {  	[tilespmem:s2+$0xC300] =	vst v2  }
0x33d: {  	[tilespmem:s2+$0xC200] =	vst v0  }
0x33e: {  	s14 =	sor.u32 $0x380, s7;
	[tilespmem:s2+$0xC000] =	vst v1  }
0x33f: {  	v0 =	vld [tilespmem:s14+$0xC000]  }
0x340: {  	v1 =	vld [tilespmem:s14+$0x14000];
	_ =	sdelay $0x4  }
0x341: {  	v0 =	vadd.f32 v1, v0;
	_ =	sdelay $0x1  }
0x342: {  	s0 =	sand.u32 $0x70, s0;
	s16 =	sand.u32 $0x1C00, s12;
	[tilespmem:s14+$0xC000] =	vst v0  }
0x343: {  	s0 =	sor.u32 s0, s16;
	v0 =	vld [tilespmem:s2+$0xE000]  }
0x344: {  	v1 =	vld [tilespmem:s2+$0x16000]  }
0x345: {  	v2 =	vld [tilespmem:s2+$0xE080]  }
0x346: {  	v3 =	vld [tilespmem:s2+$0x16080]  }
0x347: {  	v4 =	vld [tilespmem:s2+$0x16300]  }
0x348: {  	v5 =	vld [tilespmem:s2+$0xE300]  }
0x349: {  	v0 =	vadd.f32 v1, v0;
	v1 =	vld [tilespmem:s2+$0x16280]  }
0x34a: {  	v6 =	vld [tilespmem:s2+$0x16180]  }
0x34b: {  	[tilespmem:s2+$0xE000] =	vst v0;
	v0 =	vadd.f32 v3, v2;
	v2 =	vld [tilespmem:s2+$0x16200]  }
0x34c: {  	v3 =	vld [tilespmem:s2+$0xE280]  }
0x34d: {  	[tilespmem:s2+$0xE080] =	vst v0;
	v7 =	vld [tilespmem:s2+$0xE200];
	v0 =	vadd.f32 v4, v5  }
0x34e: {  	v4 =	vld [tilespmem:s2+$0xE180]  }
0x34f: {  	v5 =	vld [tilespmem:s2+$0x16100];
	[tilespmem:s2+$0xE300] =	vst v0  }
0x350: {  	v8 =	vld [tilespmem:s2+$0xE100]  }
0x351: {  	v0 =	vld [tilespmem:s0+$0xC180];
	v1 =	vadd.f32 v1, v3  }
0x352: {  	v2 =	vadd.f32 v2, v7  }
0x353: {  	v3 =	vadd.f32 v6, v4;
	[tilespmem:s2+$0xE280] =	vst v1  }
0x354: {  	[tilespmem:s2+$0xE200] =	vst v2  }
0x355: {  	v1 =	vadd.f32 v5, v8  }
0x356: {  	[tilespmem:s2+$0xE180] =	vst v3  }
0x357: {  	s14 =	sor.u32 $0x2380, s7;
	s7 =	smov.u32 s10;
	[tilespmem:s2+$0xE100] =	vst v1;
	s2 =	smov.u32 s0  }
0x358: {  	v5 =	vld [tilespmem:s14+$0xC000]  }
0x359: {  	v6 =	vld [tilespmem:s14+$0x14000];
	_ =	sdelay $0x1  }
0x35a: {  	v1 =	vld [tilespmem:s2+$0xC000]  }
0x35b: {  	v2 =	vld [tilespmem:s2+$0xC300]  }
0x35c: {  	v3 =	vld [tilespmem:s2+$0xC200]  }
.Ltmp7:
0x35d: {  	v4 =	vld [tilespmem:s2+$0xC100];
	v7 =	vadd.f32 v6, v5;
	(pc) =	sbr.rel @p0 .LBB2_17-.Ltmp7, $4  }
0x35e: {  	v5 =	vld [tilespmem:s2+$0xC280]  }
0x35f: {  	v6 =	vld [tilespmem:s2+$0xC080];
	[tilespmem:s14+$0xC000] =	vst v7  }
0x360: {  	v7 =	vld [tilespmem:s2+$0x14080]  }
0x361: {  	v8 =	vld [tilespmem:s2+$0x14280]  }
0x362: {  	v9 =	vld [tilespmem:s2+$0x14180]  }
0x363: {  	v10 =	vld [tilespmem:s2+$0x14100]  }
0x364: {  	v11 =	vld [tilespmem:s2+$0x14300]  }
0x365: {  	v12 =	vld [tilespmem:s2+$0x14200];
	v6 =	vadd.f32 v7, v6  }
0x366: {  	v47 =	vld [tilespmem:s2+$0x14000];
	v5 =	vadd.f32 v8, v5  }
0x367: {  	v0 =	vadd.f32 v9, v0;
	[tilespmem:s2+$0xC080] =	vst v6  }
0x368: {  	v4 =	vadd.f32 v10, v4;
	[tilespmem:s2+$0xC280] =	vst v5  }
0x369: {  	v48 =	vadd.f32 v11, v2;
	[tilespmem:s2+$0xC180] =	vst v0  }
0x36a: {  	v49 =	vadd.f32 v12, v3;
	[tilespmem:s2+$0xC100] =	vst v4  }
0x36b: {  	v1 =	vadd.f32 v47, v1;
	[tilespmem:s2+$0xC300] =	vst v48  }
0x36c: {  	[tilespmem:s2+$0xC200] =	vst v49  }
0x36d: {  	s0 =	sor.u32 $0x380, s7;
	[tilespmem:s2+$0xC000] =	vst v1  }
0x36e: {  	v0 =	vld [tilespmem:s0+$0xC000]  }
0x36f: {  	v1 =	vld [tilespmem:s0+$0x14000];
	_ =	sdelay $0x4  }
0x370: {  	v0 =	vadd.f32 v1, v0;
	_ =	sdelay $0x1  }
0x371: {  	[tilespmem:s0+$0xC000] =	vst v0  }
0x372: {  	v0 =	vld [tilespmem:s2+$0xE000]  }
0x373: {  	v50 =	vld [tilespmem:s2+$0x16000]  }
0x374: {  	v51 =	vld [tilespmem:s2+$0xE080]  }
0x375: {  	v52 =	vld [tilespmem:s2+$0x16080]  }
0x376: {  	v53 =	vld [tilespmem:s2+$0x16300]  }
0x377: {  	v54 =	vld [tilespmem:s2+$0x16280]  }
0x378: {  	v55 =	vld [tilespmem:s2+$0x16180]  }
0x379: {  	v56 =	vld [tilespmem:s2+$0xE300]  }
0x37a: {  	v57 =	vld [tilespmem:s2+$0x16200]  }
0x37b: {  	v58 =	vld [tilespmem:s2+$0xE280]  }
0x37c: {  	v61 =	vld [tilespmem:s2+$0x16100]  }
0x37d: {  	v62 =	vld [tilespmem:s2+$0xE100]  }
0x37e: {  	v59 =	vld [tilespmem:s2+$0xE200];
	v0 =	vadd.f32 v50, v0  }
0x37f: {  	v60 =	vld [tilespmem:s2+$0xE180];
	v2 =	vadd.f32 v52, v51  }
0x380: {  	v4 =	vadd.f32 v53, v56;
	[tilespmem:s2+$0xE000] =	vst v0  }
0x381: {  	v1 =	vadd.f32 v54, v58;
	[tilespmem:s2+$0xE080] =	vst v2  }
0x382: {  	v63 =	vadd.f32 v61, v62;
	[tilespmem:s2+$0xE300] =	vst v4  }
0x383: {  	v0 =	vadd.f32 v57, v59;
	[tilespmem:s2+$0xE280] =	vst v1  }
0x384: {  	v2 =	vadd.f32 v55, v60;
	[tilespmem:s2+$0xE100] =	vst v63  }
0x385: {  	[tilespmem:s2+$0xE200] =	vst v0  }
0x386: {  	s19 =	sor.u32 $0x2380, s7;
	[tilespmem:s2+$0xE180] =	vst v2  }
0x387: {  	v0 =	vld [tilespmem:s19+$0xC000]  }
0x388: {  	v1 =	vld [tilespmem:s19+$0x14000];
	_ =	sdelay $0x1  }
0x389: {  	s17 =	sadd.s32 $0x1, s17  }
0x38a: {  	p0 =	sne.s32 s17, $0x8  }
.Ltmp8:
0x38b: {  	_ = 	snop;
	(pc) =	sbr.rel @p0 .LBB2_2-.Ltmp8, $3  }
0x38c: {  	v0 =	vadd.f32 v1, v0;
	_ =	sdelay $0x1  }
0x38d: {  	s21 =	sadd.s32 s3, s1;
	[tilespmem:s19+$0xC000] =	vst v0  }
0x38e: {  	[hbm4b:s21+s5] =	stream.linear.scatter [tilespmem:s24], [sflag:$0xA], $0x4000, $0x38;
	[tilespmem:$0x18000] =	vst v63  }
0x38f: {  	_ =	swait.ge [sflag:s31], $0x4000  }
0x390: {  	[sflag:s31] =	ssyncset.done $0x0  }
0x391: {  	[sflag:s31] =	ssyncadd.s32 $0xFFFFC000  }
0x392: {  	_ =	swait.ge [sflag:s4], $0x4000  }
0x393: {  	s1 =	rddreg [dreg:$0xb]  }
0x394: {  	s0 =	rddreg [dreg:$0xa];
	s1 =	sadd.s32 $0x1, s1  }
0x395: {  	p0 =	sne.s32 s1, s0  }
.Ltmp9:
0x396: {  	_ = 	snop;
	(pc) =	sbr.rel @p0 .LBB2_1-.Ltmp9, $3  }
0x397: {  	_ =	sdelay $0x1  }
0x398: {  	[sflag:s4] =	ssyncset.done $0x0  }
0x399: {  	[sflag:s4] =	ssyncadd.s32 $0xFFFFC000  }
0x39a: {  	_ =	sfence.sel $0x180000  }
0x39b: {  	[bflag:$0x0] =	sbarrier.arrive $0xFFFF  }
0x39c: {  	_ =	strace $0x90000047  }
0x39d: {  	s0 =	stileid.u32;
	[bflag:$0x2] =	sbarrier.arrive $0xFFFF  }
0x39e: {  	p0 =	sne.s32 s0, $0x0;
	s0 =	rddreg [dreg:$0x3]  }
0x39f: {  	s0 =	sadd.s32 @!p0 $0x100000, s0  }
0x3a0: {  	[sflag:s0] =	ssyncadd.tile.s32 @!p0 $0x1;
	_ =	shalt  }
.Lfunc_end2:
_tile_overlayer_lowered:
.L_overlay_start_2:
0x3a1: {  	(tag) =	ssettag $0x2  }
0x3a2: {  	s0 =	rddreg [dreg:$0x0];
	s2 =	stileid.u32  }
0x3a3: {  	s1 =	rddreg [dreg:$0x1];
	p0 =	sne.s32 s2, $0x0  }
0x3a4: {  	s3 =	rddreg [dreg:$0x2];
	[bflag:$0x3] =	sbarrier.arrive $0xFFFF;
	s2 =	simm.s32 @!p0 $0x1C0B  }
0x3a5: {  	[timem:s3], [sflag:s2] =	dma.local @!p0 [hbm:s0], s1  }
0x3a6: {  	s0 =	simm.s32 @!p0 $0xB  }
0x3a7: {  	_ =	swait.ge @!p0 [sflag:s0], s1  }
0x3a8: {  	s1 =	ssub.s32 @!p0 $0x0, s1;
	[sflag:s0] =	ssyncset.done @!p0 $0x0  }
0x3a9: {  	[sflag:s0] =	ssyncadd.s32 @!p0 s1  }
0x3aa: {  	[bflag:$0x3] =	sbarrier.arrive $0xFFFF  }
0x3ab: {  	_ =	shalt  }

</sc_bundles>
